<compile_context>
chip_gen: v7x
topology: tpu7x:2x2x1
jax: 0.10.2.dev20260603
libtpu: 0.0.44.dev20260713+nightly
codegen_flags: <defaults>
</compile_context>

<pallas_src>
import functools

import jax
import jax.numpy as jnp
from jax import lax
from jax.experimental import pallas as pl
from jax.experimental.pallas import tpu as pltpu
from jax.experimental.pallas import tpu_sc as plsc

_B = 8
_N = 5000
_C = 20
_PER = 16
_NP = 5120
_W = _NP
_NWORK = 32
_PW = (_B * _NP) // _NWORK
_NG = _PW // 16
_ALPHA = 0.25


def _match_sc_body(anc_hbm, labt_hbm, out_hbm, anc_v, lab_v, out_v):
    wid = lax.axis_index("s") * 2 + lax.axis_index("c")
    base = pl.multiple_of(wid * _PW, 8)
    batch = wid // (_NWORK // _B)
    lab_off = pl.multiple_of(batch * _PER, 8)

    for f in range(4):
        pltpu.sync_copy(anc_hbm.at[f, pl.ds(base, _PW)], anc_v.at[f])
    for f in range(4):
        pltpu.sync_copy(labt_hbm.at[2 + f, pl.ds(lab_off, _PER)], lab_v.at[f])

    lx1v = lab_v[0, :]
    ly1v = lab_v[1, :]
    lx2v = lab_v[2, :]
    ly2v = lab_v[3, :]
    b_area_v = (lx2v - lx1v) * (ly2v - ly1v)

    def _bcast(vec, j):
        jsplat = jnp.full((16,), j, jnp.int32)
        return vec.at[jsplat].get(mode="promise_in_bounds")

    def body(gb, carry):
        off0 = pl.multiple_of(gb * 64, 8)
        ax1 = []
        ay1 = []
        ax2 = []
        ay2 = []
        aae = []
        for u in range(4):
            off = pl.multiple_of(off0 + u * 16, 8)
            ax1.append(anc_v[0, pl.ds(off, 16)])
            ay1.append(anc_v[1, pl.ds(off, 16)])
            ax2.append(anc_v[2, pl.ds(off, 16)])
            ay2.append(anc_v[3, pl.ds(off, 16)])
            aae.append((ax2[u] - ax1[u]) * (ay2[u] - ay1[u]) + 1e-9)
        mv = [jnp.full((16,), -1.0, jnp.float32) for _ in range(4)]
        idxv = [jnp.zeros((16,), jnp.float32) for _ in range(4)]
        for j in range(_PER):
            bx1 = _bcast(lx1v, j)
            by1 = _bcast(ly1v, j)
            bx2 = _bcast(lx2v, j)
            by2 = _bcast(ly2v, j)
            ab = _bcast(b_area_v, j)
            for u in range(4):
                ix1 = jnp.maximum(ax1[u], bx1)
                iy1 = jnp.maximum(ay1[u], by1)
                ix2 = jnp.minimum(ax2[u], bx2)
                iy2 = jnp.minimum(ay2[u], by2)
                inter = jnp.maximum(ix2 - ix1, 0.0) * jnp.maximum(iy2 - iy1, 0.0)
                iou = inter / (aae[u] + ab - inter)
                upd = iou > mv[u]
                mv[u] = jnp.where(upd, iou, mv[u])
                idxv[u] = jnp.where(upd, float(j), idxv[u])
        for u in range(4):
            off = pl.multiple_of(off0 + u * 16, 8)
            out_v[0, pl.ds(off, 16)] = mv[u]
            out_v[1, pl.ds(off, 16)] = idxv[u]
        return carry

    lax.fori_loop(0, _NG // 4, body, 0)

    pltpu.sync_copy(out_v.at[0], out_hbm.at[0, pl.ds(base, _PW)])
    pltpu.sync_copy(out_v.at[1], out_hbm.at[1, pl.ds(base, _PW)])


_match_sc = functools.partial(
    pl.kernel,
    mesh=plsc.VectorSubcoreMesh(core_axis_name="c", subcore_axis_name="s"),
    out_type=jax.ShapeDtypeStruct((2, _B * _NP), jnp.float32),
    scratch_types=[
        pltpu.VMEM((4, _PW), jnp.float32),
        pltpu.VMEM((4, _PER), jnp.float32),
        pltpu.VMEM((2, _PW), jnp.float32),
    ],
)(_match_sc_body)


def _loss_tc(lab_ref, x_ref, m_ref, out_ref):
    i = pl.program_id(0)

    @pl.when(i == 0)
    def _():
        out_ref[0, 0] = 0.0

    lab = lab_ref[0]
    lcl = lab[:, 1:2]
    lx1 = lab[:, 2:3]
    ly1 = lab[:, 3:4]
    lx2 = lab[:, 4:5]
    ly2 = lab[:, 5:6]

    x = x_ref[0]
    ax1 = x[_C + 0:_C + 1, :]
    ay1 = x[_C + 1:_C + 2, :]
    ax2 = x[_C + 2:_C + 3, :]
    ay2 = x[_C + 3:_C + 4, :]

    mv = m_ref[0:1, :]
    idx = m_ref[1:2, :].astype(jnp.int32)
    srow = jax.lax.broadcasted_iota(jnp.int32, (_PER, _W), 0)
    oh = (srow == idx).astype(jnp.float32)

    lane = jax.lax.broadcasted_iota(jnp.int32, (1, _W), 1)
    validf = (lane < _N).astype(jnp.float32)

    fields = jnp.concatenate(
        [
            (lx1 + lx2) * 0.5,
            (ly1 + ly2) * 0.5,
            lx2 - lx1,
            ly2 - ly1,
        ],
        axis=1,
    ).T
    g = jnp.dot(fields, oh, preferred_element_type=jnp.float32)
    gx = g[0:1, :]
    gy = g[1:2, :]
    gw = g[2:3, :]
    gh = g[3:4, :]

    mask_pos = mv > 0.5
    wp = mask_pos.astype(jnp.float32) * validf
    wn = (mv < 0.4).astype(jnp.float32) * validf

    p = jnp.clip(x[0:_C, :], 1e-4, 1.0 - 1e-4)
    f_neg = (1.0 - _ALPHA) * p * p * (-jnp.log(1.0 - p))
    s_neg = jnp.sum(f_neg, axis=0, keepdims=True)
    lc_iota = jax.lax.broadcasted_iota(jnp.int32, (_PER, _C), 1)
    e_cls = (lc_iota == lcl.astype(jnp.int32)).astype(jnp.float32)
    q = jnp.dot(e_cls, p, preferred_element_type=jnp.float32)
    pt = jnp.sum(oh * q, axis=0, keepdims=True)
    one_m_pt = 1.0 - pt
    f_pos_t = _ALPHA * one_m_pt * one_m_pt * (-jnp.log(pt))
    f_neg_t = (1.0 - _ALPHA) * pt * pt * (-jnp.log(one_m_pt))
    focal = jnp.sum(wp * (f_pos_t - f_neg_t) + (wp + wn) * s_neg)

    ax = (ax1 + ax2) * 0.5
    ay = (ay1 + ay2) * 0.5
    aw = jnp.maximum(ax2 - ax1, 1e-3)
    ah = jnp.maximum(ay2 - ay1, 1e-3)
    dx = (gx - ax) / aw
    dy = (gy - ay) / ah
    dw = jnp.log(jnp.where(mask_pos, gw / aw, 1.0))
    dh = jnp.log(jnp.where(mask_pos, gh / ah, 1.0))
    d0 = jnp.abs(x[_C + 4:_C + 5, :] - dx)
    d1 = jnp.abs(x[_C + 5:_C + 6, :] - dy)
    d2 = jnp.abs(x[_C + 6:_C + 7, :] - dw)
    d3 = jnp.abs(x[_C + 7:_C + 8, :] - dh)

    def _sl(d):
        return jnp.where(d <= 1.0, 0.5 * d * d, d - 0.5)

    reg_sum = jnp.sum(wp * (_sl(d0) + _sl(d1) + _sl(d2) + _sl(d3)))

    pn = jnp.maximum(jnp.sum(wp), 1.0)
    out_ref[0, 0] += (focal + reg_sum) / (pn * float(_B))


@jax.jit
def kernel(cls, reg, labels, anchors):
    lab_r = labels.reshape(_B, _PER, 6)
    labt = labels.T
    anc_sc = jnp.pad(anchors, ((0, 0), (0, _NP - _N), (0, 0)))
    anc_sc = anc_sc.transpose(2, 0, 1).reshape(4, _B * _NP)
    match = _match_sc(anc_sc, labt)

    x = jnp.concatenate([cls, anchors, reg], axis=2)
    x = jnp.pad(x, ((0, 0), (0, _NP - _N), (0, 0))).transpose(0, 2, 1)

    out = pl.pallas_call(
        _loss_tc,
        grid=(_B,),
        in_specs=[
            pl.BlockSpec((1, _PER, 6), lambda i: (i, 0, 0)),
            pl.BlockSpec((1, _C + 8, _W), lambda i: (i, 0, 0)),
            pl.BlockSpec((2, _W), lambda i: (0, i)),
        ],
        out_specs=pl.BlockSpec(memory_space=pltpu.SMEM),
        out_shape=jax.ShapeDtypeStruct((1, 1), jnp.float32),
    )(lab_r, x, match)
    return out.reshape(1)

# --- scband reference (transcript-rebuilt; emitter-appended) ---
"""Pipeline reference for scband-loss-56684978372843 (READ-ONLY COPY).

The authoritative reference and input builder live on the scoring server;
editing this copy changes nothing except your own understanding.
"""

import jax, jax.numpy as jnp
import numpy as np


def _iou_matrix(a, b):
    # a: [N,4], b: [M,4] boxes as x1,y1,x2,y2 -> [N,M] IoU
    x1 = jnp.maximum(a[:, None, 0], b[None, :, 0])
    y1 = jnp.maximum(a[:, None, 1], b[None, :, 1])
    x2 = jnp.minimum(a[:, None, 2], b[None, :, 2])
    y2 = jnp.minimum(a[:, None, 3], b[None, :, 3])
    inter = jnp.clip(x2 - x1, 0.0) * jnp.clip(y2 - y1, 0.0)
    area_a = (a[:, 2] - a[:, 0]) * (a[:, 3] - a[:, 1])
    area_b = (b[:, 2] - b[:, 0]) * (b[:, 3] - b[:, 1])
    return inter / (area_a[:, None] + area_b[None, :] - inter + 1e-9)


def setup_inputs(seed: int = 0) -> dict:
    key = jax.random.key(seed)
    ks = jax.random.split(key, 10)
    B, N, C, per = 8, 5000, 20, 16
    M = B * per
    batch_ids = jnp.repeat(jnp.arange(B), per).astype(jnp.float32)
    cls_ids = jax.random.randint(ks[0], (M,), 0, C).astype(jnp.float32)
    x1 = jax.random.uniform(ks[1], (M,), minval=0.0, maxval=380.0)
    y1 = jax.random.uniform(ks[2], (M,), minval=0.0, maxval=380.0)
    w = jax.random.uniform(ks[3], (M,), minval=40.0, maxval=120.0)
    h = jax.random.uniform(ks[4], (M,), minval=40.0, maxval=120.0)
    labels = jnp.stack([batch_ids, cls_ids, x1, y1, x1 + w, y1 + h], axis=1).astype(jnp.float32)
    boxes = labels[:, 2:6].reshape(B, per, 4)
    n_pos = 64
    pos_anchors = jnp.tile(boxes, (1, 4, 1)) + jax.random.uniform(ks[5], (B, n_pos, 4), minval=-3.0, maxval=3.0)
    rx1 = jax.random.uniform(ks[6], (B, N - n_pos), minval=0.0, maxval=430.0)
    ry1 = jax.random.uniform(ks[7], (B, N - n_pos), minval=0.0, maxval=430.0)
    rwh = jax.random.uniform(ks[8], (B, N - n_pos, 2), minval=20.0, maxval=80.0)
    rand_anchors = jnp.stack([rx1, ry1, rx1 + rwh[..., 0], ry1 + rwh[..., 1]], axis=-1)
    anchors = jnp.concatenate([pos_anchors, rand_anchors], axis=1).astype(jnp.float32)
    cls = jax.random.uniform(ks[9], (B, N, C), minval=0.02, maxval=0.98).astype(jnp.float32)
    reg = (jax.random.normal(jax.random.fold_in(key, 7), (B, N, 4)) * 0.1).astype(jnp.float32)
    return {"cls": cls, "reg": reg, "labels": labels, "anchors": anchors}


def reference(cls, reg, labels, anchors):
    alpha, gamma = 0.25, 2.0
    B = cls.shape[0]
    C = cls.shape[2]
    total_cls = 0.0
    total_reg = 0.0
    for i in range(B):
        p = jnp.clip(cls[i], 1e-4, 1.0 - 1e-4)
        anchor = anchors[i]
        in_batch = labels[:, 0].astype(jnp.int32) == i
        ious = _iou_matrix(anchor, labels[:, 2:6])
        ious = jnp.where(in_batch[None, :], ious, -1.0)
        max_val = jnp.max(ious, axis=1)
        max_id = jnp.argmax(ious, axis=1)
        mask_pos = max_val > 0.5
        mask_neg = max_val < 0.4
        pos_num = jnp.maximum(jnp.sum(mask_pos), 1).astype(p.dtype)
        cls_index = labels[max_id, 1].astype(jnp.int32)
        onehot = jax.nn.one_hot(cls_index, C, dtype=p.dtype)
        wp = mask_pos.astype(p.dtype)[:, None]
        wn = mask_neg.astype(p.dtype)[:, None]
        log_p = jnp.log(p)
        log_1p = jnp.log(1.0 - p)
        pos_part = alpha * jnp.power(1.0 - p, gamma) * onehot * (-log_p)
        neg_part_pos = (1.0 - alpha) * jnp.power(p, gamma) * (1.0 - onehot) * (-log_1p)
        neg_part_neg = (1.0 - alpha) * jnp.power(p, gamma) * (-log_1p)
        focal = jnp.sum(wp * (pos_part + neg_part_pos)) + jnp.sum(wn * neg_part_neg)
        total_cls = total_cls + focal / pos_num
        gt = labels[max_id]
        ax = (anchor[:, 0] + anchor[:, 2]) * 0.5
        ay = (anchor[:, 1] + anchor[:, 3]) * 0.5
        aw = anchor[:, 2] - anchor[:, 0]
        ah = anchor[:, 3] - anchor[:, 1]
        gx = (gt[:, 2] + gt[:, 4]) * 0.5
        gy = (gt[:, 3] + gt[:, 5]) * 0.5
        gw = gt[:, 4] - gt[:, 2]
        gh = gt[:, 5] - gt[:, 3]
        dx = (gx - ax) / aw
        dy = (gy - ay) / ah
        dw = jnp.log(jnp.where(mask_pos, gw / aw, 1.0))
        dh = jnp.log(jnp.where(mask_pos, gh / ah, 1.0))
        target = jnp.stack([dx, dy, dw, dh], axis=1)
        dif = jnp.abs(reg[i] - target)
        sl = jnp.where(dif <= 1.0, 0.5 * dif * dif, dif - 0.5)
        total_reg = total_reg + jnp.sum(wp * sl) / pos_num
    all_loss = (total_reg + total_cls) / B
    return jnp.reshape(all_loss, (1,))

if __name__ == "__main__":
    import jax
    _d = setup_inputs()
    print(jax.jit(kernel)(*tuple(_d.values())))

</pallas_src>

<mosaic_0001>
#map = affine_map<(d0, d1) -> (0, 0)>
module attributes {stable_mosaic.version = 14 : i64} {
  func.func @_match_sc_body(%arg0: i32, %arg1: i32, %arg2: memref<4x40960xf32, #tpu.memory_space<hbm>>, %arg3: memref<6x128xf32, #tpu.memory_space<hbm>>, %arg4: memref<2x40960xf32, #tpu.memory_space<hbm>>, %arg5: memref<4x1280xf32, #tpu.memory_space<vmem>>, %arg6: memref<4x16xf32, #tpu.memory_space<vmem>>, %arg7: memref<2x1280xf32, #tpu.memory_space<vmem>>) attributes {dimension_semantics = [#tpu.dimension_semantics<core_parallel>, #tpu.dimension_semantics<subcore_parallel>], iteration_bounds = array<i64: 2, 16>, scalar_prefetch = 0 : i64, scratch_operands = 3 : i64, tpu.core_type = #tpu.core_type<sc_vector_subcore>, window_params = [{transform_indices = #map}, {transform_indices = #map}, {transform_indices = #map}]} {
    %mul3A = arith.constant 2 : i32
    %mul3A_0 = arith.muli %arg1, %mul3A : i32
    %add3A = arith.addi %mul3A_0, %arg0 : i32
    %mul3A_1 = arith.constant 1280 : i32
    %mul3A_2 = arith.muli %add3A, %mul3A_1 : i32
    %multiple_of3A = tpu.assume_multiple %mul3A_2, 8 : i32
    %jit3A = arith.constant 4 : i32
    %div3A = arith.divsi %add3A, %jit3A : i32
    %sign3A = arith.constant 0 : i32
    %sign3A_3 = arith.cmpi sgt, %add3A, %sign3A : i32
    %sign3A_4 = arith.extui %sign3A_3 : i1 to i32
    %sign3A_5 = arith.constant 0 : i32
    %sign3A_6 = arith.cmpi slt, %add3A, %sign3A_5 : i32
    %sign3A_7 = arith.extui %sign3A_6 : i1 to i32
    %sign3A_8 = arith.subi %sign3A_4, %sign3A_7 : i32
    %sign3A_9 = arith.constant 0 : i32
    %sign3A_10 = arith.cmpi sgt, %jit3A, %sign3A_9 : i32
    %sign3A_11 = arith.extui %sign3A_10 : i1 to i32
    %sign3A_12 = arith.constant 0 : i32
    %sign3A_13 = arith.cmpi slt, %jit3A, %sign3A_12 : i32
    %sign3A_14 = arith.extui %sign3A_13 : i1 to i32
    %sign3A_15 = arith.subi %sign3A_11, %sign3A_14 : i32
    %ne3A = arith.cmpi ne, %sign3A_8, %sign3A_15 : i32
    %rem3A = arith.remsi %add3A, %jit3A : i32
    %ne3A_16 = arith.constant 0 : i32
    %ne3A_17 = arith.cmpi ne, %rem3A, %ne3A_16 : i32
    %and3A = arith.andi %ne3A, %ne3A_17 : i1
    %sub3A = arith.constant 1 : i32
    %sub3A_18 = arith.subi %div3A, %sub3A : i32
    %select_n3A = arith.select %and3A, %sub3A_18, %div3A : i32
    %mul3A_19 = arith.constant 16 : i32
    %mul3A_20 = arith.muli %select_n3A, %mul3A_19 : i32
    %multiple_of3A_21 = tpu.assume_multiple %mul3A_20, 8 : i32
    %run_scoped3A = arith.constant 0 : i32
    %run_scoped3A_22 = arith.constant 0 : i32
    "tpu.region"() ({
      %run_scoped3A_68 = tpu.sem_alloc : memref<!tpu.dma_semaphore, #tpu.memory_space<semaphore_mem>>
      %dma_start3A = arith.constant 0 : i32
      %dma_start3A_69 = tpu.memref_slice %arg5[%run_scoped3A_22, %dma_start3A] : memref<4x1280xf32, #tpu.memory_space<vmem>> -> memref<1x1280xf32, #tpu.memory_space<vmem>>
      %dma_start3A_70 = tpu.memref_squeeze %dma_start3A_69 : memref<1x1280xf32, #tpu.memory_space<vmem>> -> memref<1280xf32, #tpu.memory_space<vmem>>
      %dma_start3A_71 = tpu.memref_slice %arg2[%run_scoped3A, %multiple_of3A] : memref<4x40960xf32, #tpu.memory_space<hbm>> -> memref<1x1280xf32, #tpu.memory_space<hbm>>
      %dma_start3A_72 = tpu.memref_squeeze %dma_start3A_71 : memref<1x1280xf32, #tpu.memory_space<hbm>> -> memref<1280xf32, #tpu.memory_space<hbm>>
      %dma_start3A_73 = arith.constant 0 : i32
      %dma_start3A_74 = tpu.memref_slice %arg5[%run_scoped3A_22, %dma_start3A_73] : memref<4x1280xf32, #tpu.memory_space<vmem>> -> memref<1x1280xf32, #tpu.memory_space<vmem>>
      %dma_start3A_75 = tpu.memref_squeeze %dma_start3A_74 : memref<1x1280xf32, #tpu.memory_space<vmem>> -> memref<1280xf32, #tpu.memory_space<vmem>>
      %dma_start3A_76 = tpu.memref_slice %arg2[%run_scoped3A, %multiple_of3A] : memref<4x40960xf32, #tpu.memory_space<hbm>> -> memref<1x1280xf32, #tpu.memory_space<hbm>>
      %dma_start3A_77 = tpu.memref_squeeze %dma_start3A_76 : memref<1x1280xf32, #tpu.memory_space<hbm>> -> memref<1280xf32, #tpu.memory_space<hbm>>
      tpu.enqueue_dma source(%dma_start3A_77 : memref<1280xf32, #tpu.memory_space<hbm>>) target(%dma_start3A_75 : memref<1280xf32, #tpu.memory_space<vmem>>) target_semaphore(%run_scoped3A_68 : memref<!tpu.dma_semaphore, #tpu.memory_space<semaphore_mem>>)
      %dma_wait3A = arith.constant 0 : i32
      %dma_wait3A_78 = tpu.memref_slice %arg5[%run_scoped3A_22, %dma_wait3A] : memref<4x1280xf32, #tpu.memory_space<vmem>> -> memref<1x1280xf32, #tpu.memory_space<vmem>>
      %dma_wait3A_79 = tpu.memref_squeeze %dma_wait3A_78 : memref<1x1280xf32, #tpu.memory_space<vmem>> -> memref<1280xf32, #tpu.memory_space<vmem>>
      %dma_wait3A_80 = tpu.memref_slice %arg2[%run_scoped3A, %multiple_of3A] : memref<4x40960xf32, #tpu.memory_space<hbm>> -> memref<1x1280xf32, #tpu.memory_space<hbm>>
      %dma_wait3A_81 = tpu.memref_squeeze %dma_wait3A_80 : memref<1x1280xf32, #tpu.memory_space<hbm>> -> memref<1280xf32, #tpu.memory_space<hbm>>
      %dma_wait3A_82 = arith.constant 0 : i32
      %dma_wait3A_83 = tpu.memref_slice %arg5[%run_scoped3A_22, %dma_wait3A_82] : memref<4x1280xf32, #tpu.memory_space<vmem>> -> memref<1x1280xf32, #tpu.memory_space<vmem>>
      %dma_wait3A_84 = tpu.memref_squeeze %dma_wait3A_83 : memref<1x1280xf32, #tpu.memory_space<vmem>> -> memref<1280xf32, #tpu.memory_space<vmem>>
      %dma_wait3A_85 = tpu.memref_slice %arg2[%run_scoped3A, %multiple_of3A] : memref<4x40960xf32, #tpu.memory_space<hbm>> -> memref<1x1280xf32, #tpu.memory_space<hbm>>
      %dma_wait3A_86 = tpu.memref_squeeze %dma_wait3A_85 : memref<1x1280xf32, #tpu.memory_space<hbm>> -> memref<1280xf32, #tpu.memory_space<hbm>>
      tpu.wait_dma2 semaphore(%run_scoped3A_68 : memref<!tpu.dma_semaphore, #tpu.memory_space<semaphore_mem>>) src(%dma_wait3A_86 : memref<1280xf32, #tpu.memory_space<hbm>>) dst(%dma_wait3A_84 : memref<1280xf32, #tpu.memory_space<vmem>>)
      tpu.yield
    }) : () -> ()
    %run_scoped3A_23 = arith.constant 1 : i32
    %run_scoped3A_24 = arith.constant 1 : i32
    "tpu.region"() ({
      %run_scoped3A_68 = tpu.sem_alloc : memref<!tpu.dma_semaphore, #tpu.memory_space<semaphore_mem>>
      %dma_start3A = arith.constant 0 : i32
      %dma_start3A_69 = tpu.memref_slice %arg5[%run_scoped3A_24, %dma_start3A] : memref<4x1280xf32, #tpu.memory_space<vmem>> -> memref<1x1280xf32, #tpu.memory_space<vmem>>
      %dma_start3A_70 = tpu.memref_squeeze %dma_start3A_69 : memref<1x1280xf32, #tpu.memory_space<vmem>> -> memref<1280xf32, #tpu.memory_space<vmem>>
      %dma_start3A_71 = tpu.memref_slice %arg2[%run_scoped3A_23, %multiple_of3A] : memref<4x40960xf32, #tpu.memory_space<hbm>> -> memref<1x1280xf32, #tpu.memory_space<hbm>>
      %dma_start3A_72 = tpu.memref_squeeze %dma_start3A_71 : memref<1x1280xf32, #tpu.memory_space<hbm>> -> memref<1280xf32, #tpu.memory_space<hbm>>
      %dma_start3A_73 = arith.constant 0 : i32
      %dma_start3A_74 = tpu.memref_slice %arg5[%run_scoped3A_24, %dma_start3A_73] : memref<4x1280xf32, #tpu.memory_space<vmem>> -> memref<1x1280xf32, #tpu.memory_space<vmem>>
      %dma_start3A_75 = tpu.memref_squeeze %dma_start3A_74 : memref<1x1280xf32, #tpu.memory_space<vmem>> -> memref<1280xf32, #tpu.memory_space<vmem>>
      %dma_start3A_76 = tpu.memref_slice %arg2[%run_scoped3A_23, %multiple_of3A] : memref<4x40960xf32, #tpu.memory_space<hbm>> -> memref<1x1280xf32, #tpu.memory_space<hbm>>
      %dma_start3A_77 = tpu.memref_squeeze %dma_start3A_76 : memref<1x1280xf32, #tpu.memory_space<hbm>> -> memref<1280xf32, #tpu.memory_space<hbm>>
      tpu.enqueue_dma source(%dma_start3A_77 : memref<1280xf32, #tpu.memory_space<hbm>>) target(%dma_start3A_75 : memref<1280xf32, #tpu.memory_space<vmem>>) target_semaphore(%run_scoped3A_68 : memref<!tpu.dma_semaphore, #tpu.memory_space<semaphore_mem>>)
      %dma_wait3A = arith.constant 0 : i32
      %dma_wait3A_78 = tpu.memref_slice %arg5[%run_scoped3A_24, %dma_wait3A] : memref<4x1280xf32, #tpu.memory_space<vmem>> -> memref<1x1280xf32, #tpu.memory_space<vmem>>
      %dma_wait3A_79 = tpu.memref_squeeze %dma_wait3A_78 : memref<1x1280xf32, #tpu.memory_space<vmem>> -> memref<1280xf32, #tpu.memory_space<vmem>>
      %dma_wait3A_80 = tpu.memref_slice %arg2[%run_scoped3A_23, %multiple_of3A] : memref<4x40960xf32, #tpu.memory_space<hbm>> -> memref<1x1280xf32, #tpu.memory_space<hbm>>
      %dma_wait3A_81 = tpu.memref_squeeze %dma_wait3A_80 : memref<1x1280xf32, #tpu.memory_space<hbm>> -> memref<1280xf32, #tpu.memory_space<hbm>>
      %dma_wait3A_82 = arith.constant 0 : i32
      %dma_wait3A_83 = tpu.memref_slice %arg5[%run_scoped3A_24, %dma_wait3A_82] : memref<4x1280xf32, #tpu.memory_space<vmem>> -> memref<1x1280xf32, #tpu.memory_space<vmem>>
      %dma_wait3A_84 = tpu.memref_squeeze %dma_wait3A_83 : memref<1x1280xf32, #tpu.memory_space<vmem>> -> memref<1280xf32, #tpu.memory_space<vmem>>
      %dma_wait3A_85 = tpu.memref_slice %arg2[%run_scoped3A_23, %multiple_of3A] : memref<4x40960xf32, #tpu.memory_space<hbm>> -> memref<1x1280xf32, #tpu.memory_space<hbm>>
      %dma_wait3A_86 = tpu.memref_squeeze %dma_wait3A_85 : memref<1x1280xf32, #tpu.memory_space<hbm>> -> memref<1280xf32, #tpu.memory_space<hbm>>
      tpu.wait_dma2 semaphore(%run_scoped3A_68 : memref<!tpu.dma_semaphore, #tpu.memory_space<semaphore_mem>>) src(%dma_wait3A_86 : memref<1280xf32, #tpu.memory_space<hbm>>) dst(%dma_wait3A_84 : memref<1280xf32, #tpu.memory_space<vmem>>)
      tpu.yield
    }) : () -> ()
    %run_scoped3A_25 = arith.constant 2 : i32
    %run_scoped3A_26 = arith.constant 2 : i32
    "tpu.region"() ({
      %run_scoped3A_68 = tpu.sem_alloc : memref<!tpu.dma_semaphore, #tpu.memory_space<semaphore_mem>>
      %dma_start3A = arith.constant 0 : i32
      %dma_start3A_69 = tpu.memref_slice %arg5[%run_scoped3A_26, %dma_start3A] : memref<4x1280xf32, #tpu.memory_space<vmem>> -> memref<1x1280xf32, #tpu.memory_space<vmem>>
      %dma_start3A_70 = tpu.memref_squeeze %dma_start3A_69 : memref<1x1280xf32, #tpu.memory_space<vmem>> -> memref<1280xf32, #tpu.memory_space<vmem>>
      %dma_start3A_71 = tpu.memref_slice %arg2[%run_scoped3A_25, %multiple_of3A] : memref<4x40960xf32, #tpu.memory_space<hbm>> -> memref<1x1280xf32, #tpu.memory_space<hbm>>
      %dma_start3A_72 = tpu.memref_squeeze %dma_start3A_71 : memref<1x1280xf32, #tpu.memory_space<hbm>> -> memref<1280xf32, #tpu.memory_space<hbm>>
      %dma_start3A_73 = arith.constant 0 : i32
      %dma_start3A_74 = tpu.memref_slice %arg5[%run_scoped3A_26, %dma_start3A_73] : memref<4x1280xf32, #tpu.memory_space<vmem>> -> memref<1x1280xf32, #tpu.memory_space<vmem>>
      %dma_start3A_75 = tpu.memref_squeeze %dma_start3A_74 : memref<1x1280xf32, #tpu.memory_space<vmem>> -> memref<1280xf32, #tpu.memory_space<vmem>>
      %dma_start3A_76 = tpu.memref_slice %arg2[%run_scoped3A_25, %multiple_of3A] : memref<4x40960xf32, #tpu.memory_space<hbm>> -> memref<1x1280xf32, #tpu.memory_space<hbm>>
      %dma_start3A_77 = tpu.memref_squeeze %dma_start3A_76 : memref<1x1280xf32, #tpu.memory_space<hbm>> -> memref<1280xf32, #tpu.memory_space<hbm>>
      tpu.enqueue_dma source(%dma_start3A_77 : memref<1280xf32, #tpu.memory_space<hbm>>) target(%dma_start3A_75 : memref<1280xf32, #tpu.memory_space<vmem>>) target_semaphore(%run_scoped3A_68 : memref<!tpu.dma_semaphore, #tpu.memory_space<semaphore_mem>>)
      %dma_wait3A = arith.constant 0 : i32
      %dma_wait3A_78 = tpu.memref_slice %arg5[%run_scoped3A_26, %dma_wait3A] : memref<4x1280xf32, #tpu.memory_space<vmem>> -> memref<1x1280xf32, #tpu.memory_space<vmem>>
      %dma_wait3A_79 = tpu.memref_squeeze %dma_wait3A_78 : memref<1x1280xf32, #tpu.memory_space<vmem>> -> memref<1280xf32, #tpu.memory_space<vmem>>
      %dma_wait3A_80 = tpu.memref_slice %arg2[%run_scoped3A_25, %multiple_of3A] : memref<4x40960xf32, #tpu.memory_space<hbm>> -> memref<1x1280xf32, #tpu.memory_space<hbm>>
      %dma_wait3A_81 = tpu.memref_squeeze %dma_wait3A_80 : memref<1x1280xf32, #tpu.memory_space<hbm>> -> memref<1280xf32, #tpu.memory_space<hbm>>
      %dma_wait3A_82 = arith.constant 0 : i32
      %dma_wait3A_83 = tpu.memref_slice %arg5[%run_scoped3A_26, %dma_wait3A_82] : memref<4x1280xf32, #tpu.memory_space<vmem>> -> memref<1x1280xf32, #tpu.memory_space<vmem>>
      %dma_wait3A_84 = tpu.memref_squeeze %dma_wait3A_83 : memref<1x1280xf32, #tpu.memory_space<vmem>> -> memref<1280xf32, #tpu.memory_space<vmem>>
      %dma_wait3A_85 = tpu.memref_slice %arg2[%run_scoped3A_25, %multiple_of3A] : memref<4x40960xf32, #tpu.memory_space<hbm>> -> memref<1x1280xf32, #tpu.memory_space<hbm>>
      %dma_wait3A_86 = tpu.memref_squeeze %dma_wait3A_85 : memref<1x1280xf32, #tpu.memory_space<hbm>> -> memref<1280xf32, #tpu.memory_space<hbm>>
      tpu.wait_dma2 semaphore(%run_scoped3A_68 : memref<!tpu.dma_semaphore, #tpu.memory_space<semaphore_mem>>) src(%dma_wait3A_86 : memref<1280xf32, #tpu.memory_space<hbm>>) dst(%dma_wait3A_84 : memref<1280xf32, #tpu.memory_space<vmem>>)
      tpu.yield
    }) : () -> ()
    %run_scoped3A_27 = arith.constant 3 : i32
    %run_scoped3A_28 = arith.constant 3 : i32
    "tpu.region"() ({
      %run_scoped3A_68 = tpu.sem_alloc : memref<!tpu.dma_semaphore, #tpu.memory_space<semaphore_mem>>
      %dma_start3A = arith.constant 0 : i32
      %dma_start3A_69 = tpu.memref_slice %arg5[%run_scoped3A_28, %dma_start3A] : memref<4x1280xf32, #tpu.memory_space<vmem>> -> memref<1x1280xf32, #tpu.memory_space<vmem>>
      %dma_start3A_70 = tpu.memref_squeeze %dma_start3A_69 : memref<1x1280xf32, #tpu.memory_space<vmem>> -> memref<1280xf32, #tpu.memory_space<vmem>>
      %dma_start3A_71 = tpu.memref_slice %arg2[%run_scoped3A_27, %multiple_of3A] : memref<4x40960xf32, #tpu.memory_space<hbm>> -> memref<1x1280xf32, #tpu.memory_space<hbm>>
      %dma_start3A_72 = tpu.memref_squeeze %dma_start3A_71 : memref<1x1280xf32, #tpu.memory_space<hbm>> -> memref<1280xf32, #tpu.memory_space<hbm>>
      %dma_start3A_73 = arith.constant 0 : i32
      %dma_start3A_74 = tpu.memref_slice %arg5[%run_scoped3A_28, %dma_start3A_73] : memref<4x1280xf32, #tpu.memory_space<vmem>> -> memref<1x1280xf32, #tpu.memory_space<vmem>>
      %dma_start3A_75 = tpu.memref_squeeze %dma_start3A_74 : memref<1x1280xf32, #tpu.memory_space<vmem>> -> memref<1280xf32, #tpu.memory_space<vmem>>
      %dma_start3A_76 = tpu.memref_slice %arg2[%run_scoped3A_27, %multiple_of3A] : memref<4x40960xf32, #tpu.memory_space<hbm>> -> memref<1x1280xf32, #tpu.memory_space<hbm>>
      %dma_start3A_77 = tpu.memref_squeeze %dma_start3A_76 : memref<1x1280xf32, #tpu.memory_space<hbm>> -> memref<1280xf32, #tpu.memory_space<hbm>>
      tpu.enqueue_dma source(%dma_start3A_77 : memref<1280xf32, #tpu.memory_space<hbm>>) target(%dma_start3A_75 : memref<1280xf32, #tpu.memory_space<vmem>>) target_semaphore(%run_scoped3A_68 : memref<!tpu.dma_semaphore, #tpu.memory_space<semaphore_mem>>)
      %dma_wait3A = arith.constant 0 : i32
      %dma_wait3A_78 = tpu.memref_slice %arg5[%run_scoped3A_28, %dma_wait3A] : memref<4x1280xf32, #tpu.memory_space<vmem>> -> memref<1x1280xf32, #tpu.memory_space<vmem>>
      %dma_wait3A_79 = tpu.memref_squeeze %dma_wait3A_78 : memref<1x1280xf32, #tpu.memory_space<vmem>> -> memref<1280xf32, #tpu.memory_space<vmem>>
      %dma_wait3A_80 = tpu.memref_slice %arg2[%run_scoped3A_27, %multiple_of3A] : memref<4x40960xf32, #tpu.memory_space<hbm>> -> memref<1x1280xf32, #tpu.memory_space<hbm>>
      %dma_wait3A_81 = tpu.memref_squeeze %dma_wait3A_80 : memref<1x1280xf32, #tpu.memory_space<hbm>> -> memref<1280xf32, #tpu.memory_space<hbm>>
      %dma_wait3A_82 = arith.constant 0 : i32
      %dma_wait3A_83 = tpu.memref_slice %arg5[%run_scoped3A_28, %dma_wait3A_82] : memref<4x1280xf32, #tpu.memory_space<vmem>> -> memref<1x1280xf32, #tpu.memory_space<vmem>>
      %dma_wait3A_84 = tpu.memref_squeeze %dma_wait3A_83 : memref<1x1280xf32, #tpu.memory_space<vmem>> -> memref<1280xf32, #tpu.memory_space<vmem>>
      %dma_wait3A_85 = tpu.memref_slice %arg2[%run_scoped3A_27, %multiple_of3A] : memref<4x40960xf32, #tpu.memory_space<hbm>> -> memref<1x1280xf32, #tpu.memory_space<hbm>>
      %dma_wait3A_86 = tpu.memref_squeeze %dma_wait3A_85 : memref<1x1280xf32, #tpu.memory_space<hbm>> -> memref<1280xf32, #tpu.memory_space<hbm>>
      tpu.wait_dma2 semaphore(%run_scoped3A_68 : memref<!tpu.dma_semaphore, #tpu.memory_space<semaphore_mem>>) src(%dma_wait3A_86 : memref<1280xf32, #tpu.memory_space<hbm>>) dst(%dma_wait3A_84 : memref<1280xf32, #tpu.memory_space<vmem>>)
      tpu.yield
    }) : () -> ()
    %run_scoped3A_29 = arith.constant 2 : i32
    %run_scoped3A_30 = arith.constant 0 : i32
    "tpu.region"() ({
      %run_scoped3A_68 = tpu.sem_alloc : memref<!tpu.dma_semaphore, #tpu.memory_space<semaphore_mem>>
      %dma_start3A = arith.constant 0 : i32
      %dma_start3A_69 = tpu.memref_slice %arg6[%run_scoped3A_30, %dma_start3A] : memref<4x16xf32, #tpu.memory_space<vmem>> -> memref<1x16xf32, #tpu.memory_space<vmem>>
      %dma_start3A_70 = tpu.memref_squeeze %dma_start3A_69 : memref<1x16xf32, #tpu.memory_space<vmem>> -> memref<16xf32, #tpu.memory_space<vmem>>
      %dma_start3A_71 = tpu.memref_slice %arg3[%run_scoped3A_29, %multiple_of3A_21] : memref<6x128xf32, #tpu.memory_space<hbm>> -> memref<1x16xf32, #tpu.memory_space<hbm>>
      %dma_start3A_72 = tpu.memref_squeeze %dma_start3A_71 : memref<1x16xf32, #tpu.memory_space<hbm>> -> memref<16xf32, #tpu.memory_space<hbm>>
      %dma_start3A_73 = arith.constant 0 : i32
      %dma_start3A_74 = tpu.memref_slice %arg6[%run_scoped3A_30, %dma_start3A_73] : memref<4x16xf32, #tpu.memory_space<vmem>> -> memref<1x16xf32, #tpu.memory_space<vmem>>
      %dma_start3A_75 = tpu.memref_squeeze %dma_start3A_74 : memref<1x16xf32, #tpu.memory_space<vmem>> -> memref<16xf32, #tpu.memory_space<vmem>>
      %dma_start3A_76 = tpu.memref_slice %arg3[%run_scoped3A_29, %multiple_of3A_21] : memref<6x128xf32, #tpu.memory_space<hbm>> -> memref<1x16xf32, #tpu.memory_space<hbm>>
      %dma_start3A_77 = tpu.memref_squeeze %dma_start3A_76 : memref<1x16xf32, #tpu.memory_space<hbm>> -> memref<16xf32, #tpu.memory_space<hbm>>
      tpu.enqueue_dma source(%dma_start3A_77 : memref<16xf32, #tpu.memory_space<hbm>>) target(%dma_start3A_75 : memref<16xf32, #tpu.memory_space<vmem>>) target_semaphore(%run_scoped3A_68 : memref<!tpu.dma_semaphore, #tpu.memory_space<semaphore_mem>>)
      %dma_wait3A = arith.constant 0 : i32
      %dma_wait3A_78 = tpu.memref_slice %arg6[%run_scoped3A_30, %dma_wait3A] : memref<4x16xf32, #tpu.memory_space<vmem>> -> memref<1x16xf32, #tpu.memory_space<vmem>>
      %dma_wait3A_79 = tpu.memref_squeeze %dma_wait3A_78 : memref<1x16xf32, #tpu.memory_space<vmem>> -> memref<16xf32, #tpu.memory_space<vmem>>
      %dma_wait3A_80 = tpu.memref_slice %arg3[%run_scoped3A_29, %multiple_of3A_21] : memref<6x128xf32, #tpu.memory_space<hbm>> -> memref<1x16xf32, #tpu.memory_space<hbm>>
      %dma_wait3A_81 = tpu.memref_squeeze %dma_wait3A_80 : memref<1x16xf32, #tpu.memory_space<hbm>> -> memref<16xf32, #tpu.memory_space<hbm>>
      %dma_wait3A_82 = arith.constant 0 : i32
      %dma_wait3A_83 = tpu.memref_slice %arg6[%run_scoped3A_30, %dma_wait3A_82] : memref<4x16xf32, #tpu.memory_space<vmem>> -> memref<1x16xf32, #tpu.memory_space<vmem>>
      %dma_wait3A_84 = tpu.memref_squeeze %dma_wait3A_83 : memref<1x16xf32, #tpu.memory_space<vmem>> -> memref<16xf32, #tpu.memory_space<vmem>>
      %dma_wait3A_85 = tpu.memref_slice %arg3[%run_scoped3A_29, %multiple_of3A_21] : memref<6x128xf32, #tpu.memory_space<hbm>> -> memref<1x16xf32, #tpu.memory_space<hbm>>
      %dma_wait3A_86 = tpu.memref_squeeze %dma_wait3A_85 : memref<1x16xf32, #tpu.memory_space<hbm>> -> memref<16xf32, #tpu.memory_space<hbm>>
      tpu.wait_dma2 semaphore(%run_scoped3A_68 : memref<!tpu.dma_semaphore, #tpu.memory_space<semaphore_mem>>) src(%dma_wait3A_86 : memref<16xf32, #tpu.memory_space<hbm>>) dst(%dma_wait3A_84 : memref<16xf32, #tpu.memory_space<vmem>>)
      tpu.yield
    }) : () -> ()
    %run_scoped3A_31 = arith.constant 3 : i32
    %run_scoped3A_32 = arith.constant 1 : i32
    "tpu.region"() ({
      %run_scoped3A_68 = tpu.sem_alloc : memref<!tpu.dma_semaphore, #tpu.memory_space<semaphore_mem>>
      %dma_start3A = arith.constant 0 : i32
      %dma_start3A_69 = tpu.memref_slice %arg6[%run_scoped3A_32, %dma_start3A] : memref<4x16xf32, #tpu.memory_space<vmem>> -> memref<1x16xf32, #tpu.memory_space<vmem>>
      %dma_start3A_70 = tpu.memref_squeeze %dma_start3A_69 : memref<1x16xf32, #tpu.memory_space<vmem>> -> memref<16xf32, #tpu.memory_space<vmem>>
      %dma_start3A_71 = tpu.memref_slice %arg3[%run_scoped3A_31, %multiple_of3A_21] : memref<6x128xf32, #tpu.memory_space<hbm>> -> memref<1x16xf32, #tpu.memory_space<hbm>>
      %dma_start3A_72 = tpu.memref_squeeze %dma_start3A_71 : memref<1x16xf32, #tpu.memory_space<hbm>> -> memref<16xf32, #tpu.memory_space<hbm>>
      %dma_start3A_73 = arith.constant 0 : i32
      %dma_start3A_74 = tpu.memref_slice %arg6[%run_scoped3A_32, %dma_start3A_73] : memref<4x16xf32, #tpu.memory_space<vmem>> -> memref<1x16xf32, #tpu.memory_space<vmem>>
      %dma_start3A_75 = tpu.memref_squeeze %dma_start3A_74 : memref<1x16xf32, #tpu.memory_space<vmem>> -> memref<16xf32, #tpu.memory_space<vmem>>
      %dma_start3A_76 = tpu.memref_slice %arg3[%run_scoped3A_31, %multiple_of3A_21] : memref<6x128xf32, #tpu.memory_space<hbm>> -> memref<1x16xf32, #tpu.memory_space<hbm>>
      %dma_start3A_77 = tpu.memref_squeeze %dma_start3A_76 : memref<1x16xf32, #tpu.memory_space<hbm>> -> memref<16xf32, #tpu.memory_space<hbm>>
      tpu.enqueue_dma source(%dma_start3A_77 : memref<16xf32, #tpu.memory_space<hbm>>) target(%dma_start3A_75 : memref<16xf32, #tpu.memory_space<vmem>>) target_semaphore(%run_scoped3A_68 : memref<!tpu.dma_semaphore, #tpu.memory_space<semaphore_mem>>)
      %dma_wait3A = arith.constant 0 : i32
      %dma_wait3A_78 = tpu.memref_slice %arg6[%run_scoped3A_32, %dma_wait3A] : memref<4x16xf32, #tpu.memory_space<vmem>> -> memref<1x16xf32, #tpu.memory_space<vmem>>
      %dma_wait3A_79 = tpu.memref_squeeze %dma_wait3A_78 : memref<1x16xf32, #tpu.memory_space<vmem>> -> memref<16xf32, #tpu.memory_space<vmem>>
      %dma_wait3A_80 = tpu.memref_slice %arg3[%run_scoped3A_31, %multiple_of3A_21] : memref<6x128xf32, #tpu.memory_space<hbm>> -> memref<1x16xf32, #tpu.memory_space<hbm>>
      %dma_wait3A_81 = tpu.memref_squeeze %dma_wait3A_80 : memref<1x16xf32, #tpu.memory_space<hbm>> -> memref<16xf32, #tpu.memory_space<hbm>>
      %dma_wait3A_82 = arith.constant 0 : i32
      %dma_wait3A_83 = tpu.memref_slice %arg6[%run_scoped3A_32, %dma_wait3A_82] : memref<4x16xf32, #tpu.memory_space<vmem>> -> memref<1x16xf32, #tpu.memory_space<vmem>>
      %dma_wait3A_84 = tpu.memref_squeeze %dma_wait3A_83 : memref<1x16xf32, #tpu.memory_space<vmem>> -> memref<16xf32, #tpu.memory_space<vmem>>
      %dma_wait3A_85 = tpu.memref_slice %arg3[%run_scoped3A_31, %multiple_of3A_21] : memref<6x128xf32, #tpu.memory_space<hbm>> -> memref<1x16xf32, #tpu.memory_space<hbm>>
      %dma_wait3A_86 = tpu.memref_squeeze %dma_wait3A_85 : memref<1x16xf32, #tpu.memory_space<hbm>> -> memref<16xf32, #tpu.memory_space<hbm>>
      tpu.wait_dma2 semaphore(%run_scoped3A_68 : memref<!tpu.dma_semaphore, #tpu.memory_space<semaphore_mem>>) src(%dma_wait3A_86 : memref<16xf32, #tpu.memory_space<hbm>>) dst(%dma_wait3A_84 : memref<16xf32, #tpu.memory_space<vmem>>)
      tpu.yield
    }) : () -> ()
    %run_scoped3A_33 = arith.constant 4 : i32
    %run_scoped3A_34 = arith.constant 2 : i32
    "tpu.region"() ({
      %run_scoped3A_68 = tpu.sem_alloc : memref<!tpu.dma_semaphore, #tpu.memory_space<semaphore_mem>>
      %dma_start3A = arith.constant 0 : i32
      %dma_start3A_69 = tpu.memref_slice %arg6[%run_scoped3A_34, %dma_start3A] : memref<4x16xf32, #tpu.memory_space<vmem>> -> memref<1x16xf32, #tpu.memory_space<vmem>>
      %dma_start3A_70 = tpu.memref_squeeze %dma_start3A_69 : memref<1x16xf32, #tpu.memory_space<vmem>> -> memref<16xf32, #tpu.memory_space<vmem>>
      %dma_start3A_71 = tpu.memref_slice %arg3[%run_scoped3A_33, %multiple_of3A_21] : memref<6x128xf32, #tpu.memory_space<hbm>> -> memref<1x16xf32, #tpu.memory_space<hbm>>
      %dma_start3A_72 = tpu.memref_squeeze %dma_start3A_71 : memref<1x16xf32, #tpu.memory_space<hbm>> -> memref<16xf32, #tpu.memory_space<hbm>>
      %dma_start3A_73 = arith.constant 0 : i32
      %dma_start3A_74 = tpu.memref_slice %arg6[%run_scoped3A_34, %dma_start3A_73] : memref<4x16xf32, #tpu.memory_space<vmem>> -> memref<1x16xf32, #tpu.memory_space<vmem>>
      %dma_start3A_75 = tpu.memref_squeeze %dma_start3A_74 : memref<1x16xf32, #tpu.memory_space<vmem>> -> memref<16xf32, #tpu.memory_space<vmem>>
      %dma_start3A_76 = tpu.memref_slice %arg3[%run_scoped3A_33, %multiple_of3A_21] : memref<6x128xf32, #tpu.memory_space<hbm>> -> memref<1x16xf32, #tpu.memory_space<hbm>>
      %dma_start3A_77 = tpu.memref_squeeze %dma_start3A_76 : memref<1x16xf32, #tpu.memory_space<hbm>> -> memref<16xf32, #tpu.memory_space<hbm>>
      tpu.enqueue_dma source(%dma_start3A_77 : memref<16xf32, #tpu.memory_space<hbm>>) target(%dma_start3A_75 : memref<16xf32, #tpu.memory_space<vmem>>) target_semaphore(%run_scoped3A_68 : memref<!tpu.dma_semaphore, #tpu.memory_space<semaphore_mem>>)
      %dma_wait3A = arith.constant 0 : i32
      %dma_wait3A_78 = tpu.memref_slice %arg6[%run_scoped3A_34, %dma_wait3A] : memref<4x16xf32, #tpu.memory_space<vmem>> -> memref<1x16xf32, #tpu.memory_space<vmem>>
      %dma_wait3A_79 = tpu.memref_squeeze %dma_wait3A_78 : memref<1x16xf32, #tpu.memory_space<vmem>> -> memref<16xf32, #tpu.memory_space<vmem>>
      %dma_wait3A_80 = tpu.memref_slice %arg3[%run_scoped3A_33, %multiple_of3A_21] : memref<6x128xf32, #tpu.memory_space<hbm>> -> memref<1x16xf32, #tpu.memory_space<hbm>>
      %dma_wait3A_81 = tpu.memref_squeeze %dma_wait3A_80 : memref<1x16xf32, #tpu.memory_space<hbm>> -> memref<16xf32, #tpu.memory_space<hbm>>
      %dma_wait3A_82 = arith.constant 0 : i32
      %dma_wait3A_83 = tpu.memref_slice %arg6[%run_scoped3A_34, %dma_wait3A_82] : memref<4x16xf32, #tpu.memory_space<vmem>> -> memref<1x16xf32, #tpu.memory_space<vmem>>
      %dma_wait3A_84 = tpu.memref_squeeze %dma_wait3A_83 : memref<1x16xf32, #tpu.memory_space<vmem>> -> memref<16xf32, #tpu.memory_space<vmem>>
      %dma_wait3A_85 = tpu.memref_slice %arg3[%run_scoped3A_33, %multiple_of3A_21] : memref<6x128xf32, #tpu.memory_space<hbm>> -> memref<1x16xf32, #tpu.memory_space<hbm>>
      %dma_wait3A_86 = tpu.memref_squeeze %dma_wait3A_85 : memref<1x16xf32, #tpu.memory_space<hbm>> -> memref<16xf32, #tpu.memory_space<hbm>>
      tpu.wait_dma2 semaphore(%run_scoped3A_68 : memref<!tpu.dma_semaphore, #tpu.memory_space<semaphore_mem>>) src(%dma_wait3A_86 : memref<16xf32, #tpu.memory_space<hbm>>) dst(%dma_wait3A_84 : memref<16xf32, #tpu.memory_space<vmem>>)
      tpu.yield
    }) : () -> ()
    %run_scoped3A_35 = arith.constant 5 : i32
    %run_scoped3A_36 = arith.constant 3 : i32
    "tpu.region"() ({
      %run_scoped3A_68 = tpu.sem_alloc : memref<!tpu.dma_semaphore, #tpu.memory_space<semaphore_mem>>
      %dma_start3A = arith.constant 0 : i32
      %dma_start3A_69 = tpu.memref_slice %arg6[%run_scoped3A_36, %dma_start3A] : memref<4x16xf32, #tpu.memory_space<vmem>> -> memref<1x16xf32, #tpu.memory_space<vmem>>
      %dma_start3A_70 = tpu.memref_squeeze %dma_start3A_69 : memref<1x16xf32, #tpu.memory_space<vmem>> -> memref<16xf32, #tpu.memory_space<vmem>>
      %dma_start3A_71 = tpu.memref_slice %arg3[%run_scoped3A_35, %multiple_of3A_21] : memref<6x128xf32, #tpu.memory_space<hbm>> -> memref<1x16xf32, #tpu.memory_space<hbm>>
      %dma_start3A_72 = tpu.memref_squeeze %dma_start3A_71 : memref<1x16xf32, #tpu.memory_space<hbm>> -> memref<16xf32, #tpu.memory_space<hbm>>
      %dma_start3A_73 = arith.constant 0 : i32
      %dma_start3A_74 = tpu.memref_slice %arg6[%run_scoped3A_36, %dma_start3A_73] : memref<4x16xf32, #tpu.memory_space<vmem>> -> memref<1x16xf32, #tpu.memory_space<vmem>>
      %dma_start3A_75 = tpu.memref_squeeze %dma_start3A_74 : memref<1x16xf32, #tpu.memory_space<vmem>> -> memref<16xf32, #tpu.memory_space<vmem>>
      %dma_start3A_76 = tpu.memref_slice %arg3[%run_scoped3A_35, %multiple_of3A_21] : memref<6x128xf32, #tpu.memory_space<hbm>> -> memref<1x16xf32, #tpu.memory_space<hbm>>
      %dma_start3A_77 = tpu.memref_squeeze %dma_start3A_76 : memref<1x16xf32, #tpu.memory_space<hbm>> -> memref<16xf32, #tpu.memory_space<hbm>>
      tpu.enqueue_dma source(%dma_start3A_77 : memref<16xf32, #tpu.memory_space<hbm>>) target(%dma_start3A_75 : memref<16xf32, #tpu.memory_space<vmem>>) target_semaphore(%run_scoped3A_68 : memref<!tpu.dma_semaphore, #tpu.memory_space<semaphore_mem>>)
      %dma_wait3A = arith.constant 0 : i32
      %dma_wait3A_78 = tpu.memref_slice %arg6[%run_scoped3A_36, %dma_wait3A] : memref<4x16xf32, #tpu.memory_space<vmem>> -> memref<1x16xf32, #tpu.memory_space<vmem>>
      %dma_wait3A_79 = tpu.memref_squeeze %dma_wait3A_78 : memref<1x16xf32, #tpu.memory_space<vmem>> -> memref<16xf32, #tpu.memory_space<vmem>>
      %dma_wait3A_80 = tpu.memref_slice %arg3[%run_scoped3A_35, %multiple_of3A_21] : memref<6x128xf32, #tpu.memory_space<hbm>> -> memref<1x16xf32, #tpu.memory_space<hbm>>
      %dma_wait3A_81 = tpu.memref_squeeze %dma_wait3A_80 : memref<1x16xf32, #tpu.memory_space<hbm>> -> memref<16xf32, #tpu.memory_space<hbm>>
      %dma_wait3A_82 = arith.constant 0 : i32
      %dma_wait3A_83 = tpu.memref_slice %arg6[%run_scoped3A_36, %dma_wait3A_82] : memref<4x16xf32, #tpu.memory_space<vmem>> -> memref<1x16xf32, #tpu.memory_space<vmem>>
      %dma_wait3A_84 = tpu.memref_squeeze %dma_wait3A_83 : memref<1x16xf32, #tpu.memory_space<vmem>> -> memref<16xf32, #tpu.memory_space<vmem>>
      %dma_wait3A_85 = tpu.memref_slice %arg3[%run_scoped3A_35, %multiple_of3A_21] : memref<6x128xf32, #tpu.memory_space<hbm>> -> memref<1x16xf32, #tpu.memory_space<hbm>>
      %dma_wait3A_86 = tpu.memref_squeeze %dma_wait3A_85 : memref<1x16xf32, #tpu.memory_space<hbm>> -> memref<16xf32, #tpu.memory_space<hbm>>
      tpu.wait_dma2 semaphore(%run_scoped3A_68 : memref<!tpu.dma_semaphore, #tpu.memory_space<semaphore_mem>>) src(%dma_wait3A_86 : memref<16xf32, #tpu.memory_space<hbm>>) dst(%dma_wait3A_84 : memref<16xf32, #tpu.memory_space<vmem>>)
      tpu.yield
    }) : () -> ()
    %get3A = arith.constant 0 : i32
    %get3A_37 = arith.index_cast %get3A : i32 to index
    %get3A_38 = arith.constant 0 : index
    %get3A_39 = tpu.vector_load %arg6[%get3A_37, %get3A_38] {strides = array<i32>} : memref<4x16xf32, #tpu.memory_space<vmem>>, vector<1x16xf32>,
    %get3A_40 = vector.shape_cast %get3A_39 : vector<1x16xf32> to vector<16xf32>
    %get3A_41 = arith.constant 1 : i32
    %get3A_42 = arith.index_cast %get3A_41 : i32 to index
    %get3A_43 = arith.constant 0 : index
    %get3A_44 = tpu.vector_load %arg6[%get3A_42, %get3A_43] {strides = array<i32>} : memref<4x16xf32, #tpu.memory_space<vmem>>, vector<1x16xf32>,
    %get3A_45 = vector.shape_cast %get3A_44 : vector<1x16xf32> to vector<16xf32>
    %get3A_46 = arith.constant 2 : i32
    %get3A_47 = arith.index_cast %get3A_46 : i32 to index
    %get3A_48 = arith.constant 0 : index
    %get3A_49 = tpu.vector_load %arg6[%get3A_47, %get3A_48] {strides = array<i32>} : memref<4x16xf32, #tpu.memory_space<vmem>>, vector<1x16xf32>,
    %get3A_50 = vector.shape_cast %get3A_49 : vector<1x16xf32> to vector<16xf32>
    %get3A_51 = arith.constant 3 : i32
    %get3A_52 = arith.index_cast %get3A_51 : i32 to index
    %get3A_53 = arith.constant 0 : index
    %get3A_54 = tpu.vector_load %arg6[%get3A_52, %get3A_53] {strides = array<i32>} : memref<4x16xf32, #tpu.memory_space<vmem>>, vector<1x16xf32>,
    %get3A_55 = vector.shape_cast %get3A_54 : vector<1x16xf32> to vector<16xf32>
    %sub3A_56 = arith.subf %get3A_50, %get3A_40 : vector<16xf32>
    %sub3A_57 = arith.subf %get3A_55, %get3A_45 : vector<16xf32>
    %mul3A_58 = arith.mulf %sub3A_56, %sub3A_57 : vector<16xf32>
    %scan3A = arith.constant 0 : i32
    %scan3A_59 = arith.constant 0 : i32
    %scan3A_60 = arith.constant 20 : i32
    %scan3A_61 = arith.addi %scan3A_59, %scan3A_60 : i32
    %scan3A_62 = arith.constant 1 : i32
    scf.for %scan3A_68 = %scan3A_59 to %scan3A_61 step %scan3A_62  : i32 {
      %mul3A_69 = arith.constant 64 : i32
      %mul3A_70 = arith.muli %scan3A_68, %mul3A_69 : i32
      %multiple_of3A_71 = tpu.assume_multiple %mul3A_70, 8 : i32
      %add3A_72 = arith.constant 0 : i32
      %add3A_73 = arith.addi %multiple_of3A_71, %add3A_72 : i32
      %multiple_of3A_74 = tpu.assume_multiple %add3A_73, 8 : i32
      %get3A_75 = arith.constant 0 : i32
      %get3A_76 = arith.index_cast %get3A_75 : i32 to index
      %get3A_77 = arith.index_cast %multiple_of3A_74 : i32 to index
      %get3A_78 = tpu.vector_load %arg5[%get3A_76, %get3A_77] {strides = array<i32>} : memref<4x1280xf32, #tpu.memory_space<vmem>>, vector<1x16xf32>,
      %get3A_79 = vector.shape_cast %get3A_78 : vector<1x16xf32> to vector<16xf32>
      %get3A_80 = arith.constant 1 : i32
      %get3A_81 = arith.index_cast %get3A_80 : i32 to index
      %get3A_82 = arith.index_cast %multiple_of3A_74 : i32 to index
      %get3A_83 = tpu.vector_load %arg5[%get3A_81, %get3A_82] {strides = array<i32>} : memref<4x1280xf32, #tpu.memory_space<vmem>>, vector<1x16xf32>,
      %get3A_84 = vector.shape_cast %get3A_83 : vector<1x16xf32> to vector<16xf32>
      %get3A_85 = arith.constant 2 : i32
      %get3A_86 = arith.index_cast %get3A_85 : i32 to index
      %get3A_87 = arith.index_cast %multiple_of3A_74 : i32 to index
      %get3A_88 = tpu.vector_load %arg5[%get3A_86, %get3A_87] {strides = array<i32>} : memref<4x1280xf32, #tpu.memory_space<vmem>>, vector<1x16xf32>,
      %get3A_89 = vector.shape_cast %get3A_88 : vector<1x16xf32> to vector<16xf32>
      %get3A_90 = arith.constant 3 : i32
      %get3A_91 = arith.index_cast %get3A_90 : i32 to index
      %get3A_92 = arith.index_cast %multiple_of3A_74 : i32 to index
      %get3A_93 = tpu.vector_load %arg5[%get3A_91, %get3A_92] {strides = array<i32>} : memref<4x1280xf32, #tpu.memory_space<vmem>>, vector<1x16xf32>,
      %get3A_94 = vector.shape_cast %get3A_93 : vector<1x16xf32> to vector<16xf32>
      %sub3A_95 = arith.subf %get3A_89, %get3A_79 : vector<16xf32>
      %sub3A_96 = arith.subf %get3A_94, %get3A_84 : vector<16xf32>
      %mul3A_97 = arith.mulf %sub3A_95, %sub3A_96 : vector<16xf32>
      %add3A_98 = arith.constant 9.99999971E-10 : f32
      %add3A_99 = vector.broadcast %add3A_98 : f32 to vector<16xf32>
      %add3A_100 = arith.addf %mul3A_97, %add3A_99 : vector<16xf32>
      %add3A_101 = arith.constant 16 : i32
      %add3A_102 = arith.addi %multiple_of3A_71, %add3A_101 : i32
      %multiple_of3A_103 = tpu.assume_multiple %add3A_102, 8 : i32
      %get3A_104 = arith.constant 0 : i32
      %get3A_105 = arith.index_cast %get3A_104 : i32 to index
      %get3A_106 = arith.index_cast %multiple_of3A_103 : i32 to index
      %get3A_107 = tpu.vector_load %arg5[%get3A_105, %get3A_106] {strides = array<i32>} : memref<4x1280xf32, #tpu.memory_space<vmem>>, vector<1x16xf32>,
      %get3A_108 = vector.shape_cast %get3A_107 : vector<1x16xf32> to vector<16xf32>
      %get3A_109 = arith.constant 1 : i32
      %get3A_110 = arith.index_cast %get3A_109 : i32 to index
      %get3A_111 = arith.index_cast %multiple_of3A_103 : i32 to index
      %get3A_112 = tpu.vector_load %arg5[%get3A_110, %get3A_111] {strides = array<i32>} : memref<4x1280xf32, #tpu.memory_space<vmem>>, vector<1x16xf32>,
      %get3A_113 = vector.shape_cast %get3A_112 : vector<1x16xf32> to vector<16xf32>
      %get3A_114 = arith.constant 2 : i32
      %get3A_115 = arith.index_cast %get3A_114 : i32 to index
      %get3A_116 = arith.index_cast %multiple_of3A_103 : i32 to index
      %get3A_117 = tpu.vector_load %arg5[%get3A_115, %get3A_116] {strides = array<i32>} : memref<4x1280xf32, #tpu.memory_space<vmem>>, vector<1x16xf32>,
      %get3A_118 = vector.shape_cast %get3A_117 : vector<1x16xf32> to vector<16xf32>
      %get3A_119 = arith.constant 3 : i32
      %get3A_120 = arith.index_cast %get3A_119 : i32 to index
      %get3A_121 = arith.index_cast %multiple_of3A_103 : i32 to index
      %get3A_122 = tpu.vector_load %arg5[%get3A_120, %get3A_121] {strides = array<i32>} : memref<4x1280xf32, #tpu.memory_space<vmem>>, vector<1x16xf32>,
      %get3A_123 = vector.shape_cast %get3A_122 : vector<1x16xf32> to vector<16xf32>
      %sub3A_124 = arith.subf %get3A_118, %get3A_108 : vector<16xf32>
      %sub3A_125 = arith.subf %get3A_123, %get3A_113 : vector<16xf32>
      %mul3A_126 = arith.mulf %sub3A_124, %sub3A_125 : vector<16xf32>
      %add3A_127 = arith.constant 9.99999971E-10 : f32
      %add3A_128 = vector.broadcast %add3A_127 : f32 to vector<16xf32>
      %add3A_129 = arith.addf %mul3A_126, %add3A_128 : vector<16xf32>
      %add3A_130 = arith.constant 32 : i32
      %add3A_131 = arith.addi %multiple_of3A_71, %add3A_130 : i32
      %multiple_of3A_132 = tpu.assume_multiple %add3A_131, 8 : i32
      %get3A_133 = arith.constant 0 : i32
      %get3A_134 = arith.index_cast %get3A_133 : i32 to index
      %get3A_135 = arith.index_cast %multiple_of3A_132 : i32 to index
      %get3A_136 = tpu.vector_load %arg5[%get3A_134, %get3A_135] {strides = array<i32>} : memref<4x1280xf32, #tpu.memory_space<vmem>>, vector<1x16xf32>,
      %get3A_137 = vector.shape_cast %get3A_136 : vector<1x16xf32> to vector<16xf32>
      %get3A_138 = arith.constant 1 : i32
      %get3A_139 = arith.index_cast %get3A_138 : i32 to index
      %get3A_140 = arith.index_cast %multiple_of3A_132 : i32 to index
      %get3A_141 = tpu.vector_load %arg5[%get3A_139, %get3A_140] {strides = array<i32>} : memref<4x1280xf32, #tpu.memory_space<vmem>>, vector<1x16xf32>,
      %get3A_142 = vector.shape_cast %get3A_141 : vector<1x16xf32> to vector<16xf32>
      %get3A_143 = arith.constant 2 : i32
      %get3A_144 = arith.index_cast %get3A_143 : i32 to index
      %get3A_145 = arith.index_cast %multiple_of3A_132 : i32 to index
      %get3A_146 = tpu.vector_load %arg5[%get3A_144, %get3A_145] {strides = array<i32>} : memref<4x1280xf32, #tpu.memory_space<vmem>>, vector<1x16xf32>,
      %get3A_147 = vector.shape_cast %get3A_146 : vector<1x16xf32> to vector<16xf32>
      %get3A_148 = arith.constant 3 : i32
      %get3A_149 = arith.index_cast %get3A_148 : i32 to index
      %get3A_150 = arith.index_cast %multiple_of3A_132 : i32 to index
      %get3A_151 = tpu.vector_load %arg5[%get3A_149, %get3A_150] {strides = array<i32>} : memref<4x1280xf32, #tpu.memory_space<vmem>>, vector<1x16xf32>,
      %get3A_152 = vector.shape_cast %get3A_151 : vector<1x16xf32> to vector<16xf32>
      %sub3A_153 = arith.subf %get3A_147, %get3A_137 : vector<16xf32>
      %sub3A_154 = arith.subf %get3A_152, %get3A_142 : vector<16xf32>
      %mul3A_155 = arith.mulf %sub3A_153, %sub3A_154 : vector<16xf32>
      %add3A_156 = arith.constant 9.99999971E-10 : f32
      %add3A_157 = vector.broadcast %add3A_156 : f32 to vector<16xf32>
      %add3A_158 = arith.addf %mul3A_155, %add3A_157 : vector<16xf32>
      %add3A_159 = arith.constant 48 : i32
      %add3A_160 = arith.addi %multiple_of3A_71, %add3A_159 : i32
      %multiple_of3A_161 = tpu.assume_multiple %add3A_160, 8 : i32
      %get3A_162 = arith.constant 0 : i32
      %get3A_163 = arith.index_cast %get3A_162 : i32 to index
      %get3A_164 = arith.index_cast %multiple_of3A_161 : i32 to index
      %get3A_165 = tpu.vector_load %arg5[%get3A_163, %get3A_164] {strides = array<i32>} : memref<4x1280xf32, #tpu.memory_space<vmem>>, vector<1x16xf32>,
      %get3A_166 = vector.shape_cast %get3A_165 : vector<1x16xf32> to vector<16xf32>
      %get3A_167 = arith.constant 1 : i32
      %get3A_168 = arith.index_cast %get3A_167 : i32 to index
      %get3A_169 = arith.index_cast %multiple_of3A_161 : i32 to index
      %get3A_170 = tpu.vector_load %arg5[%get3A_168, %get3A_169] {strides = array<i32>} : memref<4x1280xf32, #tpu.memory_space<vmem>>, vector<1x16xf32>,
      %get3A_171 = vector.shape_cast %get3A_170 : vector<1x16xf32> to vector<16xf32>
      %get3A_172 = arith.constant 2 : i32
      %get3A_173 = arith.index_cast %get3A_172 : i32 to index
      %get3A_174 = arith.index_cast %multiple_of3A_161 : i32 to index
      %get3A_175 = tpu.vector_load %arg5[%get3A_173, %get3A_174] {strides = array<i32>} : memref<4x1280xf32, #tpu.memory_space<vmem>>, vector<1x16xf32>,
      %get3A_176 = vector.shape_cast %get3A_175 : vector<1x16xf32> to vector<16xf32>
      %get3A_177 = arith.constant 3 : i32
      %get3A_178 = arith.index_cast %get3A_177 : i32 to index
      %get3A_179 = arith.index_cast %multiple_of3A_161 : i32 to index
      %get3A_180 = tpu.vector_load %arg5[%get3A_178, %get3A_179] {strides = array<i32>} : memref<4x1280xf32, #tpu.memory_space<vmem>>, vector<1x16xf32>,
      %get3A_181 = vector.shape_cast %get3A_180 : vector<1x16xf32> to vector<16xf32>
      %sub3A_182 = arith.subf %get3A_176, %get3A_166 : vector<16xf32>
      %sub3A_183 = arith.subf %get3A_181, %get3A_171 : vector<16xf32>
      %mul3A_184 = arith.mulf %sub3A_182, %sub3A_183 : vector<16xf32>
      %add3A_185 = arith.constant 9.99999971E-10 : f32
      %add3A_186 = vector.broadcast %add3A_185 : f32 to vector<16xf32>
      %add3A_187 = arith.addf %mul3A_184, %add3A_186 : vector<16xf32>
      %broadcast_in_dim3A = arith.constant -1.000000e+00 : f32
      %broadcast_in_dim3A_188 = vector.broadcast %broadcast_in_dim3A : f32 to vector<16xf32>
      %broadcast_in_dim3A_189 = arith.constant -1.000000e+00 : f32
      %broadcast_in_dim3A_190 = vector.broadcast %broadcast_in_dim3A_189 : f32 to vector<16xf32>
      %broadcast_in_dim3A_191 = arith.constant -1.000000e+00 : f32
      %broadcast_in_dim3A_192 = vector.broadcast %broadcast_in_dim3A_191 : f32 to vector<16xf32>
      %broadcast_in_dim3A_193 = arith.constant -1.000000e+00 : f32
      %broadcast_in_dim3A_194 = vector.broadcast %broadcast_in_dim3A_193 : f32 to vector<16xf32>
      %broadcast_in_dim3A_195 = arith.constant 0.000000e+00 : f32
      %broadcast_in_dim3A_196 = vector.broadcast %broadcast_in_dim3A_195 : f32 to vector<16xf32>
      %broadcast_in_dim3A_197 = arith.constant 0.000000e+00 : f32
      %broadcast_in_dim3A_198 = vector.broadcast %broadcast_in_dim3A_197 : f32 to vector<16xf32>
      %broadcast_in_dim3A_199 = arith.constant 0.000000e+00 : f32
      %broadcast_in_dim3A_200 = vector.broadcast %broadcast_in_dim3A_199 : f32 to vector<16xf32>
      %broadcast_in_dim3A_201 = arith.constant 0.000000e+00 : f32
      %broadcast_in_dim3A_202 = vector.broadcast %broadcast_in_dim3A_201 : f32 to vector<16xf32>
      %broadcast_in_dim3A_203 = arith.constant 0 : i32
      %broadcast_in_dim3A_204 = vector.broadcast %broadcast_in_dim3A_203 : i32 to vector<16xi32>
      %lt3A = arith.constant 0 : i32
      %lt3A_205 = vector.broadcast %lt3A : i32 to vector<16xi32>
      %lt3A_206 = arith.cmpi slt, %broadcast_in_dim3A_204, %lt3A_205 : vector<16xi32>
      %add3A_207 = arith.constant 16 : i32
      %add3A_208 = vector.broadcast %add3A_207 : i32 to vector<16xi32>
      %add3A_209 = arith.addi %broadcast_in_dim3A_204, %add3A_208 : vector<16xi32>
      %select_n3A_210 = arith.select %lt3A_206, %add3A_209, %broadcast_in_dim3A_204 : vector<16xi1>, vector<16xi32>
      %broadcast_in_dim3A_211 = vector.shape_cast %select_n3A_210 : vector<16xi32> to vector<16x1xi32>
      %gather3A = vector.shape_cast %broadcast_in_dim3A_211 : vector<16x1xi32> to vector<16xi32>
      %gather3A_212 = tpu.dynamic_gather %get3A_40[%gather3A] in [0] : vector<16xf32>, vector<16xi32> -> vector<16xf32>
      %broadcast_in_dim3A_213 = arith.constant 0 : i32
      %broadcast_in_dim3A_214 = vector.broadcast %broadcast_in_dim3A_213 : i32 to vector<16xi32>
      %lt3A_215 = arith.constant 0 : i32
      %lt3A_216 = vector.broadcast %lt3A_215 : i32 to vector<16xi32>
      %lt3A_217 = arith.cmpi slt, %broadcast_in_dim3A_214, %lt3A_216 : vector<16xi32>
      %add3A_218 = arith.constant 16 : i32
      %add3A_219 = vector.broadcast %add3A_218 : i32 to vector<16xi32>
      %add3A_220 = arith.addi %broadcast_in_dim3A_214, %add3A_219 : vector<16xi32>
      %select_n3A_221 = arith.select %lt3A_217, %add3A_220, %broadcast_in_dim3A_214 : vector<16xi1>, vector<16xi32>
      %broadcast_in_dim3A_222 = vector.shape_cast %select_n3A_221 : vector<16xi32> to vector<16x1xi32>
      %gather3A_223 = vector.shape_cast %broadcast_in_dim3A_222 : vector<16x1xi32> to vector<16xi32>
      %gather3A_224 = tpu.dynamic_gather %get3A_45[%gather3A_223] in [0] : vector<16xf32>, vector<16xi32> -> vector<16xf32>
      %broadcast_in_dim3A_225 = arith.constant 0 : i32
      %broadcast_in_dim3A_226 = vector.broadcast %broadcast_in_dim3A_225 : i32 to vector<16xi32>
      %lt3A_227 = arith.constant 0 : i32
      %lt3A_228 = vector.broadcast %lt3A_227 : i32 to vector<16xi32>
      %lt3A_229 = arith.cmpi slt, %broadcast_in_dim3A_226, %lt3A_228 : vector<16xi32>
      %add3A_230 = arith.constant 16 : i32
      %add3A_231 = vector.broadcast %add3A_230 : i32 to vector<16xi32>
      %add3A_232 = arith.addi %broadcast_in_dim3A_226, %add3A_231 : vector<16xi32>
      %select_n3A_233 = arith.select %lt3A_229, %add3A_232, %broadcast_in_dim3A_226 : vector<16xi1>, vector<16xi32>
      %broadcast_in_dim3A_234 = vector.shape_cast %select_n3A_233 : vector<16xi32> to vector<16x1xi32>
      %gather3A_235 = vector.shape_cast %broadcast_in_dim3A_234 : vector<16x1xi32> to vector<16xi32>
      %gather3A_236 = tpu.dynamic_gather %get3A_50[%gather3A_235] in [0] : vector<16xf32>, vector<16xi32> -> vector<16xf32>
      %broadcast_in_dim3A_237 = arith.constant 0 : i32
      %broadcast_in_dim3A_238 = vector.broadcast %broadcast_in_dim3A_237 : i32 to vector<16xi32>
      %lt3A_239 = arith.constant 0 : i32
      %lt3A_240 = vector.broadcast %lt3A_239 : i32 to vector<16xi32>
      %lt3A_241 = arith.cmpi slt, %broadcast_in_dim3A_238, %lt3A_240 : vector<16xi32>
      %add3A_242 = arith.constant 16 : i32
      %add3A_243 = vector.broadcast %add3A_242 : i32 to vector<16xi32>
      %add3A_244 = arith.addi %broadcast_in_dim3A_238, %add3A_243 : vector<16xi32>
      %select_n3A_245 = arith.select %lt3A_241, %add3A_244, %broadcast_in_dim3A_238 : vector<16xi1>, vector<16xi32>
      %broadcast_in_dim3A_246 = vector.shape_cast %select_n3A_245 : vector<16xi32> to vector<16x1xi32>
      %gather3A_247 = vector.shape_cast %broadcast_in_dim3A_246 : vector<16x1xi32> to vector<16xi32>
      %gather3A_248 = tpu.dynamic_gather %get3A_55[%gather3A_247] in [0] : vector<16xf32>, vector<16xi32> -> vector<16xf32>
      %broadcast_in_dim3A_249 = arith.constant 0 : i32
      %broadcast_in_dim3A_250 = vector.broadcast %broadcast_in_dim3A_249 : i32 to vector<16xi32>
      %lt3A_251 = arith.constant 0 : i32
      %lt3A_252 = vector.broadcast %lt3A_251 : i32 to vector<16xi32>
      %lt3A_253 = arith.cmpi slt, %broadcast_in_dim3A_250, %lt3A_252 : vector<16xi32>
      %add3A_254 = arith.constant 16 : i32
      %add3A_255 = vector.broadcast %add3A_254 : i32 to vector<16xi32>
      %add3A_256 = arith.addi %broadcast_in_dim3A_250, %add3A_255 : vector<16xi32>
      %select_n3A_257 = arith.select %lt3A_253, %add3A_256, %broadcast_in_dim3A_250 : vector<16xi1>, vector<16xi32>
      %broadcast_in_dim3A_258 = vector.shape_cast %select_n3A_257 : vector<16xi32> to vector<16x1xi32>
      %gather3A_259 = vector.shape_cast %broadcast_in_dim3A_258 : vector<16x1xi32> to vector<16xi32>
      %gather3A_260 = tpu.dynamic_gather %mul3A_58[%gather3A_259] in [0] : vector<16xf32>, vector<16xi32> -> vector<16xf32>
      %max3A = arith.maximumf %get3A_79, %gather3A_212 : vector<16xf32>
      %max3A_261 = arith.maximumf %get3A_84, %gather3A_224 : vector<16xf32>
      %min3A = arith.minimumf %get3A_89, %gather3A_236 : vector<16xf32>
      %min3A_262 = arith.minimumf %get3A_94, %gather3A_248 : vector<16xf32>
      %sub3A_263 = arith.subf %min3A, %max3A : vector<16xf32>
      %max3A_264 = arith.constant 0.000000e+00 : f32
      %max3A_265 = vector.broadcast %max3A_264 : f32 to vector<16xf32>
      %max3A_266 = arith.maximumf %sub3A_263, %max3A_265 : vector<16xf32>
      %sub3A_267 = arith.subf %min3A_262, %max3A_261 : vector<16xf32>
      %max3A_268 = arith.constant 0.000000e+00 : f32
      %max3A_269 = vector.broadcast %max3A_268 : f32 to vector<16xf32>
      %max3A_270 = arith.maximumf %sub3A_267, %max3A_269 : vector<16xf32>
      %mul3A_271 = arith.mulf %max3A_266, %max3A_270 : vector<16xf32>
      %add3A_272 = arith.addf %add3A_100, %gather3A_260 : vector<16xf32>
      %sub3A_273 = arith.subf %add3A_272, %mul3A_271 : vector<16xf32>
      %div3A_274 = arith.divf %mul3A_271, %sub3A_273 : vector<16xf32>
      %gt3A = arith.cmpf ogt, %div3A_274, %broadcast_in_dim3A_188 : vector<16xf32>
      %select_n3A_275 = arith.select %gt3A, %div3A_274, %broadcast_in_dim3A_188 : vector<16xi1>, vector<16xf32>
      %jit3A_276 = arith.constant 0.000000e+00 : f32
      %broadcast_in_dim3A_277 = vector.broadcast %jit3A_276 : f32 to vector<16xf32>
      %select_n3A_278 = arith.select %gt3A, %broadcast_in_dim3A_277, %broadcast_in_dim3A_196 : vector<16xi1>, vector<16xf32>
      %max3A_279 = arith.maximumf %get3A_108, %gather3A_212 : vector<16xf32>
      %max3A_280 = arith.maximumf %get3A_113, %gather3A_224 : vector<16xf32>
      %min3A_281 = arith.minimumf %get3A_118, %gather3A_236 : vector<16xf32>
      %min3A_282 = arith.minimumf %get3A_123, %gather3A_248 : vector<16xf32>
      %sub3A_283 = arith.subf %min3A_281, %max3A_279 : vector<16xf32>
      %max3A_284 = arith.constant 0.000000e+00 : f32
      %max3A_285 = vector.broadcast %max3A_284 : f32 to vector<16xf32>
      %max3A_286 = arith.maximumf %sub3A_283, %max3A_285 : vector<16xf32>
      %sub3A_287 = arith.subf %min3A_282, %max3A_280 : vector<16xf32>
      %max3A_288 = arith.constant 0.000000e+00 : f32
      %max3A_289 = vector.broadcast %max3A_288 : f32 to vector<16xf32>
      %max3A_290 = arith.maximumf %sub3A_287, %max3A_289 : vector<16xf32>
      %mul3A_291 = arith.mulf %max3A_286, %max3A_290 : vector<16xf32>
      %add3A_292 = arith.addf %add3A_129, %gather3A_260 : vector<16xf32>
      %sub3A_293 = arith.subf %add3A_292, %mul3A_291 : vector<16xf32>
      %div3A_294 = arith.divf %mul3A_291, %sub3A_293 : vector<16xf32>
      %gt3A_295 = arith.cmpf ogt, %div3A_294, %broadcast_in_dim3A_190 : vector<16xf32>
      %select_n3A_296 = arith.select %gt3A_295, %div3A_294, %broadcast_in_dim3A_190 : vector<16xi1>, vector<16xf32>
      %jit3A_297 = arith.constant 0.000000e+00 : f32
      %broadcast_in_dim3A_298 = vector.broadcast %jit3A_297 : f32 to vector<16xf32>
      %select_n3A_299 = arith.select %gt3A_295, %broadcast_in_dim3A_298, %broadcast_in_dim3A_198 : vector<16xi1>, vector<16xf32>
      %max3A_300 = arith.maximumf %get3A_137, %gather3A_212 : vector<16xf32>
      %max3A_301 = arith.maximumf %get3A_142, %gather3A_224 : vector<16xf32>
      %min3A_302 = arith.minimumf %get3A_147, %gather3A_236 : vector<16xf32>
      %min3A_303 = arith.minimumf %get3A_152, %gather3A_248 : vector<16xf32>
      %sub3A_304 = arith.subf %min3A_302, %max3A_300 : vector<16xf32>
      %max3A_305 = arith.constant 0.000000e+00 : f32
      %max3A_306 = vector.broadcast %max3A_305 : f32 to vector<16xf32>
      %max3A_307 = arith.maximumf %sub3A_304, %max3A_306 : vector<16xf32>
      %sub3A_308 = arith.subf %min3A_303, %max3A_301 : vector<16xf32>
      %max3A_309 = arith.constant 0.000000e+00 : f32
      %max3A_310 = vector.broadcast %max3A_309 : f32 to vector<16xf32>
      %max3A_311 = arith.maximumf %sub3A_308, %max3A_310 : vector<16xf32>
      %mul3A_312 = arith.mulf %max3A_307, %max3A_311 : vector<16xf32>
      %add3A_313 = arith.addf %add3A_158, %gather3A_260 : vector<16xf32>
      %sub3A_314 = arith.subf %add3A_313, %mul3A_312 : vector<16xf32>
      %div3A_315 = arith.divf %mul3A_312, %sub3A_314 : vector<16xf32>
      %gt3A_316 = arith.cmpf ogt, %div3A_315, %broadcast_in_dim3A_192 : vector<16xf32>
      %select_n3A_317 = arith.select %gt3A_316, %div3A_315, %broadcast_in_dim3A_192 : vector<16xi1>, vector<16xf32>
      %jit3A_318 = arith.constant 0.000000e+00 : f32
      %broadcast_in_dim3A_319 = vector.broadcast %jit3A_318 : f32 to vector<16xf32>
      %select_n3A_320 = arith.select %gt3A_316, %broadcast_in_dim3A_319, %broadcast_in_dim3A_200 : vector<16xi1>, vector<16xf32>
      %max3A_321 = arith.maximumf %get3A_166, %gather3A_212 : vector<16xf32>
      %max3A_322 = arith.maximumf %get3A_171, %gather3A_224 : vector<16xf32>
      %min3A_323 = arith.minimumf %get3A_176, %gather3A_236 : vector<16xf32>
      %min3A_324 = arith.minimumf %get3A_181, %gather3A_248 : vector<16xf32>
      %sub3A_325 = arith.subf %min3A_323, %max3A_321 : vector<16xf32>
      %max3A_326 = arith.constant 0.000000e+00 : f32
      %max3A_327 = vector.broadcast %max3A_326 : f32 to vector<16xf32>
      %max3A_328 = arith.maximumf %sub3A_325, %max3A_327 : vector<16xf32>
      %sub3A_329 = arith.subf %min3A_324, %max3A_322 : vector<16xf32>
      %max3A_330 = arith.constant 0.000000e+00 : f32
      %max3A_331 = vector.broadcast %max3A_330 : f32 to vector<16xf32>
      %max3A_332 = arith.maximumf %sub3A_329, %max3A_331 : vector<16xf32>
      %mul3A_333 = arith.mulf %max3A_328, %max3A_332 : vector<16xf32>
      %add3A_334 = arith.addf %add3A_187, %gather3A_260 : vector<16xf32>
      %sub3A_335 = arith.subf %add3A_334, %mul3A_333 : vector<16xf32>
      %div3A_336 = arith.divf %mul3A_333, %sub3A_335 : vector<16xf32>
      %gt3A_337 = arith.cmpf ogt, %div3A_336, %broadcast_in_dim3A_194 : vector<16xf32>
      %select_n3A_338 = arith.select %gt3A_337, %div3A_336, %broadcast_in_dim3A_194 : vector<16xi1>, vector<16xf32>
      %jit3A_339 = arith.constant 0.000000e+00 : f32
      %broadcast_in_dim3A_340 = vector.broadcast %jit3A_339 : f32 to vector<16xf32>
      %select_n3A_341 = arith.select %gt3A_337, %broadcast_in_dim3A_340, %broadcast_in_dim3A_202 : vector<16xi1>, vector<16xf32>
      %broadcast_in_dim3A_342 = arith.constant 1 : i32
      %broadcast_in_dim3A_343 = vector.broadcast %broadcast_in_dim3A_342 : i32 to vector<16xi32>
      %lt3A_344 = arith.constant 0 : i32
      %lt3A_345 = vector.broadcast %lt3A_344 : i32 to vector<16xi32>
      %lt3A_346 = arith.cmpi slt, %broadcast_in_dim3A_343, %lt3A_345 : vector<16xi32>
      %add3A_347 = arith.constant 16 : i32
      %add3A_348 = vector.broadcast %add3A_347 : i32 to vector<16xi32>
      %add3A_349 = arith.addi %broadcast_in_dim3A_343, %add3A_348 : vector<16xi32>
      %select_n3A_350 = arith.select %lt3A_346, %add3A_349, %broadcast_in_dim3A_343 : vector<16xi1>, vector<16xi32>
      %broadcast_in_dim3A_351 = vector.shape_cast %select_n3A_350 : vector<16xi32> to vector<16x1xi32>
      %gather3A_352 = vector.shape_cast %broadcast_in_dim3A_351 : vector<16x1xi32> to vector<16xi32>
      %gather3A_353 = tpu.dynamic_gather %get3A_40[%gather3A_352] in [0] : vector<16xf32>, vector<16xi32> -> vector<16xf32>
      %broadcast_in_dim3A_354 = arith.constant 1 : i32
      %broadcast_in_dim3A_355 = vector.broadcast %broadcast_in_dim3A_354 : i32 to vector<16xi32>
      %lt3A_356 = arith.constant 0 : i32
      %lt3A_357 = vector.broadcast %lt3A_356 : i32 to vector<16xi32>
      %lt3A_358 = arith.cmpi slt, %broadcast_in_dim3A_355, %lt3A_357 : vector<16xi32>
      %add3A_359 = arith.constant 16 : i32
      %add3A_360 = vector.broadcast %add3A_359 : i32 to vector<16xi32>
      %add3A_361 = arith.addi %broadcast_in_dim3A_355, %add3A_360 : vector<16xi32>
      %select_n3A_362 = arith.select %lt3A_358, %add3A_361, %broadcast_in_dim3A_355 : vector<16xi1>, vector<16xi32>
      %broadcast_in_dim3A_363 = vector.shape_cast %select_n3A_362 : vector<16xi32> to vector<16x1xi32>
      %gather3A_364 = vector.shape_cast %broadcast_in_dim3A_363 : vector<16x1xi32> to vector<16xi32>
      %gather3A_365 = tpu.dynamic_gather %get3A_45[%gather3A_364] in [0] : vector<16xf32>, vector<16xi32> -> vector<16xf32>
      %broadcast_in_dim3A_366 = arith.constant 1 : i32
      %broadcast_in_dim3A_367 = vector.broadcast %broadcast_in_dim3A_366 : i32 to vector<16xi32>
      %lt3A_368 = arith.constant 0 : i32
      %lt3A_369 = vector.broadcast %lt3A_368 : i32 to vector<16xi32>
      %lt3A_370 = arith.cmpi slt, %broadcast_in_dim3A_367, %lt3A_369 : vector<16xi32>
      %add3A_371 = arith.constant 16 : i32
      %add3A_372 = vector.broadcast %add3A_371 : i32 to vector<16xi32>
      %add3A_373 = arith.addi %broadcast_in_dim3A_367, %add3A_372 : vector<16xi32>
      %select_n3A_374 = arith.select %lt3A_370, %add3A_373, %broadcast_in_dim3A_367 : vector<16xi1>, vector<16xi32>
      %broadcast_in_dim3A_375 = vector.shape_cast %select_n3A_374 : vector<16xi32> to vector<16x1xi32>
      %gather3A_376 = vector.shape_cast %broadcast_in_dim3A_375 : vector<16x1xi32> to vector<16xi32>
      %gather3A_377 = tpu.dynamic_gather %get3A_50[%gather3A_376] in [0] : vector<16xf32>, vector<16xi32> -> vector<16xf32>
      %broadcast_in_dim3A_378 = arith.constant 1 : i32
      %broadcast_in_dim3A_379 = vector.broadcast %broadcast_in_dim3A_378 : i32 to vector<16xi32>
      %lt3A_380 = arith.constant 0 : i32
      %lt3A_381 = vector.broadcast %lt3A_380 : i32 to vector<16xi32>
      %lt3A_382 = arith.cmpi slt, %broadcast_in_dim3A_379, %lt3A_381 : vector<16xi32>
      %add3A_383 = arith.constant 16 : i32
      %add3A_384 = vector.broadcast %add3A_383 : i32 to vector<16xi32>
      %add3A_385 = arith.addi %broadcast_in_dim3A_379, %add3A_384 : vector<16xi32>
      %select_n3A_386 = arith.select %lt3A_382, %add3A_385, %broadcast_in_dim3A_379 : vector<16xi1>, vector<16xi32>
      %broadcast_in_dim3A_387 = vector.shape_cast %select_n3A_386 : vector<16xi32> to vector<16x1xi32>
      %gather3A_388 = vector.shape_cast %broadcast_in_dim3A_387 : vector<16x1xi32> to vector<16xi32>
      %gather3A_389 = tpu.dynamic_gather %get3A_55[%gather3A_388] in [0] : vector<16xf32>, vector<16xi32> -> vector<16xf32>
      %broadcast_in_dim3A_390 = arith.constant 1 : i32
      %broadcast_in_dim3A_391 = vector.broadcast %broadcast_in_dim3A_390 : i32 to vector<16xi32>
      %lt3A_392 = arith.constant 0 : i32
      %lt3A_393 = vector.broadcast %lt3A_392 : i32 to vector<16xi32>
      %lt3A_394 = arith.cmpi slt, %broadcast_in_dim3A_391, %lt3A_393 : vector<16xi32>
      %add3A_395 = arith.constant 16 : i32
      %add3A_396 = vector.broadcast %add3A_395 : i32 to vector<16xi32>
      %add3A_397 = arith.addi %broadcast_in_dim3A_391, %add3A_396 : vector<16xi32>
      %select_n3A_398 = arith.select %lt3A_394, %add3A_397, %broadcast_in_dim3A_391 : vector<16xi1>, vector<16xi32>
      %broadcast_in_dim3A_399 = vector.shape_cast %select_n3A_398 : vector<16xi32> to vector<16x1xi32>
      %gather3A_400 = vector.shape_cast %broadcast_in_dim3A_399 : vector<16x1xi32> to vector<16xi32>
      %gather3A_401 = tpu.dynamic_gather %mul3A_58[%gather3A_400] in [0] : vector<16xf32>, vector<16xi32> -> vector<16xf32>
      %max3A_402 = arith.maximumf %get3A_79, %gather3A_353 : vector<16xf32>
      %max3A_403 = arith.maximumf %get3A_84, %gather3A_365 : vector<16xf32>
      %min3A_404 = arith.minimumf %get3A_89, %gather3A_377 : vector<16xf32>
      %min3A_405 = arith.minimumf %get3A_94, %gather3A_389 : vector<16xf32>
      %sub3A_406 = arith.subf %min3A_404, %max3A_402 : vector<16xf32>
      %max3A_407 = arith.constant 0.000000e+00 : f32
      %max3A_408 = vector.broadcast %max3A_407 : f32 to vector<16xf32>
      %max3A_409 = arith.maximumf %sub3A_406, %max3A_408 : vector<16xf32>
      %sub3A_410 = arith.subf %min3A_405, %max3A_403 : vector<16xf32>
      %max3A_411 = arith.constant 0.000000e+00 : f32
      %max3A_412 = vector.broadcast %max3A_411 : f32 to vector<16xf32>
      %max3A_413 = arith.maximumf %sub3A_410, %max3A_412 : vector<16xf32>
      %mul3A_414 = arith.mulf %max3A_409, %max3A_413 : vector<16xf32>
      %add3A_415 = arith.addf %add3A_100, %gather3A_401 : vector<16xf32>
      %sub3A_416 = arith.subf %add3A_415, %mul3A_414 : vector<16xf32>
      %div3A_417 = arith.divf %mul3A_414, %sub3A_416 : vector<16xf32>
      %gt3A_418 = arith.cmpf ogt, %div3A_417, %select_n3A_275 : vector<16xf32>
      %select_n3A_419 = arith.select %gt3A_418, %div3A_417, %select_n3A_275 : vector<16xi1>, vector<16xf32>
      %jit3A_420 = arith.constant 1.000000e+00 : f32
      %broadcast_in_dim3A_421 = vector.broadcast %jit3A_420 : f32 to vector<16xf32>
      %select_n3A_422 = arith.select %gt3A_418, %broadcast_in_dim3A_421, %select_n3A_278 : vector<16xi1>, vector<16xf32>
      %max3A_423 = arith.maximumf %get3A_108, %gather3A_353 : vector<16xf32>
      %max3A_424 = arith.maximumf %get3A_113, %gather3A_365 : vector<16xf32>
      %min3A_425 = arith.minimumf %get3A_118, %gather3A_377 : vector<16xf32>
      %min3A_426 = arith.minimumf %get3A_123, %gather3A_389 : vector<16xf32>
      %sub3A_427 = arith.subf %min3A_425, %max3A_423 : vector<16xf32>
      %max3A_428 = arith.constant 0.000000e+00 : f32
      %max3A_429 = vector.broadcast %max3A_428 : f32 to vector<16xf32>
      %max3A_430 = arith.maximumf %sub3A_427, %max3A_429 : vector<16xf32>
      %sub3A_431 = arith.subf %min3A_426, %max3A_424 : vector<16xf32>
      %max3A_432 = arith.constant 0.000000e+00 : f32
      %max3A_433 = vector.broadcast %max3A_432 : f32 to vector<16xf32>
      %max3A_434 = arith.maximumf %sub3A_431, %max3A_433 : vector<16xf32>
      %mul3A_435 = arith.mulf %max3A_430, %max3A_434 : vector<16xf32>
      %add3A_436 = arith.addf %add3A_129, %gather3A_401 : vector<16xf32>
      %sub3A_437 = arith.subf %add3A_436, %mul3A_435 : vector<16xf32>
      %div3A_438 = arith.divf %mul3A_435, %sub3A_437 : vector<16xf32>
      %gt3A_439 = arith.cmpf ogt, %div3A_438, %select_n3A_296 : vector<16xf32>
      %select_n3A_440 = arith.select %gt3A_439, %div3A_438, %select_n3A_296 : vector<16xi1>, vector<16xf32>
      %jit3A_441 = arith.constant 1.000000e+00 : f32
      %broadcast_in_dim3A_442 = vector.broadcast %jit3A_441 : f32 to vector<16xf32>
      %select_n3A_443 = arith.select %gt3A_439, %broadcast_in_dim3A_442, %select_n3A_299 : vector<16xi1>, vector<16xf32>
      %max3A_444 = arith.maximumf %get3A_137, %gather3A_353 : vector<16xf32>
      %max3A_445 = arith.maximumf %get3A_142, %gather3A_365 : vector<16xf32>
      %min3A_446 = arith.minimumf %get3A_147, %gather3A_377 : vector<16xf32>
      %min3A_447 = arith.minimumf %get3A_152, %gather3A_389 : vector<16xf32>
      %sub3A_448 = arith.subf %min3A_446, %max3A_444 : vector<16xf32>
      %max3A_449 = arith.constant 0.000000e+00 : f32
      %max3A_450 = vector.broadcast %max3A_449 : f32 to vector<16xf32>
      %max3A_451 = arith.maximumf %sub3A_448, %max3A_450 : vector<16xf32>
      %sub3A_452 = arith.subf %min3A_447, %max3A_445 : vector<16xf32>
      %max3A_453 = arith.constant 0.000000e+00 : f32
      %max3A_454 = vector.broadcast %max3A_453 : f32 to vector<16xf32>
      %max3A_455 = arith.maximumf %sub3A_452, %max3A_454 : vector<16xf32>
      %mul3A_456 = arith.mulf %max3A_451, %max3A_455 : vector<16xf32>
      %add3A_457 = arith.addf %add3A_158, %gather3A_401 : vector<16xf32>
      %sub3A_458 = arith.subf %add3A_457, %mul3A_456 : vector<16xf32>
      %div3A_459 = arith.divf %mul3A_456, %sub3A_458 : vector<16xf32>
      %gt3A_460 = arith.cmpf ogt, %div3A_459, %select_n3A_317 : vector<16xf32>
      %select_n3A_461 = arith.select %gt3A_460, %div3A_459, %select_n3A_317 : vector<16xi1>, vector<16xf32>
      %jit3A_462 = arith.constant 1.000000e+00 : f32
      %broadcast_in_dim3A_463 = vector.broadcast %jit3A_462 : f32 to vector<16xf32>
      %select_n3A_464 = arith.select %gt3A_460, %broadcast_in_dim3A_463, %select_n3A_320 : vector<16xi1>, vector<16xf32>
      %max3A_465 = arith.maximumf %get3A_166, %gather3A_353 : vector<16xf32>
      %max3A_466 = arith.maximumf %get3A_171, %gather3A_365 : vector<16xf32>
      %min3A_467 = arith.minimumf %get3A_176, %gather3A_377 : vector<16xf32>
      %min3A_468 = arith.minimumf %get3A_181, %gather3A_389 : vector<16xf32>
      %sub3A_469 = arith.subf %min3A_467, %max3A_465 : vector<16xf32>
      %max3A_470 = arith.constant 0.000000e+00 : f32
      %max3A_471 = vector.broadcast %max3A_470 : f32 to vector<16xf32>
      %max3A_472 = arith.maximumf %sub3A_469, %max3A_471 : vector<16xf32>
      %sub3A_473 = arith.subf %min3A_468, %max3A_466 : vector<16xf32>
      %max3A_474 = arith.constant 0.000000e+00 : f32
      %max3A_475 = vector.broadcast %max3A_474 : f32 to vector<16xf32>
      %max3A_476 = arith.maximumf %sub3A_473, %max3A_475 : vector<16xf32>
      %mul3A_477 = arith.mulf %max3A_472, %max3A_476 : vector<16xf32>
      %add3A_478 = arith.addf %add3A_187, %gather3A_401 : vector<16xf32>
      %sub3A_479 = arith.subf %add3A_478, %mul3A_477 : vector<16xf32>
      %div3A_480 = arith.divf %mul3A_477, %sub3A_479 : vector<16xf32>
      %gt3A_481 = arith.cmpf ogt, %div3A_480, %select_n3A_338 : vector<16xf32>
      %select_n3A_482 = arith.select %gt3A_481, %div3A_480, %select_n3A_338 : vector<16xi1>, vector<16xf32>
      %jit3A_483 = arith.constant 1.000000e+00 : f32
      %broadcast_in_dim3A_484 = vector.broadcast %jit3A_483 : f32 to vector<16xf32>
      %select_n3A_485 = arith.select %gt3A_481, %broadcast_in_dim3A_484, %select_n3A_341 : vector<16xi1>, vector<16xf32>
      %broadcast_in_dim3A_486 = arith.constant 2 : i32
      %broadcast_in_dim3A_487 = vector.broadcast %broadcast_in_dim3A_486 : i32 to vector<16xi32>
      %lt3A_488 = arith.constant 0 : i32
      %lt3A_489 = vector.broadcast %lt3A_488 : i32 to vector<16xi32>
      %lt3A_490 = arith.cmpi slt, %broadcast_in_dim3A_487, %lt3A_489 : vector<16xi32>
      %add3A_491 = arith.constant 16 : i32
      %add3A_492 = vector.broadcast %add3A_491 : i32 to vector<16xi32>
      %add3A_493 = arith.addi %broadcast_in_dim3A_487, %add3A_492 : vector<16xi32>
      %select_n3A_494 = arith.select %lt3A_490, %add3A_493, %broadcast_in_dim3A_487 : vector<16xi1>, vector<16xi32>
      %broadcast_in_dim3A_495 = vector.shape_cast %select_n3A_494 : vector<16xi32> to vector<16x1xi32>
      %gather3A_496 = vector.shape_cast %broadcast_in_dim3A_495 : vector<16x1xi32> to vector<16xi32>
      %gather3A_497 = tpu.dynamic_gather %get3A_40[%gather3A_496] in [0] : vector<16xf32>, vector<16xi32> -> vector<16xf32>
      %broadcast_in_dim3A_498 = arith.constant 2 : i32
      %broadcast_in_dim3A_499 = vector.broadcast %broadcast_in_dim3A_498 : i32 to vector<16xi32>
      %lt3A_500 = arith.constant 0 : i32
      %lt3A_501 = vector.broadcast %lt3A_500 : i32 to vector<16xi32>
      %lt3A_502 = arith.cmpi slt, %broadcast_in_dim3A_499, %lt3A_501 : vector<16xi32>
      %add3A_503 = arith.constant 16 : i32
      %add3A_504 = vector.broadcast %add3A_503 : i32 to vector<16xi32>
      %add3A_505 = arith.addi %broadcast_in_dim3A_499, %add3A_504 : vector<16xi32>
      %select_n3A_506 = arith.select %lt3A_502, %add3A_505, %broadcast_in_dim3A_499 : vector<16xi1>, vector<16xi32>
      %broadcast_in_dim3A_507 = vector.shape_cast %select_n3A_506 : vector<16xi32> to vector<16x1xi32>
      %gather3A_508 = vector.shape_cast %broadcast_in_dim3A_507 : vector<16x1xi32> to vector<16xi32>
      %gather3A_509 = tpu.dynamic_gather %get3A_45[%gather3A_508] in [0] : vector<16xf32>, vector<16xi32> -> vector<16xf32>
      %broadcast_in_dim3A_510 = arith.constant 2 : i32
      %broadcast_in_dim3A_511 = vector.broadcast %broadcast_in_dim3A_510 : i32 to vector<16xi32>
      %lt3A_512 = arith.constant 0 : i32
      %lt3A_513 = vector.broadcast %lt3A_512 : i32 to vector<16xi32>
      %lt3A_514 = arith.cmpi slt, %broadcast_in_dim3A_511, %lt3A_513 : vector<16xi32>
      %add3A_515 = arith.constant 16 : i32
      %add3A_516 = vector.broadcast %add3A_515 : i32 to vector<16xi32>
      %add3A_517 = arith.addi %broadcast_in_dim3A_511, %add3A_516 : vector<16xi32>
      %select_n3A_518 = arith.select %lt3A_514, %add3A_517, %broadcast_in_dim3A_511 : vector<16xi1>, vector<16xi32>
      %broadcast_in_dim3A_519 = vector.shape_cast %select_n3A_518 : vector<16xi32> to vector<16x1xi32>
      %gather3A_520 = vector.shape_cast %broadcast_in_dim3A_519 : vector<16x1xi32> to vector<16xi32>
      %gather3A_521 = tpu.dynamic_gather %get3A_50[%gather3A_520] in [0] : vector<16xf32>, vector<16xi32> -> vector<16xf32>
      %broadcast_in_dim3A_522 = arith.constant 2 : i32
      %broadcast_in_dim3A_523 = vector.broadcast %broadcast_in_dim3A_522 : i32 to vector<16xi32>
      %lt3A_524 = arith.constant 0 : i32
      %lt3A_525 = vector.broadcast %lt3A_524 : i32 to vector<16xi32>
      %lt3A_526 = arith.cmpi slt, %broadcast_in_dim3A_523, %lt3A_525 : vector<16xi32>
      %add3A_527 = arith.constant 16 : i32
      %add3A_528 = vector.broadcast %add3A_527 : i32 to vector<16xi32>
      %add3A_529 = arith.addi %broadcast_in_dim3A_523, %add3A_528 : vector<16xi32>
      %select_n3A_530 = arith.select %lt3A_526, %add3A_529, %broadcast_in_dim3A_523 : vector<16xi1>, vector<16xi32>
      %broadcast_in_dim3A_531 = vector.shape_cast %select_n3A_530 : vector<16xi32> to vector<16x1xi32>
      %gather3A_532 = vector.shape_cast %broadcast_in_dim3A_531 : vector<16x1xi32> to vector<16xi32>
      %gather3A_533 = tpu.dynamic_gather %get3A_55[%gather3A_532] in [0] : vector<16xf32>, vector<16xi32> -> vector<16xf32>
      %broadcast_in_dim3A_534 = arith.constant 2 : i32
      %broadcast_in_dim3A_535 = vector.broadcast %broadcast_in_dim3A_534 : i32 to vector<16xi32>
      %lt3A_536 = arith.constant 0 : i32
      %lt3A_537 = vector.broadcast %lt3A_536 : i32 to vector<16xi32>
      %lt3A_538 = arith.cmpi slt, %broadcast_in_dim3A_535, %lt3A_537 : vector<16xi32>
      %add3A_539 = arith.constant 16 : i32
      %add3A_540 = vector.broadcast %add3A_539 : i32 to vector<16xi32>
      %add3A_541 = arith.addi %broadcast_in_dim3A_535, %add3A_540 : vector<16xi32>
      %select_n3A_542 = arith.select %lt3A_538, %add3A_541, %broadcast_in_dim3A_535 : vector<16xi1>, vector<16xi32>
      %broadcast_in_dim3A_543 = vector.shape_cast %select_n3A_542 : vector<16xi32> to vector<16x1xi32>
      %gather3A_544 = vector.shape_cast %broadcast_in_dim3A_543 : vector<16x1xi32> to vector<16xi32>
      %gather3A_545 = tpu.dynamic_gather %mul3A_58[%gather3A_544] in [0] : vector<16xf32>, vector<16xi32> -> vector<16xf32>
      %max3A_546 = arith.maximumf %get3A_79, %gather3A_497 : vector<16xf32>
      %max3A_547 = arith.maximumf %get3A_84, %gather3A_509 : vector<16xf32>
      %min3A_548 = arith.minimumf %get3A_89, %gather3A_521 : vector<16xf32>
      %min3A_549 = arith.minimumf %get3A_94, %gather3A_533 : vector<16xf32>
      %sub3A_550 = arith.subf %min3A_548, %max3A_546 : vector<16xf32>
      %max3A_551 = arith.constant 0.000000e+00 : f32
      %max3A_552 = vector.broadcast %max3A_551 : f32 to vector<16xf32>
      %max3A_553 = arith.maximumf %sub3A_550, %max3A_552 : vector<16xf32>
      %sub3A_554 = arith.subf %min3A_549, %max3A_547 : vector<16xf32>
      %max3A_555 = arith.constant 0.000000e+00 : f32
      %max3A_556 = vector.broadcast %max3A_555 : f32 to vector<16xf32>
      %max3A_557 = arith.maximumf %sub3A_554, %max3A_556 : vector<16xf32>
      %mul3A_558 = arith.mulf %max3A_553, %max3A_557 : vector<16xf32>
      %add3A_559 = arith.addf %add3A_100, %gather3A_545 : vector<16xf32>
      %sub3A_560 = arith.subf %add3A_559, %mul3A_558 : vector<16xf32>
      %div3A_561 = arith.divf %mul3A_558, %sub3A_560 : vector<16xf32>
      %gt3A_562 = arith.cmpf ogt, %div3A_561, %select_n3A_419 : vector<16xf32>
      %select_n3A_563 = arith.select %gt3A_562, %div3A_561, %select_n3A_419 : vector<16xi1>, vector<16xf32>
      %jit3A_564 = arith.constant 2.000000e+00 : f32
      %broadcast_in_dim3A_565 = vector.broadcast %jit3A_564 : f32 to vector<16xf32>
      %select_n3A_566 = arith.select %gt3A_562, %broadcast_in_dim3A_565, %select_n3A_422 : vector<16xi1>, vector<16xf32>
      %max3A_567 = arith.maximumf %get3A_108, %gather3A_497 : vector<16xf32>
      %max3A_568 = arith.maximumf %get3A_113, %gather3A_509 : vector<16xf32>
      %min3A_569 = arith.minimumf %get3A_118, %gather3A_521 : vector<16xf32>
      %min3A_570 = arith.minimumf %get3A_123, %gather3A_533 : vector<16xf32>
      %sub3A_571 = arith.subf %min3A_569, %max3A_567 : vector<16xf32>
      %max3A_572 = arith.constant 0.000000e+00 : f32
      %max3A_573 = vector.broadcast %max3A_572 : f32 to vector<16xf32>
      %max3A_574 = arith.maximumf %sub3A_571, %max3A_573 : vector<16xf32>
      %sub3A_575 = arith.subf %min3A_570, %max3A_568 : vector<16xf32>
      %max3A_576 = arith.constant 0.000000e+00 : f32
      %max3A_577 = vector.broadcast %max3A_576 : f32 to vector<16xf32>
      %max3A_578 = arith.maximumf %sub3A_575, %max3A_577 : vector<16xf32>
      %mul3A_579 = arith.mulf %max3A_574, %max3A_578 : vector<16xf32>
      %add3A_580 = arith.addf %add3A_129, %gather3A_545 : vector<16xf32>
      %sub3A_581 = arith.subf %add3A_580, %mul3A_579 : vector<16xf32>
      %div3A_582 = arith.divf %mul3A_579, %sub3A_581 : vector<16xf32>
      %gt3A_583 = arith.cmpf ogt, %div3A_582, %select_n3A_440 : vector<16xf32>
      %select_n3A_584 = arith.select %gt3A_583, %div3A_582, %select_n3A_440 : vector<16xi1>, vector<16xf32>
      %jit3A_585 = arith.constant 2.000000e+00 : f32
      %broadcast_in_dim3A_586 = vector.broadcast %jit3A_585 : f32 to vector<16xf32>
      %select_n3A_587 = arith.select %gt3A_583, %broadcast_in_dim3A_586, %select_n3A_443 : vector<16xi1>, vector<16xf32>
      %max3A_588 = arith.maximumf %get3A_137, %gather3A_497 : vector<16xf32>
      %max3A_589 = arith.maximumf %get3A_142, %gather3A_509 : vector<16xf32>
      %min3A_590 = arith.minimumf %get3A_147, %gather3A_521 : vector<16xf32>
      %min3A_591 = arith.minimumf %get3A_152, %gather3A_533 : vector<16xf32>
      %sub3A_592 = arith.subf %min3A_590, %max3A_588 : vector<16xf32>
      %max3A_593 = arith.constant 0.000000e+00 : f32
      %max3A_594 = vector.broadcast %max3A_593 : f32 to vector<16xf32>
      %max3A_595 = arith.maximumf %sub3A_592, %max3A_594 : vector<16xf32>
      %sub3A_596 = arith.subf %min3A_591, %max3A_589 : vector<16xf32>
      %max3A_597 = arith.constant 0.000000e+00 : f32
      %max3A_598 = vector.broadcast %max3A_597 : f32 to vector<16xf32>
      %max3A_599 = arith.maximumf %sub3A_596, %max3A_598 : vector<16xf32>
      %mul3A_600 = arith.mulf %max3A_595, %max3A_599 : vector<16xf32>
      %add3A_601 = arith.addf %add3A_158, %gather3A_545 : vector<16xf32>
      %sub3A_602 = arith.subf %add3A_601, %mul3A_600 : vector<16xf32>
      %div3A_603 = arith.divf %mul3A_600, %sub3A_602 : vector<16xf32>
      %gt3A_604 = arith.cmpf ogt, %div3A_603, %select_n3A_461 : vector<16xf32>
      %select_n3A_605 = arith.select %gt3A_604, %div3A_603, %select_n3A_461 : vector<16xi1>, vector<16xf32>
      %jit3A_606 = arith.constant 2.000000e+00 : f32
      %broadcast_in_dim3A_607 = vector.broadcast %jit3A_606 : f32 to vector<16xf32>
      %select_n3A_608 = arith.select %gt3A_604, %broadcast_in_dim3A_607, %select_n3A_464 : vector<16xi1>, vector<16xf32>
      %max3A_609 = arith.maximumf %get3A_166, %gather3A_497 : vector<16xf32>
      %max3A_610 = arith.maximumf %get3A_171, %gather3A_509 : vector<16xf32>
      %min3A_611 = arith.minimumf %get3A_176, %gather3A_521 : vector<16xf32>
      %min3A_612 = arith.minimumf %get3A_181, %gather3A_533 : vector<16xf32>
      %sub3A_613 = arith.subf %min3A_611, %max3A_609 : vector<16xf32>
      %max3A_614 = arith.constant 0.000000e+00 : f32
      %max3A_615 = vector.broadcast %max3A_614 : f32 to vector<16xf32>
      %max3A_616 = arith.maximumf %sub3A_613, %max3A_615 : vector<16xf32>
      %sub3A_617 = arith.subf %min3A_612, %max3A_610 : vector<16xf32>
      %max3A_618 = arith.constant 0.000000e+00 : f32
      %max3A_619 = vector.broadcast %max3A_618 : f32 to vector<16xf32>
      %max3A_620 = arith.maximumf %sub3A_617, %max3A_619 : vector<16xf32>
      %mul3A_621 = arith.mulf %max3A_616, %max3A_620 : vector<16xf32>
      %add3A_622 = arith.addf %add3A_187, %gather3A_545 : vector<16xf32>
      %sub3A_623 = arith.subf %add3A_622, %mul3A_621 : vector<16xf32>
      %div3A_624 = arith.divf %mul3A_621, %sub3A_623 : vector<16xf32>
      %gt3A_625 = arith.cmpf ogt, %div3A_624, %select_n3A_482 : vector<16xf32>
      %select_n3A_626 = arith.select %gt3A_625, %div3A_624, %select_n3A_482 : vector<16xi1>, vector<16xf32>
      %jit3A_627 = arith.constant 2.000000e+00 : f32
      %broadcast_in_dim3A_628 = vector.broadcast %jit3A_627 : f32 to vector<16xf32>
      %select_n3A_629 = arith.select %gt3A_625, %broadcast_in_dim3A_628, %select_n3A_485 : vector<16xi1>, vector<16xf32>
      %broadcast_in_dim3A_630 = arith.constant 3 : i32
      %broadcast_in_dim3A_631 = vector.broadcast %broadcast_in_dim3A_630 : i32 to vector<16xi32>
      %lt3A_632 = arith.constant 0 : i32
      %lt3A_633 = vector.broadcast %lt3A_632 : i32 to vector<16xi32>
      %lt3A_634 = arith.cmpi slt, %broadcast_in_dim3A_631, %lt3A_633 : vector<16xi32>
      %add3A_635 = arith.constant 16 : i32
      %add3A_636 = vector.broadcast %add3A_635 : i32 to vector<16xi32>
      %add3A_637 = arith.addi %broadcast_in_dim3A_631, %add3A_636 : vector<16xi32>
      %select_n3A_638 = arith.select %lt3A_634, %add3A_637, %broadcast_in_dim3A_631 : vector<16xi1>, vector<16xi32>
      %broadcast_in_dim3A_639 = vector.shape_cast %select_n3A_638 : vector<16xi32> to vector<16x1xi32>
      %gather3A_640 = vector.shape_cast %broadcast_in_dim3A_639 : vector<16x1xi32> to vector<16xi32>
      %gather3A_641 = tpu.dynamic_gather %get3A_40[%gather3A_640] in [0] : vector<16xf32>, vector<16xi32> -> vector<16xf32>
      %broadcast_in_dim3A_642 = arith.constant 3 : i32
      %broadcast_in_dim3A_643 = vector.broadcast %broadcast_in_dim3A_642 : i32 to vector<16xi32>
      %lt3A_644 = arith.constant 0 : i32
      %lt3A_645 = vector.broadcast %lt3A_644 : i32 to vector<16xi32>
      %lt3A_646 = arith.cmpi slt, %broadcast_in_dim3A_643, %lt3A_645 : vector<16xi32>
      %add3A_647 = arith.constant 16 : i32
      %add3A_648 = vector.broadcast %add3A_647 : i32 to vector<16xi32>
      %add3A_649 = arith.addi %broadcast_in_dim3A_643, %add3A_648 : vector<16xi32>
      %select_n3A_650 = arith.select %lt3A_646, %add3A_649, %broadcast_in_dim3A_643 : vector<16xi1>, vector<16xi32>
      %broadcast_in_dim3A_651 = vector.shape_cast %select_n3A_650 : vector<16xi32> to vector<16x1xi32>
      %gather3A_652 = vector.shape_cast %broadcast_in_dim3A_651 : vector<16x1xi32> to vector<16xi32>
      %gather3A_653 = tpu.dynamic_gather %get3A_45[%gather3A_652] in [0] : vector<16xf32>, vector<16xi32> -> vector<16xf32>
      %broadcast_in_dim3A_654 = arith.constant 3 : i32
      %broadcast_in_dim3A_655 = vector.broadcast %broadcast_in_dim3A_654 : i32 to vector<16xi32>
      %lt3A_656 = arith.constant 0 : i32
      %lt3A_657 = vector.broadcast %lt3A_656 : i32 to vector<16xi32>
      %lt3A_658 = arith.cmpi slt, %broadcast_in_dim3A_655, %lt3A_657 : vector<16xi32>
      %add3A_659 = arith.constant 16 : i32
      %add3A_660 = vector.broadcast %add3A_659 : i32 to vector<16xi32>
      %add3A_661 = arith.addi %broadcast_in_dim3A_655, %add3A_660 : vector<16xi32>
      %select_n3A_662 = arith.select %lt3A_658, %add3A_661, %broadcast_in_dim3A_655 : vector<16xi1>, vector<16xi32>
      %broadcast_in_dim3A_663 = vector.shape_cast %select_n3A_662 : vector<16xi32> to vector<16x1xi32>
      %gather3A_664 = vector.shape_cast %broadcast_in_dim3A_663 : vector<16x1xi32> to vector<16xi32>
      %gather3A_665 = tpu.dynamic_gather %get3A_50[%gather3A_664] in [0] : vector<16xf32>, vector<16xi32> -> vector<16xf32>
      %broadcast_in_dim3A_666 = arith.constant 3 : i32
      %broadcast_in_dim3A_667 = vector.broadcast %broadcast_in_dim3A_666 : i32 to vector<16xi32>
      %lt3A_668 = arith.constant 0 : i32
      %lt3A_669 = vector.broadcast %lt3A_668 : i32 to vector<16xi32>
      %lt3A_670 = arith.cmpi slt, %broadcast_in_dim3A_667, %lt3A_669 : vector<16xi32>
      %add3A_671 = arith.constant 16 : i32
      %add3A_672 = vector.broadcast %add3A_671 : i32 to vector<16xi32>
      %add3A_673 = arith.addi %broadcast_in_dim3A_667, %add3A_672 : vector<16xi32>
      %select_n3A_674 = arith.select %lt3A_670, %add3A_673, %broadcast_in_dim3A_667 : vector<16xi1>, vector<16xi32>
      %broadcast_in_dim3A_675 = vector.shape_cast %select_n3A_674 : vector<16xi32> to vector<16x1xi32>
      %gather3A_676 = vector.shape_cast %broadcast_in_dim3A_675 : vector<16x1xi32> to vector<16xi32>
      %gather3A_677 = tpu.dynamic_gather %get3A_55[%gather3A_676] in [0] : vector<16xf32>, vector<16xi32> -> vector<16xf32>
      %broadcast_in_dim3A_678 = arith.constant 3 : i32
      %broadcast_in_dim3A_679 = vector.broadcast %broadcast_in_dim3A_678 : i32 to vector<16xi32>
      %lt3A_680 = arith.constant 0 : i32
      %lt3A_681 = vector.broadcast %lt3A_680 : i32 to vector<16xi32>
      %lt3A_682 = arith.cmpi slt, %broadcast_in_dim3A_679, %lt3A_681 : vector<16xi32>
      %add3A_683 = arith.constant 16 : i32
      %add3A_684 = vector.broadcast %add3A_683 : i32 to vector<16xi32>
      %add3A_685 = arith.addi %broadcast_in_dim3A_679, %add3A_684 : vector<16xi32>
      %select_n3A_686 = arith.select %lt3A_682, %add3A_685, %broadcast_in_dim3A_679 : vector<16xi1>, vector<16xi32>
      %broadcast_in_dim3A_687 = vector.shape_cast %select_n3A_686 : vector<16xi32> to vector<16x1xi32>
      %gather3A_688 = vector.shape_cast %broadcast_in_dim3A_687 : vector<16x1xi32> to vector<16xi32>
      %gather3A_689 = tpu.dynamic_gather %mul3A_58[%gather3A_688] in [0] : vector<16xf32>, vector<16xi32> -> vector<16xf32>
      %max3A_690 = arith.maximumf %get3A_79, %gather3A_641 : vector<16xf32>
      %max3A_691 = arith.maximumf %get3A_84, %gather3A_653 : vector<16xf32>
      %min3A_692 = arith.minimumf %get3A_89, %gather3A_665 : vector<16xf32>
      %min3A_693 = arith.minimumf %get3A_94, %gather3A_677 : vector<16xf32>
      %sub3A_694 = arith.subf %min3A_692, %max3A_690 : vector<16xf32>
      %max3A_695 = arith.constant 0.000000e+00 : f32
      %max3A_696 = vector.broadcast %max3A_695 : f32 to vector<16xf32>
      %max3A_697 = arith.maximumf %sub3A_694, %max3A_696 : vector<16xf32>
      %sub3A_698 = arith.subf %min3A_693, %max3A_691 : vector<16xf32>
      %max3A_699 = arith.constant 0.000000e+00 : f32
      %max3A_700 = vector.broadcast %max3A_699 : f32 to vector<16xf32>
      %max3A_701 = arith.maximumf %sub3A_698, %max3A_700 : vector<16xf32>
      %mul3A_702 = arith.mulf %max3A_697, %max3A_701 : vector<16xf32>
      %add3A_703 = arith.addf %add3A_100, %gather3A_689 : vector<16xf32>
      %sub3A_704 = arith.subf %add3A_703, %mul3A_702 : vector<16xf32>
      %div3A_705 = arith.divf %mul3A_702, %sub3A_704 : vector<16xf32>
      %gt3A_706 = arith.cmpf ogt, %div3A_705, %select_n3A_563 : vector<16xf32>
      %select_n3A_707 = arith.select %gt3A_706, %div3A_705, %select_n3A_563 : vector<16xi1>, vector<16xf32>
      %jit3A_708 = arith.constant 3.000000e+00 : f32
      %broadcast_in_dim3A_709 = vector.broadcast %jit3A_708 : f32 to vector<16xf32>
      %select_n3A_710 = arith.select %gt3A_706, %broadcast_in_dim3A_709, %select_n3A_566 : vector<16xi1>, vector<16xf32>
      %max3A_711 = arith.maximumf %get3A_108, %gather3A_641 : vector<16xf32>
      %max3A_712 = arith.maximumf %get3A_113, %gather3A_653 : vector<16xf32>
      %min3A_713 = arith.minimumf %get3A_118, %gather3A_665 : vector<16xf32>
      %min3A_714 = arith.minimumf %get3A_123, %gather3A_677 : vector<16xf32>
      %sub3A_715 = arith.subf %min3A_713, %max3A_711 : vector<16xf32>
      %max3A_716 = arith.constant 0.000000e+00 : f32
      %max3A_717 = vector.broadcast %max3A_716 : f32 to vector<16xf32>
      %max3A_718 = arith.maximumf %sub3A_715, %max3A_717 : vector<16xf32>
      %sub3A_719 = arith.subf %min3A_714, %max3A_712 : vector<16xf32>
      %max3A_720 = arith.constant 0.000000e+00 : f32
      %max3A_721 = vector.broadcast %max3A_720 : f32 to vector<16xf32>
      %max3A_722 = arith.maximumf %sub3A_719, %max3A_721 : vector<16xf32>
      %mul3A_723 = arith.mulf %max3A_718, %max3A_722 : vector<16xf32>
      %add3A_724 = arith.addf %add3A_129, %gather3A_689 : vector<16xf32>
      %sub3A_725 = arith.subf %add3A_724, %mul3A_723 : vector<16xf32>
      %div3A_726 = arith.divf %mul3A_723, %sub3A_725 : vector<16xf32>
      %gt3A_727 = arith.cmpf ogt, %div3A_726, %select_n3A_584 : vector<16xf32>
      %select_n3A_728 = arith.select %gt3A_727, %div3A_726, %select_n3A_584 : vector<16xi1>, vector<16xf32>
      %jit3A_729 = arith.constant 3.000000e+00 : f32
      %broadcast_in_dim3A_730 = vector.broadcast %jit3A_729 : f32 to vector<16xf32>
      %select_n3A_731 = arith.select %gt3A_727, %broadcast_in_dim3A_730, %select_n3A_587 : vector<16xi1>, vector<16xf32>
      %max3A_732 = arith.maximumf %get3A_137, %gather3A_641 : vector<16xf32>
      %max3A_733 = arith.maximumf %get3A_142, %gather3A_653 : vector<16xf32>
      %min3A_734 = arith.minimumf %get3A_147, %gather3A_665 : vector<16xf32>
      %min3A_735 = arith.minimumf %get3A_152, %gather3A_677 : vector<16xf32>
      %sub3A_736 = arith.subf %min3A_734, %max3A_732 : vector<16xf32>
      %max3A_737 = arith.constant 0.000000e+00 : f32
      %max3A_738 = vector.broadcast %max3A_737 : f32 to vector<16xf32>
      %max3A_739 = arith.maximumf %sub3A_736, %max3A_738 : vector<16xf32>
      %sub3A_740 = arith.subf %min3A_735, %max3A_733 : vector<16xf32>
      %max3A_741 = arith.constant 0.000000e+00 : f32
      %max3A_742 = vector.broadcast %max3A_741 : f32 to vector<16xf32>
      %max3A_743 = arith.maximumf %sub3A_740, %max3A_742 : vector<16xf32>
      %mul3A_744 = arith.mulf %max3A_739, %max3A_743 : vector<16xf32>
      %add3A_745 = arith.addf %add3A_158, %gather3A_689 : vector<16xf32>
      %sub3A_746 = arith.subf %add3A_745, %mul3A_744 : vector<16xf32>
      %div3A_747 = arith.divf %mul3A_744, %sub3A_746 : vector<16xf32>
      %gt3A_748 = arith.cmpf ogt, %div3A_747, %select_n3A_605 : vector<16xf32>
      %select_n3A_749 = arith.select %gt3A_748, %div3A_747, %select_n3A_605 : vector<16xi1>, vector<16xf32>
      %jit3A_750 = arith.constant 3.000000e+00 : f32
      %broadcast_in_dim3A_751 = vector.broadcast %jit3A_750 : f32 to vector<16xf32>
      %select_n3A_752 = arith.select %gt3A_748, %broadcast_in_dim3A_751, %select_n3A_608 : vector<16xi1>, vector<16xf32>
      %max3A_753 = arith.maximumf %get3A_166, %gather3A_641 : vector<16xf32>
      %max3A_754 = arith.maximumf %get3A_171, %gather3A_653 : vector<16xf32>
      %min3A_755 = arith.minimumf %get3A_176, %gather3A_665 : vector<16xf32>
      %min3A_756 = arith.minimumf %get3A_181, %gather3A_677 : vector<16xf32>
      %sub3A_757 = arith.subf %min3A_755, %max3A_753 : vector<16xf32>
      %max3A_758 = arith.constant 0.000000e+00 : f32
      %max3A_759 = vector.broadcast %max3A_758 : f32 to vector<16xf32>
      %max3A_760 = arith.maximumf %sub3A_757, %max3A_759 : vector<16xf32>
      %sub3A_761 = arith.subf %min3A_756, %max3A_754 : vector<16xf32>
      %max3A_762 = arith.constant 0.000000e+00 : f32
      %max3A_763 = vector.broadcast %max3A_762 : f32 to vector<16xf32>
      %max3A_764 = arith.maximumf %sub3A_761, %max3A_763 : vector<16xf32>
      %mul3A_765 = arith.mulf %max3A_760, %max3A_764 : vector<16xf32>
      %add3A_766 = arith.addf %add3A_187, %gather3A_689 : vector<16xf32>
      %sub3A_767 = arith.subf %add3A_766, %mul3A_765 : vector<16xf32>
      %div3A_768 = arith.divf %mul3A_765, %sub3A_767 : vector<16xf32>
      %gt3A_769 = arith.cmpf ogt, %div3A_768, %select_n3A_626 : vector<16xf32>
      %select_n3A_770 = arith.select %gt3A_769, %div3A_768, %select_n3A_626 : vector<16xi1>, vector<16xf32>
      %jit3A_771 = arith.constant 3.000000e+00 : f32
      %broadcast_in_dim3A_772 = vector.broadcast %jit3A_771 : f32 to vector<16xf32>
      %select_n3A_773 = arith.select %gt3A_769, %broadcast_in_dim3A_772, %select_n3A_629 : vector<16xi1>, vector<16xf32>
      %broadcast_in_dim3A_774 = arith.constant 4 : i32
      %broadcast_in_dim3A_775 = vector.broadcast %broadcast_in_dim3A_774 : i32 to vector<16xi32>
      %lt3A_776 = arith.constant 0 : i32
      %lt3A_777 = vector.broadcast %lt3A_776 : i32 to vector<16xi32>
      %lt3A_778 = arith.cmpi slt, %broadcast_in_dim3A_775, %lt3A_777 : vector<16xi32>
      %add3A_779 = arith.constant 16 : i32
      %add3A_780 = vector.broadcast %add3A_779 : i32 to vector<16xi32>
      %add3A_781 = arith.addi %broadcast_in_dim3A_775, %add3A_780 : vector<16xi32>
      %select_n3A_782 = arith.select %lt3A_778, %add3A_781, %broadcast_in_dim3A_775 : vector<16xi1>, vector<16xi32>
      %broadcast_in_dim3A_783 = vector.shape_cast %select_n3A_782 : vector<16xi32> to vector<16x1xi32>
      %gather3A_784 = vector.shape_cast %broadcast_in_dim3A_783 : vector<16x1xi32> to vector<16xi32>
      %gather3A_785 = tpu.dynamic_gather %get3A_40[%gather3A_784] in [0] : vector<16xf32>, vector<16xi32> -> vector<16xf32>
      %broadcast_in_dim3A_786 = arith.constant 4 : i32
      %broadcast_in_dim3A_787 = vector.broadcast %broadcast_in_dim3A_786 : i32 to vector<16xi32>
      %lt3A_788 = arith.constant 0 : i32
      %lt3A_789 = vector.broadcast %lt3A_788 : i32 to vector<16xi32>
      %lt3A_790 = arith.cmpi slt, %broadcast_in_dim3A_787, %lt3A_789 : vector<16xi32>
      %add3A_791 = arith.constant 16 : i32
      %add3A_792 = vector.broadcast %add3A_791 : i32 to vector<16xi32>
      %add3A_793 = arith.addi %broadcast_in_dim3A_787, %add3A_792 : vector<16xi32>
      %select_n3A_794 = arith.select %lt3A_790, %add3A_793, %broadcast_in_dim3A_787 : vector<16xi1>, vector<16xi32>
      %broadcast_in_dim3A_795 = vector.shape_cast %select_n3A_794 : vector<16xi32> to vector<16x1xi32>
      %gather3A_796 = vector.shape_cast %broadcast_in_dim3A_795 : vector<16x1xi32> to vector<16xi32>
      %gather3A_797 = tpu.dynamic_gather %get3A_45[%gather3A_796] in [0] : vector<16xf32>, vector<16xi32> -> vector<16xf32>
      %broadcast_in_dim3A_798 = arith.constant 4 : i32
      %broadcast_in_dim3A_799 = vector.broadcast %broadcast_in_dim3A_798 : i32 to vector<16xi32>
      %lt3A_800 = arith.constant 0 : i32
      %lt3A_801 = vector.broadcast %lt3A_800 : i32 to vector<16xi32>
      %lt3A_802 = arith.cmpi slt, %broadcast_in_dim3A_799, %lt3A_801 : vector<16xi32>
      %add3A_803 = arith.constant 16 : i32
      %add3A_804 = vector.broadcast %add3A_803 : i32 to vector<16xi32>
      %add3A_805 = arith.addi %broadcast_in_dim3A_799, %add3A_804 : vector<16xi32>
      %select_n3A_806 = arith.select %lt3A_802, %add3A_805, %broadcast_in_dim3A_799 : vector<16xi1>, vector<16xi32>
      %broadcast_in_dim3A_807 = vector.shape_cast %select_n3A_806 : vector<16xi32> to vector<16x1xi32>
      %gather3A_808 = vector.shape_cast %broadcast_in_dim3A_807 : vector<16x1xi32> to vector<16xi32>
      %gather3A_809 = tpu.dynamic_gather %get3A_50[%gather3A_808] in [0] : vector<16xf32>, vector<16xi32> -> vector<16xf32>
      %broadcast_in_dim3A_810 = arith.constant 4 : i32
      %broadcast_in_dim3A_811 = vector.broadcast %broadcast_in_dim3A_810 : i32 to vector<16xi32>
      %lt3A_812 = arith.constant 0 : i32
      %lt3A_813 = vector.broadcast %lt3A_812 : i32 to vector<16xi32>
      %lt3A_814 = arith.cmpi slt, %broadcast_in_dim3A_811, %lt3A_813 : vector<16xi32>
      %add3A_815 = arith.constant 16 : i32
      %add3A_816 = vector.broadcast %add3A_815 : i32 to vector<16xi32>
      %add3A_817 = arith.addi %broadcast_in_dim3A_811, %add3A_816 : vector<16xi32>
      %select_n3A_818 = arith.select %lt3A_814, %add3A_817, %broadcast_in_dim3A_811 : vector<16xi1>, vector<16xi32>
      %broadcast_in_dim3A_819 = vector.shape_cast %select_n3A_818 : vector<16xi32> to vector<16x1xi32>
      %gather3A_820 = vector.shape_cast %broadcast_in_dim3A_819 : vector<16x1xi32> to vector<16xi32>
      %gather3A_821 = tpu.dynamic_gather %get3A_55[%gather3A_820] in [0] : vector<16xf32>, vector<16xi32> -> vector<16xf32>
      %broadcast_in_dim3A_822 = arith.constant 4 : i32
      %broadcast_in_dim3A_823 = vector.broadcast %broadcast_in_dim3A_822 : i32 to vector<16xi32>
      %lt3A_824 = arith.constant 0 : i32
      %lt3A_825 = vector.broadcast %lt3A_824 : i32 to vector<16xi32>
      %lt3A_826 = arith.cmpi slt, %broadcast_in_dim3A_823, %lt3A_825 : vector<16xi32>
      %add3A_827 = arith.constant 16 : i32
      %add3A_828 = vector.broadcast %add3A_827 : i32 to vector<16xi32>
      %add3A_829 = arith.addi %broadcast_in_dim3A_823, %add3A_828 : vector<16xi32>
      %select_n3A_830 = arith.select %lt3A_826, %add3A_829, %broadcast_in_dim3A_823 : vector<16xi1>, vector<16xi32>
      %broadcast_in_dim3A_831 = vector.shape_cast %select_n3A_830 : vector<16xi32> to vector<16x1xi32>
      %gather3A_832 = vector.shape_cast %broadcast_in_dim3A_831 : vector<16x1xi32> to vector<16xi32>
      %gather3A_833 = tpu.dynamic_gather %mul3A_58[%gather3A_832] in [0] : vector<16xf32>, vector<16xi32> -> vector<16xf32>
      %max3A_834 = arith.maximumf %get3A_79, %gather3A_785 : vector<16xf32>
      %max3A_835 = arith.maximumf %get3A_84, %gather3A_797 : vector<16xf32>
      %min3A_836 = arith.minimumf %get3A_89, %gather3A_809 : vector<16xf32>
      %min3A_837 = arith.minimumf %get3A_94, %gather3A_821 : vector<16xf32>
      %sub3A_838 = arith.subf %min3A_836, %max3A_834 : vector<16xf32>
      %max3A_839 = arith.constant 0.000000e+00 : f32
      %max3A_840 = vector.broadcast %max3A_839 : f32 to vector<16xf32>
      %max3A_841 = arith.maximumf %sub3A_838, %max3A_840 : vector<16xf32>
      %sub3A_842 = arith.subf %min3A_837, %max3A_835 : vector<16xf32>
      %max3A_843 = arith.constant 0.000000e+00 : f32
      %max3A_844 = vector.broadcast %max3A_843 : f32 to vector<16xf32>
      %max3A_845 = arith.maximumf %sub3A_842, %max3A_844 : vector<16xf32>
      %mul3A_846 = arith.mulf %max3A_841, %max3A_845 : vector<16xf32>
      %add3A_847 = arith.addf %add3A_100, %gather3A_833 : vector<16xf32>
      %sub3A_848 = arith.subf %add3A_847, %mul3A_846 : vector<16xf32>
      %div3A_849 = arith.divf %mul3A_846, %sub3A_848 : vector<16xf32>
      %gt3A_850 = arith.cmpf ogt, %div3A_849, %select_n3A_707 : vector<16xf32>
      %select_n3A_851 = arith.select %gt3A_850, %div3A_849, %select_n3A_707 : vector<16xi1>, vector<16xf32>
      %jit3A_852 = arith.constant 4.000000e+00 : f32
      %broadcast_in_dim3A_853 = vector.broadcast %jit3A_852 : f32 to vector<16xf32>
      %select_n3A_854 = arith.select %gt3A_850, %broadcast_in_dim3A_853, %select_n3A_710 : vector<16xi1>, vector<16xf32>
      %max3A_855 = arith.maximumf %get3A_108, %gather3A_785 : vector<16xf32>
      %max3A_856 = arith.maximumf %get3A_113, %gather3A_797 : vector<16xf32>
      %min3A_857 = arith.minimumf %get3A_118, %gather3A_809 : vector<16xf32>
      %min3A_858 = arith.minimumf %get3A_123, %gather3A_821 : vector<16xf32>
      %sub3A_859 = arith.subf %min3A_857, %max3A_855 : vector<16xf32>
      %max3A_860 = arith.constant 0.000000e+00 : f32
      %max3A_861 = vector.broadcast %max3A_860 : f32 to vector<16xf32>
      %max3A_862 = arith.maximumf %sub3A_859, %max3A_861 : vector<16xf32>
      %sub3A_863 = arith.subf %min3A_858, %max3A_856 : vector<16xf32>
      %max3A_864 = arith.constant 0.000000e+00 : f32
      %max3A_865 = vector.broadcast %max3A_864 : f32 to vector<16xf32>
      %max3A_866 = arith.maximumf %sub3A_863, %max3A_865 : vector<16xf32>
      %mul3A_867 = arith.mulf %max3A_862, %max3A_866 : vector<16xf32>
      %add3A_868 = arith.addf %add3A_129, %gather3A_833 : vector<16xf32>
      %sub3A_869 = arith.subf %add3A_868, %mul3A_867 : vector<16xf32>
      %div3A_870 = arith.divf %mul3A_867, %sub3A_869 : vector<16xf32>
      %gt3A_871 = arith.cmpf ogt, %div3A_870, %select_n3A_728 : vector<16xf32>
      %select_n3A_872 = arith.select %gt3A_871, %div3A_870, %select_n3A_728 : vector<16xi1>, vector<16xf32>
      %jit3A_873 = arith.constant 4.000000e+00 : f32
      %broadcast_in_dim3A_874 = vector.broadcast %jit3A_873 : f32 to vector<16xf32>
      %select_n3A_875 = arith.select %gt3A_871, %broadcast_in_dim3A_874, %select_n3A_731 : vector<16xi1>, vector<16xf32>
      %max3A_876 = arith.maximumf %get3A_137, %gather3A_785 : vector<16xf32>
      %max3A_877 = arith.maximumf %get3A_142, %gather3A_797 : vector<16xf32>
      %min3A_878 = arith.minimumf %get3A_147, %gather3A_809 : vector<16xf32>
      %min3A_879 = arith.minimumf %get3A_152, %gather3A_821 : vector<16xf32>
      %sub3A_880 = arith.subf %min3A_878, %max3A_876 : vector<16xf32>
      %max3A_881 = arith.constant 0.000000e+00 : f32
      %max3A_882 = vector.broadcast %max3A_881 : f32 to vector<16xf32>
      %max3A_883 = arith.maximumf %sub3A_880, %max3A_882 : vector<16xf32>
      %sub3A_884 = arith.subf %min3A_879, %max3A_877 : vector<16xf32>
      %max3A_885 = arith.constant 0.000000e+00 : f32
      %max3A_886 = vector.broadcast %max3A_885 : f32 to vector<16xf32>
      %max3A_887 = arith.maximumf %sub3A_884, %max3A_886 : vector<16xf32>
      %mul3A_888 = arith.mulf %max3A_883, %max3A_887 : vector<16xf32>
      %add3A_889 = arith.addf %add3A_158, %gather3A_833 : vector<16xf32>
      %sub3A_890 = arith.subf %add3A_889, %mul3A_888 : vector<16xf32>
      %div3A_891 = arith.divf %mul3A_888, %sub3A_890 : vector<16xf32>
      %gt3A_892 = arith.cmpf ogt, %div3A_891, %select_n3A_749 : vector<16xf32>
      %select_n3A_893 = arith.select %gt3A_892, %div3A_891, %select_n3A_749 : vector<16xi1>, vector<16xf32>
      %jit3A_894 = arith.constant 4.000000e+00 : f32
      %broadcast_in_dim3A_895 = vector.broadcast %jit3A_894 : f32 to vector<16xf32>
      %select_n3A_896 = arith.select %gt3A_892, %broadcast_in_dim3A_895, %select_n3A_752 : vector<16xi1>, vector<16xf32>
      %max3A_897 = arith.maximumf %get3A_166, %gather3A_785 : vector<16xf32>
      %max3A_898 = arith.maximumf %get3A_171, %gather3A_797 : vector<16xf32>
      %min3A_899 = arith.minimumf %get3A_176, %gather3A_809 : vector<16xf32>
      %min3A_900 = arith.minimumf %get3A_181, %gather3A_821 : vector<16xf32>
      %sub3A_901 = arith.subf %min3A_899, %max3A_897 : vector<16xf32>
      %max3A_902 = arith.constant 0.000000e+00 : f32
      %max3A_903 = vector.broadcast %max3A_902 : f32 to vector<16xf32>
      %max3A_904 = arith.maximumf %sub3A_901, %max3A_903 : vector<16xf32>
      %sub3A_905 = arith.subf %min3A_900, %max3A_898 : vector<16xf32>
      %max3A_906 = arith.constant 0.000000e+00 : f32
      %max3A_907 = vector.broadcast %max3A_906 : f32 to vector<16xf32>
      %max3A_908 = arith.maximumf %sub3A_905, %max3A_907 : vector<16xf32>
      %mul3A_909 = arith.mulf %max3A_904, %max3A_908 : vector<16xf32>
      %add3A_910 = arith.addf %add3A_187, %gather3A_833 : vector<16xf32>
      %sub3A_911 = arith.subf %add3A_910, %mul3A_909 : vector<16xf32>
      %div3A_912 = arith.divf %mul3A_909, %sub3A_911 : vector<16xf32>
      %gt3A_913 = arith.cmpf ogt, %div3A_912, %select_n3A_770 : vector<16xf32>
      %select_n3A_914 = arith.select %gt3A_913, %div3A_912, %select_n3A_770 : vector<16xi1>, vector<16xf32>
      %jit3A_915 = arith.constant 4.000000e+00 : f32
      %broadcast_in_dim3A_916 = vector.broadcast %jit3A_915 : f32 to vector<16xf32>
      %select_n3A_917 = arith.select %gt3A_913, %broadcast_in_dim3A_916, %select_n3A_773 : vector<16xi1>, vector<16xf32>
      %broadcast_in_dim3A_918 = arith.constant 5 : i32
      %broadcast_in_dim3A_919 = vector.broadcast %broadcast_in_dim3A_918 : i32 to vector<16xi32>
      %lt3A_920 = arith.constant 0 : i32
      %lt3A_921 = vector.broadcast %lt3A_920 : i32 to vector<16xi32>
      %lt3A_922 = arith.cmpi slt, %broadcast_in_dim3A_919, %lt3A_921 : vector<16xi32>
      %add3A_923 = arith.constant 16 : i32
      %add3A_924 = vector.broadcast %add3A_923 : i32 to vector<16xi32>
      %add3A_925 = arith.addi %broadcast_in_dim3A_919, %add3A_924 : vector<16xi32>
      %select_n3A_926 = arith.select %lt3A_922, %add3A_925, %broadcast_in_dim3A_919 : vector<16xi1>, vector<16xi32>
      %broadcast_in_dim3A_927 = vector.shape_cast %select_n3A_926 : vector<16xi32> to vector<16x1xi32>
      %gather3A_928 = vector.shape_cast %broadcast_in_dim3A_927 : vector<16x1xi32> to vector<16xi32>
      %gather3A_929 = tpu.dynamic_gather %get3A_40[%gather3A_928] in [0] : vector<16xf32>, vector<16xi32> -> vector<16xf32>
      %broadcast_in_dim3A_930 = arith.constant 5 : i32
      %broadcast_in_dim3A_931 = vector.broadcast %broadcast_in_dim3A_930 : i32 to vector<16xi32>
      %lt3A_932 = arith.constant 0 : i32
      %lt3A_933 = vector.broadcast %lt3A_932 : i32 to vector<16xi32>
      %lt3A_934 = arith.cmpi slt, %broadcast_in_dim3A_931, %lt3A_933 : vector<16xi32>
      %add3A_935 = arith.constant 16 : i32
      %add3A_936 = vector.broadcast %add3A_935 : i32 to vector<16xi32>
      %add3A_937 = arith.addi %broadcast_in_dim3A_931, %add3A_936 : vector<16xi32>
      %select_n3A_938 = arith.select %lt3A_934, %add3A_937, %broadcast_in_dim3A_931 : vector<16xi1>, vector<16xi32>
      %broadcast_in_dim3A_939 = vector.shape_cast %select_n3A_938 : vector<16xi32> to vector<16x1xi32>
      %gather3A_940 = vector.shape_cast %broadcast_in_dim3A_939 : vector<16x1xi32> to vector<16xi32>
      %gather3A_941 = tpu.dynamic_gather %get3A_45[%gather3A_940] in [0] : vector<16xf32>, vector<16xi32> -> vector<16xf32>
      %broadcast_in_dim3A_942 = arith.constant 5 : i32
      %broadcast_in_dim3A_943 = vector.broadcast %broadcast_in_dim3A_942 : i32 to vector<16xi32>
      %lt3A_944 = arith.constant 0 : i32
      %lt3A_945 = vector.broadcast %lt3A_944 : i32 to vector<16xi32>
      %lt3A_946 = arith.cmpi slt, %broadcast_in_dim3A_943, %lt3A_945 : vector<16xi32>
      %add3A_947 = arith.constant 16 : i32
      %add3A_948 = vector.broadcast %add3A_947 : i32 to vector<16xi32>
      %add3A_949 = arith.addi %broadcast_in_dim3A_943, %add3A_948 : vector<16xi32>
      %select_n3A_950 = arith.select %lt3A_946, %add3A_949, %broadcast_in_dim3A_943 : vector<16xi1>, vector<16xi32>
      %broadcast_in_dim3A_951 = vector.shape_cast %select_n3A_950 : vector<16xi32> to vector<16x1xi32>
      %gather3A_952 = vector.shape_cast %broadcast_in_dim3A_951 : vector<16x1xi32> to vector<16xi32>
      %gather3A_953 = tpu.dynamic_gather %get3A_50[%gather3A_952] in [0] : vector<16xf32>, vector<16xi32> -> vector<16xf32>
      %broadcast_in_dim3A_954 = arith.constant 5 : i32
      %broadcast_in_dim3A_955 = vector.broadcast %broadcast_in_dim3A_954 : i32 to vector<16xi32>
      %lt3A_956 = arith.constant 0 : i32
      %lt3A_957 = vector.broadcast %lt3A_956 : i32 to vector<16xi32>
      %lt3A_958 = arith.cmpi slt, %broadcast_in_dim3A_955, %lt3A_957 : vector<16xi32>
      %add3A_959 = arith.constant 16 : i32
      %add3A_960 = vector.broadcast %add3A_959 : i32 to vector<16xi32>
      %add3A_961 = arith.addi %broadcast_in_dim3A_955, %add3A_960 : vector<16xi32>
      %select_n3A_962 = arith.select %lt3A_958, %add3A_961, %broadcast_in_dim3A_955 : vector<16xi1>, vector<16xi32>
      %broadcast_in_dim3A_963 = vector.shape_cast %select_n3A_962 : vector<16xi32> to vector<16x1xi32>
      %gather3A_964 = vector.shape_cast %broadcast_in_dim3A_963 : vector<16x1xi32> to vector<16xi32>
      %gather3A_965 = tpu.dynamic_gather %get3A_55[%gather3A_964] in [0] : vector<16xf32>, vector<16xi32> -> vector<16xf32>
      %broadcast_in_dim3A_966 = arith.constant 5 : i32
      %broadcast_in_dim3A_967 = vector.broadcast %broadcast_in_dim3A_966 : i32 to vector<16xi32>
      %lt3A_968 = arith.constant 0 : i32
      %lt3A_969 = vector.broadcast %lt3A_968 : i32 to vector<16xi32>
      %lt3A_970 = arith.cmpi slt, %broadcast_in_dim3A_967, %lt3A_969 : vector<16xi32>
      %add3A_971 = arith.constant 16 : i32
      %add3A_972 = vector.broadcast %add3A_971 : i32 to vector<16xi32>
      %add3A_973 = arith.addi %broadcast_in_dim3A_967, %add3A_972 : vector<16xi32>
      %select_n3A_974 = arith.select %lt3A_970, %add3A_973, %broadcast_in_dim3A_967 : vector<16xi1>, vector<16xi32>
      %broadcast_in_dim3A_975 = vector.shape_cast %select_n3A_974 : vector<16xi32> to vector<16x1xi32>
      %gather3A_976 = vector.shape_cast %broadcast_in_dim3A_975 : vector<16x1xi32> to vector<16xi32>
      %gather3A_977 = tpu.dynamic_gather %mul3A_58[%gather3A_976] in [0] : vector<16xf32>, vector<16xi32> -> vector<16xf32>
      %max3A_978 = arith.maximumf %get3A_79, %gather3A_929 : vector<16xf32>
      %max3A_979 = arith.maximumf %get3A_84, %gather3A_941 : vector<16xf32>
      %min3A_980 = arith.minimumf %get3A_89, %gather3A_953 : vector<16xf32>
      %min3A_981 = arith.minimumf %get3A_94, %gather3A_965 : vector<16xf32>
      %sub3A_982 = arith.subf %min3A_980, %max3A_978 : vector<16xf32>
      %max3A_983 = arith.constant 0.000000e+00 : f32
      %max3A_984 = vector.broadcast %max3A_983 : f32 to vector<16xf32>
      %max3A_985 = arith.maximumf %sub3A_982, %max3A_984 : vector<16xf32>
      %sub3A_986 = arith.subf %min3A_981, %max3A_979 : vector<16xf32>
      %max3A_987 = arith.constant 0.000000e+00 : f32
      %max3A_988 = vector.broadcast %max3A_987 : f32 to vector<16xf32>
      %max3A_989 = arith.maximumf %sub3A_986, %max3A_988 : vector<16xf32>
      %mul3A_990 = arith.mulf %max3A_985, %max3A_989 : vector<16xf32>
      %add3A_991 = arith.addf %add3A_100, %gather3A_977 : vector<16xf32>
      %sub3A_992 = arith.subf %add3A_991, %mul3A_990 : vector<16xf32>
      %div3A_993 = arith.divf %mul3A_990, %sub3A_992 : vector<16xf32>
      %gt3A_994 = arith.cmpf ogt, %div3A_993, %select_n3A_851 : vector<16xf32>
      %select_n3A_995 = arith.select %gt3A_994, %div3A_993, %select_n3A_851 : vector<16xi1>, vector<16xf32>
      %jit3A_996 = arith.constant 5.000000e+00 : f32
      %broadcast_in_dim3A_997 = vector.broadcast %jit3A_996 : f32 to vector<16xf32>
      %select_n3A_998 = arith.select %gt3A_994, %broadcast_in_dim3A_997, %select_n3A_854 : vector<16xi1>, vector<16xf32>
      %max3A_999 = arith.maximumf %get3A_108, %gather3A_929 : vector<16xf32>
      %max3A_1000 = arith.maximumf %get3A_113, %gather3A_941 : vector<16xf32>
      %min3A_1001 = arith.minimumf %get3A_118, %gather3A_953 : vector<16xf32>
      %min3A_1002 = arith.minimumf %get3A_123, %gather3A_965 : vector<16xf32>
      %sub3A_1003 = arith.subf %min3A_1001, %max3A_999 : vector<16xf32>
      %max3A_1004 = arith.constant 0.000000e+00 : f32
      %max3A_1005 = vector.broadcast %max3A_1004 : f32 to vector<16xf32>
      %max3A_1006 = arith.maximumf %sub3A_1003, %max3A_1005 : vector<16xf32>
      %sub3A_1007 = arith.subf %min3A_1002, %max3A_1000 : vector<16xf32>
      %max3A_1008 = arith.constant 0.000000e+00 : f32
      %max3A_1009 = vector.broadcast %max3A_1008 : f32 to vector<16xf32>
      %max3A_1010 = arith.maximumf %sub3A_1007, %max3A_1009 : vector<16xf32>
      %mul3A_1011 = arith.mulf %max3A_1006, %max3A_1010 : vector<16xf32>
      %add3A_1012 = arith.addf %add3A_129, %gather3A_977 : vector<16xf32>
      %sub3A_1013 = arith.subf %add3A_1012, %mul3A_1011 : vector<16xf32>
      %div3A_1014 = arith.divf %mul3A_1011, %sub3A_1013 : vector<16xf32>
      %gt3A_1015 = arith.cmpf ogt, %div3A_1014, %select_n3A_872 : vector<16xf32>
      %select_n3A_1016 = arith.select %gt3A_1015, %div3A_1014, %select_n3A_872 : vector<16xi1>, vector<16xf32>
      %jit3A_1017 = arith.constant 5.000000e+00 : f32
      %broadcast_in_dim3A_1018 = vector.broadcast %jit3A_1017 : f32 to vector<16xf32>
      %select_n3A_1019 = arith.select %gt3A_1015, %broadcast_in_dim3A_1018, %select_n3A_875 : vector<16xi1>, vector<16xf32>
      %max3A_1020 = arith.maximumf %get3A_137, %gather3A_929 : vector<16xf32>
      %max3A_1021 = arith.maximumf %get3A_142, %gather3A_941 : vector<16xf32>
      %min3A_1022 = arith.minimumf %get3A_147, %gather3A_953 : vector<16xf32>
      %min3A_1023 = arith.minimumf %get3A_152, %gather3A_965 : vector<16xf32>
      %sub3A_1024 = arith.subf %min3A_1022, %max3A_1020 : vector<16xf32>
      %max3A_1025 = arith.constant 0.000000e+00 : f32
      %max3A_1026 = vector.broadcast %max3A_1025 : f32 to vector<16xf32>
      %max3A_1027 = arith.maximumf %sub3A_1024, %max3A_1026 : vector<16xf32>
      %sub3A_1028 = arith.subf %min3A_1023, %max3A_1021 : vector<16xf32>
      %max3A_1029 = arith.constant 0.000000e+00 : f32
      %max3A_1030 = vector.broadcast %max3A_1029 : f32 to vector<16xf32>
      %max3A_1031 = arith.maximumf %sub3A_1028, %max3A_1030 : vector<16xf32>
      %mul3A_1032 = arith.mulf %max3A_1027, %max3A_1031 : vector<16xf32>
      %add3A_1033 = arith.addf %add3A_158, %gather3A_977 : vector<16xf32>
      %sub3A_1034 = arith.subf %add3A_1033, %mul3A_1032 : vector<16xf32>
      %div3A_1035 = arith.divf %mul3A_1032, %sub3A_1034 : vector<16xf32>
      %gt3A_1036 = arith.cmpf ogt, %div3A_1035, %select_n3A_893 : vector<16xf32>
      %select_n3A_1037 = arith.select %gt3A_1036, %div3A_1035, %select_n3A_893 : vector<16xi1>, vector<16xf32>
      %jit3A_1038 = arith.constant 5.000000e+00 : f32
      %broadcast_in_dim3A_1039 = vector.broadcast %jit3A_1038 : f32 to vector<16xf32>
      %select_n3A_1040 = arith.select %gt3A_1036, %broadcast_in_dim3A_1039, %select_n3A_896 : vector<16xi1>, vector<16xf32>
      %max3A_1041 = arith.maximumf %get3A_166, %gather3A_929 : vector<16xf32>
      %max3A_1042 = arith.maximumf %get3A_171, %gather3A_941 : vector<16xf32>
      %min3A_1043 = arith.minimumf %get3A_176, %gather3A_953 : vector<16xf32>
      %min3A_1044 = arith.minimumf %get3A_181, %gather3A_965 : vector<16xf32>
      %sub3A_1045 = arith.subf %min3A_1043, %max3A_1041 : vector<16xf32>
      %max3A_1046 = arith.constant 0.000000e+00 : f32
      %max3A_1047 = vector.broadcast %max3A_1046 : f32 to vector<16xf32>
      %max3A_1048 = arith.maximumf %sub3A_1045, %max3A_1047 : vector<16xf32>
      %sub3A_1049 = arith.subf %min3A_1044, %max3A_1042 : vector<16xf32>
      %max3A_1050 = arith.constant 0.000000e+00 : f32
      %max3A_1051 = vector.broadcast %max3A_1050 : f32 to vector<16xf32>
      %max3A_1052 = arith.maximumf %sub3A_1049, %max3A_1051 : vector<16xf32>
      %mul3A_1053 = arith.mulf %max3A_1048, %max3A_1052 : vector<16xf32>
      %add3A_1054 = arith.addf %add3A_187, %gather3A_977 : vector<16xf32>
      %sub3A_1055 = arith.subf %add3A_1054, %mul3A_1053 : vector<16xf32>
      %div3A_1056 = arith.divf %mul3A_1053, %sub3A_1055 : vector<16xf32>
      %gt3A_1057 = arith.cmpf ogt, %div3A_1056, %select_n3A_914 : vector<16xf32>
      %select_n3A_1058 = arith.select %gt3A_1057, %div3A_1056, %select_n3A_914 : vector<16xi1>, vector<16xf32>
      %jit3A_1059 = arith.constant 5.000000e+00 : f32
      %broadcast_in_dim3A_1060 = vector.broadcast %jit3A_1059 : f32 to vector<16xf32>
      %select_n3A_1061 = arith.select %gt3A_1057, %broadcast_in_dim3A_1060, %select_n3A_917 : vector<16xi1>, vector<16xf32>
      %broadcast_in_dim3A_1062 = arith.constant 6 : i32
      %broadcast_in_dim3A_1063 = vector.broadcast %broadcast_in_dim3A_1062 : i32 to vector<16xi32>
      %lt3A_1064 = arith.constant 0 : i32
      %lt3A_1065 = vector.broadcast %lt3A_1064 : i32 to vector<16xi32>
      %lt3A_1066 = arith.cmpi slt, %broadcast_in_dim3A_1063, %lt3A_1065 : vector<16xi32>
      %add3A_1067 = arith.constant 16 : i32
      %add3A_1068 = vector.broadcast %add3A_1067 : i32 to vector<16xi32>
      %add3A_1069 = arith.addi %broadcast_in_dim3A_1063, %add3A_1068 : vector<16xi32>
      %select_n3A_1070 = arith.select %lt3A_1066, %add3A_1069, %broadcast_in_dim3A_1063 : vector<16xi1>, vector<16xi32>
      %broadcast_in_dim3A_1071 = vector.shape_cast %select_n3A_1070 : vector<16xi32> to vector<16x1xi32>
      %gather3A_1072 = vector.shape_cast %broadcast_in_dim3A_1071 : vector<16x1xi32> to vector<16xi32>
      %gather3A_1073 = tpu.dynamic_gather %get3A_40[%gather3A_1072] in [0] : vector<16xf32>, vector<16xi32> -> vector<16xf32>
      %broadcast_in_dim3A_1074 = arith.constant 6 : i32
      %broadcast_in_dim3A_1075 = vector.broadcast %broadcast_in_dim3A_1074 : i32 to vector<16xi32>
      %lt3A_1076 = arith.constant 0 : i32
      %lt3A_1077 = vector.broadcast %lt3A_1076 : i32 to vector<16xi32>
      %lt3A_1078 = arith.cmpi slt, %broadcast_in_dim3A_1075, %lt3A_1077 : vector<16xi32>
      %add3A_1079 = arith.constant 16 : i32
      %add3A_1080 = vector.broadcast %add3A_1079 : i32 to vector<16xi32>
      %add3A_1081 = arith.addi %broadcast_in_dim3A_1075, %add3A_1080 : vector<16xi32>
      %select_n3A_1082 = arith.select %lt3A_1078, %add3A_1081, %broadcast_in_dim3A_1075 : vector<16xi1>, vector<16xi32>
      %broadcast_in_dim3A_1083 = vector.shape_cast %select_n3A_1082 : vector<16xi32> to vector<16x1xi32>
      %gather3A_1084 = vector.shape_cast %broadcast_in_dim3A_1083 : vector<16x1xi32> to vector<16xi32>
      %gather3A_1085 = tpu.dynamic_gather %get3A_45[%gather3A_1084] in [0] : vector<16xf32>, vector<16xi32> -> vector<16xf32>
      %broadcast_in_dim3A_1086 = arith.constant 6 : i32
      %broadcast_in_dim3A_1087 = vector.broadcast %broadcast_in_dim3A_1086 : i32 to vector<16xi32>
      %lt3A_1088 = arith.constant 0 : i32
      %lt3A_1089 = vector.broadcast %lt3A_1088 : i32 to vector<16xi32>
      %lt3A_1090 = arith.cmpi slt, %broadcast_in_dim3A_1087, %lt3A_1089 : vector<16xi32>
      %add3A_1091 = arith.constant 16 : i32
      %add3A_1092 = vector.broadcast %add3A_1091 : i32 to vector<16xi32>
      %add3A_1093 = arith.addi %broadcast_in_dim3A_1087, %add3A_1092 : vector<16xi32>
      %select_n3A_1094 = arith.select %lt3A_1090, %add3A_1093, %broadcast_in_dim3A_1087 : vector<16xi1>, vector<16xi32>
      %broadcast_in_dim3A_1095 = vector.shape_cast %select_n3A_1094 : vector<16xi32> to vector<16x1xi32>
      %gather3A_1096 = vector.shape_cast %broadcast_in_dim3A_1095 : vector<16x1xi32> to vector<16xi32>
      %gather3A_1097 = tpu.dynamic_gather %get3A_50[%gather3A_1096] in [0] : vector<16xf32>, vector<16xi32> -> vector<16xf32>
      %broadcast_in_dim3A_1098 = arith.constant 6 : i32
      %broadcast_in_dim3A_1099 = vector.broadcast %broadcast_in_dim3A_1098 : i32 to vector<16xi32>
      %lt3A_1100 = arith.constant 0 : i32
      %lt3A_1101 = vector.broadcast %lt3A_1100 : i32 to vector<16xi32>
      %lt3A_1102 = arith.cmpi slt, %broadcast_in_dim3A_1099, %lt3A_1101 : vector<16xi32>
      %add3A_1103 = arith.constant 16 : i32
      %add3A_1104 = vector.broadcast %add3A_1103 : i32 to vector<16xi32>
      %add3A_1105 = arith.addi %broadcast_in_dim3A_1099, %add3A_1104 : vector<16xi32>
      %select_n3A_1106 = arith.select %lt3A_1102, %add3A_1105, %broadcast_in_dim3A_1099 : vector<16xi1>, vector<16xi32>
      %broadcast_in_dim3A_1107 = vector.shape_cast %select_n3A_1106 : vector<16xi32> to vector<16x1xi32>
      %gather3A_1108 = vector.shape_cast %broadcast_in_dim3A_1107 : vector<16x1xi32> to vector<16xi32>
      %gather3A_1109 = tpu.dynamic_gather %get3A_55[%gather3A_1108] in [0] : vector<16xf32>, vector<16xi32> -> vector<16xf32>
      %broadcast_in_dim3A_1110 = arith.constant 6 : i32
      %broadcast_in_dim3A_1111 = vector.broadcast %broadcast_in_dim3A_1110 : i32 to vector<16xi32>
      %lt3A_1112 = arith.constant 0 : i32
      %lt3A_1113 = vector.broadcast %lt3A_1112 : i32 to vector<16xi32>
      %lt3A_1114 = arith.cmpi slt, %broadcast_in_dim3A_1111, %lt3A_1113 : vector<16xi32>
      %add3A_1115 = arith.constant 16 : i32
      %add3A_1116 = vector.broadcast %add3A_1115 : i32 to vector<16xi32>
      %add3A_1117 = arith.addi %broadcast_in_dim3A_1111, %add3A_1116 : vector<16xi32>
      %select_n3A_1118 = arith.select %lt3A_1114, %add3A_1117, %broadcast_in_dim3A_1111 : vector<16xi1>, vector<16xi32>
      %broadcast_in_dim3A_1119 = vector.shape_cast %select_n3A_1118 : vector<16xi32> to vector<16x1xi32>
      %gather3A_1120 = vector.shape_cast %broadcast_in_dim3A_1119 : vector<16x1xi32> to vector<16xi32>
      %gather3A_1121 = tpu.dynamic_gather %mul3A_58[%gather3A_1120] in [0] : vector<16xf32>, vector<16xi32> -> vector<16xf32>
      %max3A_1122 = arith.maximumf %get3A_79, %gather3A_1073 : vector<16xf32>
      %max3A_1123 = arith.maximumf %get3A_84, %gather3A_1085 : vector<16xf32>
      %min3A_1124 = arith.minimumf %get3A_89, %gather3A_1097 : vector<16xf32>
      %min3A_1125 = arith.minimumf %get3A_94, %gather3A_1109 : vector<16xf32>
      %sub3A_1126 = arith.subf %min3A_1124, %max3A_1122 : vector<16xf32>
      %max3A_1127 = arith.constant 0.000000e+00 : f32
      %max3A_1128 = vector.broadcast %max3A_1127 : f32 to vector<16xf32>
      %max3A_1129 = arith.maximumf %sub3A_1126, %max3A_1128 : vector<16xf32>
      %sub3A_1130 = arith.subf %min3A_1125, %max3A_1123 : vector<16xf32>
      %max3A_1131 = arith.constant 0.000000e+00 : f32
      %max3A_1132 = vector.broadcast %max3A_1131 : f32 to vector<16xf32>
      %max3A_1133 = arith.maximumf %sub3A_1130, %max3A_1132 : vector<16xf32>
      %mul3A_1134 = arith.mulf %max3A_1129, %max3A_1133 : vector<16xf32>
      %add3A_1135 = arith.addf %add3A_100, %gather3A_1121 : vector<16xf32>
      %sub3A_1136 = arith.subf %add3A_1135, %mul3A_1134 : vector<16xf32>
      %div3A_1137 = arith.divf %mul3A_1134, %sub3A_1136 : vector<16xf32>
      %gt3A_1138 = arith.cmpf ogt, %div3A_1137, %select_n3A_995 : vector<16xf32>
      %select_n3A_1139 = arith.select %gt3A_1138, %div3A_1137, %select_n3A_995 : vector<16xi1>, vector<16xf32>
      %jit3A_1140 = arith.constant 6.000000e+00 : f32
      %broadcast_in_dim3A_1141 = vector.broadcast %jit3A_1140 : f32 to vector<16xf32>
      %select_n3A_1142 = arith.select %gt3A_1138, %broadcast_in_dim3A_1141, %select_n3A_998 : vector<16xi1>, vector<16xf32>
      %max3A_1143 = arith.maximumf %get3A_108, %gather3A_1073 : vector<16xf32>
      %max3A_1144 = arith.maximumf %get3A_113, %gather3A_1085 : vector<16xf32>
      %min3A_1145 = arith.minimumf %get3A_118, %gather3A_1097 : vector<16xf32>
      %min3A_1146 = arith.minimumf %get3A_123, %gather3A_1109 : vector<16xf32>
      %sub3A_1147 = arith.subf %min3A_1145, %max3A_1143 : vector<16xf32>
      %max3A_1148 = arith.constant 0.000000e+00 : f32
      %max3A_1149 = vector.broadcast %max3A_1148 : f32 to vector<16xf32>
      %max3A_1150 = arith.maximumf %sub3A_1147, %max3A_1149 : vector<16xf32>
      %sub3A_1151 = arith.subf %min3A_1146, %max3A_1144 : vector<16xf32>
      %max3A_1152 = arith.constant 0.000000e+00 : f32
      %max3A_1153 = vector.broadcast %max3A_1152 : f32 to vector<16xf32>
      %max3A_1154 = arith.maximumf %sub3A_1151, %max3A_1153 : vector<16xf32>
      %mul3A_1155 = arith.mulf %max3A_1150, %max3A_1154 : vector<16xf32>
      %add3A_1156 = arith.addf %add3A_129, %gather3A_1121 : vector<16xf32>
      %sub3A_1157 = arith.subf %add3A_1156, %mul3A_1155 : vector<16xf32>
      %div3A_1158 = arith.divf %mul3A_1155, %sub3A_1157 : vector<16xf32>
      %gt3A_1159 = arith.cmpf ogt, %div3A_1158, %select_n3A_1016 : vector<16xf32>
      %select_n3A_1160 = arith.select %gt3A_1159, %div3A_1158, %select_n3A_1016 : vector<16xi1>, vector<16xf32>
      %jit3A_1161 = arith.constant 6.000000e+00 : f32
      %broadcast_in_dim3A_1162 = vector.broadcast %jit3A_1161 : f32 to vector<16xf32>
      %select_n3A_1163 = arith.select %gt3A_1159, %broadcast_in_dim3A_1162, %select_n3A_1019 : vector<16xi1>, vector<16xf32>
      %max3A_1164 = arith.maximumf %get3A_137, %gather3A_1073 : vector<16xf32>
      %max3A_1165 = arith.maximumf %get3A_142, %gather3A_1085 : vector<16xf32>
      %min3A_1166 = arith.minimumf %get3A_147, %gather3A_1097 : vector<16xf32>
      %min3A_1167 = arith.minimumf %get3A_152, %gather3A_1109 : vector<16xf32>
      %sub3A_1168 = arith.subf %min3A_1166, %max3A_1164 : vector<16xf32>
      %max3A_1169 = arith.constant 0.000000e+00 : f32
      %max3A_1170 = vector.broadcast %max3A_1169 : f32 to vector<16xf32>
      %max3A_1171 = arith.maximumf %sub3A_1168, %max3A_1170 : vector<16xf32>
      %sub3A_1172 = arith.subf %min3A_1167, %max3A_1165 : vector<16xf32>
      %max3A_1173 = arith.constant 0.000000e+00 : f32
      %max3A_1174 = vector.broadcast %max3A_1173 : f32 to vector<16xf32>
      %max3A_1175 = arith.maximumf %sub3A_1172, %max3A_1174 : vector<16xf32>
      %mul3A_1176 = arith.mulf %max3A_1171, %max3A_1175 : vector<16xf32>
      %add3A_1177 = arith.addf %add3A_158, %gather3A_1121 : vector<16xf32>
      %sub3A_1178 = arith.subf %add3A_1177, %mul3A_1176 : vector<16xf32>
      %div3A_1179 = arith.divf %mul3A_1176, %sub3A_1178 : vector<16xf32>
      %gt3A_1180 = arith.cmpf ogt, %div3A_1179, %select_n3A_1037 : vector<16xf32>
      %select_n3A_1181 = arith.select %gt3A_1180, %div3A_1179, %select_n3A_1037 : vector<16xi1>, vector<16xf32>
      %jit3A_1182 = arith.constant 6.000000e+00 : f32
      %broadcast_in_dim3A_1183 = vector.broadcast %jit3A_1182 : f32 to vector<16xf32>
      %select_n3A_1184 = arith.select %gt3A_1180, %broadcast_in_dim3A_1183, %select_n3A_1040 : vector<16xi1>, vector<16xf32>
      %max3A_1185 = arith.maximumf %get3A_166, %gather3A_1073 : vector<16xf32>
      %max3A_1186 = arith.maximumf %get3A_171, %gather3A_1085 : vector<16xf32>
      %min3A_1187 = arith.minimumf %get3A_176, %gather3A_1097 : vector<16xf32>
      %min3A_1188 = arith.minimumf %get3A_181, %gather3A_1109 : vector<16xf32>
      %sub3A_1189 = arith.subf %min3A_1187, %max3A_1185 : vector<16xf32>
      %max3A_1190 = arith.constant 0.000000e+00 : f32
      %max3A_1191 = vector.broadcast %max3A_1190 : f32 to vector<16xf32>
      %max3A_1192 = arith.maximumf %sub3A_1189, %max3A_1191 : vector<16xf32>
      %sub3A_1193 = arith.subf %min3A_1188, %max3A_1186 : vector<16xf32>
      %max3A_1194 = arith.constant 0.000000e+00 : f32
      %max3A_1195 = vector.broadcast %max3A_1194 : f32 to vector<16xf32>
      %max3A_1196 = arith.maximumf %sub3A_1193, %max3A_1195 : vector<16xf32>
      %mul3A_1197 = arith.mulf %max3A_1192, %max3A_1196 : vector<16xf32>
      %add3A_1198 = arith.addf %add3A_187, %gather3A_1121 : vector<16xf32>
      %sub3A_1199 = arith.subf %add3A_1198, %mul3A_1197 : vector<16xf32>
      %div3A_1200 = arith.divf %mul3A_1197, %sub3A_1199 : vector<16xf32>
      %gt3A_1201 = arith.cmpf ogt, %div3A_1200, %select_n3A_1058 : vector<16xf32>
      %select_n3A_1202 = arith.select %gt3A_1201, %div3A_1200, %select_n3A_1058 : vector<16xi1>, vector<16xf32>
      %jit3A_1203 = arith.constant 6.000000e+00 : f32
      %broadcast_in_dim3A_1204 = vector.broadcast %jit3A_1203 : f32 to vector<16xf32>
      %select_n3A_1205 = arith.select %gt3A_1201, %broadcast_in_dim3A_1204, %select_n3A_1061 : vector<16xi1>, vector<16xf32>
      %broadcast_in_dim3A_1206 = arith.constant 7 : i32
      %broadcast_in_dim3A_1207 = vector.broadcast %broadcast_in_dim3A_1206 : i32 to vector<16xi32>
      %lt3A_1208 = arith.constant 0 : i32
      %lt3A_1209 = vector.broadcast %lt3A_1208 : i32 to vector<16xi32>
      %lt3A_1210 = arith.cmpi slt, %broadcast_in_dim3A_1207, %lt3A_1209 : vector<16xi32>
      %add3A_1211 = arith.constant 16 : i32
      %add3A_1212 = vector.broadcast %add3A_1211 : i32 to vector<16xi32>
      %add3A_1213 = arith.addi %broadcast_in_dim3A_1207, %add3A_1212 : vector<16xi32>
      %select_n3A_1214 = arith.select %lt3A_1210, %add3A_1213, %broadcast_in_dim3A_1207 : vector<16xi1>, vector<16xi32>
      %broadcast_in_dim3A_1215 = vector.shape_cast %select_n3A_1214 : vector<16xi32> to vector<16x1xi32>
      %gather3A_1216 = vector.shape_cast %broadcast_in_dim3A_1215 : vector<16x1xi32> to vector<16xi32>
      %gather3A_1217 = tpu.dynamic_gather %get3A_40[%gather3A_1216] in [0] : vector<16xf32>, vector<16xi32> -> vector<16xf32>
      %broadcast_in_dim3A_1218 = arith.constant 7 : i32
      %broadcast_in_dim3A_1219 = vector.broadcast %broadcast_in_dim3A_1218 : i32 to vector<16xi32>
      %lt3A_1220 = arith.constant 0 : i32
      %lt3A_1221 = vector.broadcast %lt3A_1220 : i32 to vector<16xi32>
      %lt3A_1222 = arith.cmpi slt, %broadcast_in_dim3A_1219, %lt3A_1221 : vector<16xi32>
      %add3A_1223 = arith.constant 16 : i32
      %add3A_1224 = vector.broadcast %add3A_1223 : i32 to vector<16xi32>
      %add3A_1225 = arith.addi %broadcast_in_dim3A_1219, %add3A_1224 : vector<16xi32>
      %select_n3A_1226 = arith.select %lt3A_1222, %add3A_1225, %broadcast_in_dim3A_1219 : vector<16xi1>, vector<16xi32>
      %broadcast_in_dim3A_1227 = vector.shape_cast %select_n3A_1226 : vector<16xi32> to vector<16x1xi32>
      %gather3A_1228 = vector.shape_cast %broadcast_in_dim3A_1227 : vector<16x1xi32> to vector<16xi32>
      %gather3A_1229 = tpu.dynamic_gather %get3A_45[%gather3A_1228] in [0] : vector<16xf32>, vector<16xi32> -> vector<16xf32>
      %broadcast_in_dim3A_1230 = arith.constant 7 : i32
      %broadcast_in_dim3A_1231 = vector.broadcast %broadcast_in_dim3A_1230 : i32 to vector<16xi32>
      %lt3A_1232 = arith.constant 0 : i32
      %lt3A_1233 = vector.broadcast %lt3A_1232 : i32 to vector<16xi32>
      %lt3A_1234 = arith.cmpi slt, %broadcast_in_dim3A_1231, %lt3A_1233 : vector<16xi32>
      %add3A_1235 = arith.constant 16 : i32
      %add3A_1236 = vector.broadcast %add3A_1235 : i32 to vector<16xi32>
      %add3A_1237 = arith.addi %broadcast_in_dim3A_1231, %add3A_1236 : vector<16xi32>
      %select_n3A_1238 = arith.select %lt3A_1234, %add3A_1237, %broadcast_in_dim3A_1231 : vector<16xi1>, vector<16xi32>
      %broadcast_in_dim3A_1239 = vector.shape_cast %select_n3A_1238 : vector<16xi32> to vector<16x1xi32>
      %gather3A_1240 = vector.shape_cast %broadcast_in_dim3A_1239 : vector<16x1xi32> to vector<16xi32>
      %gather3A_1241 = tpu.dynamic_gather %get3A_50[%gather3A_1240] in [0] : vector<16xf32>, vector<16xi32> -> vector<16xf32>
      %broadcast_in_dim3A_1242 = arith.constant 7 : i32
      %broadcast_in_dim3A_1243 = vector.broadcast %broadcast_in_dim3A_1242 : i32 to vector<16xi32>
      %lt3A_1244 = arith.constant 0 : i32
      %lt3A_1245 = vector.broadcast %lt3A_1244 : i32 to vector<16xi32>
      %lt3A_1246 = arith.cmpi slt, %broadcast_in_dim3A_1243, %lt3A_1245 : vector<16xi32>
      %add3A_1247 = arith.constant 16 : i32
      %add3A_1248 = vector.broadcast %add3A_1247 : i32 to vector<16xi32>
      %add3A_1249 = arith.addi %broadcast_in_dim3A_1243, %add3A_1248 : vector<16xi32>
      %select_n3A_1250 = arith.select %lt3A_1246, %add3A_1249, %broadcast_in_dim3A_1243 : vector<16xi1>, vector<16xi32>
      %broadcast_in_dim3A_1251 = vector.shape_cast %select_n3A_1250 : vector<16xi32> to vector<16x1xi32>
      %gather3A_1252 = vector.shape_cast %broadcast_in_dim3A_1251 : vector<16x1xi32> to vector<16xi32>
      %gather3A_1253 = tpu.dynamic_gather %get3A_55[%gather3A_1252] in [0] : vector<16xf32>, vector<16xi32> -> vector<16xf32>
      %broadcast_in_dim3A_1254 = arith.constant 7 : i32
      %broadcast_in_dim3A_1255 = vector.broadcast %broadcast_in_dim3A_1254 : i32 to vector<16xi32>
      %lt3A_1256 = arith.constant 0 : i32
      %lt3A_1257 = vector.broadcast %lt3A_1256 : i32 to vector<16xi32>
      %lt3A_1258 = arith.cmpi slt, %broadcast_in_dim3A_1255, %lt3A_1257 : vector<16xi32>
      %add3A_1259 = arith.constant 16 : i32
      %add3A_1260 = vector.broadcast %add3A_1259 : i32 to vector<16xi32>
      %add3A_1261 = arith.addi %broadcast_in_dim3A_1255, %add3A_1260 : vector<16xi32>
      %select_n3A_1262 = arith.select %lt3A_1258, %add3A_1261, %broadcast_in_dim3A_1255 : vector<16xi1>, vector<16xi32>
      %broadcast_in_dim3A_1263 = vector.shape_cast %select_n3A_1262 : vector<16xi32> to vector<16x1xi32>
      %gather3A_1264 = vector.shape_cast %broadcast_in_dim3A_1263 : vector<16x1xi32> to vector<16xi32>
      %gather3A_1265 = tpu.dynamic_gather %mul3A_58[%gather3A_1264] in [0] : vector<16xf32>, vector<16xi32> -> vector<16xf32>
      %max3A_1266 = arith.maximumf %get3A_79, %gather3A_1217 : vector<16xf32>
      %max3A_1267 = arith.maximumf %get3A_84, %gather3A_1229 : vector<16xf32>
      %min3A_1268 = arith.minimumf %get3A_89, %gather3A_1241 : vector<16xf32>
      %min3A_1269 = arith.minimumf %get3A_94, %gather3A_1253 : vector<16xf32>
      %sub3A_1270 = arith.subf %min3A_1268, %max3A_1266 : vector<16xf32>
      %max3A_1271 = arith.constant 0.000000e+00 : f32
      %max3A_1272 = vector.broadcast %max3A_1271 : f32 to vector<16xf32>
      %max3A_1273 = arith.maximumf %sub3A_1270, %max3A_1272 : vector<16xf32>
      %sub3A_1274 = arith.subf %min3A_1269, %max3A_1267 : vector<16xf32>
      %max3A_1275 = arith.constant 0.000000e+00 : f32
      %max3A_1276 = vector.broadcast %max3A_1275 : f32 to vector<16xf32>
      %max3A_1277 = arith.maximumf %sub3A_1274, %max3A_1276 : vector<16xf32>
      %mul3A_1278 = arith.mulf %max3A_1273, %max3A_1277 : vector<16xf32>
      %add3A_1279 = arith.addf %add3A_100, %gather3A_1265 : vector<16xf32>
      %sub3A_1280 = arith.subf %add3A_1279, %mul3A_1278 : vector<16xf32>
      %div3A_1281 = arith.divf %mul3A_1278, %sub3A_1280 : vector<16xf32>
      %gt3A_1282 = arith.cmpf ogt, %div3A_1281, %select_n3A_1139 : vector<16xf32>
      %select_n3A_1283 = arith.select %gt3A_1282, %div3A_1281, %select_n3A_1139 : vector<16xi1>, vector<16xf32>
      %jit3A_1284 = arith.constant 7.000000e+00 : f32
      %broadcast_in_dim3A_1285 = vector.broadcast %jit3A_1284 : f32 to vector<16xf32>
      %select_n3A_1286 = arith.select %gt3A_1282, %broadcast_in_dim3A_1285, %select_n3A_1142 : vector<16xi1>, vector<16xf32>
      %max3A_1287 = arith.maximumf %get3A_108, %gather3A_1217 : vector<16xf32>
      %max3A_1288 = arith.maximumf %get3A_113, %gather3A_1229 : vector<16xf32>
      %min3A_1289 = arith.minimumf %get3A_118, %gather3A_1241 : vector<16xf32>
      %min3A_1290 = arith.minimumf %get3A_123, %gather3A_1253 : vector<16xf32>
      %sub3A_1291 = arith.subf %min3A_1289, %max3A_1287 : vector<16xf32>
      %max3A_1292 = arith.constant 0.000000e+00 : f32
      %max3A_1293 = vector.broadcast %max3A_1292 : f32 to vector<16xf32>
      %max3A_1294 = arith.maximumf %sub3A_1291, %max3A_1293 : vector<16xf32>
      %sub3A_1295 = arith.subf %min3A_1290, %max3A_1288 : vector<16xf32>
      %max3A_1296 = arith.constant 0.000000e+00 : f32
      %max3A_1297 = vector.broadcast %max3A_1296 : f32 to vector<16xf32>
      %max3A_1298 = arith.maximumf %sub3A_1295, %max3A_1297 : vector<16xf32>
      %mul3A_1299 = arith.mulf %max3A_1294, %max3A_1298 : vector<16xf32>
      %add3A_1300 = arith.addf %add3A_129, %gather3A_1265 : vector<16xf32>
      %sub3A_1301 = arith.subf %add3A_1300, %mul3A_1299 : vector<16xf32>
      %div3A_1302 = arith.divf %mul3A_1299, %sub3A_1301 : vector<16xf32>
      %gt3A_1303 = arith.cmpf ogt, %div3A_1302, %select_n3A_1160 : vector<16xf32>
      %select_n3A_1304 = arith.select %gt3A_1303, %div3A_1302, %select_n3A_1160 : vector<16xi1>, vector<16xf32>
      %jit3A_1305 = arith.constant 7.000000e+00 : f32
      %broadcast_in_dim3A_1306 = vector.broadcast %jit3A_1305 : f32 to vector<16xf32>
      %select_n3A_1307 = arith.select %gt3A_1303, %broadcast_in_dim3A_1306, %select_n3A_1163 : vector<16xi1>, vector<16xf32>
      %max3A_1308 = arith.maximumf %get3A_137, %gather3A_1217 : vector<16xf32>
      %max3A_1309 = arith.maximumf %get3A_142, %gather3A_1229 : vector<16xf32>
      %min3A_1310 = arith.minimumf %get3A_147, %gather3A_1241 : vector<16xf32>
      %min3A_1311 = arith.minimumf %get3A_152, %gather3A_1253 : vector<16xf32>
      %sub3A_1312 = arith.subf %min3A_1310, %max3A_1308 : vector<16xf32>
      %max3A_1313 = arith.constant 0.000000e+00 : f32
      %max3A_1314 = vector.broadcast %max3A_1313 : f32 to vector<16xf32>
      %max3A_1315 = arith.maximumf %sub3A_1312, %max3A_1314 : vector<16xf32>
      %sub3A_1316 = arith.subf %min3A_1311, %max3A_1309 : vector<16xf32>
      %max3A_1317 = arith.constant 0.000000e+00 : f32
      %max3A_1318 = vector.broadcast %max3A_1317 : f32 to vector<16xf32>
      %max3A_1319 = arith.maximumf %sub3A_1316, %max3A_1318 : vector<16xf32>
      %mul3A_1320 = arith.mulf %max3A_1315, %max3A_1319 : vector<16xf32>
      %add3A_1321 = arith.addf %add3A_158, %gather3A_1265 : vector<16xf32>
      %sub3A_1322 = arith.subf %add3A_1321, %mul3A_1320 : vector<16xf32>
      %div3A_1323 = arith.divf %mul3A_1320, %sub3A_1322 : vector<16xf32>
      %gt3A_1324 = arith.cmpf ogt, %div3A_1323, %select_n3A_1181 : vector<16xf32>
      %select_n3A_1325 = arith.select %gt3A_1324, %div3A_1323, %select_n3A_1181 : vector<16xi1>, vector<16xf32>
      %jit3A_1326 = arith.constant 7.000000e+00 : f32
      %broadcast_in_dim3A_1327 = vector.broadcast %jit3A_1326 : f32 to vector<16xf32>
      %select_n3A_1328 = arith.select %gt3A_1324, %broadcast_in_dim3A_1327, %select_n3A_1184 : vector<16xi1>, vector<16xf32>
      %max3A_1329 = arith.maximumf %get3A_166, %gather3A_1217 : vector<16xf32>
      %max3A_1330 = arith.maximumf %get3A_171, %gather3A_1229 : vector<16xf32>
      %min3A_1331 = arith.minimumf %get3A_176, %gather3A_1241 : vector<16xf32>
      %min3A_1332 = arith.minimumf %get3A_181, %gather3A_1253 : vector<16xf32>
      %sub3A_1333 = arith.subf %min3A_1331, %max3A_1329 : vector<16xf32>
      %max3A_1334 = arith.constant 0.000000e+00 : f32
      %max3A_1335 = vector.broadcast %max3A_1334 : f32 to vector<16xf32>
      %max3A_1336 = arith.maximumf %sub3A_1333, %max3A_1335 : vector<16xf32>
      %sub3A_1337 = arith.subf %min3A_1332, %max3A_1330 : vector<16xf32>
      %max3A_1338 = arith.constant 0.000000e+00 : f32
      %max3A_1339 = vector.broadcast %max3A_1338 : f32 to vector<16xf32>
      %max3A_1340 = arith.maximumf %sub3A_1337, %max3A_1339 : vector<16xf32>
      %mul3A_1341 = arith.mulf %max3A_1336, %max3A_1340 : vector<16xf32>
      %add3A_1342 = arith.addf %add3A_187, %gather3A_1265 : vector<16xf32>
      %sub3A_1343 = arith.subf %add3A_1342, %mul3A_1341 : vector<16xf32>
      %div3A_1344 = arith.divf %mul3A_1341, %sub3A_1343 : vector<16xf32>
      %gt3A_1345 = arith.cmpf ogt, %div3A_1344, %select_n3A_1202 : vector<16xf32>
      %select_n3A_1346 = arith.select %gt3A_1345, %div3A_1344, %select_n3A_1202 : vector<16xi1>, vector<16xf32>
      %jit3A_1347 = arith.constant 7.000000e+00 : f32
      %broadcast_in_dim3A_1348 = vector.broadcast %jit3A_1347 : f32 to vector<16xf32>
      %select_n3A_1349 = arith.select %gt3A_1345, %broadcast_in_dim3A_1348, %select_n3A_1205 : vector<16xi1>, vector<16xf32>
      %broadcast_in_dim3A_1350 = arith.constant 8 : i32
      %broadcast_in_dim3A_1351 = vector.broadcast %broadcast_in_dim3A_1350 : i32 to vector<16xi32>
      %lt3A_1352 = arith.constant 0 : i32
      %lt3A_1353 = vector.broadcast %lt3A_1352 : i32 to vector<16xi32>
      %lt3A_1354 = arith.cmpi slt, %broadcast_in_dim3A_1351, %lt3A_1353 : vector<16xi32>
      %add3A_1355 = arith.constant 16 : i32
      %add3A_1356 = vector.broadcast %add3A_1355 : i32 to vector<16xi32>
      %add3A_1357 = arith.addi %broadcast_in_dim3A_1351, %add3A_1356 : vector<16xi32>
      %select_n3A_1358 = arith.select %lt3A_1354, %add3A_1357, %broadcast_in_dim3A_1351 : vector<16xi1>, vector<16xi32>
      %broadcast_in_dim3A_1359 = vector.shape_cast %select_n3A_1358 : vector<16xi32> to vector<16x1xi32>
      %gather3A_1360 = vector.shape_cast %broadcast_in_dim3A_1359 : vector<16x1xi32> to vector<16xi32>
      %gather3A_1361 = tpu.dynamic_gather %get3A_40[%gather3A_1360] in [0] : vector<16xf32>, vector<16xi32> -> vector<16xf32>
      %broadcast_in_dim3A_1362 = arith.constant 8 : i32
      %broadcast_in_dim3A_1363 = vector.broadcast %broadcast_in_dim3A_1362 : i32 to vector<16xi32>
      %lt3A_1364 = arith.constant 0 : i32
      %lt3A_1365 = vector.broadcast %lt3A_1364 : i32 to vector<16xi32>
      %lt3A_1366 = arith.cmpi slt, %broadcast_in_dim3A_1363, %lt3A_1365 : vector<16xi32>
      %add3A_1367 = arith.constant 16 : i32
      %add3A_1368 = vector.broadcast %add3A_1367 : i32 to vector<16xi32>
      %add3A_1369 = arith.addi %broadcast_in_dim3A_1363, %add3A_1368 : vector<16xi32>
      %select_n3A_1370 = arith.select %lt3A_1366, %add3A_1369, %broadcast_in_dim3A_1363 : vector<16xi1>, vector<16xi32>
      %broadcast_in_dim3A_1371 = vector.shape_cast %select_n3A_1370 : vector<16xi32> to vector<16x1xi32>
      %gather3A_1372 = vector.shape_cast %broadcast_in_dim3A_1371 : vector<16x1xi32> to vector<16xi32>
      %gather3A_1373 = tpu.dynamic_gather %get3A_45[%gather3A_1372] in [0] : vector<16xf32>, vector<16xi32> -> vector<16xf32>
      %broadcast_in_dim3A_1374 = arith.constant 8 : i32
      %broadcast_in_dim3A_1375 = vector.broadcast %broadcast_in_dim3A_1374 : i32 to vector<16xi32>
      %lt3A_1376 = arith.constant 0 : i32
      %lt3A_1377 = vector.broadcast %lt3A_1376 : i32 to vector<16xi32>
      %lt3A_1378 = arith.cmpi slt, %broadcast_in_dim3A_1375, %lt3A_1377 : vector<16xi32>
      %add3A_1379 = arith.constant 16 : i32
      %add3A_1380 = vector.broadcast %add3A_1379 : i32 to vector<16xi32>
      %add3A_1381 = arith.addi %broadcast_in_dim3A_1375, %add3A_1380 : vector<16xi32>
      %select_n3A_1382 = arith.select %lt3A_1378, %add3A_1381, %broadcast_in_dim3A_1375 : vector<16xi1>, vector<16xi32>
      %broadcast_in_dim3A_1383 = vector.shape_cast %select_n3A_1382 : vector<16xi32> to vector<16x1xi32>
      %gather3A_1384 = vector.shape_cast %broadcast_in_dim3A_1383 : vector<16x1xi32> to vector<16xi32>
      %gather3A_1385 = tpu.dynamic_gather %get3A_50[%gather3A_1384] in [0] : vector<16xf32>, vector<16xi32> -> vector<16xf32>
      %broadcast_in_dim3A_1386 = arith.constant 8 : i32
      %broadcast_in_dim3A_1387 = vector.broadcast %broadcast_in_dim3A_1386 : i32 to vector<16xi32>
      %lt3A_1388 = arith.constant 0 : i32
      %lt3A_1389 = vector.broadcast %lt3A_1388 : i32 to vector<16xi32>
      %lt3A_1390 = arith.cmpi slt, %broadcast_in_dim3A_1387, %lt3A_1389 : vector<16xi32>
      %add3A_1391 = arith.constant 16 : i32
      %add3A_1392 = vector.broadcast %add3A_1391 : i32 to vector<16xi32>
      %add3A_1393 = arith.addi %broadcast_in_dim3A_1387, %add3A_1392 : vector<16xi32>
      %select_n3A_1394 = arith.select %lt3A_1390, %add3A_1393, %broadcast_in_dim3A_1387 : vector<16xi1>, vector<16xi32>
      %broadcast_in_dim3A_1395 = vector.shape_cast %select_n3A_1394 : vector<16xi32> to vector<16x1xi32>
      %gather3A_1396 = vector.shape_cast %broadcast_in_dim3A_1395 : vector<16x1xi32> to vector<16xi32>
      %gather3A_1397 = tpu.dynamic_gather %get3A_55[%gather3A_1396] in [0] : vector<16xf32>, vector<16xi32> -> vector<16xf32>
      %broadcast_in_dim3A_1398 = arith.constant 8 : i32
      %broadcast_in_dim3A_1399 = vector.broadcast %broadcast_in_dim3A_1398 : i32 to vector<16xi32>
      %lt3A_1400 = arith.constant 0 : i32
      %lt3A_1401 = vector.broadcast %lt3A_1400 : i32 to vector<16xi32>
      %lt3A_1402 = arith.cmpi slt, %broadcast_in_dim3A_1399, %lt3A_1401 : vector<16xi32>
      %add3A_1403 = arith.constant 16 : i32
      %add3A_1404 = vector.broadcast %add3A_1403 : i32 to vector<16xi32>
      %add3A_1405 = arith.addi %broadcast_in_dim3A_1399, %add3A_1404 : vector<16xi32>
      %select_n3A_1406 = arith.select %lt3A_1402, %add3A_1405, %broadcast_in_dim3A_1399 : vector<16xi1>, vector<16xi32>
      %broadcast_in_dim3A_1407 = vector.shape_cast %select_n3A_1406 : vector<16xi32> to vector<16x1xi32>
      %gather3A_1408 = vector.shape_cast %broadcast_in_dim3A_1407 : vector<16x1xi32> to vector<16xi32>
      %gather3A_1409 = tpu.dynamic_gather %mul3A_58[%gather3A_1408] in [0] : vector<16xf32>, vector<16xi32> -> vector<16xf32>
      %max3A_1410 = arith.maximumf %get3A_79, %gather3A_1361 : vector<16xf32>
      %max3A_1411 = arith.maximumf %get3A_84, %gather3A_1373 : vector<16xf32>
      %min3A_1412 = arith.minimumf %get3A_89, %gather3A_1385 : vector<16xf32>
      %min3A_1413 = arith.minimumf %get3A_94, %gather3A_1397 : vector<16xf32>
      %sub3A_1414 = arith.subf %min3A_1412, %max3A_1410 : vector<16xf32>
      %max3A_1415 = arith.constant 0.000000e+00 : f32
      %max3A_1416 = vector.broadcast %max3A_1415 : f32 to vector<16xf32>
      %max3A_1417 = arith.maximumf %sub3A_1414, %max3A_1416 : vector<16xf32>
      %sub3A_1418 = arith.subf %min3A_1413, %max3A_1411 : vector<16xf32>
      %max3A_1419 = arith.constant 0.000000e+00 : f32
      %max3A_1420 = vector.broadcast %max3A_1419 : f32 to vector<16xf32>
      %max3A_1421 = arith.maximumf %sub3A_1418, %max3A_1420 : vector<16xf32>
      %mul3A_1422 = arith.mulf %max3A_1417, %max3A_1421 : vector<16xf32>
      %add3A_1423 = arith.addf %add3A_100, %gather3A_1409 : vector<16xf32>
      %sub3A_1424 = arith.subf %add3A_1423, %mul3A_1422 : vector<16xf32>
      %div3A_1425 = arith.divf %mul3A_1422, %sub3A_1424 : vector<16xf32>
      %gt3A_1426 = arith.cmpf ogt, %div3A_1425, %select_n3A_1283 : vector<16xf32>
      %select_n3A_1427 = arith.select %gt3A_1426, %div3A_1425, %select_n3A_1283 : vector<16xi1>, vector<16xf32>
      %jit3A_1428 = arith.constant 8.000000e+00 : f32
      %broadcast_in_dim3A_1429 = vector.broadcast %jit3A_1428 : f32 to vector<16xf32>
      %select_n3A_1430 = arith.select %gt3A_1426, %broadcast_in_dim3A_1429, %select_n3A_1286 : vector<16xi1>, vector<16xf32>
      %max3A_1431 = arith.maximumf %get3A_108, %gather3A_1361 : vector<16xf32>
      %max3A_1432 = arith.maximumf %get3A_113, %gather3A_1373 : vector<16xf32>
      %min3A_1433 = arith.minimumf %get3A_118, %gather3A_1385 : vector<16xf32>
      %min3A_1434 = arith.minimumf %get3A_123, %gather3A_1397 : vector<16xf32>
      %sub3A_1435 = arith.subf %min3A_1433, %max3A_1431 : vector<16xf32>
      %max3A_1436 = arith.constant 0.000000e+00 : f32
      %max3A_1437 = vector.broadcast %max3A_1436 : f32 to vector<16xf32>
      %max3A_1438 = arith.maximumf %sub3A_1435, %max3A_1437 : vector<16xf32>
      %sub3A_1439 = arith.subf %min3A_1434, %max3A_1432 : vector<16xf32>
      %max3A_1440 = arith.constant 0.000000e+00 : f32
      %max3A_1441 = vector.broadcast %max3A_1440 : f32 to vector<16xf32>
      %max3A_1442 = arith.maximumf %sub3A_1439, %max3A_1441 : vector<16xf32>
      %mul3A_1443 = arith.mulf %max3A_1438, %max3A_1442 : vector<16xf32>
      %add3A_1444 = arith.addf %add3A_129, %gather3A_1409 : vector<16xf32>
      %sub3A_1445 = arith.subf %add3A_1444, %mul3A_1443 : vector<16xf32>
      %div3A_1446 = arith.divf %mul3A_1443, %sub3A_1445 : vector<16xf32>
      %gt3A_1447 = arith.cmpf ogt, %div3A_1446, %select_n3A_1304 : vector<16xf32>
      %select_n3A_1448 = arith.select %gt3A_1447, %div3A_1446, %select_n3A_1304 : vector<16xi1>, vector<16xf32>
      %jit3A_1449 = arith.constant 8.000000e+00 : f32
      %broadcast_in_dim3A_1450 = vector.broadcast %jit3A_1449 : f32 to vector<16xf32>
      %select_n3A_1451 = arith.select %gt3A_1447, %broadcast_in_dim3A_1450, %select_n3A_1307 : vector<16xi1>, vector<16xf32>
      %max3A_1452 = arith.maximumf %get3A_137, %gather3A_1361 : vector<16xf32>
      %max3A_1453 = arith.maximumf %get3A_142, %gather3A_1373 : vector<16xf32>
      %min3A_1454 = arith.minimumf %get3A_147, %gather3A_1385 : vector<16xf32>
      %min3A_1455 = arith.minimumf %get3A_152, %gather3A_1397 : vector<16xf32>
      %sub3A_1456 = arith.subf %min3A_1454, %max3A_1452 : vector<16xf32>
      %max3A_1457 = arith.constant 0.000000e+00 : f32
      %max3A_1458 = vector.broadcast %max3A_1457 : f32 to vector<16xf32>
      %max3A_1459 = arith.maximumf %sub3A_1456, %max3A_1458 : vector<16xf32>
      %sub3A_1460 = arith.subf %min3A_1455, %max3A_1453 : vector<16xf32>
      %max3A_1461 = arith.constant 0.000000e+00 : f32
      %max3A_1462 = vector.broadcast %max3A_1461 : f32 to vector<16xf32>
      %max3A_1463 = arith.maximumf %sub3A_1460, %max3A_1462 : vector<16xf32>
      %mul3A_1464 = arith.mulf %max3A_1459, %max3A_1463 : vector<16xf32>
      %add3A_1465 = arith.addf %add3A_158, %gather3A_1409 : vector<16xf32>
      %sub3A_1466 = arith.subf %add3A_1465, %mul3A_1464 : vector<16xf32>
      %div3A_1467 = arith.divf %mul3A_1464, %sub3A_1466 : vector<16xf32>
      %gt3A_1468 = arith.cmpf ogt, %div3A_1467, %select_n3A_1325 : vector<16xf32>
      %select_n3A_1469 = arith.select %gt3A_1468, %div3A_1467, %select_n3A_1325 : vector<16xi1>, vector<16xf32>
      %jit3A_1470 = arith.constant 8.000000e+00 : f32
      %broadcast_in_dim3A_1471 = vector.broadcast %jit3A_1470 : f32 to vector<16xf32>
      %select_n3A_1472 = arith.select %gt3A_1468, %broadcast_in_dim3A_1471, %select_n3A_1328 : vector<16xi1>, vector<16xf32>
      %max3A_1473 = arith.maximumf %get3A_166, %gather3A_1361 : vector<16xf32>
      %max3A_1474 = arith.maximumf %get3A_171, %gather3A_1373 : vector<16xf32>
      %min3A_1475 = arith.minimumf %get3A_176, %gather3A_1385 : vector<16xf32>
      %min3A_1476 = arith.minimumf %get3A_181, %gather3A_1397 : vector<16xf32>
      %sub3A_1477 = arith.subf %min3A_1475, %max3A_1473 : vector<16xf32>
      %max3A_1478 = arith.constant 0.000000e+00 : f32
      %max3A_1479 = vector.broadcast %max3A_1478 : f32 to vector<16xf32>
      %max3A_1480 = arith.maximumf %sub3A_1477, %max3A_1479 : vector<16xf32>
      %sub3A_1481 = arith.subf %min3A_1476, %max3A_1474 : vector<16xf32>
      %max3A_1482 = arith.constant 0.000000e+00 : f32
      %max3A_1483 = vector.broadcast %max3A_1482 : f32 to vector<16xf32>
      %max3A_1484 = arith.maximumf %sub3A_1481, %max3A_1483 : vector<16xf32>
      %mul3A_1485 = arith.mulf %max3A_1480, %max3A_1484 : vector<16xf32>
      %add3A_1486 = arith.addf %add3A_187, %gather3A_1409 : vector<16xf32>
      %sub3A_1487 = arith.subf %add3A_1486, %mul3A_1485 : vector<16xf32>
      %div3A_1488 = arith.divf %mul3A_1485, %sub3A_1487 : vector<16xf32>
      %gt3A_1489 = arith.cmpf ogt, %div3A_1488, %select_n3A_1346 : vector<16xf32>
      %select_n3A_1490 = arith.select %gt3A_1489, %div3A_1488, %select_n3A_1346 : vector<16xi1>, vector<16xf32>
      %jit3A_1491 = arith.constant 8.000000e+00 : f32
      %broadcast_in_dim3A_1492 = vector.broadcast %jit3A_1491 : f32 to vector<16xf32>
      %select_n3A_1493 = arith.select %gt3A_1489, %broadcast_in_dim3A_1492, %select_n3A_1349 : vector<16xi1>, vector<16xf32>
      %broadcast_in_dim3A_1494 = arith.constant 9 : i32
      %broadcast_in_dim3A_1495 = vector.broadcast %broadcast_in_dim3A_1494 : i32 to vector<16xi32>
      %lt3A_1496 = arith.constant 0 : i32
      %lt3A_1497 = vector.broadcast %lt3A_1496 : i32 to vector<16xi32>
      %lt3A_1498 = arith.cmpi slt, %broadcast_in_dim3A_1495, %lt3A_1497 : vector<16xi32>
      %add3A_1499 = arith.constant 16 : i32
      %add3A_1500 = vector.broadcast %add3A_1499 : i32 to vector<16xi32>
      %add3A_1501 = arith.addi %broadcast_in_dim3A_1495, %add3A_1500 : vector<16xi32>
      %select_n3A_1502 = arith.select %lt3A_1498, %add3A_1501, %broadcast_in_dim3A_1495 : vector<16xi1>, vector<16xi32>
      %broadcast_in_dim3A_1503 = vector.shape_cast %select_n3A_1502 : vector<16xi32> to vector<16x1xi32>
      %gather3A_1504 = vector.shape_cast %broadcast_in_dim3A_1503 : vector<16x1xi32> to vector<16xi32>
      %gather3A_1505 = tpu.dynamic_gather %get3A_40[%gather3A_1504] in [0] : vector<16xf32>, vector<16xi32> -> vector<16xf32>
      %broadcast_in_dim3A_1506 = arith.constant 9 : i32
      %broadcast_in_dim3A_1507 = vector.broadcast %broadcast_in_dim3A_1506 : i32 to vector<16xi32>
      %lt3A_1508 = arith.constant 0 : i32
      %lt3A_1509 = vector.broadcast %lt3A_1508 : i32 to vector<16xi32>
      %lt3A_1510 = arith.cmpi slt, %broadcast_in_dim3A_1507, %lt3A_1509 : vector<16xi32>
      %add3A_1511 = arith.constant 16 : i32
      %add3A_1512 = vector.broadcast %add3A_1511 : i32 to vector<16xi32>
      %add3A_1513 = arith.addi %broadcast_in_dim3A_1507, %add3A_1512 : vector<16xi32>
      %select_n3A_1514 = arith.select %lt3A_1510, %add3A_1513, %broadcast_in_dim3A_1507 : vector<16xi1>, vector<16xi32>
      %broadcast_in_dim3A_1515 = vector.shape_cast %select_n3A_1514 : vector<16xi32> to vector<16x1xi32>
      %gather3A_1516 = vector.shape_cast %broadcast_in_dim3A_1515 : vector<16x1xi32> to vector<16xi32>
      %gather3A_1517 = tpu.dynamic_gather %get3A_45[%gather3A_1516] in [0] : vector<16xf32>, vector<16xi32> -> vector<16xf32>
      %broadcast_in_dim3A_1518 = arith.constant 9 : i32
      %broadcast_in_dim3A_1519 = vector.broadcast %broadcast_in_dim3A_1518 : i32 to vector<16xi32>
      %lt3A_1520 = arith.constant 0 : i32
      %lt3A_1521 = vector.broadcast %lt3A_1520 : i32 to vector<16xi32>
      %lt3A_1522 = arith.cmpi slt, %broadcast_in_dim3A_1519, %lt3A_1521 : vector<16xi32>
      %add3A_1523 = arith.constant 16 : i32
      %add3A_1524 = vector.broadcast %add3A_1523 : i32 to vector<16xi32>
      %add3A_1525 = arith.addi %broadcast_in_dim3A_1519, %add3A_1524 : vector<16xi32>
      %select_n3A_1526 = arith.select %lt3A_1522, %add3A_1525, %broadcast_in_dim3A_1519 : vector<16xi1>, vector<16xi32>
      %broadcast_in_dim3A_1527 = vector.shape_cast %select_n3A_1526 : vector<16xi32> to vector<16x1xi32>
      %gather3A_1528 = vector.shape_cast %broadcast_in_dim3A_1527 : vector<16x1xi32> to vector<16xi32>
      %gather3A_1529 = tpu.dynamic_gather %get3A_50[%gather3A_1528] in [0] : vector<16xf32>, vector<16xi32> -> vector<16xf32>
      %broadcast_in_dim3A_1530 = arith.constant 9 : i32
      %broadcast_in_dim3A_1531 = vector.broadcast %broadcast_in_dim3A_1530 : i32 to vector<16xi32>
      %lt3A_1532 = arith.constant 0 : i32
      %lt3A_1533 = vector.broadcast %lt3A_1532 : i32 to vector<16xi32>
      %lt3A_1534 = arith.cmpi slt, %broadcast_in_dim3A_1531, %lt3A_1533 : vector<16xi32>
      %add3A_1535 = arith.constant 16 : i32
      %add3A_1536 = vector.broadcast %add3A_1535 : i32 to vector<16xi32>
      %add3A_1537 = arith.addi %broadcast_in_dim3A_1531, %add3A_1536 : vector<16xi32>
      %select_n3A_1538 = arith.select %lt3A_1534, %add3A_1537, %broadcast_in_dim3A_1531 : vector<16xi1>, vector<16xi32>
      %broadcast_in_dim3A_1539 = vector.shape_cast %select_n3A_1538 : vector<16xi32> to vector<16x1xi32>
      %gather3A_1540 = vector.shape_cast %broadcast_in_dim3A_1539 : vector<16x1xi32> to vector<16xi32>
      %gather3A_1541 = tpu.dynamic_gather %get3A_55[%gather3A_1540] in [0] : vector<16xf32>, vector<16xi32> -> vector<16xf32>
      %broadcast_in_dim3A_1542 = arith.constant 9 : i32
      %broadcast_in_dim3A_1543 = vector.broadcast %broadcast_in_dim3A_1542 : i32 to vector<16xi32>
      %lt3A_1544 = arith.constant 0 : i32
      %lt3A_1545 = vector.broadcast %lt3A_1544 : i32 to vector<16xi32>
      %lt3A_1546 = arith.cmpi slt, %broadcast_in_dim3A_1543, %lt3A_1545 : vector<16xi32>
      %add3A_1547 = arith.constant 16 : i32
      %add3A_1548 = vector.broadcast %add3A_1547 : i32 to vector<16xi32>
      %add3A_1549 = arith.addi %broadcast_in_dim3A_1543, %add3A_1548 : vector<16xi32>
      %select_n3A_1550 = arith.select %lt3A_1546, %add3A_1549, %broadcast_in_dim3A_1543 : vector<16xi1>, vector<16xi32>
      %broadcast_in_dim3A_1551 = vector.shape_cast %select_n3A_1550 : vector<16xi32> to vector<16x1xi32>
      %gather3A_1552 = vector.shape_cast %broadcast_in_dim3A_1551 : vector<16x1xi32> to vector<16xi32>
      %gather3A_1553 = tpu.dynamic_gather %mul3A_58[%gather3A_1552] in [0] : vector<16xf32>, vector<16xi32> -> vector<16xf32>
      %max3A_1554 = arith.maximumf %get3A_79, %gather3A_1505 : vector<16xf32>
      %max3A_1555 = arith.maximumf %get3A_84, %gather3A_1517 : vector<16xf32>
      %min3A_1556 = arith.minimumf %get3A_89, %gather3A_1529 : vector<16xf32>
      %min3A_1557 = arith.minimumf %get3A_94, %gather3A_1541 : vector<16xf32>
      %sub3A_1558 = arith.subf %min3A_1556, %max3A_1554 : vector<16xf32>
      %max3A_1559 = arith.constant 0.000000e+00 : f32
      %max3A_1560 = vector.broadcast %max3A_1559 : f32 to vector<16xf32>
      %max3A_1561 = arith.maximumf %sub3A_1558, %max3A_1560 : vector<16xf32>
      %sub3A_1562 = arith.subf %min3A_1557, %max3A_1555 : vector<16xf32>
      %max3A_1563 = arith.constant 0.000000e+00 : f32
      %max3A_1564 = vector.broadcast %max3A_1563 : f32 to vector<16xf32>
      %max3A_1565 = arith.maximumf %sub3A_1562, %max3A_1564 : vector<16xf32>
      %mul3A_1566 = arith.mulf %max3A_1561, %max3A_1565 : vector<16xf32>
      %add3A_1567 = arith.addf %add3A_100, %gather3A_1553 : vector<16xf32>
      %sub3A_1568 = arith.subf %add3A_1567, %mul3A_1566 : vector<16xf32>
      %div3A_1569 = arith.divf %mul3A_1566, %sub3A_1568 : vector<16xf32>
      %gt3A_1570 = arith.cmpf ogt, %div3A_1569, %select_n3A_1427 : vector<16xf32>
      %select_n3A_1571 = arith.select %gt3A_1570, %div3A_1569, %select_n3A_1427 : vector<16xi1>, vector<16xf32>
      %jit3A_1572 = arith.constant 9.000000e+00 : f32
      %broadcast_in_dim3A_1573 = vector.broadcast %jit3A_1572 : f32 to vector<16xf32>
      %select_n3A_1574 = arith.select %gt3A_1570, %broadcast_in_dim3A_1573, %select_n3A_1430 : vector<16xi1>, vector<16xf32>
      %max3A_1575 = arith.maximumf %get3A_108, %gather3A_1505 : vector<16xf32>
      %max3A_1576 = arith.maximumf %get3A_113, %gather3A_1517 : vector<16xf32>
      %min3A_1577 = arith.minimumf %get3A_118, %gather3A_1529 : vector<16xf32>
      %min3A_1578 = arith.minimumf %get3A_123, %gather3A_1541 : vector<16xf32>
      %sub3A_1579 = arith.subf %min3A_1577, %max3A_1575 : vector<16xf32>
      %max3A_1580 = arith.constant 0.000000e+00 : f32
      %max3A_1581 = vector.broadcast %max3A_1580 : f32 to vector<16xf32>
      %max3A_1582 = arith.maximumf %sub3A_1579, %max3A_1581 : vector<16xf32>
      %sub3A_1583 = arith.subf %min3A_1578, %max3A_1576 : vector<16xf32>
      %max3A_1584 = arith.constant 0.000000e+00 : f32
      %max3A_1585 = vector.broadcast %max3A_1584 : f32 to vector<16xf32>
      %max3A_1586 = arith.maximumf %sub3A_1583, %max3A_1585 : vector<16xf32>
      %mul3A_1587 = arith.mulf %max3A_1582, %max3A_1586 : vector<16xf32>
      %add3A_1588 = arith.addf %add3A_129, %gather3A_1553 : vector<16xf32>
      %sub3A_1589 = arith.subf %add3A_1588, %mul3A_1587 : vector<16xf32>
      %div3A_1590 = arith.divf %mul3A_1587, %sub3A_1589 : vector<16xf32>
      %gt3A_1591 = arith.cmpf ogt, %div3A_1590, %select_n3A_1448 : vector<16xf32>
      %select_n3A_1592 = arith.select %gt3A_1591, %div3A_1590, %select_n3A_1448 : vector<16xi1>, vector<16xf32>
      %jit3A_1593 = arith.constant 9.000000e+00 : f32
      %broadcast_in_dim3A_1594 = vector.broadcast %jit3A_1593 : f32 to vector<16xf32>
      %select_n3A_1595 = arith.select %gt3A_1591, %broadcast_in_dim3A_1594, %select_n3A_1451 : vector<16xi1>, vector<16xf32>
      %max3A_1596 = arith.maximumf %get3A_137, %gather3A_1505 : vector<16xf32>
      %max3A_1597 = arith.maximumf %get3A_142, %gather3A_1517 : vector<16xf32>
      %min3A_1598 = arith.minimumf %get3A_147, %gather3A_1529 : vector<16xf32>
      %min3A_1599 = arith.minimumf %get3A_152, %gather3A_1541 : vector<16xf32>
      %sub3A_1600 = arith.subf %min3A_1598, %max3A_1596 : vector<16xf32>
      %max3A_1601 = arith.constant 0.000000e+00 : f32
      %max3A_1602 = vector.broadcast %max3A_1601 : f32 to vector<16xf32>
      %max3A_1603 = arith.maximumf %sub3A_1600, %max3A_1602 : vector<16xf32>
      %sub3A_1604 = arith.subf %min3A_1599, %max3A_1597 : vector<16xf32>
      %max3A_1605 = arith.constant 0.000000e+00 : f32
      %max3A_1606 = vector.broadcast %max3A_1605 : f32 to vector<16xf32>
      %max3A_1607 = arith.maximumf %sub3A_1604, %max3A_1606 : vector<16xf32>
      %mul3A_1608 = arith.mulf %max3A_1603, %max3A_1607 : vector<16xf32>
      %add3A_1609 = arith.addf %add3A_158, %gather3A_1553 : vector<16xf32>
      %sub3A_1610 = arith.subf %add3A_1609, %mul3A_1608 : vector<16xf32>
      %div3A_1611 = arith.divf %mul3A_1608, %sub3A_1610 : vector<16xf32>
      %gt3A_1612 = arith.cmpf ogt, %div3A_1611, %select_n3A_1469 : vector<16xf32>
      %select_n3A_1613 = arith.select %gt3A_1612, %div3A_1611, %select_n3A_1469 : vector<16xi1>, vector<16xf32>
      %jit3A_1614 = arith.constant 9.000000e+00 : f32
      %broadcast_in_dim3A_1615 = vector.broadcast %jit3A_1614 : f32 to vector<16xf32>
      %select_n3A_1616 = arith.select %gt3A_1612, %broadcast_in_dim3A_1615, %select_n3A_1472 : vector<16xi1>, vector<16xf32>
      %max3A_1617 = arith.maximumf %get3A_166, %gather3A_1505 : vector<16xf32>
      %max3A_1618 = arith.maximumf %get3A_171, %gather3A_1517 : vector<16xf32>
      %min3A_1619 = arith.minimumf %get3A_176, %gather3A_1529 : vector<16xf32>
      %min3A_1620 = arith.minimumf %get3A_181, %gather3A_1541 : vector<16xf32>
      %sub3A_1621 = arith.subf %min3A_1619, %max3A_1617 : vector<16xf32>
      %max3A_1622 = arith.constant 0.000000e+00 : f32
      %max3A_1623 = vector.broadcast %max3A_1622 : f32 to vector<16xf32>
      %max3A_1624 = arith.maximumf %sub3A_1621, %max3A_1623 : vector<16xf32>
      %sub3A_1625 = arith.subf %min3A_1620, %max3A_1618 : vector<16xf32>
      %max3A_1626 = arith.constant 0.000000e+00 : f32
      %max3A_1627 = vector.broadcast %max3A_1626 : f32 to vector<16xf32>
      %max3A_1628 = arith.maximumf %sub3A_1625, %max3A_1627 : vector<16xf32>
      %mul3A_1629 = arith.mulf %max3A_1624, %max3A_1628 : vector<16xf32>
      %add3A_1630 = arith.addf %add3A_187, %gather3A_1553 : vector<16xf32>
      %sub3A_1631 = arith.subf %add3A_1630, %mul3A_1629 : vector<16xf32>
      %div3A_1632 = arith.divf %mul3A_1629, %sub3A_1631 : vector<16xf32>
      %gt3A_1633 = arith.cmpf ogt, %div3A_1632, %select_n3A_1490 : vector<16xf32>
      %select_n3A_1634 = arith.select %gt3A_1633, %div3A_1632, %select_n3A_1490 : vector<16xi1>, vector<16xf32>
      %jit3A_1635 = arith.constant 9.000000e+00 : f32
      %broadcast_in_dim3A_1636 = vector.broadcast %jit3A_1635 : f32 to vector<16xf32>
      %select_n3A_1637 = arith.select %gt3A_1633, %broadcast_in_dim3A_1636, %select_n3A_1493 : vector<16xi1>, vector<16xf32>
      %broadcast_in_dim3A_1638 = arith.constant 10 : i32
      %broadcast_in_dim3A_1639 = vector.broadcast %broadcast_in_dim3A_1638 : i32 to vector<16xi32>
      %lt3A_1640 = arith.constant 0 : i32
      %lt3A_1641 = vector.broadcast %lt3A_1640 : i32 to vector<16xi32>
      %lt3A_1642 = arith.cmpi slt, %broadcast_in_dim3A_1639, %lt3A_1641 : vector<16xi32>
      %add3A_1643 = arith.constant 16 : i32
      %add3A_1644 = vector.broadcast %add3A_1643 : i32 to vector<16xi32>
      %add3A_1645 = arith.addi %broadcast_in_dim3A_1639, %add3A_1644 : vector<16xi32>
      %select_n3A_1646 = arith.select %lt3A_1642, %add3A_1645, %broadcast_in_dim3A_1639 : vector<16xi1>, vector<16xi32>
      %broadcast_in_dim3A_1647 = vector.shape_cast %select_n3A_1646 : vector<16xi32> to vector<16x1xi32>
      %gather3A_1648 = vector.shape_cast %broadcast_in_dim3A_1647 : vector<16x1xi32> to vector<16xi32>
      %gather3A_1649 = tpu.dynamic_gather %get3A_40[%gather3A_1648] in [0] : vector<16xf32>, vector<16xi32> -> vector<16xf32>
      %broadcast_in_dim3A_1650 = arith.constant 10 : i32
      %broadcast_in_dim3A_1651 = vector.broadcast %broadcast_in_dim3A_1650 : i32 to vector<16xi32>
      %lt3A_1652 = arith.constant 0 : i32
      %lt3A_1653 = vector.broadcast %lt3A_1652 : i32 to vector<16xi32>
      %lt3A_1654 = arith.cmpi slt, %broadcast_in_dim3A_1651, %lt3A_1653 : vector<16xi32>
      %add3A_1655 = arith.constant 16 : i32
      %add3A_1656 = vector.broadcast %add3A_1655 : i32 to vector<16xi32>
      %add3A_1657 = arith.addi %broadcast_in_dim3A_1651, %add3A_1656 : vector<16xi32>
      %select_n3A_1658 = arith.select %lt3A_1654, %add3A_1657, %broadcast_in_dim3A_1651 : vector<16xi1>, vector<16xi32>
      %broadcast_in_dim3A_1659 = vector.shape_cast %select_n3A_1658 : vector<16xi32> to vector<16x1xi32>
      %gather3A_1660 = vector.shape_cast %broadcast_in_dim3A_1659 : vector<16x1xi32> to vector<16xi32>
      %gather3A_1661 = tpu.dynamic_gather %get3A_45[%gather3A_1660] in [0] : vector<16xf32>, vector<16xi32> -> vector<16xf32>
      %broadcast_in_dim3A_1662 = arith.constant 10 : i32
      %broadcast_in_dim3A_1663 = vector.broadcast %broadcast_in_dim3A_1662 : i32 to vector<16xi32>
      %lt3A_1664 = arith.constant 0 : i32
      %lt3A_1665 = vector.broadcast %lt3A_1664 : i32 to vector<16xi32>
      %lt3A_1666 = arith.cmpi slt, %broadcast_in_dim3A_1663, %lt3A_1665 : vector<16xi32>
      %add3A_1667 = arith.constant 16 : i32
      %add3A_1668 = vector.broadcast %add3A_1667 : i32 to vector<16xi32>
      %add3A_1669 = arith.addi %broadcast_in_dim3A_1663, %add3A_1668 : vector<16xi32>
      %select_n3A_1670 = arith.select %lt3A_1666, %add3A_1669, %broadcast_in_dim3A_1663 : vector<16xi1>, vector<16xi32>
      %broadcast_in_dim3A_1671 = vector.shape_cast %select_n3A_1670 : vector<16xi32> to vector<16x1xi32>
      %gather3A_1672 = vector.shape_cast %broadcast_in_dim3A_1671 : vector<16x1xi32> to vector<16xi32>
      %gather3A_1673 = tpu.dynamic_gather %get3A_50[%gather3A_1672] in [0] : vector<16xf32>, vector<16xi32> -> vector<16xf32>
      %broadcast_in_dim3A_1674 = arith.constant 10 : i32
      %broadcast_in_dim3A_1675 = vector.broadcast %broadcast_in_dim3A_1674 : i32 to vector<16xi32>
      %lt3A_1676 = arith.constant 0 : i32
      %lt3A_1677 = vector.broadcast %lt3A_1676 : i32 to vector<16xi32>
      %lt3A_1678 = arith.cmpi slt, %broadcast_in_dim3A_1675, %lt3A_1677 : vector<16xi32>
      %add3A_1679 = arith.constant 16 : i32
      %add3A_1680 = vector.broadcast %add3A_1679 : i32 to vector<16xi32>
      %add3A_1681 = arith.addi %broadcast_in_dim3A_1675, %add3A_1680 : vector<16xi32>
      %select_n3A_1682 = arith.select %lt3A_1678, %add3A_1681, %broadcast_in_dim3A_1675 : vector<16xi1>, vector<16xi32>
      %broadcast_in_dim3A_1683 = vector.shape_cast %select_n3A_1682 : vector<16xi32> to vector<16x1xi32>
      %gather3A_1684 = vector.shape_cast %broadcast_in_dim3A_1683 : vector<16x1xi32> to vector<16xi32>
      %gather3A_1685 = tpu.dynamic_gather %get3A_55[%gather3A_1684] in [0] : vector<16xf32>, vector<16xi32> -> vector<16xf32>
      %broadcast_in_dim3A_1686 = arith.constant 10 : i32
      %broadcast_in_dim3A_1687 = vector.broadcast %broadcast_in_dim3A_1686 : i32 to vector<16xi32>
      %lt3A_1688 = arith.constant 0 : i32
      %lt3A_1689 = vector.broadcast %lt3A_1688 : i32 to vector<16xi32>
      %lt3A_1690 = arith.cmpi slt, %broadcast_in_dim3A_1687, %lt3A_1689 : vector<16xi32>
      %add3A_1691 = arith.constant 16 : i32
      %add3A_1692 = vector.broadcast %add3A_1691 : i32 to vector<16xi32>
      %add3A_1693 = arith.addi %broadcast_in_dim3A_1687, %add3A_1692 : vector<16xi32>
      %select_n3A_1694 = arith.select %lt3A_1690, %add3A_1693, %broadcast_in_dim3A_1687 : vector<16xi1>, vector<16xi32>
      %broadcast_in_dim3A_1695 = vector.shape_cast %select_n3A_1694 : vector<16xi32> to vector<16x1xi32>
      %gather3A_1696 = vector.shape_cast %broadcast_in_dim3A_1695 : vector<16x1xi32> to vector<16xi32>
      %gather3A_1697 = tpu.dynamic_gather %mul3A_58[%gather3A_1696] in [0] : vector<16xf32>, vector<16xi32> -> vector<16xf32>
      %max3A_1698 = arith.maximumf %get3A_79, %gather3A_1649 : vector<16xf32>
      %max3A_1699 = arith.maximumf %get3A_84, %gather3A_1661 : vector<16xf32>
      %min3A_1700 = arith.minimumf %get3A_89, %gather3A_1673 : vector<16xf32>
      %min3A_1701 = arith.minimumf %get3A_94, %gather3A_1685 : vector<16xf32>
      %sub3A_1702 = arith.subf %min3A_1700, %max3A_1698 : vector<16xf32>
      %max3A_1703 = arith.constant 0.000000e+00 : f32
      %max3A_1704 = vector.broadcast %max3A_1703 : f32 to vector<16xf32>
      %max3A_1705 = arith.maximumf %sub3A_1702, %max3A_1704 : vector<16xf32>
      %sub3A_1706 = arith.subf %min3A_1701, %max3A_1699 : vector<16xf32>
      %max3A_1707 = arith.constant 0.000000e+00 : f32
      %max3A_1708 = vector.broadcast %max3A_1707 : f32 to vector<16xf32>
      %max3A_1709 = arith.maximumf %sub3A_1706, %max3A_1708 : vector<16xf32>
      %mul3A_1710 = arith.mulf %max3A_1705, %max3A_1709 : vector<16xf32>
      %add3A_1711 = arith.addf %add3A_100, %gather3A_1697 : vector<16xf32>
      %sub3A_1712 = arith.subf %add3A_1711, %mul3A_1710 : vector<16xf32>
      %div3A_1713 = arith.divf %mul3A_1710, %sub3A_1712 : vector<16xf32>
      %gt3A_1714 = arith.cmpf ogt, %div3A_1713, %select_n3A_1571 : vector<16xf32>
      %select_n3A_1715 = arith.select %gt3A_1714, %div3A_1713, %select_n3A_1571 : vector<16xi1>, vector<16xf32>
      %jit3A_1716 = arith.constant 1.000000e+01 : f32
      %broadcast_in_dim3A_1717 = vector.broadcast %jit3A_1716 : f32 to vector<16xf32>
      %select_n3A_1718 = arith.select %gt3A_1714, %broadcast_in_dim3A_1717, %select_n3A_1574 : vector<16xi1>, vector<16xf32>
      %max3A_1719 = arith.maximumf %get3A_108, %gather3A_1649 : vector<16xf32>
      %max3A_1720 = arith.maximumf %get3A_113, %gather3A_1661 : vector<16xf32>
      %min3A_1721 = arith.minimumf %get3A_118, %gather3A_1673 : vector<16xf32>
      %min3A_1722 = arith.minimumf %get3A_123, %gather3A_1685 : vector<16xf32>
      %sub3A_1723 = arith.subf %min3A_1721, %max3A_1719 : vector<16xf32>
      %max3A_1724 = arith.constant 0.000000e+00 : f32
      %max3A_1725 = vector.broadcast %max3A_1724 : f32 to vector<16xf32>
      %max3A_1726 = arith.maximumf %sub3A_1723, %max3A_1725 : vector<16xf32>
      %sub3A_1727 = arith.subf %min3A_1722, %max3A_1720 : vector<16xf32>
      %max3A_1728 = arith.constant 0.000000e+00 : f32
      %max3A_1729 = vector.broadcast %max3A_1728 : f32 to vector<16xf32>
      %max3A_1730 = arith.maximumf %sub3A_1727, %max3A_1729 : vector<16xf32>
      %mul3A_1731 = arith.mulf %max3A_1726, %max3A_1730 : vector<16xf32>
      %add3A_1732 = arith.addf %add3A_129, %gather3A_1697 : vector<16xf32>
      %sub3A_1733 = arith.subf %add3A_1732, %mul3A_1731 : vector<16xf32>
      %div3A_1734 = arith.divf %mul3A_1731, %sub3A_1733 : vector<16xf32>
      %gt3A_1735 = arith.cmpf ogt, %div3A_1734, %select_n3A_1592 : vector<16xf32>
      %select_n3A_1736 = arith.select %gt3A_1735, %div3A_1734, %select_n3A_1592 : vector<16xi1>, vector<16xf32>
      %jit3A_1737 = arith.constant 1.000000e+01 : f32
      %broadcast_in_dim3A_1738 = vector.broadcast %jit3A_1737 : f32 to vector<16xf32>
      %select_n3A_1739 = arith.select %gt3A_1735, %broadcast_in_dim3A_1738, %select_n3A_1595 : vector<16xi1>, vector<16xf32>
      %max3A_1740 = arith.maximumf %get3A_137, %gather3A_1649 : vector<16xf32>
      %max3A_1741 = arith.maximumf %get3A_142, %gather3A_1661 : vector<16xf32>
      %min3A_1742 = arith.minimumf %get3A_147, %gather3A_1673 : vector<16xf32>
      %min3A_1743 = arith.minimumf %get3A_152, %gather3A_1685 : vector<16xf32>
      %sub3A_1744 = arith.subf %min3A_1742, %max3A_1740 : vector<16xf32>
      %max3A_1745 = arith.constant 0.000000e+00 : f32
      %max3A_1746 = vector.broadcast %max3A_1745 : f32 to vector<16xf32>
      %max3A_1747 = arith.maximumf %sub3A_1744, %max3A_1746 : vector<16xf32>
      %sub3A_1748 = arith.subf %min3A_1743, %max3A_1741 : vector<16xf32>
      %max3A_1749 = arith.constant 0.000000e+00 : f32
      %max3A_1750 = vector.broadcast %max3A_1749 : f32 to vector<16xf32>
      %max3A_1751 = arith.maximumf %sub3A_1748, %max3A_1750 : vector<16xf32>
      %mul3A_1752 = arith.mulf %max3A_1747, %max3A_1751 : vector<16xf32>
      %add3A_1753 = arith.addf %add3A_158, %gather3A_1697 : vector<16xf32>
      %sub3A_1754 = arith.subf %add3A_1753, %mul3A_1752 : vector<16xf32>
      %div3A_1755 = arith.divf %mul3A_1752, %sub3A_1754 : vector<16xf32>
      %gt3A_1756 = arith.cmpf ogt, %div3A_1755, %select_n3A_1613 : vector<16xf32>
      %select_n3A_1757 = arith.select %gt3A_1756, %div3A_1755, %select_n3A_1613 : vector<16xi1>, vector<16xf32>
      %jit3A_1758 = arith.constant 1.000000e+01 : f32
      %broadcast_in_dim3A_1759 = vector.broadcast %jit3A_1758 : f32 to vector<16xf32>
      %select_n3A_1760 = arith.select %gt3A_1756, %broadcast_in_dim3A_1759, %select_n3A_1616 : vector<16xi1>, vector<16xf32>
      %max3A_1761 = arith.maximumf %get3A_166, %gather3A_1649 : vector<16xf32>
      %max3A_1762 = arith.maximumf %get3A_171, %gather3A_1661 : vector<16xf32>
      %min3A_1763 = arith.minimumf %get3A_176, %gather3A_1673 : vector<16xf32>
      %min3A_1764 = arith.minimumf %get3A_181, %gather3A_1685 : vector<16xf32>
      %sub3A_1765 = arith.subf %min3A_1763, %max3A_1761 : vector<16xf32>
      %max3A_1766 = arith.constant 0.000000e+00 : f32
      %max3A_1767 = vector.broadcast %max3A_1766 : f32 to vector<16xf32>
      %max3A_1768 = arith.maximumf %sub3A_1765, %max3A_1767 : vector<16xf32>
      %sub3A_1769 = arith.subf %min3A_1764, %max3A_1762 : vector<16xf32>
      %max3A_1770 = arith.constant 0.000000e+00 : f32
      %max3A_1771 = vector.broadcast %max3A_1770 : f32 to vector<16xf32>
      %max3A_1772 = arith.maximumf %sub3A_1769, %max3A_1771 : vector<16xf32>
      %mul3A_1773 = arith.mulf %max3A_1768, %max3A_1772 : vector<16xf32>
      %add3A_1774 = arith.addf %add3A_187, %gather3A_1697 : vector<16xf32>
      %sub3A_1775 = arith.subf %add3A_1774, %mul3A_1773 : vector<16xf32>
      %div3A_1776 = arith.divf %mul3A_1773, %sub3A_1775 : vector<16xf32>
      %gt3A_1777 = arith.cmpf ogt, %div3A_1776, %select_n3A_1634 : vector<16xf32>
      %select_n3A_1778 = arith.select %gt3A_1777, %div3A_1776, %select_n3A_1634 : vector<16xi1>, vector<16xf32>
      %jit3A_1779 = arith.constant 1.000000e+01 : f32
      %broadcast_in_dim3A_1780 = vector.broadcast %jit3A_1779 : f32 to vector<16xf32>
      %select_n3A_1781 = arith.select %gt3A_1777, %broadcast_in_dim3A_1780, %select_n3A_1637 : vector<16xi1>, vector<16xf32>
      %broadcast_in_dim3A_1782 = arith.constant 11 : i32
      %broadcast_in_dim3A_1783 = vector.broadcast %broadcast_in_dim3A_1782 : i32 to vector<16xi32>
      %lt3A_1784 = arith.constant 0 : i32
      %lt3A_1785 = vector.broadcast %lt3A_1784 : i32 to vector<16xi32>
      %lt3A_1786 = arith.cmpi slt, %broadcast_in_dim3A_1783, %lt3A_1785 : vector<16xi32>
      %add3A_1787 = arith.constant 16 : i32
      %add3A_1788 = vector.broadcast %add3A_1787 : i32 to vector<16xi32>
      %add3A_1789 = arith.addi %broadcast_in_dim3A_1783, %add3A_1788 : vector<16xi32>
      %select_n3A_1790 = arith.select %lt3A_1786, %add3A_1789, %broadcast_in_dim3A_1783 : vector<16xi1>, vector<16xi32>
      %broadcast_in_dim3A_1791 = vector.shape_cast %select_n3A_1790 : vector<16xi32> to vector<16x1xi32>
      %gather3A_1792 = vector.shape_cast %broadcast_in_dim3A_1791 : vector<16x1xi32> to vector<16xi32>
      %gather3A_1793 = tpu.dynamic_gather %get3A_40[%gather3A_1792] in [0] : vector<16xf32>, vector<16xi32> -> vector<16xf32>
      %broadcast_in_dim3A_1794 = arith.constant 11 : i32
      %broadcast_in_dim3A_1795 = vector.broadcast %broadcast_in_dim3A_1794 : i32 to vector<16xi32>
      %lt3A_1796 = arith.constant 0 : i32
      %lt3A_1797 = vector.broadcast %lt3A_1796 : i32 to vector<16xi32>
      %lt3A_1798 = arith.cmpi slt, %broadcast_in_dim3A_1795, %lt3A_1797 : vector<16xi32>
      %add3A_1799 = arith.constant 16 : i32
      %add3A_1800 = vector.broadcast %add3A_1799 : i32 to vector<16xi32>
      %add3A_1801 = arith.addi %broadcast_in_dim3A_1795, %add3A_1800 : vector<16xi32>
      %select_n3A_1802 = arith.select %lt3A_1798, %add3A_1801, %broadcast_in_dim3A_1795 : vector<16xi1>, vector<16xi32>
      %broadcast_in_dim3A_1803 = vector.shape_cast %select_n3A_1802 : vector<16xi32> to vector<16x1xi32>
      %gather3A_1804 = vector.shape_cast %broadcast_in_dim3A_1803 : vector<16x1xi32> to vector<16xi32>
      %gather3A_1805 = tpu.dynamic_gather %get3A_45[%gather3A_1804] in [0] : vector<16xf32>, vector<16xi32> -> vector<16xf32>
      %broadcast_in_dim3A_1806 = arith.constant 11 : i32
      %broadcast_in_dim3A_1807 = vector.broadcast %broadcast_in_dim3A_1806 : i32 to vector<16xi32>
      %lt3A_1808 = arith.constant 0 : i32
      %lt3A_1809 = vector.broadcast %lt3A_1808 : i32 to vector<16xi32>
      %lt3A_1810 = arith.cmpi slt, %broadcast_in_dim3A_1807, %lt3A_1809 : vector<16xi32>
      %add3A_1811 = arith.constant 16 : i32
      %add3A_1812 = vector.broadcast %add3A_1811 : i32 to vector<16xi32>
      %add3A_1813 = arith.addi %broadcast_in_dim3A_1807, %add3A_1812 : vector<16xi32>
      %select_n3A_1814 = arith.select %lt3A_1810, %add3A_1813, %broadcast_in_dim3A_1807 : vector<16xi1>, vector<16xi32>
      %broadcast_in_dim3A_1815 = vector.shape_cast %select_n3A_1814 : vector<16xi32> to vector<16x1xi32>
      %gather3A_1816 = vector.shape_cast %broadcast_in_dim3A_1815 : vector<16x1xi32> to vector<16xi32>
      %gather3A_1817 = tpu.dynamic_gather %get3A_50[%gather3A_1816] in [0] : vector<16xf32>, vector<16xi32> -> vector<16xf32>
      %broadcast_in_dim3A_1818 = arith.constant 11 : i32
      %broadcast_in_dim3A_1819 = vector.broadcast %broadcast_in_dim3A_1818 : i32 to vector<16xi32>
      %lt3A_1820 = arith.constant 0 : i32
      %lt3A_1821 = vector.broadcast %lt3A_1820 : i32 to vector<16xi32>
      %lt3A_1822 = arith.cmpi slt, %broadcast_in_dim3A_1819, %lt3A_1821 : vector<16xi32>
      %add3A_1823 = arith.constant 16 : i32
      %add3A_1824 = vector.broadcast %add3A_1823 : i32 to vector<16xi32>
      %add3A_1825 = arith.addi %broadcast_in_dim3A_1819, %add3A_1824 : vector<16xi32>
      %select_n3A_1826 = arith.select %lt3A_1822, %add3A_1825, %broadcast_in_dim3A_1819 : vector<16xi1>, vector<16xi32>
      %broadcast_in_dim3A_1827 = vector.shape_cast %select_n3A_1826 : vector<16xi32> to vector<16x1xi32>
      %gather3A_1828 = vector.shape_cast %broadcast_in_dim3A_1827 : vector<16x1xi32> to vector<16xi32>
      %gather3A_1829 = tpu.dynamic_gather %get3A_55[%gather3A_1828] in [0] : vector<16xf32>, vector<16xi32> -> vector<16xf32>
      %broadcast_in_dim3A_1830 = arith.constant 11 : i32
      %broadcast_in_dim3A_1831 = vector.broadcast %broadcast_in_dim3A_1830 : i32 to vector<16xi32>
      %lt3A_1832 = arith.constant 0 : i32
      %lt3A_1833 = vector.broadcast %lt3A_1832 : i32 to vector<16xi32>
      %lt3A_1834 = arith.cmpi slt, %broadcast_in_dim3A_1831, %lt3A_1833 : vector<16xi32>
      %add3A_1835 = arith.constant 16 : i32
      %add3A_1836 = vector.broadcast %add3A_1835 : i32 to vector<16xi32>
      %add3A_1837 = arith.addi %broadcast_in_dim3A_1831, %add3A_1836 : vector<16xi32>
      %select_n3A_1838 = arith.select %lt3A_1834, %add3A_1837, %broadcast_in_dim3A_1831 : vector<16xi1>, vector<16xi32>
      %broadcast_in_dim3A_1839 = vector.shape_cast %select_n3A_1838 : vector<16xi32> to vector<16x1xi32>
      %gather3A_1840 = vector.shape_cast %broadcast_in_dim3A_1839 : vector<16x1xi32> to vector<16xi32>
      %gather3A_1841 = tpu.dynamic_gather %mul3A_58[%gather3A_1840] in [0] : vector<16xf32>, vector<16xi32> -> vector<16xf32>
      %max3A_1842 = arith.maximumf %get3A_79, %gather3A_1793 : vector<16xf32>
      %max3A_1843 = arith.maximumf %get3A_84, %gather3A_1805 : vector<16xf32>
      %min3A_1844 = arith.minimumf %get3A_89, %gather3A_1817 : vector<16xf32>
      %min3A_1845 = arith.minimumf %get3A_94, %gather3A_1829 : vector<16xf32>
      %sub3A_1846 = arith.subf %min3A_1844, %max3A_1842 : vector<16xf32>
      %max3A_1847 = arith.constant 0.000000e+00 : f32
      %max3A_1848 = vector.broadcast %max3A_1847 : f32 to vector<16xf32>
      %max3A_1849 = arith.maximumf %sub3A_1846, %max3A_1848 : vector<16xf32>
      %sub3A_1850 = arith.subf %min3A_1845, %max3A_1843 : vector<16xf32>
      %max3A_1851 = arith.constant 0.000000e+00 : f32
      %max3A_1852 = vector.broadcast %max3A_1851 : f32 to vector<16xf32>
      %max3A_1853 = arith.maximumf %sub3A_1850, %max3A_1852 : vector<16xf32>
      %mul3A_1854 = arith.mulf %max3A_1849, %max3A_1853 : vector<16xf32>
      %add3A_1855 = arith.addf %add3A_100, %gather3A_1841 : vector<16xf32>
      %sub3A_1856 = arith.subf %add3A_1855, %mul3A_1854 : vector<16xf32>
      %div3A_1857 = arith.divf %mul3A_1854, %sub3A_1856 : vector<16xf32>
      %gt3A_1858 = arith.cmpf ogt, %div3A_1857, %select_n3A_1715 : vector<16xf32>
      %select_n3A_1859 = arith.select %gt3A_1858, %div3A_1857, %select_n3A_1715 : vector<16xi1>, vector<16xf32>
      %jit3A_1860 = arith.constant 1.100000e+01 : f32
      %broadcast_in_dim3A_1861 = vector.broadcast %jit3A_1860 : f32 to vector<16xf32>
      %select_n3A_1862 = arith.select %gt3A_1858, %broadcast_in_dim3A_1861, %select_n3A_1718 : vector<16xi1>, vector<16xf32>
      %max3A_1863 = arith.maximumf %get3A_108, %gather3A_1793 : vector<16xf32>
      %max3A_1864 = arith.maximumf %get3A_113, %gather3A_1805 : vector<16xf32>
      %min3A_1865 = arith.minimumf %get3A_118, %gather3A_1817 : vector<16xf32>
      %min3A_1866 = arith.minimumf %get3A_123, %gather3A_1829 : vector<16xf32>
      %sub3A_1867 = arith.subf %min3A_1865, %max3A_1863 : vector<16xf32>
      %max3A_1868 = arith.constant 0.000000e+00 : f32
      %max3A_1869 = vector.broadcast %max3A_1868 : f32 to vector<16xf32>
      %max3A_1870 = arith.maximumf %sub3A_1867, %max3A_1869 : vector<16xf32>
      %sub3A_1871 = arith.subf %min3A_1866, %max3A_1864 : vector<16xf32>
      %max3A_1872 = arith.constant 0.000000e+00 : f32
      %max3A_1873 = vector.broadcast %max3A_1872 : f32 to vector<16xf32>
      %max3A_1874 = arith.maximumf %sub3A_1871, %max3A_1873 : vector<16xf32>
      %mul3A_1875 = arith.mulf %max3A_1870, %max3A_1874 : vector<16xf32>
      %add3A_1876 = arith.addf %add3A_129, %gather3A_1841 : vector<16xf32>
      %sub3A_1877 = arith.subf %add3A_1876, %mul3A_1875 : vector<16xf32>
      %div3A_1878 = arith.divf %mul3A_1875, %sub3A_1877 : vector<16xf32>
      %gt3A_1879 = arith.cmpf ogt, %div3A_1878, %select_n3A_1736 : vector<16xf32>
      %select_n3A_1880 = arith.select %gt3A_1879, %div3A_1878, %select_n3A_1736 : vector<16xi1>, vector<16xf32>
      %jit3A_1881 = arith.constant 1.100000e+01 : f32
      %broadcast_in_dim3A_1882 = vector.broadcast %jit3A_1881 : f32 to vector<16xf32>
      %select_n3A_1883 = arith.select %gt3A_1879, %broadcast_in_dim3A_1882, %select_n3A_1739 : vector<16xi1>, vector<16xf32>
      %max3A_1884 = arith.maximumf %get3A_137, %gather3A_1793 : vector<16xf32>
      %max3A_1885 = arith.maximumf %get3A_142, %gather3A_1805 : vector<16xf32>
      %min3A_1886 = arith.minimumf %get3A_147, %gather3A_1817 : vector<16xf32>
      %min3A_1887 = arith.minimumf %get3A_152, %gather3A_1829 : vector<16xf32>
      %sub3A_1888 = arith.subf %min3A_1886, %max3A_1884 : vector<16xf32>
      %max3A_1889 = arith.constant 0.000000e+00 : f32
      %max3A_1890 = vector.broadcast %max3A_1889 : f32 to vector<16xf32>
      %max3A_1891 = arith.maximumf %sub3A_1888, %max3A_1890 : vector<16xf32>
      %sub3A_1892 = arith.subf %min3A_1887, %max3A_1885 : vector<16xf32>
      %max3A_1893 = arith.constant 0.000000e+00 : f32
      %max3A_1894 = vector.broadcast %max3A_1893 : f32 to vector<16xf32>
      %max3A_1895 = arith.maximumf %sub3A_1892, %max3A_1894 : vector<16xf32>
      %mul3A_1896 = arith.mulf %max3A_1891, %max3A_1895 : vector<16xf32>
      %add3A_1897 = arith.addf %add3A_158, %gather3A_1841 : vector<16xf32>
      %sub3A_1898 = arith.subf %add3A_1897, %mul3A_1896 : vector<16xf32>
      %div3A_1899 = arith.divf %mul3A_1896, %sub3A_1898 : vector<16xf32>
      %gt3A_1900 = arith.cmpf ogt, %div3A_1899, %select_n3A_1757 : vector<16xf32>
      %select_n3A_1901 = arith.select %gt3A_1900, %div3A_1899, %select_n3A_1757 : vector<16xi1>, vector<16xf32>
      %jit3A_1902 = arith.constant 1.100000e+01 : f32
      %broadcast_in_dim3A_1903 = vector.broadcast %jit3A_1902 : f32 to vector<16xf32>
      %select_n3A_1904 = arith.select %gt3A_1900, %broadcast_in_dim3A_1903, %select_n3A_1760 : vector<16xi1>, vector<16xf32>
      %max3A_1905 = arith.maximumf %get3A_166, %gather3A_1793 : vector<16xf32>
      %max3A_1906 = arith.maximumf %get3A_171, %gather3A_1805 : vector<16xf32>
      %min3A_1907 = arith.minimumf %get3A_176, %gather3A_1817 : vector<16xf32>
      %min3A_1908 = arith.minimumf %get3A_181, %gather3A_1829 : vector<16xf32>
      %sub3A_1909 = arith.subf %min3A_1907, %max3A_1905 : vector<16xf32>
      %max3A_1910 = arith.constant 0.000000e+00 : f32
      %max3A_1911 = vector.broadcast %max3A_1910 : f32 to vector<16xf32>
      %max3A_1912 = arith.maximumf %sub3A_1909, %max3A_1911 : vector<16xf32>
      %sub3A_1913 = arith.subf %min3A_1908, %max3A_1906 : vector<16xf32>
      %max3A_1914 = arith.constant 0.000000e+00 : f32
      %max3A_1915 = vector.broadcast %max3A_1914 : f32 to vector<16xf32>
      %max3A_1916 = arith.maximumf %sub3A_1913, %max3A_1915 : vector<16xf32>
      %mul3A_1917 = arith.mulf %max3A_1912, %max3A_1916 : vector<16xf32>
      %add3A_1918 = arith.addf %add3A_187, %gather3A_1841 : vector<16xf32>
      %sub3A_1919 = arith.subf %add3A_1918, %mul3A_1917 : vector<16xf32>
      %div3A_1920 = arith.divf %mul3A_1917, %sub3A_1919 : vector<16xf32>
      %gt3A_1921 = arith.cmpf ogt, %div3A_1920, %select_n3A_1778 : vector<16xf32>
      %select_n3A_1922 = arith.select %gt3A_1921, %div3A_1920, %select_n3A_1778 : vector<16xi1>, vector<16xf32>
      %jit3A_1923 = arith.constant 1.100000e+01 : f32
      %broadcast_in_dim3A_1924 = vector.broadcast %jit3A_1923 : f32 to vector<16xf32>
      %select_n3A_1925 = arith.select %gt3A_1921, %broadcast_in_dim3A_1924, %select_n3A_1781 : vector<16xi1>, vector<16xf32>
      %broadcast_in_dim3A_1926 = arith.constant 12 : i32
      %broadcast_in_dim3A_1927 = vector.broadcast %broadcast_in_dim3A_1926 : i32 to vector<16xi32>
      %lt3A_1928 = arith.constant 0 : i32
      %lt3A_1929 = vector.broadcast %lt3A_1928 : i32 to vector<16xi32>
      %lt3A_1930 = arith.cmpi slt, %broadcast_in_dim3A_1927, %lt3A_1929 : vector<16xi32>
      %add3A_1931 = arith.constant 16 : i32
      %add3A_1932 = vector.broadcast %add3A_1931 : i32 to vector<16xi32>
      %add3A_1933 = arith.addi %broadcast_in_dim3A_1927, %add3A_1932 : vector<16xi32>
      %select_n3A_1934 = arith.select %lt3A_1930, %add3A_1933, %broadcast_in_dim3A_1927 : vector<16xi1>, vector<16xi32>
      %broadcast_in_dim3A_1935 = vector.shape_cast %select_n3A_1934 : vector<16xi32> to vector<16x1xi32>
      %gather3A_1936 = vector.shape_cast %broadcast_in_dim3A_1935 : vector<16x1xi32> to vector<16xi32>
      %gather3A_1937 = tpu.dynamic_gather %get3A_40[%gather3A_1936] in [0] : vector<16xf32>, vector<16xi32> -> vector<16xf32>
      %broadcast_in_dim3A_1938 = arith.constant 12 : i32
      %broadcast_in_dim3A_1939 = vector.broadcast %broadcast_in_dim3A_1938 : i32 to vector<16xi32>
      %lt3A_1940 = arith.constant 0 : i32
      %lt3A_1941 = vector.broadcast %lt3A_1940 : i32 to vector<16xi32>
      %lt3A_1942 = arith.cmpi slt, %broadcast_in_dim3A_1939, %lt3A_1941 : vector<16xi32>
      %add3A_1943 = arith.constant 16 : i32
      %add3A_1944 = vector.broadcast %add3A_1943 : i32 to vector<16xi32>
      %add3A_1945 = arith.addi %broadcast_in_dim3A_1939, %add3A_1944 : vector<16xi32>
      %select_n3A_1946 = arith.select %lt3A_1942, %add3A_1945, %broadcast_in_dim3A_1939 : vector<16xi1>, vector<16xi32>
      %broadcast_in_dim3A_1947 = vector.shape_cast %select_n3A_1946 : vector<16xi32> to vector<16x1xi32>
      %gather3A_1948 = vector.shape_cast %broadcast_in_dim3A_1947 : vector<16x1xi32> to vector<16xi32>
      %gather3A_1949 = tpu.dynamic_gather %get3A_45[%gather3A_1948] in [0] : vector<16xf32>, vector<16xi32> -> vector<16xf32>
      %broadcast_in_dim3A_1950 = arith.constant 12 : i32
      %broadcast_in_dim3A_1951 = vector.broadcast %broadcast_in_dim3A_1950 : i32 to vector<16xi32>
      %lt3A_1952 = arith.constant 0 : i32
      %lt3A_1953 = vector.broadcast %lt3A_1952 : i32 to vector<16xi32>
      %lt3A_1954 = arith.cmpi slt, %broadcast_in_dim3A_1951, %lt3A_1953 : vector<16xi32>
      %add3A_1955 = arith.constant 16 : i32
      %add3A_1956 = vector.broadcast %add3A_1955 : i32 to vector<16xi32>
      %add3A_1957 = arith.addi %broadcast_in_dim3A_1951, %add3A_1956 : vector<16xi32>
      %select_n3A_1958 = arith.select %lt3A_1954, %add3A_1957, %broadcast_in_dim3A_1951 : vector<16xi1>, vector<16xi32>
      %broadcast_in_dim3A_1959 = vector.shape_cast %select_n3A_1958 : vector<16xi32> to vector<16x1xi32>
      %gather3A_1960 = vector.shape_cast %broadcast_in_dim3A_1959 : vector<16x1xi32> to vector<16xi32>
      %gather3A_1961 = tpu.dynamic_gather %get3A_50[%gather3A_1960] in [0] : vector<16xf32>, vector<16xi32> -> vector<16xf32>
      %broadcast_in_dim3A_1962 = arith.constant 12 : i32
      %broadcast_in_dim3A_1963 = vector.broadcast %broadcast_in_dim3A_1962 : i32 to vector<16xi32>
      %lt3A_1964 = arith.constant 0 : i32
      %lt3A_1965 = vector.broadcast %lt3A_1964 : i32 to vector<16xi32>
      %lt3A_1966 = arith.cmpi slt, %broadcast_in_dim3A_1963, %lt3A_1965 : vector<16xi32>
      %add3A_1967 = arith.constant 16 : i32
      %add3A_1968 = vector.broadcast %add3A_1967 : i32 to vector<16xi32>
      %add3A_1969 = arith.addi %broadcast_in_dim3A_1963, %add3A_1968 : vector<16xi32>
      %select_n3A_1970 = arith.select %lt3A_1966, %add3A_1969, %broadcast_in_dim3A_1963 : vector<16xi1>, vector<16xi32>
      %broadcast_in_dim3A_1971 = vector.shape_cast %select_n3A_1970 : vector<16xi32> to vector<16x1xi32>
      %gather3A_1972 = vector.shape_cast %broadcast_in_dim3A_1971 : vector<16x1xi32> to vector<16xi32>
      %gather3A_1973 = tpu.dynamic_gather %get3A_55[%gather3A_1972] in [0] : vector<16xf32>, vector<16xi32> -> vector<16xf32>
      %broadcast_in_dim3A_1974 = arith.constant 12 : i32
      %broadcast_in_dim3A_1975 = vector.broadcast %broadcast_in_dim3A_1974 : i32 to vector<16xi32>
      %lt3A_1976 = arith.constant 0 : i32
      %lt3A_1977 = vector.broadcast %lt3A_1976 : i32 to vector<16xi32>
      %lt3A_1978 = arith.cmpi slt, %broadcast_in_dim3A_1975, %lt3A_1977 : vector<16xi32>
      %add3A_1979 = arith.constant 16 : i32
      %add3A_1980 = vector.broadcast %add3A_1979 : i32 to vector<16xi32>
      %add3A_1981 = arith.addi %broadcast_in_dim3A_1975, %add3A_1980 : vector<16xi32>
      %select_n3A_1982 = arith.select %lt3A_1978, %add3A_1981, %broadcast_in_dim3A_1975 : vector<16xi1>, vector<16xi32>
      %broadcast_in_dim3A_1983 = vector.shape_cast %select_n3A_1982 : vector<16xi32> to vector<16x1xi32>
      %gather3A_1984 = vector.shape_cast %broadcast_in_dim3A_1983 : vector<16x1xi32> to vector<16xi32>
      %gather3A_1985 = tpu.dynamic_gather %mul3A_58[%gather3A_1984] in [0] : vector<16xf32>, vector<16xi32> -> vector<16xf32>
      %max3A_1986 = arith.maximumf %get3A_79, %gather3A_1937 : vector<16xf32>
      %max3A_1987 = arith.maximumf %get3A_84, %gather3A_1949 : vector<16xf32>
      %min3A_1988 = arith.minimumf %get3A_89, %gather3A_1961 : vector<16xf32>
      %min3A_1989 = arith.minimumf %get3A_94, %gather3A_1973 : vector<16xf32>
      %sub3A_1990 = arith.subf %min3A_1988, %max3A_1986 : vector<16xf32>
      %max3A_1991 = arith.constant 0.000000e+00 : f32
      %max3A_1992 = vector.broadcast %max3A_1991 : f32 to vector<16xf32>
      %max3A_1993 = arith.maximumf %sub3A_1990, %max3A_1992 : vector<16xf32>
      %sub3A_1994 = arith.subf %min3A_1989, %max3A_1987 : vector<16xf32>
      %max3A_1995 = arith.constant 0.000000e+00 : f32
      %max3A_1996 = vector.broadcast %max3A_1995 : f32 to vector<16xf32>
      %max3A_1997 = arith.maximumf %sub3A_1994, %max3A_1996 : vector<16xf32>
      %mul3A_1998 = arith.mulf %max3A_1993, %max3A_1997 : vector<16xf32>
      %add3A_1999 = arith.addf %add3A_100, %gather3A_1985 : vector<16xf32>
      %sub3A_2000 = arith.subf %add3A_1999, %mul3A_1998 : vector<16xf32>
      %div3A_2001 = arith.divf %mul3A_1998, %sub3A_2000 : vector<16xf32>
      %gt3A_2002 = arith.cmpf ogt, %div3A_2001, %select_n3A_1859 : vector<16xf32>
      %select_n3A_2003 = arith.select %gt3A_2002, %div3A_2001, %select_n3A_1859 : vector<16xi1>, vector<16xf32>
      %jit3A_2004 = arith.constant 1.200000e+01 : f32
      %broadcast_in_dim3A_2005 = vector.broadcast %jit3A_2004 : f32 to vector<16xf32>
      %select_n3A_2006 = arith.select %gt3A_2002, %broadcast_in_dim3A_2005, %select_n3A_1862 : vector<16xi1>, vector<16xf32>
      %max3A_2007 = arith.maximumf %get3A_108, %gather3A_1937 : vector<16xf32>
      %max3A_2008 = arith.maximumf %get3A_113, %gather3A_1949 : vector<16xf32>
      %min3A_2009 = arith.minimumf %get3A_118, %gather3A_1961 : vector<16xf32>
      %min3A_2010 = arith.minimumf %get3A_123, %gather3A_1973 : vector<16xf32>
      %sub3A_2011 = arith.subf %min3A_2009, %max3A_2007 : vector<16xf32>
      %max3A_2012 = arith.constant 0.000000e+00 : f32
      %max3A_2013 = vector.broadcast %max3A_2012 : f32 to vector<16xf32>
      %max3A_2014 = arith.maximumf %sub3A_2011, %max3A_2013 : vector<16xf32>
      %sub3A_2015 = arith.subf %min3A_2010, %max3A_2008 : vector<16xf32>
      %max3A_2016 = arith.constant 0.000000e+00 : f32
      %max3A_2017 = vector.broadcast %max3A_2016 : f32 to vector<16xf32>
      %max3A_2018 = arith.maximumf %sub3A_2015, %max3A_2017 : vector<16xf32>
      %mul3A_2019 = arith.mulf %max3A_2014, %max3A_2018 : vector<16xf32>
      %add3A_2020 = arith.addf %add3A_129, %gather3A_1985 : vector<16xf32>
      %sub3A_2021 = arith.subf %add3A_2020, %mul3A_2019 : vector<16xf32>
      %div3A_2022 = arith.divf %mul3A_2019, %sub3A_2021 : vector<16xf32>
      %gt3A_2023 = arith.cmpf ogt, %div3A_2022, %select_n3A_1880 : vector<16xf32>
      %select_n3A_2024 = arith.select %gt3A_2023, %div3A_2022, %select_n3A_1880 : vector<16xi1>, vector<16xf32>
      %jit3A_2025 = arith.constant 1.200000e+01 : f32
      %broadcast_in_dim3A_2026 = vector.broadcast %jit3A_2025 : f32 to vector<16xf32>
      %select_n3A_2027 = arith.select %gt3A_2023, %broadcast_in_dim3A_2026, %select_n3A_1883 : vector<16xi1>, vector<16xf32>
      %max3A_2028 = arith.maximumf %get3A_137, %gather3A_1937 : vector<16xf32>
      %max3A_2029 = arith.maximumf %get3A_142, %gather3A_1949 : vector<16xf32>
      %min3A_2030 = arith.minimumf %get3A_147, %gather3A_1961 : vector<16xf32>
      %min3A_2031 = arith.minimumf %get3A_152, %gather3A_1973 : vector<16xf32>
      %sub3A_2032 = arith.subf %min3A_2030, %max3A_2028 : vector<16xf32>
      %max3A_2033 = arith.constant 0.000000e+00 : f32
      %max3A_2034 = vector.broadcast %max3A_2033 : f32 to vector<16xf32>
      %max3A_2035 = arith.maximumf %sub3A_2032, %max3A_2034 : vector<16xf32>
      %sub3A_2036 = arith.subf %min3A_2031, %max3A_2029 : vector<16xf32>
      %max3A_2037 = arith.constant 0.000000e+00 : f32
      %max3A_2038 = vector.broadcast %max3A_2037 : f32 to vector<16xf32>
      %max3A_2039 = arith.maximumf %sub3A_2036, %max3A_2038 : vector<16xf32>
      %mul3A_2040 = arith.mulf %max3A_2035, %max3A_2039 : vector<16xf32>
      %add3A_2041 = arith.addf %add3A_158, %gather3A_1985 : vector<16xf32>
      %sub3A_2042 = arith.subf %add3A_2041, %mul3A_2040 : vector<16xf32>
      %div3A_2043 = arith.divf %mul3A_2040, %sub3A_2042 : vector<16xf32>
      %gt3A_2044 = arith.cmpf ogt, %div3A_2043, %select_n3A_1901 : vector<16xf32>
      %select_n3A_2045 = arith.select %gt3A_2044, %div3A_2043, %select_n3A_1901 : vector<16xi1>, vector<16xf32>
      %jit3A_2046 = arith.constant 1.200000e+01 : f32
      %broadcast_in_dim3A_2047 = vector.broadcast %jit3A_2046 : f32 to vector<16xf32>
      %select_n3A_2048 = arith.select %gt3A_2044, %broadcast_in_dim3A_2047, %select_n3A_1904 : vector<16xi1>, vector<16xf32>
      %max3A_2049 = arith.maximumf %get3A_166, %gather3A_1937 : vector<16xf32>
      %max3A_2050 = arith.maximumf %get3A_171, %gather3A_1949 : vector<16xf32>
      %min3A_2051 = arith.minimumf %get3A_176, %gather3A_1961 : vector<16xf32>
      %min3A_2052 = arith.minimumf %get3A_181, %gather3A_1973 : vector<16xf32>
      %sub3A_2053 = arith.subf %min3A_2051, %max3A_2049 : vector<16xf32>
      %max3A_2054 = arith.constant 0.000000e+00 : f32
      %max3A_2055 = vector.broadcast %max3A_2054 : f32 to vector<16xf32>
      %max3A_2056 = arith.maximumf %sub3A_2053, %max3A_2055 : vector<16xf32>
      %sub3A_2057 = arith.subf %min3A_2052, %max3A_2050 : vector<16xf32>
      %max3A_2058 = arith.constant 0.000000e+00 : f32
      %max3A_2059 = vector.broadcast %max3A_2058 : f32 to vector<16xf32>
      %max3A_2060 = arith.maximumf %sub3A_2057, %max3A_2059 : vector<16xf32>
      %mul3A_2061 = arith.mulf %max3A_2056, %max3A_2060 : vector<16xf32>
      %add3A_2062 = arith.addf %add3A_187, %gather3A_1985 : vector<16xf32>
      %sub3A_2063 = arith.subf %add3A_2062, %mul3A_2061 : vector<16xf32>
      %div3A_2064 = arith.divf %mul3A_2061, %sub3A_2063 : vector<16xf32>
      %gt3A_2065 = arith.cmpf ogt, %div3A_2064, %select_n3A_1922 : vector<16xf32>
      %select_n3A_2066 = arith.select %gt3A_2065, %div3A_2064, %select_n3A_1922 : vector<16xi1>, vector<16xf32>
      %jit3A_2067 = arith.constant 1.200000e+01 : f32
      %broadcast_in_dim3A_2068 = vector.broadcast %jit3A_2067 : f32 to vector<16xf32>
      %select_n3A_2069 = arith.select %gt3A_2065, %broadcast_in_dim3A_2068, %select_n3A_1925 : vector<16xi1>, vector<16xf32>
      %broadcast_in_dim3A_2070 = arith.constant 13 : i32
      %broadcast_in_dim3A_2071 = vector.broadcast %broadcast_in_dim3A_2070 : i32 to vector<16xi32>
      %lt3A_2072 = arith.constant 0 : i32
      %lt3A_2073 = vector.broadcast %lt3A_2072 : i32 to vector<16xi32>
      %lt3A_2074 = arith.cmpi slt, %broadcast_in_dim3A_2071, %lt3A_2073 : vector<16xi32>
      %add3A_2075 = arith.constant 16 : i32
      %add3A_2076 = vector.broadcast %add3A_2075 : i32 to vector<16xi32>
      %add3A_2077 = arith.addi %broadcast_in_dim3A_2071, %add3A_2076 : vector<16xi32>
      %select_n3A_2078 = arith.select %lt3A_2074, %add3A_2077, %broadcast_in_dim3A_2071 : vector<16xi1>, vector<16xi32>
      %broadcast_in_dim3A_2079 = vector.shape_cast %select_n3A_2078 : vector<16xi32> to vector<16x1xi32>
      %gather3A_2080 = vector.shape_cast %broadcast_in_dim3A_2079 : vector<16x1xi32> to vector<16xi32>
      %gather3A_2081 = tpu.dynamic_gather %get3A_40[%gather3A_2080] in [0] : vector<16xf32>, vector<16xi32> -> vector<16xf32>
      %broadcast_in_dim3A_2082 = arith.constant 13 : i32
      %broadcast_in_dim3A_2083 = vector.broadcast %broadcast_in_dim3A_2082 : i32 to vector<16xi32>
      %lt3A_2084 = arith.constant 0 : i32
      %lt3A_2085 = vector.broadcast %lt3A_2084 : i32 to vector<16xi32>
      %lt3A_2086 = arith.cmpi slt, %broadcast_in_dim3A_2083, %lt3A_2085 : vector<16xi32>
      %add3A_2087 = arith.constant 16 : i32
      %add3A_2088 = vector.broadcast %add3A_2087 : i32 to vector<16xi32>
      %add3A_2089 = arith.addi %broadcast_in_dim3A_2083, %add3A_2088 : vector<16xi32>
      %select_n3A_2090 = arith.select %lt3A_2086, %add3A_2089, %broadcast_in_dim3A_2083 : vector<16xi1>, vector<16xi32>
      %broadcast_in_dim3A_2091 = vector.shape_cast %select_n3A_2090 : vector<16xi32> to vector<16x1xi32>
      %gather3A_2092 = vector.shape_cast %broadcast_in_dim3A_2091 : vector<16x1xi32> to vector<16xi32>
      %gather3A_2093 = tpu.dynamic_gather %get3A_45[%gather3A_2092] in [0] : vector<16xf32>, vector<16xi32> -> vector<16xf32>
      %broadcast_in_dim3A_2094 = arith.constant 13 : i32
      %broadcast_in_dim3A_2095 = vector.broadcast %broadcast_in_dim3A_2094 : i32 to vector<16xi32>
      %lt3A_2096 = arith.constant 0 : i32
      %lt3A_2097 = vector.broadcast %lt3A_2096 : i32 to vector<16xi32>
      %lt3A_2098 = arith.cmpi slt, %broadcast_in_dim3A_2095, %lt3A_2097 : vector<16xi32>
      %add3A_2099 = arith.constant 16 : i32
      %add3A_2100 = vector.broadcast %add3A_2099 : i32 to vector<16xi32>
      %add3A_2101 = arith.addi %broadcast_in_dim3A_2095, %add3A_2100 : vector<16xi32>
      %select_n3A_2102 = arith.select %lt3A_2098, %add3A_2101, %broadcast_in_dim3A_2095 : vector<16xi1>, vector<16xi32>
      %broadcast_in_dim3A_2103 = vector.shape_cast %select_n3A_2102 : vector<16xi32> to vector<16x1xi32>
      %gather3A_2104 = vector.shape_cast %broadcast_in_dim3A_2103 : vector<16x1xi32> to vector<16xi32>
      %gather3A_2105 = tpu.dynamic_gather %get3A_50[%gather3A_2104] in [0] : vector<16xf32>, vector<16xi32> -> vector<16xf32>
      %broadcast_in_dim3A_2106 = arith.constant 13 : i32
      %broadcast_in_dim3A_2107 = vector.broadcast %broadcast_in_dim3A_2106 : i32 to vector<16xi32>
      %lt3A_2108 = arith.constant 0 : i32
      %lt3A_2109 = vector.broadcast %lt3A_2108 : i32 to vector<16xi32>
      %lt3A_2110 = arith.cmpi slt, %broadcast_in_dim3A_2107, %lt3A_2109 : vector<16xi32>
      %add3A_2111 = arith.constant 16 : i32
      %add3A_2112 = vector.broadcast %add3A_2111 : i32 to vector<16xi32>
      %add3A_2113 = arith.addi %broadcast_in_dim3A_2107, %add3A_2112 : vector<16xi32>
      %select_n3A_2114 = arith.select %lt3A_2110, %add3A_2113, %broadcast_in_dim3A_2107 : vector<16xi1>, vector<16xi32>
      %broadcast_in_dim3A_2115 = vector.shape_cast %select_n3A_2114 : vector<16xi32> to vector<16x1xi32>
      %gather3A_2116 = vector.shape_cast %broadcast_in_dim3A_2115 : vector<16x1xi32> to vector<16xi32>
      %gather3A_2117 = tpu.dynamic_gather %get3A_55[%gather3A_2116] in [0] : vector<16xf32>, vector<16xi32> -> vector<16xf32>
      %broadcast_in_dim3A_2118 = arith.constant 13 : i32
      %broadcast_in_dim3A_2119 = vector.broadcast %broadcast_in_dim3A_2118 : i32 to vector<16xi32>
      %lt3A_2120 = arith.constant 0 : i32
      %lt3A_2121 = vector.broadcast %lt3A_2120 : i32 to vector<16xi32>
      %lt3A_2122 = arith.cmpi slt, %broadcast_in_dim3A_2119, %lt3A_2121 : vector<16xi32>
      %add3A_2123 = arith.constant 16 : i32
      %add3A_2124 = vector.broadcast %add3A_2123 : i32 to vector<16xi32>
      %add3A_2125 = arith.addi %broadcast_in_dim3A_2119, %add3A_2124 : vector<16xi32>
      %select_n3A_2126 = arith.select %lt3A_2122, %add3A_2125, %broadcast_in_dim3A_2119 : vector<16xi1>, vector<16xi32>
      %broadcast_in_dim3A_2127 = vector.shape_cast %select_n3A_2126 : vector<16xi32> to vector<16x1xi32>
      %gather3A_2128 = vector.shape_cast %broadcast_in_dim3A_2127 : vector<16x1xi32> to vector<16xi32>
      %gather3A_2129 = tpu.dynamic_gather %mul3A_58[%gather3A_2128] in [0] : vector<16xf32>, vector<16xi32> -> vector<16xf32>
      %max3A_2130 = arith.maximumf %get3A_79, %gather3A_2081 : vector<16xf32>
      %max3A_2131 = arith.maximumf %get3A_84, %gather3A_2093 : vector<16xf32>
      %min3A_2132 = arith.minimumf %get3A_89, %gather3A_2105 : vector<16xf32>
      %min3A_2133 = arith.minimumf %get3A_94, %gather3A_2117 : vector<16xf32>
      %sub3A_2134 = arith.subf %min3A_2132, %max3A_2130 : vector<16xf32>
      %max3A_2135 = arith.constant 0.000000e+00 : f32
      %max3A_2136 = vector.broadcast %max3A_2135 : f32 to vector<16xf32>
      %max3A_2137 = arith.maximumf %sub3A_2134, %max3A_2136 : vector<16xf32>
      %sub3A_2138 = arith.subf %min3A_2133, %max3A_2131 : vector<16xf32>
      %max3A_2139 = arith.constant 0.000000e+00 : f32
      %max3A_2140 = vector.broadcast %max3A_2139 : f32 to vector<16xf32>
      %max3A_2141 = arith.maximumf %sub3A_2138, %max3A_2140 : vector<16xf32>
      %mul3A_2142 = arith.mulf %max3A_2137, %max3A_2141 : vector<16xf32>
      %add3A_2143 = arith.addf %add3A_100, %gather3A_2129 : vector<16xf32>
      %sub3A_2144 = arith.subf %add3A_2143, %mul3A_2142 : vector<16xf32>
      %div3A_2145 = arith.divf %mul3A_2142, %sub3A_2144 : vector<16xf32>
      %gt3A_2146 = arith.cmpf ogt, %div3A_2145, %select_n3A_2003 : vector<16xf32>
      %select_n3A_2147 = arith.select %gt3A_2146, %div3A_2145, %select_n3A_2003 : vector<16xi1>, vector<16xf32>
      %jit3A_2148 = arith.constant 1.300000e+01 : f32
      %broadcast_in_dim3A_2149 = vector.broadcast %jit3A_2148 : f32 to vector<16xf32>
      %select_n3A_2150 = arith.select %gt3A_2146, %broadcast_in_dim3A_2149, %select_n3A_2006 : vector<16xi1>, vector<16xf32>
      %max3A_2151 = arith.maximumf %get3A_108, %gather3A_2081 : vector<16xf32>
      %max3A_2152 = arith.maximumf %get3A_113, %gather3A_2093 : vector<16xf32>
      %min3A_2153 = arith.minimumf %get3A_118, %gather3A_2105 : vector<16xf32>
      %min3A_2154 = arith.minimumf %get3A_123, %gather3A_2117 : vector<16xf32>
      %sub3A_2155 = arith.subf %min3A_2153, %max3A_2151 : vector<16xf32>
      %max3A_2156 = arith.constant 0.000000e+00 : f32
      %max3A_2157 = vector.broadcast %max3A_2156 : f32 to vector<16xf32>
      %max3A_2158 = arith.maximumf %sub3A_2155, %max3A_2157 : vector<16xf32>
      %sub3A_2159 = arith.subf %min3A_2154, %max3A_2152 : vector<16xf32>
      %max3A_2160 = arith.constant 0.000000e+00 : f32
      %max3A_2161 = vector.broadcast %max3A_2160 : f32 to vector<16xf32>
      %max3A_2162 = arith.maximumf %sub3A_2159, %max3A_2161 : vector<16xf32>
      %mul3A_2163 = arith.mulf %max3A_2158, %max3A_2162 : vector<16xf32>
      %add3A_2164 = arith.addf %add3A_129, %gather3A_2129 : vector<16xf32>
      %sub3A_2165 = arith.subf %add3A_2164, %mul3A_2163 : vector<16xf32>
      %div3A_2166 = arith.divf %mul3A_2163, %sub3A_2165 : vector<16xf32>
      %gt3A_2167 = arith.cmpf ogt, %div3A_2166, %select_n3A_2024 : vector<16xf32>
      %select_n3A_2168 = arith.select %gt3A_2167, %div3A_2166, %select_n3A_2024 : vector<16xi1>, vector<16xf32>
      %jit3A_2169 = arith.constant 1.300000e+01 : f32
      %broadcast_in_dim3A_2170 = vector.broadcast %jit3A_2169 : f32 to vector<16xf32>
      %select_n3A_2171 = arith.select %gt3A_2167, %broadcast_in_dim3A_2170, %select_n3A_2027 : vector<16xi1>, vector<16xf32>
      %max3A_2172 = arith.maximumf %get3A_137, %gather3A_2081 : vector<16xf32>
      %max3A_2173 = arith.maximumf %get3A_142, %gather3A_2093 : vector<16xf32>
      %min3A_2174 = arith.minimumf %get3A_147, %gather3A_2105 : vector<16xf32>
      %min3A_2175 = arith.minimumf %get3A_152, %gather3A_2117 : vector<16xf32>
      %sub3A_2176 = arith.subf %min3A_2174, %max3A_2172 : vector<16xf32>
      %max3A_2177 = arith.constant 0.000000e+00 : f32
      %max3A_2178 = vector.broadcast %max3A_2177 : f32 to vector<16xf32>
      %max3A_2179 = arith.maximumf %sub3A_2176, %max3A_2178 : vector<16xf32>
      %sub3A_2180 = arith.subf %min3A_2175, %max3A_2173 : vector<16xf32>
      %max3A_2181 = arith.constant 0.000000e+00 : f32
      %max3A_2182 = vector.broadcast %max3A_2181 : f32 to vector<16xf32>
      %max3A_2183 = arith.maximumf %sub3A_2180, %max3A_2182 : vector<16xf32>
      %mul3A_2184 = arith.mulf %max3A_2179, %max3A_2183 : vector<16xf32>
      %add3A_2185 = arith.addf %add3A_158, %gather3A_2129 : vector<16xf32>
      %sub3A_2186 = arith.subf %add3A_2185, %mul3A_2184 : vector<16xf32>
      %div3A_2187 = arith.divf %mul3A_2184, %sub3A_2186 : vector<16xf32>
      %gt3A_2188 = arith.cmpf ogt, %div3A_2187, %select_n3A_2045 : vector<16xf32>
      %select_n3A_2189 = arith.select %gt3A_2188, %div3A_2187, %select_n3A_2045 : vector<16xi1>, vector<16xf32>
      %jit3A_2190 = arith.constant 1.300000e+01 : f32
      %broadcast_in_dim3A_2191 = vector.broadcast %jit3A_2190 : f32 to vector<16xf32>
      %select_n3A_2192 = arith.select %gt3A_2188, %broadcast_in_dim3A_2191, %select_n3A_2048 : vector<16xi1>, vector<16xf32>
      %max3A_2193 = arith.maximumf %get3A_166, %gather3A_2081 : vector<16xf32>
      %max3A_2194 = arith.maximumf %get3A_171, %gather3A_2093 : vector<16xf32>
      %min3A_2195 = arith.minimumf %get3A_176, %gather3A_2105 : vector<16xf32>
      %min3A_2196 = arith.minimumf %get3A_181, %gather3A_2117 : vector<16xf32>
      %sub3A_2197 = arith.subf %min3A_2195, %max3A_2193 : vector<16xf32>
      %max3A_2198 = arith.constant 0.000000e+00 : f32
      %max3A_2199 = vector.broadcast %max3A_2198 : f32 to vector<16xf32>
      %max3A_2200 = arith.maximumf %sub3A_2197, %max3A_2199 : vector<16xf32>
      %sub3A_2201 = arith.subf %min3A_2196, %max3A_2194 : vector<16xf32>
      %max3A_2202 = arith.constant 0.000000e+00 : f32
      %max3A_2203 = vector.broadcast %max3A_2202 : f32 to vector<16xf32>
      %max3A_2204 = arith.maximumf %sub3A_2201, %max3A_2203 : vector<16xf32>
      %mul3A_2205 = arith.mulf %max3A_2200, %max3A_2204 : vector<16xf32>
      %add3A_2206 = arith.addf %add3A_187, %gather3A_2129 : vector<16xf32>
      %sub3A_2207 = arith.subf %add3A_2206, %mul3A_2205 : vector<16xf32>
      %div3A_2208 = arith.divf %mul3A_2205, %sub3A_2207 : vector<16xf32>
      %gt3A_2209 = arith.cmpf ogt, %div3A_2208, %select_n3A_2066 : vector<16xf32>
      %select_n3A_2210 = arith.select %gt3A_2209, %div3A_2208, %select_n3A_2066 : vector<16xi1>, vector<16xf32>
      %jit3A_2211 = arith.constant 1.300000e+01 : f32
      %broadcast_in_dim3A_2212 = vector.broadcast %jit3A_2211 : f32 to vector<16xf32>
      %select_n3A_2213 = arith.select %gt3A_2209, %broadcast_in_dim3A_2212, %select_n3A_2069 : vector<16xi1>, vector<16xf32>
      %broadcast_in_dim3A_2214 = arith.constant 14 : i32
      %broadcast_in_dim3A_2215 = vector.broadcast %broadcast_in_dim3A_2214 : i32 to vector<16xi32>
      %lt3A_2216 = arith.constant 0 : i32
      %lt3A_2217 = vector.broadcast %lt3A_2216 : i32 to vector<16xi32>
      %lt3A_2218 = arith.cmpi slt, %broadcast_in_dim3A_2215, %lt3A_2217 : vector<16xi32>
      %add3A_2219 = arith.constant 16 : i32
      %add3A_2220 = vector.broadcast %add3A_2219 : i32 to vector<16xi32>
      %add3A_2221 = arith.addi %broadcast_in_dim3A_2215, %add3A_2220 : vector<16xi32>
      %select_n3A_2222 = arith.select %lt3A_2218, %add3A_2221, %broadcast_in_dim3A_2215 : vector<16xi1>, vector<16xi32>
      %broadcast_in_dim3A_2223 = vector.shape_cast %select_n3A_2222 : vector<16xi32> to vector<16x1xi32>
      %gather3A_2224 = vector.shape_cast %broadcast_in_dim3A_2223 : vector<16x1xi32> to vector<16xi32>
      %gather3A_2225 = tpu.dynamic_gather %get3A_40[%gather3A_2224] in [0] : vector<16xf32>, vector<16xi32> -> vector<16xf32>
      %broadcast_in_dim3A_2226 = arith.constant 14 : i32
      %broadcast_in_dim3A_2227 = vector.broadcast %broadcast_in_dim3A_2226 : i32 to vector<16xi32>
      %lt3A_2228 = arith.constant 0 : i32
      %lt3A_2229 = vector.broadcast %lt3A_2228 : i32 to vector<16xi32>
      %lt3A_2230 = arith.cmpi slt, %broadcast_in_dim3A_2227, %lt3A_2229 : vector<16xi32>
      %add3A_2231 = arith.constant 16 : i32
      %add3A_2232 = vector.broadcast %add3A_2231 : i32 to vector<16xi32>
      %add3A_2233 = arith.addi %broadcast_in_dim3A_2227, %add3A_2232 : vector<16xi32>
      %select_n3A_2234 = arith.select %lt3A_2230, %add3A_2233, %broadcast_in_dim3A_2227 : vector<16xi1>, vector<16xi32>
      %broadcast_in_dim3A_2235 = vector.shape_cast %select_n3A_2234 : vector<16xi32> to vector<16x1xi32>
      %gather3A_2236 = vector.shape_cast %broadcast_in_dim3A_2235 : vector<16x1xi32> to vector<16xi32>
      %gather3A_2237 = tpu.dynamic_gather %get3A_45[%gather3A_2236] in [0] : vector<16xf32>, vector<16xi32> -> vector<16xf32>
      %broadcast_in_dim3A_2238 = arith.constant 14 : i32
      %broadcast_in_dim3A_2239 = vector.broadcast %broadcast_in_dim3A_2238 : i32 to vector<16xi32>
      %lt3A_2240 = arith.constant 0 : i32
      %lt3A_2241 = vector.broadcast %lt3A_2240 : i32 to vector<16xi32>
      %lt3A_2242 = arith.cmpi slt, %broadcast_in_dim3A_2239, %lt3A_2241 : vector<16xi32>
      %add3A_2243 = arith.constant 16 : i32
      %add3A_2244 = vector.broadcast %add3A_2243 : i32 to vector<16xi32>
      %add3A_2245 = arith.addi %broadcast_in_dim3A_2239, %add3A_2244 : vector<16xi32>
      %select_n3A_2246 = arith.select %lt3A_2242, %add3A_2245, %broadcast_in_dim3A_2239 : vector<16xi1>, vector<16xi32>
      %broadcast_in_dim3A_2247 = vector.shape_cast %select_n3A_2246 : vector<16xi32> to vector<16x1xi32>
      %gather3A_2248 = vector.shape_cast %broadcast_in_dim3A_2247 : vector<16x1xi32> to vector<16xi32>
      %gather3A_2249 = tpu.dynamic_gather %get3A_50[%gather3A_2248] in [0] : vector<16xf32>, vector<16xi32> -> vector<16xf32>
      %broadcast_in_dim3A_2250 = arith.constant 14 : i32
      %broadcast_in_dim3A_2251 = vector.broadcast %broadcast_in_dim3A_2250 : i32 to vector<16xi32>
      %lt3A_2252 = arith.constant 0 : i32
      %lt3A_2253 = vector.broadcast %lt3A_2252 : i32 to vector<16xi32>
      %lt3A_2254 = arith.cmpi slt, %broadcast_in_dim3A_2251, %lt3A_2253 : vector<16xi32>
      %add3A_2255 = arith.constant 16 : i32
      %add3A_2256 = vector.broadcast %add3A_2255 : i32 to vector<16xi32>
      %add3A_2257 = arith.addi %broadcast_in_dim3A_2251, %add3A_2256 : vector<16xi32>
      %select_n3A_2258 = arith.select %lt3A_2254, %add3A_2257, %broadcast_in_dim3A_2251 : vector<16xi1>, vector<16xi32>
      %broadcast_in_dim3A_2259 = vector.shape_cast %select_n3A_2258 : vector<16xi32> to vector<16x1xi32>
      %gather3A_2260 = vector.shape_cast %broadcast_in_dim3A_2259 : vector<16x1xi32> to vector<16xi32>
      %gather3A_2261 = tpu.dynamic_gather %get3A_55[%gather3A_2260] in [0] : vector<16xf32>, vector<16xi32> -> vector<16xf32>
      %broadcast_in_dim3A_2262 = arith.constant 14 : i32
      %broadcast_in_dim3A_2263 = vector.broadcast %broadcast_in_dim3A_2262 : i32 to vector<16xi32>
      %lt3A_2264 = arith.constant 0 : i32
      %lt3A_2265 = vector.broadcast %lt3A_2264 : i32 to vector<16xi32>
      %lt3A_2266 = arith.cmpi slt, %broadcast_in_dim3A_2263, %lt3A_2265 : vector<16xi32>
      %add3A_2267 = arith.constant 16 : i32
      %add3A_2268 = vector.broadcast %add3A_2267 : i32 to vector<16xi32>
      %add3A_2269 = arith.addi %broadcast_in_dim3A_2263, %add3A_2268 : vector<16xi32>
      %select_n3A_2270 = arith.select %lt3A_2266, %add3A_2269, %broadcast_in_dim3A_2263 : vector<16xi1>, vector<16xi32>
      %broadcast_in_dim3A_2271 = vector.shape_cast %select_n3A_2270 : vector<16xi32> to vector<16x1xi32>
      %gather3A_2272 = vector.shape_cast %broadcast_in_dim3A_2271 : vector<16x1xi32> to vector<16xi32>
      %gather3A_2273 = tpu.dynamic_gather %mul3A_58[%gather3A_2272] in [0] : vector<16xf32>, vector<16xi32> -> vector<16xf32>
      %max3A_2274 = arith.maximumf %get3A_79, %gather3A_2225 : vector<16xf32>
      %max3A_2275 = arith.maximumf %get3A_84, %gather3A_2237 : vector<16xf32>
      %min3A_2276 = arith.minimumf %get3A_89, %gather3A_2249 : vector<16xf32>
      %min3A_2277 = arith.minimumf %get3A_94, %gather3A_2261 : vector<16xf32>
      %sub3A_2278 = arith.subf %min3A_2276, %max3A_2274 : vector<16xf32>
      %max3A_2279 = arith.constant 0.000000e+00 : f32
      %max3A_2280 = vector.broadcast %max3A_2279 : f32 to vector<16xf32>
      %max3A_2281 = arith.maximumf %sub3A_2278, %max3A_2280 : vector<16xf32>
      %sub3A_2282 = arith.subf %min3A_2277, %max3A_2275 : vector<16xf32>
      %max3A_2283 = arith.constant 0.000000e+00 : f32
      %max3A_2284 = vector.broadcast %max3A_2283 : f32 to vector<16xf32>
      %max3A_2285 = arith.maximumf %sub3A_2282, %max3A_2284 : vector<16xf32>
      %mul3A_2286 = arith.mulf %max3A_2281, %max3A_2285 : vector<16xf32>
      %add3A_2287 = arith.addf %add3A_100, %gather3A_2273 : vector<16xf32>
      %sub3A_2288 = arith.subf %add3A_2287, %mul3A_2286 : vector<16xf32>
      %div3A_2289 = arith.divf %mul3A_2286, %sub3A_2288 : vector<16xf32>
      %gt3A_2290 = arith.cmpf ogt, %div3A_2289, %select_n3A_2147 : vector<16xf32>
      %select_n3A_2291 = arith.select %gt3A_2290, %div3A_2289, %select_n3A_2147 : vector<16xi1>, vector<16xf32>
      %jit3A_2292 = arith.constant 1.400000e+01 : f32
      %broadcast_in_dim3A_2293 = vector.broadcast %jit3A_2292 : f32 to vector<16xf32>
      %select_n3A_2294 = arith.select %gt3A_2290, %broadcast_in_dim3A_2293, %select_n3A_2150 : vector<16xi1>, vector<16xf32>
      %max3A_2295 = arith.maximumf %get3A_108, %gather3A_2225 : vector<16xf32>
      %max3A_2296 = arith.maximumf %get3A_113, %gather3A_2237 : vector<16xf32>
      %min3A_2297 = arith.minimumf %get3A_118, %gather3A_2249 : vector<16xf32>
      %min3A_2298 = arith.minimumf %get3A_123, %gather3A_2261 : vector<16xf32>
      %sub3A_2299 = arith.subf %min3A_2297, %max3A_2295 : vector<16xf32>
      %max3A_2300 = arith.constant 0.000000e+00 : f32
      %max3A_2301 = vector.broadcast %max3A_2300 : f32 to vector<16xf32>
      %max3A_2302 = arith.maximumf %sub3A_2299, %max3A_2301 : vector<16xf32>
      %sub3A_2303 = arith.subf %min3A_2298, %max3A_2296 : vector<16xf32>
      %max3A_2304 = arith.constant 0.000000e+00 : f32
      %max3A_2305 = vector.broadcast %max3A_2304 : f32 to vector<16xf32>
      %max3A_2306 = arith.maximumf %sub3A_2303, %max3A_2305 : vector<16xf32>
      %mul3A_2307 = arith.mulf %max3A_2302, %max3A_2306 : vector<16xf32>
      %add3A_2308 = arith.addf %add3A_129, %gather3A_2273 : vector<16xf32>
      %sub3A_2309 = arith.subf %add3A_2308, %mul3A_2307 : vector<16xf32>
      %div3A_2310 = arith.divf %mul3A_2307, %sub3A_2309 : vector<16xf32>
      %gt3A_2311 = arith.cmpf ogt, %div3A_2310, %select_n3A_2168 : vector<16xf32>
      %select_n3A_2312 = arith.select %gt3A_2311, %div3A_2310, %select_n3A_2168 : vector<16xi1>, vector<16xf32>
      %jit3A_2313 = arith.constant 1.400000e+01 : f32
      %broadcast_in_dim3A_2314 = vector.broadcast %jit3A_2313 : f32 to vector<16xf32>
      %select_n3A_2315 = arith.select %gt3A_2311, %broadcast_in_dim3A_2314, %select_n3A_2171 : vector<16xi1>, vector<16xf32>
      %max3A_2316 = arith.maximumf %get3A_137, %gather3A_2225 : vector<16xf32>
      %max3A_2317 = arith.maximumf %get3A_142, %gather3A_2237 : vector<16xf32>
      %min3A_2318 = arith.minimumf %get3A_147, %gather3A_2249 : vector<16xf32>
      %min3A_2319 = arith.minimumf %get3A_152, %gather3A_2261 : vector<16xf32>
      %sub3A_2320 = arith.subf %min3A_2318, %max3A_2316 : vector<16xf32>
      %max3A_2321 = arith.constant 0.000000e+00 : f32
      %max3A_2322 = vector.broadcast %max3A_2321 : f32 to vector<16xf32>
      %max3A_2323 = arith.maximumf %sub3A_2320, %max3A_2322 : vector<16xf32>
      %sub3A_2324 = arith.subf %min3A_2319, %max3A_2317 : vector<16xf32>
      %max3A_2325 = arith.constant 0.000000e+00 : f32
      %max3A_2326 = vector.broadcast %max3A_2325 : f32 to vector<16xf32>
      %max3A_2327 = arith.maximumf %sub3A_2324, %max3A_2326 : vector<16xf32>
      %mul3A_2328 = arith.mulf %max3A_2323, %max3A_2327 : vector<16xf32>
      %add3A_2329 = arith.addf %add3A_158, %gather3A_2273 : vector<16xf32>
      %sub3A_2330 = arith.subf %add3A_2329, %mul3A_2328 : vector<16xf32>
      %div3A_2331 = arith.divf %mul3A_2328, %sub3A_2330 : vector<16xf32>
      %gt3A_2332 = arith.cmpf ogt, %div3A_2331, %select_n3A_2189 : vector<16xf32>
      %select_n3A_2333 = arith.select %gt3A_2332, %div3A_2331, %select_n3A_2189 : vector<16xi1>, vector<16xf32>
      %jit3A_2334 = arith.constant 1.400000e+01 : f32
      %broadcast_in_dim3A_2335 = vector.broadcast %jit3A_2334 : f32 to vector<16xf32>
      %select_n3A_2336 = arith.select %gt3A_2332, %broadcast_in_dim3A_2335, %select_n3A_2192 : vector<16xi1>, vector<16xf32>
      %max3A_2337 = arith.maximumf %get3A_166, %gather3A_2225 : vector<16xf32>
      %max3A_2338 = arith.maximumf %get3A_171, %gather3A_2237 : vector<16xf32>
      %min3A_2339 = arith.minimumf %get3A_176, %gather3A_2249 : vector<16xf32>
      %min3A_2340 = arith.minimumf %get3A_181, %gather3A_2261 : vector<16xf32>
      %sub3A_2341 = arith.subf %min3A_2339, %max3A_2337 : vector<16xf32>
      %max3A_2342 = arith.constant 0.000000e+00 : f32
      %max3A_2343 = vector.broadcast %max3A_2342 : f32 to vector<16xf32>
      %max3A_2344 = arith.maximumf %sub3A_2341, %max3A_2343 : vector<16xf32>
      %sub3A_2345 = arith.subf %min3A_2340, %max3A_2338 : vector<16xf32>
      %max3A_2346 = arith.constant 0.000000e+00 : f32
      %max3A_2347 = vector.broadcast %max3A_2346 : f32 to vector<16xf32>
      %max3A_2348 = arith.maximumf %sub3A_2345, %max3A_2347 : vector<16xf32>
      %mul3A_2349 = arith.mulf %max3A_2344, %max3A_2348 : vector<16xf32>
      %add3A_2350 = arith.addf %add3A_187, %gather3A_2273 : vector<16xf32>
      %sub3A_2351 = arith.subf %add3A_2350, %mul3A_2349 : vector<16xf32>
      %div3A_2352 = arith.divf %mul3A_2349, %sub3A_2351 : vector<16xf32>
      %gt3A_2353 = arith.cmpf ogt, %div3A_2352, %select_n3A_2210 : vector<16xf32>
      %select_n3A_2354 = arith.select %gt3A_2353, %div3A_2352, %select_n3A_2210 : vector<16xi1>, vector<16xf32>
      %jit3A_2355 = arith.constant 1.400000e+01 : f32
      %broadcast_in_dim3A_2356 = vector.broadcast %jit3A_2355 : f32 to vector<16xf32>
      %select_n3A_2357 = arith.select %gt3A_2353, %broadcast_in_dim3A_2356, %select_n3A_2213 : vector<16xi1>, vector<16xf32>
      %broadcast_in_dim3A_2358 = arith.constant 15 : i32
      %broadcast_in_dim3A_2359 = vector.broadcast %broadcast_in_dim3A_2358 : i32 to vector<16xi32>
      %lt3A_2360 = arith.constant 0 : i32
      %lt3A_2361 = vector.broadcast %lt3A_2360 : i32 to vector<16xi32>
      %lt3A_2362 = arith.cmpi slt, %broadcast_in_dim3A_2359, %lt3A_2361 : vector<16xi32>
      %add3A_2363 = arith.constant 16 : i32
      %add3A_2364 = vector.broadcast %add3A_2363 : i32 to vector<16xi32>
      %add3A_2365 = arith.addi %broadcast_in_dim3A_2359, %add3A_2364 : vector<16xi32>
      %select_n3A_2366 = arith.select %lt3A_2362, %add3A_2365, %broadcast_in_dim3A_2359 : vector<16xi1>, vector<16xi32>
      %broadcast_in_dim3A_2367 = vector.shape_cast %select_n3A_2366 : vector<16xi32> to vector<16x1xi32>
      %gather3A_2368 = vector.shape_cast %broadcast_in_dim3A_2367 : vector<16x1xi32> to vector<16xi32>
      %gather3A_2369 = tpu.dynamic_gather %get3A_40[%gather3A_2368] in [0] : vector<16xf32>, vector<16xi32> -> vector<16xf32>
      %broadcast_in_dim3A_2370 = arith.constant 15 : i32
      %broadcast_in_dim3A_2371 = vector.broadcast %broadcast_in_dim3A_2370 : i32 to vector<16xi32>
      %lt3A_2372 = arith.constant 0 : i32
      %lt3A_2373 = vector.broadcast %lt3A_2372 : i32 to vector<16xi32>
      %lt3A_2374 = arith.cmpi slt, %broadcast_in_dim3A_2371, %lt3A_2373 : vector<16xi32>
      %add3A_2375 = arith.constant 16 : i32
      %add3A_2376 = vector.broadcast %add3A_2375 : i32 to vector<16xi32>
      %add3A_2377 = arith.addi %broadcast_in_dim3A_2371, %add3A_2376 : vector<16xi32>
      %select_n3A_2378 = arith.select %lt3A_2374, %add3A_2377, %broadcast_in_dim3A_2371 : vector<16xi1>, vector<16xi32>
      %broadcast_in_dim3A_2379 = vector.shape_cast %select_n3A_2378 : vector<16xi32> to vector<16x1xi32>
      %gather3A_2380 = vector.shape_cast %broadcast_in_dim3A_2379 : vector<16x1xi32> to vector<16xi32>
      %gather3A_2381 = tpu.dynamic_gather %get3A_45[%gather3A_2380] in [0] : vector<16xf32>, vector<16xi32> -> vector<16xf32>
      %broadcast_in_dim3A_2382 = arith.constant 15 : i32
      %broadcast_in_dim3A_2383 = vector.broadcast %broadcast_in_dim3A_2382 : i32 to vector<16xi32>
      %lt3A_2384 = arith.constant 0 : i32
      %lt3A_2385 = vector.broadcast %lt3A_2384 : i32 to vector<16xi32>
      %lt3A_2386 = arith.cmpi slt, %broadcast_in_dim3A_2383, %lt3A_2385 : vector<16xi32>
      %add3A_2387 = arith.constant 16 : i32
      %add3A_2388 = vector.broadcast %add3A_2387 : i32 to vector<16xi32>
      %add3A_2389 = arith.addi %broadcast_in_dim3A_2383, %add3A_2388 : vector<16xi32>
      %select_n3A_2390 = arith.select %lt3A_2386, %add3A_2389, %broadcast_in_dim3A_2383 : vector<16xi1>, vector<16xi32>
      %broadcast_in_dim3A_2391 = vector.shape_cast %select_n3A_2390 : vector<16xi32> to vector<16x1xi32>
      %gather3A_2392 = vector.shape_cast %broadcast_in_dim3A_2391 : vector<16x1xi32> to vector<16xi32>
      %gather3A_2393 = tpu.dynamic_gather %get3A_50[%gather3A_2392] in [0] : vector<16xf32>, vector<16xi32> -> vector<16xf32>
      %broadcast_in_dim3A_2394 = arith.constant 15 : i32
      %broadcast_in_dim3A_2395 = vector.broadcast %broadcast_in_dim3A_2394 : i32 to vector<16xi32>
      %lt3A_2396 = arith.constant 0 : i32
      %lt3A_2397 = vector.broadcast %lt3A_2396 : i32 to vector<16xi32>
      %lt3A_2398 = arith.cmpi slt, %broadcast_in_dim3A_2395, %lt3A_2397 : vector<16xi32>
      %add3A_2399 = arith.constant 16 : i32
      %add3A_2400 = vector.broadcast %add3A_2399 : i32 to vector<16xi32>
      %add3A_2401 = arith.addi %broadcast_in_dim3A_2395, %add3A_2400 : vector<16xi32>
      %select_n3A_2402 = arith.select %lt3A_2398, %add3A_2401, %broadcast_in_dim3A_2395 : vector<16xi1>, vector<16xi32>
      %broadcast_in_dim3A_2403 = vector.shape_cast %select_n3A_2402 : vector<16xi32> to vector<16x1xi32>
      %gather3A_2404 = vector.shape_cast %broadcast_in_dim3A_2403 : vector<16x1xi32> to vector<16xi32>
      %gather3A_2405 = tpu.dynamic_gather %get3A_55[%gather3A_2404] in [0] : vector<16xf32>, vector<16xi32> -> vector<16xf32>
      %broadcast_in_dim3A_2406 = arith.constant 15 : i32
      %broadcast_in_dim3A_2407 = vector.broadcast %broadcast_in_dim3A_2406 : i32 to vector<16xi32>
      %lt3A_2408 = arith.constant 0 : i32
      %lt3A_2409 = vector.broadcast %lt3A_2408 : i32 to vector<16xi32>
      %lt3A_2410 = arith.cmpi slt, %broadcast_in_dim3A_2407, %lt3A_2409 : vector<16xi32>
      %add3A_2411 = arith.constant 16 : i32
      %add3A_2412 = vector.broadcast %add3A_2411 : i32 to vector<16xi32>
      %add3A_2413 = arith.addi %broadcast_in_dim3A_2407, %add3A_2412 : vector<16xi32>
      %select_n3A_2414 = arith.select %lt3A_2410, %add3A_2413, %broadcast_in_dim3A_2407 : vector<16xi1>, vector<16xi32>
      %broadcast_in_dim3A_2415 = vector.shape_cast %select_n3A_2414 : vector<16xi32> to vector<16x1xi32>
      %gather3A_2416 = vector.shape_cast %broadcast_in_dim3A_2415 : vector<16x1xi32> to vector<16xi32>
      %gather3A_2417 = tpu.dynamic_gather %mul3A_58[%gather3A_2416] in [0] : vector<16xf32>, vector<16xi32> -> vector<16xf32>
      %max3A_2418 = arith.maximumf %get3A_79, %gather3A_2369 : vector<16xf32>
      %max3A_2419 = arith.maximumf %get3A_84, %gather3A_2381 : vector<16xf32>
      %min3A_2420 = arith.minimumf %get3A_89, %gather3A_2393 : vector<16xf32>
      %min3A_2421 = arith.minimumf %get3A_94, %gather3A_2405 : vector<16xf32>
      %sub3A_2422 = arith.subf %min3A_2420, %max3A_2418 : vector<16xf32>
      %max3A_2423 = arith.constant 0.000000e+00 : f32
      %max3A_2424 = vector.broadcast %max3A_2423 : f32 to vector<16xf32>
      %max3A_2425 = arith.maximumf %sub3A_2422, %max3A_2424 : vector<16xf32>
      %sub3A_2426 = arith.subf %min3A_2421, %max3A_2419 : vector<16xf32>
      %max3A_2427 = arith.constant 0.000000e+00 : f32
      %max3A_2428 = vector.broadcast %max3A_2427 : f32 to vector<16xf32>
      %max3A_2429 = arith.maximumf %sub3A_2426, %max3A_2428 : vector<16xf32>
      %mul3A_2430 = arith.mulf %max3A_2425, %max3A_2429 : vector<16xf32>
      %add3A_2431 = arith.addf %add3A_100, %gather3A_2417 : vector<16xf32>
      %sub3A_2432 = arith.subf %add3A_2431, %mul3A_2430 : vector<16xf32>
      %div3A_2433 = arith.divf %mul3A_2430, %sub3A_2432 : vector<16xf32>
      %gt3A_2434 = arith.cmpf ogt, %div3A_2433, %select_n3A_2291 : vector<16xf32>
      %select_n3A_2435 = arith.select %gt3A_2434, %div3A_2433, %select_n3A_2291 : vector<16xi1>, vector<16xf32>
      %jit3A_2436 = arith.constant 1.500000e+01 : f32
      %broadcast_in_dim3A_2437 = vector.broadcast %jit3A_2436 : f32 to vector<16xf32>
      %select_n3A_2438 = arith.select %gt3A_2434, %broadcast_in_dim3A_2437, %select_n3A_2294 : vector<16xi1>, vector<16xf32>
      %max3A_2439 = arith.maximumf %get3A_108, %gather3A_2369 : vector<16xf32>
      %max3A_2440 = arith.maximumf %get3A_113, %gather3A_2381 : vector<16xf32>
      %min3A_2441 = arith.minimumf %get3A_118, %gather3A_2393 : vector<16xf32>
      %min3A_2442 = arith.minimumf %get3A_123, %gather3A_2405 : vector<16xf32>
      %sub3A_2443 = arith.subf %min3A_2441, %max3A_2439 : vector<16xf32>
      %max3A_2444 = arith.constant 0.000000e+00 : f32
      %max3A_2445 = vector.broadcast %max3A_2444 : f32 to vector<16xf32>
      %max3A_2446 = arith.maximumf %sub3A_2443, %max3A_2445 : vector<16xf32>
      %sub3A_2447 = arith.subf %min3A_2442, %max3A_2440 : vector<16xf32>
      %max3A_2448 = arith.constant 0.000000e+00 : f32
      %max3A_2449 = vector.broadcast %max3A_2448 : f32 to vector<16xf32>
      %max3A_2450 = arith.maximumf %sub3A_2447, %max3A_2449 : vector<16xf32>
      %mul3A_2451 = arith.mulf %max3A_2446, %max3A_2450 : vector<16xf32>
      %add3A_2452 = arith.addf %add3A_129, %gather3A_2417 : vector<16xf32>
      %sub3A_2453 = arith.subf %add3A_2452, %mul3A_2451 : vector<16xf32>
      %div3A_2454 = arith.divf %mul3A_2451, %sub3A_2453 : vector<16xf32>
      %gt3A_2455 = arith.cmpf ogt, %div3A_2454, %select_n3A_2312 : vector<16xf32>
      %select_n3A_2456 = arith.select %gt3A_2455, %div3A_2454, %select_n3A_2312 : vector<16xi1>, vector<16xf32>
      %jit3A_2457 = arith.constant 1.500000e+01 : f32
      %broadcast_in_dim3A_2458 = vector.broadcast %jit3A_2457 : f32 to vector<16xf32>
      %select_n3A_2459 = arith.select %gt3A_2455, %broadcast_in_dim3A_2458, %select_n3A_2315 : vector<16xi1>, vector<16xf32>
      %max3A_2460 = arith.maximumf %get3A_137, %gather3A_2369 : vector<16xf32>
      %max3A_2461 = arith.maximumf %get3A_142, %gather3A_2381 : vector<16xf32>
      %min3A_2462 = arith.minimumf %get3A_147, %gather3A_2393 : vector<16xf32>
      %min3A_2463 = arith.minimumf %get3A_152, %gather3A_2405 : vector<16xf32>
      %sub3A_2464 = arith.subf %min3A_2462, %max3A_2460 : vector<16xf32>
      %max3A_2465 = arith.constant 0.000000e+00 : f32
      %max3A_2466 = vector.broadcast %max3A_2465 : f32 to vector<16xf32>
      %max3A_2467 = arith.maximumf %sub3A_2464, %max3A_2466 : vector<16xf32>
      %sub3A_2468 = arith.subf %min3A_2463, %max3A_2461 : vector<16xf32>
      %max3A_2469 = arith.constant 0.000000e+00 : f32
      %max3A_2470 = vector.broadcast %max3A_2469 : f32 to vector<16xf32>
      %max3A_2471 = arith.maximumf %sub3A_2468, %max3A_2470 : vector<16xf32>
      %mul3A_2472 = arith.mulf %max3A_2467, %max3A_2471 : vector<16xf32>
      %add3A_2473 = arith.addf %add3A_158, %gather3A_2417 : vector<16xf32>
      %sub3A_2474 = arith.subf %add3A_2473, %mul3A_2472 : vector<16xf32>
      %div3A_2475 = arith.divf %mul3A_2472, %sub3A_2474 : vector<16xf32>
      %gt3A_2476 = arith.cmpf ogt, %div3A_2475, %select_n3A_2333 : vector<16xf32>
      %select_n3A_2477 = arith.select %gt3A_2476, %div3A_2475, %select_n3A_2333 : vector<16xi1>, vector<16xf32>
      %jit3A_2478 = arith.constant 1.500000e+01 : f32
      %broadcast_in_dim3A_2479 = vector.broadcast %jit3A_2478 : f32 to vector<16xf32>
      %select_n3A_2480 = arith.select %gt3A_2476, %broadcast_in_dim3A_2479, %select_n3A_2336 : vector<16xi1>, vector<16xf32>
      %max3A_2481 = arith.maximumf %get3A_166, %gather3A_2369 : vector<16xf32>
      %max3A_2482 = arith.maximumf %get3A_171, %gather3A_2381 : vector<16xf32>
      %min3A_2483 = arith.minimumf %get3A_176, %gather3A_2393 : vector<16xf32>
      %min3A_2484 = arith.minimumf %get3A_181, %gather3A_2405 : vector<16xf32>
      %sub3A_2485 = arith.subf %min3A_2483, %max3A_2481 : vector<16xf32>
      %max3A_2486 = arith.constant 0.000000e+00 : f32
      %max3A_2487 = vector.broadcast %max3A_2486 : f32 to vector<16xf32>
      %max3A_2488 = arith.maximumf %sub3A_2485, %max3A_2487 : vector<16xf32>
      %sub3A_2489 = arith.subf %min3A_2484, %max3A_2482 : vector<16xf32>
      %max3A_2490 = arith.constant 0.000000e+00 : f32
      %max3A_2491 = vector.broadcast %max3A_2490 : f32 to vector<16xf32>
      %max3A_2492 = arith.maximumf %sub3A_2489, %max3A_2491 : vector<16xf32>
      %mul3A_2493 = arith.mulf %max3A_2488, %max3A_2492 : vector<16xf32>
      %add3A_2494 = arith.addf %add3A_187, %gather3A_2417 : vector<16xf32>
      %sub3A_2495 = arith.subf %add3A_2494, %mul3A_2493 : vector<16xf32>
      %div3A_2496 = arith.divf %mul3A_2493, %sub3A_2495 : vector<16xf32>
      %gt3A_2497 = arith.cmpf ogt, %div3A_2496, %select_n3A_2354 : vector<16xf32>
      %select_n3A_2498 = arith.select %gt3A_2497, %div3A_2496, %select_n3A_2354 : vector<16xi1>, vector<16xf32>
      %jit3A_2499 = arith.constant 1.500000e+01 : f32
      %broadcast_in_dim3A_2500 = vector.broadcast %jit3A_2499 : f32 to vector<16xf32>
      %select_n3A_2501 = arith.select %gt3A_2497, %broadcast_in_dim3A_2500, %select_n3A_2357 : vector<16xi1>, vector<16xf32>
      %add3A_2502 = arith.constant 0 : i32
      %add3A_2503 = arith.addi %multiple_of3A_71, %add3A_2502 : i32
      %multiple_of3A_2504 = tpu.assume_multiple %add3A_2503, 8 : i32
      %swap3A = arith.constant 0 : i32
      %swap3A_2505 = arith.index_cast %swap3A : i32 to index
      %swap3A_2506 = arith.index_cast %multiple_of3A_2504 : i32 to index
      %swap3A_2507 = tpu.vector_load %arg7[%swap3A_2505, %swap3A_2506] {strides = array<i32>} : memref<2x1280xf32, #tpu.memory_space<vmem>>, vector<1x16xf32>,
      %swap3A_2508 = vector.shape_cast %swap3A_2507 : vector<1x16xf32> to vector<16xf32>
      %swap3A_2509 = vector.shape_cast %select_n3A_2435 : vector<16xf32> to vector<1x16xf32>
      tpu.vector_store %arg7[%swap3A_2505, %swap3A_2506], %swap3A_2509 {strides = array<i32>} : memref<2x1280xf32, #tpu.memory_space<vmem>>, vector<1x16xf32>,
      %swap3A_2510 = arith.constant 1 : i32
      %swap3A_2511 = arith.index_cast %swap3A_2510 : i32 to index
      %swap3A_2512 = arith.index_cast %multiple_of3A_2504 : i32 to index
      %swap3A_2513 = tpu.vector_load %arg7[%swap3A_2511, %swap3A_2512] {strides = array<i32>} : memref<2x1280xf32, #tpu.memory_space<vmem>>, vector<1x16xf32>,
      %swap3A_2514 = vector.shape_cast %swap3A_2513 : vector<1x16xf32> to vector<16xf32>
      %swap3A_2515 = vector.shape_cast %select_n3A_2438 : vector<16xf32> to vector<1x16xf32>
      tpu.vector_store %arg7[%swap3A_2511, %swap3A_2512], %swap3A_2515 {strides = array<i32>} : memref<2x1280xf32, #tpu.memory_space<vmem>>, vector<1x16xf32>,
      %add3A_2516 = arith.constant 16 : i32
      %add3A_2517 = arith.addi %multiple_of3A_71, %add3A_2516 : i32
      %multiple_of3A_2518 = tpu.assume_multiple %add3A_2517, 8 : i32
      %swap3A_2519 = arith.constant 0 : i32
      %swap3A_2520 = arith.index_cast %swap3A_2519 : i32 to index
      %swap3A_2521 = arith.index_cast %multiple_of3A_2518 : i32 to index
      %swap3A_2522 = tpu.vector_load %arg7[%swap3A_2520, %swap3A_2521] {strides = array<i32>} : memref<2x1280xf32, #tpu.memory_space<vmem>>, vector<1x16xf32>,
      %swap3A_2523 = vector.shape_cast %swap3A_2522 : vector<1x16xf32> to vector<16xf32>
      %swap3A_2524 = vector.shape_cast %select_n3A_2456 : vector<16xf32> to vector<1x16xf32>
      tpu.vector_store %arg7[%swap3A_2520, %swap3A_2521], %swap3A_2524 {strides = array<i32>} : memref<2x1280xf32, #tpu.memory_space<vmem>>, vector<1x16xf32>,
      %swap3A_2525 = arith.constant 1 : i32
      %swap3A_2526 = arith.index_cast %swap3A_2525 : i32 to index
      %swap3A_2527 = arith.index_cast %multiple_of3A_2518 : i32 to index
      %swap3A_2528 = tpu.vector_load %arg7[%swap3A_2526, %swap3A_2527] {strides = array<i32>} : memref<2x1280xf32, #tpu.memory_space<vmem>>, vector<1x16xf32>,
      %swap3A_2529 = vector.shape_cast %swap3A_2528 : vector<1x16xf32> to vector<16xf32>
      %swap3A_2530 = vector.shape_cast %select_n3A_2459 : vector<16xf32> to vector<1x16xf32>
      tpu.vector_store %arg7[%swap3A_2526, %swap3A_2527], %swap3A_2530 {strides = array<i32>} : memref<2x1280xf32, #tpu.memory_space<vmem>>, vector<1x16xf32>,
      %add3A_2531 = arith.constant 32 : i32
      %add3A_2532 = arith.addi %multiple_of3A_71, %add3A_2531 : i32
      %multiple_of3A_2533 = tpu.assume_multiple %add3A_2532, 8 : i32
      %swap3A_2534 = arith.constant 0 : i32
      %swap3A_2535 = arith.index_cast %swap3A_2534 : i32 to index
      %swap3A_2536 = arith.index_cast %multiple_of3A_2533 : i32 to index
      %swap3A_2537 = tpu.vector_load %arg7[%swap3A_2535, %swap3A_2536] {strides = array<i32>} : memref<2x1280xf32, #tpu.memory_space<vmem>>, vector<1x16xf32>,
      %swap3A_2538 = vector.shape_cast %swap3A_2537 : vector<1x16xf32> to vector<16xf32>
      %swap3A_2539 = vector.shape_cast %select_n3A_2477 : vector<16xf32> to vector<1x16xf32>
      tpu.vector_store %arg7[%swap3A_2535, %swap3A_2536], %swap3A_2539 {strides = array<i32>} : memref<2x1280xf32, #tpu.memory_space<vmem>>, vector<1x16xf32>,
      %swap3A_2540 = arith.constant 1 : i32
      %swap3A_2541 = arith.index_cast %swap3A_2540 : i32 to index
      %swap3A_2542 = arith.index_cast %multiple_of3A_2533 : i32 to index
      %swap3A_2543 = tpu.vector_load %arg7[%swap3A_2541, %swap3A_2542] {strides = array<i32>} : memref<2x1280xf32, #tpu.memory_space<vmem>>, vector<1x16xf32>,
      %swap3A_2544 = vector.shape_cast %swap3A_2543 : vector<1x16xf32> to vector<16xf32>
      %swap3A_2545 = vector.shape_cast %select_n3A_2480 : vector<16xf32> to vector<1x16xf32>
      tpu.vector_store %arg7[%swap3A_2541, %swap3A_2542], %swap3A_2545 {strides = array<i32>} : memref<2x1280xf32, #tpu.memory_space<vmem>>, vector<1x16xf32>,
      %add3A_2546 = arith.constant 48 : i32
      %add3A_2547 = arith.addi %multiple_of3A_71, %add3A_2546 : i32
      %multiple_of3A_2548 = tpu.assume_multiple %add3A_2547, 8 : i32
      %swap3A_2549 = arith.constant 0 : i32
      %swap3A_2550 = arith.index_cast %swap3A_2549 : i32 to index
      %swap3A_2551 = arith.index_cast %multiple_of3A_2548 : i32 to index
      %swap3A_2552 = tpu.vector_load %arg7[%swap3A_2550, %swap3A_2551] {strides = array<i32>} : memref<2x1280xf32, #tpu.memory_space<vmem>>, vector<1x16xf32>,
      %swap3A_2553 = vector.shape_cast %swap3A_2552 : vector<1x16xf32> to vector<16xf32>
      %swap3A_2554 = vector.shape_cast %select_n3A_2498 : vector<16xf32> to vector<1x16xf32>
      tpu.vector_store %arg7[%swap3A_2550, %swap3A_2551], %swap3A_2554 {strides = array<i32>} : memref<2x1280xf32, #tpu.memory_space<vmem>>, vector<1x16xf32>,
      %swap3A_2555 = arith.constant 1 : i32
      %swap3A_2556 = arith.index_cast %swap3A_2555 : i32 to index
      %swap3A_2557 = arith.index_cast %multiple_of3A_2548 : i32 to index
      %swap3A_2558 = tpu.vector_load %arg7[%swap3A_2556, %swap3A_2557] {strides = array<i32>} : memref<2x1280xf32, #tpu.memory_space<vmem>>, vector<1x16xf32>,
      %swap3A_2559 = vector.shape_cast %swap3A_2558 : vector<1x16xf32> to vector<16xf32>
      %swap3A_2560 = vector.shape_cast %select_n3A_2501 : vector<16xf32> to vector<1x16xf32>
      tpu.vector_store %arg7[%swap3A_2556, %swap3A_2557], %swap3A_2560 {strides = array<i32>} : memref<2x1280xf32, #tpu.memory_space<vmem>>, vector<1x16xf32>,
    }
    %scan3A_63 = arith.constant 20 : i32
    %run_scoped3A_64 = arith.constant 0 : i32
    %run_scoped3A_65 = arith.constant 0 : i32
    "tpu.region"() ({
      %run_scoped3A_68 = tpu.sem_alloc : memref<!tpu.dma_semaphore, #tpu.memory_space<semaphore_mem>>
      %dma_start3A = arith.constant 0 : i32
      %dma_start3A_69 = tpu.memref_slice %arg7[%run_scoped3A_64, %dma_start3A] : memref<2x1280xf32, #tpu.memory_space<vmem>> -> memref<1x1280xf32, #tpu.memory_space<vmem>>
      %dma_start3A_70 = tpu.memref_squeeze %dma_start3A_69 : memref<1x1280xf32, #tpu.memory_space<vmem>> -> memref<1280xf32, #tpu.memory_space<vmem>>
      %dma_start3A_71 = tpu.memref_slice %arg4[%run_scoped3A_65, %multiple_of3A] : memref<2x40960xf32, #tpu.memory_space<hbm>> -> memref<1x1280xf32, #tpu.memory_space<hbm>>
      %dma_start3A_72 = tpu.memref_squeeze %dma_start3A_71 : memref<1x1280xf32, #tpu.memory_space<hbm>> -> memref<1280xf32, #tpu.memory_space<hbm>>
      %dma_start3A_73 = tpu.memref_slice %arg4[%run_scoped3A_65, %multiple_of3A] : memref<2x40960xf32, #tpu.memory_space<hbm>> -> memref<1x1280xf32, #tpu.memory_space<hbm>>
      %dma_start3A_74 = tpu.memref_squeeze %dma_start3A_73 : memref<1x1280xf32, #tpu.memory_space<hbm>> -> memref<1280xf32, #tpu.memory_space<hbm>>
      %dma_start3A_75 = arith.constant 0 : i32
      %dma_start3A_76 = tpu.memref_slice %arg7[%run_scoped3A_64, %dma_start3A_75] : memref<2x1280xf32, #tpu.memory_space<vmem>> -> memref<1x1280xf32, #tpu.memory_space<vmem>>
      %dma_start3A_77 = tpu.memref_squeeze %dma_start3A_76 : memref<1x1280xf32, #tpu.memory_space<vmem>> -> memref<1280xf32, #tpu.memory_space<vmem>>
      tpu.enqueue_dma source(%dma_start3A_77 : memref<1280xf32, #tpu.memory_space<vmem>>) target(%dma_start3A_74 : memref<1280xf32, #tpu.memory_space<hbm>>) target_semaphore(%run_scoped3A_68 : memref<!tpu.dma_semaphore, #tpu.memory_space<semaphore_mem>>)
      %dma_wait3A = arith.constant 0 : i32
      %dma_wait3A_78 = tpu.memref_slice %arg7[%run_scoped3A_64, %dma_wait3A] : memref<2x1280xf32, #tpu.memory_space<vmem>> -> memref<1x1280xf32, #tpu.memory_space<vmem>>
      %dma_wait3A_79 = tpu.memref_squeeze %dma_wait3A_78 : memref<1x1280xf32, #tpu.memory_space<vmem>> -> memref<1280xf32, #tpu.memory_space<vmem>>
      %dma_wait3A_80 = tpu.memref_slice %arg4[%run_scoped3A_65, %multiple_of3A] : memref<2x40960xf32, #tpu.memory_space<hbm>> -> memref<1x1280xf32, #tpu.memory_space<hbm>>
      %dma_wait3A_81 = tpu.memref_squeeze %dma_wait3A_80 : memref<1x1280xf32, #tpu.memory_space<hbm>> -> memref<1280xf32, #tpu.memory_space<hbm>>
      %dma_wait3A_82 = tpu.memref_slice %arg4[%run_scoped3A_65, %multiple_of3A] : memref<2x40960xf32, #tpu.memory_space<hbm>> -> memref<1x1280xf32, #tpu.memory_space<hbm>>
      %dma_wait3A_83 = tpu.memref_squeeze %dma_wait3A_82 : memref<1x1280xf32, #tpu.memory_space<hbm>> -> memref<1280xf32, #tpu.memory_space<hbm>>
      %dma_wait3A_84 = arith.constant 0 : i32
      %dma_wait3A_85 = tpu.memref_slice %arg7[%run_scoped3A_64, %dma_wait3A_84] : memref<2x1280xf32, #tpu.memory_space<vmem>> -> memref<1x1280xf32, #tpu.memory_space<vmem>>
      %dma_wait3A_86 = tpu.memref_squeeze %dma_wait3A_85 : memref<1x1280xf32, #tpu.memory_space<vmem>> -> memref<1280xf32, #tpu.memory_space<vmem>>
      tpu.wait_dma2 semaphore(%run_scoped3A_68 : memref<!tpu.dma_semaphore, #tpu.memory_space<semaphore_mem>>) src(%dma_wait3A_86 : memref<1280xf32, #tpu.memory_space<vmem>>) dst(%dma_wait3A_83 : memref<1280xf32, #tpu.memory_space<hbm>>)
      tpu.yield
    }) : () -> ()
    %run_scoped3A_66 = arith.constant 1 : i32
    %run_scoped3A_67 = arith.constant 1 : i32
    "tpu.region"() ({
      %run_scoped3A_68 = tpu.sem_alloc : memref<!tpu.dma_semaphore, #tpu.memory_space<semaphore_mem>>
      %dma_start3A = arith.constant 0 : i32
      %dma_start3A_69 = tpu.memref_slice %arg7[%run_scoped3A_66, %dma_start3A] : memref<2x1280xf32, #tpu.memory_space<vmem>> -> memref<1x1280xf32, #tpu.memory_space<vmem>>
      %dma_start3A_70 = tpu.memref_squeeze %dma_start3A_69 : memref<1x1280xf32, #tpu.memory_space<vmem>> -> memref<1280xf32, #tpu.memory_space<vmem>>
      %dma_start3A_71 = tpu.memref_slice %arg4[%run_scoped3A_67, %multiple_of3A] : memref<2x40960xf32, #tpu.memory_space<hbm>> -> memref<1x1280xf32, #tpu.memory_space<hbm>>
      %dma_start3A_72 = tpu.memref_squeeze %dma_start3A_71 : memref<1x1280xf32, #tpu.memory_space<hbm>> -> memref<1280xf32, #tpu.memory_space<hbm>>
      %dma_start3A_73 = tpu.memref_slice %arg4[%run_scoped3A_67, %multiple_of3A] : memref<2x40960xf32, #tpu.memory_space<hbm>> -> memref<1x1280xf32, #tpu.memory_space<hbm>>
      %dma_start3A_74 = tpu.memref_squeeze %dma_start3A_73 : memref<1x1280xf32, #tpu.memory_space<hbm>> -> memref<1280xf32, #tpu.memory_space<hbm>>
      %dma_start3A_75 = arith.constant 0 : i32
      %dma_start3A_76 = tpu.memref_slice %arg7[%run_scoped3A_66, %dma_start3A_75] : memref<2x1280xf32, #tpu.memory_space<vmem>> -> memref<1x1280xf32, #tpu.memory_space<vmem>>
      %dma_start3A_77 = tpu.memref_squeeze %dma_start3A_76 : memref<1x1280xf32, #tpu.memory_space<vmem>> -> memref<1280xf32, #tpu.memory_space<vmem>>
      tpu.enqueue_dma source(%dma_start3A_77 : memref<1280xf32, #tpu.memory_space<vmem>>) target(%dma_start3A_74 : memref<1280xf32, #tpu.memory_space<hbm>>) target_semaphore(%run_scoped3A_68 : memref<!tpu.dma_semaphore, #tpu.memory_space<semaphore_mem>>)
      %dma_wait3A = arith.constant 0 : i32
      %dma_wait3A_78 = tpu.memref_slice %arg7[%run_scoped3A_66, %dma_wait3A] : memref<2x1280xf32, #tpu.memory_space<vmem>> -> memref<1x1280xf32, #tpu.memory_space<vmem>>
      %dma_wait3A_79 = tpu.memref_squeeze %dma_wait3A_78 : memref<1x1280xf32, #tpu.memory_space<vmem>> -> memref<1280xf32, #tpu.memory_space<vmem>>
      %dma_wait3A_80 = tpu.memref_slice %arg4[%run_scoped3A_67, %multiple_of3A] : memref<2x40960xf32, #tpu.memory_space<hbm>> -> memref<1x1280xf32, #tpu.memory_space<hbm>>
      %dma_wait3A_81 = tpu.memref_squeeze %dma_wait3A_80 : memref<1x1280xf32, #tpu.memory_space<hbm>> -> memref<1280xf32, #tpu.memory_space<hbm>>
      %dma_wait3A_82 = tpu.memref_slice %arg4[%run_scoped3A_67, %multiple_of3A] : memref<2x40960xf32, #tpu.memory_space<hbm>> -> memref<1x1280xf32, #tpu.memory_space<hbm>>
      %dma_wait3A_83 = tpu.memref_squeeze %dma_wait3A_82 : memref<1x1280xf32, #tpu.memory_space<hbm>> -> memref<1280xf32, #tpu.memory_space<hbm>>
      %dma_wait3A_84 = arith.constant 0 : i32
      %dma_wait3A_85 = tpu.memref_slice %arg7[%run_scoped3A_66, %dma_wait3A_84] : memref<2x1280xf32, #tpu.memory_space<vmem>> -> memref<1x1280xf32, #tpu.memory_space<vmem>>
      %dma_wait3A_86 = tpu.memref_squeeze %dma_wait3A_85 : memref<1x1280xf32, #tpu.memory_space<vmem>> -> memref<1280xf32, #tpu.memory_space<vmem>>
      tpu.wait_dma2 semaphore(%run_scoped3A_68 : memref<!tpu.dma_semaphore, #tpu.memory_space<semaphore_mem>>) src(%dma_wait3A_86 : memref<1280xf32, #tpu.memory_space<vmem>>) dst(%dma_wait3A_83 : memref<1280xf32, #tpu.memory_space<hbm>>)
      tpu.yield
    }) : () -> ()
    return
  }
}

module attributes {stable_mosaic.version = 14 : i64} {
  func.func @_loss_tc(%arg0: i32, %arg1: memref<1x16x6xf32, #tpu.memory_space<vmem>>, %arg2: memref<1x28x5120xf32, #tpu.memory_space<vmem>>, %arg3: memref<2x5120xf32, #tpu.memory_space<vmem>>, %arg4: memref<1x1xf32, #tpu.memory_space<smem>>) attributes {dimension_semantics = [#tpu.dimension_semantics<arbitrary>], iteration_bounds = array<i64: 8>, scalar_prefetch = 0 : i64, scratch_operands = 0 : i64, tpu.core_type = #tpu.core_type<tc>, window_params = [{transform_indices = @transform_0, window_bounds = array<i64: 1, 16, 6>}, {transform_indices = @transform_1, window_bounds = array<i64: 1, 28, 5120>}, {transform_indices = @transform_2, window_bounds = array<i64: 2, 5120>}, {transform_indices = @transform_3, window_bounds = array<i64: 1, 1>}]} {
    %eq3A = arith.constant 0 : i32
    %eq3A_0 = arith.cmpi eq, %arg0, %eq3A : i32
    %convert_element_type3A = arith.extui %eq3A_0 : i1 to i32
    %cond3A = arith.constant 0 : i32
    %cond3A_1 = arith.cmpi ne, %convert_element_type3A, %cond3A : i32
    scf.if %cond3A_1 {
      %swap3A_224 = arith.constant 0.000000e+00 : f32
      %swap3A_225 = arith.constant 0 : index
      %swap3A_226 = arith.constant 0 : index
      %swap3A_227 = memref.load %arg4[%swap3A_225, %swap3A_226] : memref<1x1xf32, #tpu.memory_space<smem>>
      memref.store %swap3A_224, %arg4[%swap3A_225, %swap3A_226] : memref<1x1xf32, #tpu.memory_space<smem>>
    } else {
    }
    %get3A = arith.constant 0 : index
    %get3A_2 = arith.constant 0 : index
    %get3A_3 = arith.constant 0 : index
    %get3A_4 = vector.load %arg1[%get3A, %get3A_2, %get3A_3] : memref<1x16x6xf32, #tpu.memory_space<vmem>>, vector<1x16x6xf32>
    %get3A_5 = vector.shape_cast %get3A_4 : vector<1x16x6xf32> to vector<16x6xf32>
    %slice3A = vector.extract_strided_slice %get3A_5 {offsets = [0, 1], sizes = [16, 1], strides = [1, 1]} : vector<16x6xf32> to vector<16x1xf32>
    %slice3A_6 = vector.extract_strided_slice %get3A_5 {offsets = [0, 2], sizes = [16, 1], strides = [1, 1]} : vector<16x6xf32> to vector<16x1xf32>
    %slice3A_7 = vector.extract_strided_slice %get3A_5 {offsets = [0, 3], sizes = [16, 1], strides = [1, 1]} : vector<16x6xf32> to vector<16x1xf32>
    %slice3A_8 = vector.extract_strided_slice %get3A_5 {offsets = [0, 4], sizes = [16, 1], strides = [1, 1]} : vector<16x6xf32> to vector<16x1xf32>
    %slice3A_9 = vector.extract_strided_slice %get3A_5 {offsets = [0, 5], sizes = [16, 1], strides = [1, 1]} : vector<16x6xf32> to vector<16x1xf32>
    %get3A_10 = arith.constant 0 : index
    %get3A_11 = arith.constant 0 : index
    %get3A_12 = arith.constant 0 : index
    %get3A_13 = vector.load %arg2[%get3A_10, %get3A_11, %get3A_12] : memref<1x28x5120xf32, #tpu.memory_space<vmem>>, vector<1x28x5120xf32>
    %get3A_14 = vector.shape_cast %get3A_13 : vector<1x28x5120xf32> to vector<28x5120xf32>
    %slice3A_15 = vector.extract_strided_slice %get3A_14 {offsets = [20, 0], sizes = [1, 5120], strides = [1, 1]} : vector<28x5120xf32> to vector<1x5120xf32>
    %slice3A_16 = vector.extract_strided_slice %get3A_14 {offsets = [21, 0], sizes = [1, 5120], strides = [1, 1]} : vector<28x5120xf32> to vector<1x5120xf32>
    %slice3A_17 = vector.extract_strided_slice %get3A_14 {offsets = [22, 0], sizes = [1, 5120], strides = [1, 1]} : vector<28x5120xf32> to vector<1x5120xf32>
    %slice3A_18 = vector.extract_strided_slice %get3A_14 {offsets = [23, 0], sizes = [1, 5120], strides = [1, 1]} : vector<28x5120xf32> to vector<1x5120xf32>
    %get3A_19 = arith.constant 0 : index
    %get3A_20 = arith.constant 0 : index
    %get3A_21 = vector.load %arg3[%get3A_19, %get3A_20] : memref<2x5120xf32, #tpu.memory_space<vmem>>, vector<1x5120xf32>
    %get3A_22 = arith.constant 1 : index
    %get3A_23 = arith.constant 0 : index
    %get3A_24 = vector.load %arg3[%get3A_22, %get3A_23] : memref<2x5120xf32, #tpu.memory_space<vmem>>, vector<1x5120xf32>
    %convert_element_type3A_25 = arith.fptosi %get3A_24 : vector<1x5120xf32> to vector<1x5120xi32>
    %iota3A = tpu.iota {dimensions = array<i32: 0>} : vector<16x5120xi32>
    %eq3A_26 = vector.broadcast %convert_element_type3A_25 : vector<1x5120xi32> to vector<16x5120xi32>
    %eq3A_27 = arith.cmpi eq, %iota3A, %eq3A_26 : vector<16x5120xi32>
    %convert_element_type3A_28 = arith.extui %eq3A_27 : vector<16x5120xi1> to vector<16x5120xi32>
    %convert_element_type3A_29 = arith.sitofp %convert_element_type3A_28 : vector<16x5120xi32> to vector<16x5120xf32>
    %iota3A_30 = tpu.iota {dimensions = array<i32: 1>} : vector<1x5120xi32>
    %lt3A = arith.constant 5000 : i32
    %lt3A_31 = vector.broadcast %lt3A : i32 to vector<1x5120xi32>
    %lt3A_32 = arith.cmpi slt, %iota3A_30, %lt3A_31 : vector<1x5120xi32>
    %convert_element_type3A_33 = arith.extui %lt3A_32 : vector<1x5120xi1> to vector<1x5120xi32>
    %convert_element_type3A_34 = arith.sitofp %convert_element_type3A_33 : vector<1x5120xi32> to vector<1x5120xf32>
    %add3A = arith.addf %slice3A_6, %slice3A_8 : vector<16x1xf32>
    %mul3A = arith.constant 5.000000e-01 : f32
    %mul3A_35 = vector.broadcast %mul3A : f32 to vector<16x1xf32>
    %mul3A_36 = arith.mulf %add3A, %mul3A_35 : vector<16x1xf32>
    %add3A_37 = arith.addf %slice3A_7, %slice3A_9 : vector<16x1xf32>
    %mul3A_38 = arith.constant 5.000000e-01 : f32
    %mul3A_39 = vector.broadcast %mul3A_38 : f32 to vector<16x1xf32>
    %mul3A_40 = arith.mulf %add3A_37, %mul3A_39 : vector<16x1xf32>
    %sub3A = arith.subf %slice3A_8, %slice3A_6 : vector<16x1xf32>
    %sub3A_41 = arith.subf %slice3A_9, %slice3A_7 : vector<16x1xf32>
    %concatenate3A = tpu.concatenate %mul3A_36, %mul3A_40, %sub3A, %sub3A_41 in 1 : vector<16x1xf32>, vector<16x1xf32>, vector<16x1xf32>, vector<16x1xf32> -> vector<16x4xf32>
    %transpose3A = tpu.transpose %concatenate3A, [1, 0] : vector<16x4xf32> -> vector<4x16xf32>
    %dot_general3A = arith.constant dense<0.000000e+00> : vector<4x5120xf32>
    %dot_general3A_42 = tpu.matmul %transpose3A, %convert_element_type3A_29, %dot_general3A {dimension_numbers = #tpu.dot_dimension_numbers<[1], [0], [0], [1], [0, 0, 1, 1], [], []>, transpose_lhs_hint = false} : vector<4x16xf32>, vector<16x5120xf32>, vector<4x5120xf32> -> vector<4x5120xf32>
    %slice3A_43 = vector.extract_strided_slice %dot_general3A_42 {offsets = [0, 0], sizes = [1, 5120], strides = [1, 1]} : vector<4x5120xf32> to vector<1x5120xf32>
    %slice3A_44 = vector.extract_strided_slice %dot_general3A_42 {offsets = [1, 0], sizes = [1, 5120], strides = [1, 1]} : vector<4x5120xf32> to vector<1x5120xf32>
    %slice3A_45 = vector.extract_strided_slice %dot_general3A_42 {offsets = [2, 0], sizes = [1, 5120], strides = [1, 1]} : vector<4x5120xf32> to vector<1x5120xf32>
    %slice3A_46 = vector.extract_strided_slice %dot_general3A_42 {offsets = [3, 0], sizes = [1, 5120], strides = [1, 1]} : vector<4x5120xf32> to vector<1x5120xf32>
    %gt3A = arith.constant 5.000000e-01 : f32
    %gt3A_47 = vector.broadcast %gt3A : f32 to vector<1x5120xf32>
    %gt3A_48 = arith.cmpf ogt, %get3A_21, %gt3A_47 : vector<1x5120xf32>
    %convert_element_type3A_49 = arith.extui %gt3A_48 : vector<1x5120xi1> to vector<1x5120xi32>
    %convert_element_type3A_50 = arith.sitofp %convert_element_type3A_49 : vector<1x5120xi32> to vector<1x5120xf32>
    %mul3A_51 = arith.mulf %convert_element_type3A_50, %convert_element_type3A_34 : vector<1x5120xf32>
    %lt3A_52 = arith.constant 4.000000e-01 : f32
    %lt3A_53 = vector.broadcast %lt3A_52 : f32 to vector<1x5120xf32>
    %lt3A_54 = arith.cmpf olt, %get3A_21, %lt3A_53 : vector<1x5120xf32>
    %convert_element_type3A_55 = arith.extui %lt3A_54 : vector<1x5120xi1> to vector<1x5120xi32>
    %convert_element_type3A_56 = arith.sitofp %convert_element_type3A_55 : vector<1x5120xi32> to vector<1x5120xf32>
    %mul3A_57 = arith.mulf %convert_element_type3A_56, %convert_element_type3A_34 : vector<1x5120xf32>
    %slice3A_58 = vector.extract_strided_slice %get3A_14 {offsets = [0, 0], sizes = [20, 5120], strides = [1, 1]} : vector<28x5120xf32> to vector<20x5120xf32>
    %jit3A = arith.constant 9.99999974E-5 : f32
    %jit3A_59 = arith.constant 0.999899983 : f32
    %max3A = vector.broadcast %jit3A : f32 to vector<20x5120xf32>
    %max3A_60 = arith.maximumf %max3A, %slice3A_58 : vector<20x5120xf32>
    %min3A = vector.broadcast %jit3A_59 : f32 to vector<20x5120xf32>
    %min3A_61 = arith.minimumf %min3A, %max3A_60 : vector<20x5120xf32>
    %mul3A_62 = arith.constant 7.500000e-01 : f32
    %mul3A_63 = vector.broadcast %mul3A_62 : f32 to vector<20x5120xf32>
    %mul3A_64 = arith.mulf %mul3A_63, %min3A_61 : vector<20x5120xf32>
    %mul3A_65 = arith.mulf %mul3A_64, %min3A_61 : vector<20x5120xf32>
    %sub3A_66 = arith.constant 1.000000e+00 : f32
    %sub3A_67 = vector.broadcast %sub3A_66 : f32 to vector<20x5120xf32>
    %sub3A_68 = arith.subf %sub3A_67, %min3A_61 : vector<20x5120xf32>
    %log3A = math.log %sub3A_68 : vector<20x5120xf32>
    %neg3A = arith.constant 0.000000e+00 : f32
    %neg3A_69 = vector.broadcast %neg3A : f32 to vector<20x5120xf32>
    %neg3A_70 = arith.subf %neg3A_69, %log3A : vector<20x5120xf32>
    %mul3A_71 = arith.mulf %mul3A_65, %neg3A_70 : vector<20x5120xf32>
    %reduce_sum3A = arith.constant dense<0.000000e+00> : vector<5120xf32>
    %reduce_sum3A_72 = vector.multi_reduction <add>, %mul3A_71, %reduce_sum3A [0] : vector<20x5120xf32> to vector<5120xf32>
    %broadcast_in_dim3A = vector.shape_cast %reduce_sum3A_72 : vector<5120xf32> to vector<1x5120xf32>
    %iota3A_73 = tpu.iota {dimensions = array<i32: 1>} : vector<16x20xi32>
    %convert_element_type3A_74 = arith.fptosi %slice3A : vector<16x1xf32> to vector<16x1xi32>
    %eq3A_75 = vector.broadcast %convert_element_type3A_74 : vector<16x1xi32> to vector<16x20xi32>
    %eq3A_76 = arith.cmpi eq, %iota3A_73, %eq3A_75 : vector<16x20xi32>
    %convert_element_type3A_77 = arith.extui %eq3A_76 : vector<16x20xi1> to vector<16x20xi32>
    %convert_element_type3A_78 = arith.sitofp %convert_element_type3A_77 : vector<16x20xi32> to vector<16x20xf32>
    %dot_general3A_79 = arith.constant dense<0.000000e+00> : vector<16x5120xf32>
    %dot_general3A_80 = tpu.matmul %convert_element_type3A_78, %min3A_61, %dot_general3A_79 {dimension_numbers = #tpu.dot_dimension_numbers<[1], [0], [0], [1], [0, 0, 1, 1], [], []>, transpose_lhs_hint = false} : vector<16x20xf32>, vector<20x5120xf32>, vector<16x5120xf32> -> vector<16x5120xf32>
    %mul3A_81 = arith.mulf %convert_element_type3A_29, %dot_general3A_80 : vector<16x5120xf32>
    %reduce_sum3A_82 = arith.constant dense<0.000000e+00> : vector<5120xf32>
    %reduce_sum3A_83 = vector.multi_reduction <add>, %mul3A_81, %reduce_sum3A_82 [0] : vector<16x5120xf32> to vector<5120xf32>
    %broadcast_in_dim3A_84 = vector.shape_cast %reduce_sum3A_83 : vector<5120xf32> to vector<1x5120xf32>
    %sub3A_85 = arith.constant 1.000000e+00 : f32
    %sub3A_86 = vector.broadcast %sub3A_85 : f32 to vector<1x5120xf32>
    %sub3A_87 = arith.subf %sub3A_86, %broadcast_in_dim3A_84 : vector<1x5120xf32>
    %mul3A_88 = arith.constant 2.500000e-01 : f32
    %mul3A_89 = vector.broadcast %mul3A_88 : f32 to vector<1x5120xf32>
    %mul3A_90 = arith.mulf %mul3A_89, %sub3A_87 : vector<1x5120xf32>
    %mul3A_91 = arith.mulf %mul3A_90, %sub3A_87 : vector<1x5120xf32>
    %log3A_92 = math.log %broadcast_in_dim3A_84 : vector<1x5120xf32>
    %neg3A_93 = arith.constant 0.000000e+00 : f32
    %neg3A_94 = vector.broadcast %neg3A_93 : f32 to vector<1x5120xf32>
    %neg3A_95 = arith.subf %neg3A_94, %log3A_92 : vector<1x5120xf32>
    %mul3A_96 = arith.mulf %mul3A_91, %neg3A_95 : vector<1x5120xf32>
    %mul3A_97 = arith.constant 7.500000e-01 : f32
    %mul3A_98 = vector.broadcast %mul3A_97 : f32 to vector<1x5120xf32>
    %mul3A_99 = arith.mulf %mul3A_98, %broadcast_in_dim3A_84 : vector<1x5120xf32>
    %mul3A_100 = arith.mulf %mul3A_99, %broadcast_in_dim3A_84 : vector<1x5120xf32>
    %log3A_101 = math.log %sub3A_87 : vector<1x5120xf32>
    %neg3A_102 = arith.constant 0.000000e+00 : f32
    %neg3A_103 = vector.broadcast %neg3A_102 : f32 to vector<1x5120xf32>
    %neg3A_104 = arith.subf %neg3A_103, %log3A_101 : vector<1x5120xf32>
    %mul3A_105 = arith.mulf %mul3A_100, %neg3A_104 : vector<1x5120xf32>
    %sub3A_106 = arith.subf %mul3A_96, %mul3A_105 : vector<1x5120xf32>
    %mul3A_107 = arith.mulf %mul3A_51, %sub3A_106 : vector<1x5120xf32>
    %add3A_108 = arith.addf %mul3A_51, %mul3A_57 : vector<1x5120xf32>
    %mul3A_109 = arith.mulf %add3A_108, %broadcast_in_dim3A : vector<1x5120xf32>
    %add3A_110 = arith.addf %mul3A_107, %mul3A_109 : vector<1x5120xf32>
    %reduce_sum3A_111 = vector.shape_cast %add3A_110 : vector<1x5120xf32> to vector<1x1x5120xf32>
    %reduce_sum3A_112 = arith.constant dense<0.000000e+00> : vector<1xf32>
    %reduce_sum3A_113 = vector.multi_reduction <add>, %reduce_sum3A_111, %reduce_sum3A_112 [1, 2] : vector<1x1x5120xf32> to vector<1xf32>
    %reduce_sum3A_114 = vector.shape_cast %reduce_sum3A_113 : vector<1xf32> to vector<1x1x1xf32>
    %reduce_sum3A_115 = vector.extract %reduce_sum3A_114[0, 0, 0] : f32 from vector<1x1x1xf32>
    %add3A_116 = arith.addf %slice3A_15, %slice3A_17 : vector<1x5120xf32>
    %mul3A_117 = arith.constant 5.000000e-01 : f32
    %mul3A_118 = vector.broadcast %mul3A_117 : f32 to vector<1x5120xf32>
    %mul3A_119 = arith.mulf %add3A_116, %mul3A_118 : vector<1x5120xf32>
    %add3A_120 = arith.addf %slice3A_16, %slice3A_18 : vector<1x5120xf32>
    %mul3A_121 = arith.constant 5.000000e-01 : f32
    %mul3A_122 = vector.broadcast %mul3A_121 : f32 to vector<1x5120xf32>
    %mul3A_123 = arith.mulf %add3A_120, %mul3A_122 : vector<1x5120xf32>
    %sub3A_124 = arith.subf %slice3A_17, %slice3A_15 : vector<1x5120xf32>
    %max3A_125 = arith.constant 1.000000e-03 : f32
    %max3A_126 = vector.broadcast %max3A_125 : f32 to vector<1x5120xf32>
    %max3A_127 = arith.maximumf %sub3A_124, %max3A_126 : vector<1x5120xf32>
    %sub3A_128 = arith.subf %slice3A_18, %slice3A_16 : vector<1x5120xf32>
    %max3A_129 = arith.constant 1.000000e-03 : f32
    %max3A_130 = vector.broadcast %max3A_129 : f32 to vector<1x5120xf32>
    %max3A_131 = arith.maximumf %sub3A_128, %max3A_130 : vector<1x5120xf32>
    %sub3A_132 = arith.subf %slice3A_43, %mul3A_119 : vector<1x5120xf32>
    %div3A = arith.divf %sub3A_132, %max3A_127 : vector<1x5120xf32>
    %sub3A_133 = arith.subf %slice3A_44, %mul3A_123 : vector<1x5120xf32>
    %div3A_134 = arith.divf %sub3A_133, %max3A_131 : vector<1x5120xf32>
    %div3A_135 = arith.divf %slice3A_45, %max3A_127 : vector<1x5120xf32>
    %jit3A_136 = arith.constant 1.000000e+00 : f32
    %broadcast_in_dim3A_137 = vector.broadcast %jit3A_136 : f32 to vector<1x5120xf32>
    %select_n3A = arith.select %gt3A_48, %div3A_135, %broadcast_in_dim3A_137 : vector<1x5120xi1>, vector<1x5120xf32>
    %log3A_138 = math.log %select_n3A : vector<1x5120xf32>
    %div3A_139 = arith.divf %slice3A_46, %max3A_131 : vector<1x5120xf32>
    %jit3A_140 = arith.constant 1.000000e+00 : f32
    %broadcast_in_dim3A_141 = vector.broadcast %jit3A_140 : f32 to vector<1x5120xf32>
    %select_n3A_142 = arith.select %gt3A_48, %div3A_139, %broadcast_in_dim3A_141 : vector<1x5120xi1>, vector<1x5120xf32>
    %log3A_143 = math.log %select_n3A_142 : vector<1x5120xf32>
    %slice3A_144 = vector.extract_strided_slice %get3A_14 {offsets = [24, 0], sizes = [1, 5120], strides = [1, 1]} : vector<28x5120xf32> to vector<1x5120xf32>
    %sub3A_145 = arith.subf %slice3A_144, %div3A : vector<1x5120xf32>
    %abs3A = math.absf %sub3A_145 : vector<1x5120xf32>
    %slice3A_146 = vector.extract_strided_slice %get3A_14 {offsets = [25, 0], sizes = [1, 5120], strides = [1, 1]} : vector<28x5120xf32> to vector<1x5120xf32>
    %sub3A_147 = arith.subf %slice3A_146, %div3A_134 : vector<1x5120xf32>
    %abs3A_148 = math.absf %sub3A_147 : vector<1x5120xf32>
    %slice3A_149 = vector.extract_strided_slice %get3A_14 {offsets = [26, 0], sizes = [1, 5120], strides = [1, 1]} : vector<28x5120xf32> to vector<1x5120xf32>
    %sub3A_150 = arith.subf %slice3A_149, %log3A_138 : vector<1x5120xf32>
    %abs3A_151 = math.absf %sub3A_150 : vector<1x5120xf32>
    %slice3A_152 = vector.extract_strided_slice %get3A_14 {offsets = [27, 0], sizes = [1, 5120], strides = [1, 1]} : vector<28x5120xf32> to vector<1x5120xf32>
    %sub3A_153 = arith.subf %slice3A_152, %log3A_143 : vector<1x5120xf32>
    %abs3A_154 = math.absf %sub3A_153 : vector<1x5120xf32>
    %le3A = arith.constant 1.000000e+00 : f32
    %le3A_155 = vector.broadcast %le3A : f32 to vector<1x5120xf32>
    %le3A_156 = arith.cmpf ole, %abs3A, %le3A_155 : vector<1x5120xf32>
    %mul3A_157 = arith.constant 5.000000e-01 : f32
    %mul3A_158 = vector.broadcast %mul3A_157 : f32 to vector<1x5120xf32>
    %mul3A_159 = arith.mulf %mul3A_158, %abs3A : vector<1x5120xf32>
    %mul3A_160 = arith.mulf %mul3A_159, %abs3A : vector<1x5120xf32>
    %sub3A_161 = arith.constant 5.000000e-01 : f32
    %sub3A_162 = vector.broadcast %sub3A_161 : f32 to vector<1x5120xf32>
    %sub3A_163 = arith.subf %abs3A, %sub3A_162 : vector<1x5120xf32>
    %select_n3A_164 = arith.select %le3A_156, %mul3A_160, %sub3A_163 : vector<1x5120xi1>, vector<1x5120xf32>
    %le3A_165 = arith.constant 1.000000e+00 : f32
    %le3A_166 = vector.broadcast %le3A_165 : f32 to vector<1x5120xf32>
    %le3A_167 = arith.cmpf ole, %abs3A_148, %le3A_166 : vector<1x5120xf32>
    %mul3A_168 = arith.constant 5.000000e-01 : f32
    %mul3A_169 = vector.broadcast %mul3A_168 : f32 to vector<1x5120xf32>
    %mul3A_170 = arith.mulf %mul3A_169, %abs3A_148 : vector<1x5120xf32>
    %mul3A_171 = arith.mulf %mul3A_170, %abs3A_148 : vector<1x5120xf32>
    %sub3A_172 = arith.constant 5.000000e-01 : f32
    %sub3A_173 = vector.broadcast %sub3A_172 : f32 to vector<1x5120xf32>
    %sub3A_174 = arith.subf %abs3A_148, %sub3A_173 : vector<1x5120xf32>
    %select_n3A_175 = arith.select %le3A_167, %mul3A_171, %sub3A_174 : vector<1x5120xi1>, vector<1x5120xf32>
    %add3A_176 = arith.addf %select_n3A_164, %select_n3A_175 : vector<1x5120xf32>
    %le3A_177 = arith.constant 1.000000e+00 : f32
    %le3A_178 = vector.broadcast %le3A_177 : f32 to vector<1x5120xf32>
    %le3A_179 = arith.cmpf ole, %abs3A_151, %le3A_178 : vector<1x5120xf32>
    %mul3A_180 = arith.constant 5.000000e-01 : f32
    %mul3A_181 = vector.broadcast %mul3A_180 : f32 to vector<1x5120xf32>
    %mul3A_182 = arith.mulf %mul3A_181, %abs3A_151 : vector<1x5120xf32>
    %mul3A_183 = arith.mulf %mul3A_182, %abs3A_151 : vector<1x5120xf32>
    %sub3A_184 = arith.constant 5.000000e-01 : f32
    %sub3A_185 = vector.broadcast %sub3A_184 : f32 to vector<1x5120xf32>
    %sub3A_186 = arith.subf %abs3A_151, %sub3A_185 : vector<1x5120xf32>
    %select_n3A_187 = arith.select %le3A_179, %mul3A_183, %sub3A_186 : vector<1x5120xi1>, vector<1x5120xf32>
    %add3A_188 = arith.addf %add3A_176, %select_n3A_187 : vector<1x5120xf32>
    %le3A_189 = arith.constant 1.000000e+00 : f32
    %le3A_190 = vector.broadcast %le3A_189 : f32 to vector<1x5120xf32>
    %le3A_191 = arith.cmpf ole, %abs3A_154, %le3A_190 : vector<1x5120xf32>
    %mul3A_192 = arith.constant 5.000000e-01 : f32
    %mul3A_193 = vector.broadcast %mul3A_192 : f32 to vector<1x5120xf32>
    %mul3A_194 = arith.mulf %mul3A_193, %abs3A_154 : vector<1x5120xf32>
    %mul3A_195 = arith.mulf %mul3A_194, %abs3A_154 : vector<1x5120xf32>
    %sub3A_196 = arith.constant 5.000000e-01 : f32
    %sub3A_197 = vector.broadcast %sub3A_196 : f32 to vector<1x5120xf32>
    %sub3A_198 = arith.subf %abs3A_154, %sub3A_197 : vector<1x5120xf32>
    %select_n3A_199 = arith.select %le3A_191, %mul3A_195, %sub3A_198 : vector<1x5120xi1>, vector<1x5120xf32>
    %add3A_200 = arith.addf %add3A_188, %select_n3A_199 : vector<1x5120xf32>
    %mul3A_201 = arith.mulf %mul3A_51, %add3A_200 : vector<1x5120xf32>
    %reduce_sum3A_202 = vector.shape_cast %mul3A_201 : vector<1x5120xf32> to vector<1x1x5120xf32>
    %reduce_sum3A_203 = arith.constant dense<0.000000e+00> : vector<1xf32>
    %reduce_sum3A_204 = vector.multi_reduction <add>, %reduce_sum3A_202, %reduce_sum3A_203 [1, 2] : vector<1x1x5120xf32> to vector<1xf32>
    %reduce_sum3A_205 = vector.shape_cast %reduce_sum3A_204 : vector<1xf32> to vector<1x1x1xf32>
    %reduce_sum3A_206 = vector.extract %reduce_sum3A_205[0, 0, 0] : f32 from vector<1x1x1xf32>
    %reduce_sum3A_207 = vector.shape_cast %mul3A_51 : vector<1x5120xf32> to vector<1x1x5120xf32>
    %reduce_sum3A_208 = arith.constant dense<0.000000e+00> : vector<1xf32>
    %reduce_sum3A_209 = vector.multi_reduction <add>, %reduce_sum3A_207, %reduce_sum3A_208 [1, 2] : vector<1x1x5120xf32> to vector<1xf32>
    %reduce_sum3A_210 = vector.shape_cast %reduce_sum3A_209 : vector<1xf32> to vector<1x1x1xf32>
    %reduce_sum3A_211 = vector.extract %reduce_sum3A_210[0, 0, 0] : f32 from vector<1x1x1xf32>
    %max3A_212 = arith.constant 1.000000e+00 : f32
    %max3A_213 = arith.maximumf %reduce_sum3A_211, %max3A_212 : f32
    %get3A_214 = arith.constant 0 : index
    %get3A_215 = arith.constant 0 : index
    %get3A_216 = memref.load %arg4[%get3A_214, %get3A_215] : memref<1x1xf32, #tpu.memory_space<smem>>
    %add3A_217 = arith.addf %reduce_sum3A_115, %reduce_sum3A_206 : f32
    %mul3A_218 = arith.constant 8.000000e+00 : f32
    %mul3A_219 = arith.mulf %max3A_213, %mul3A_218 : f32
    %div3A_220 = arith.divf %add3A_217, %mul3A_219 : f32
    %add3A_221 = arith.addf %get3A_216, %div3A_220 : f32
    %swap3A = arith.constant 0 : index
    %swap3A_222 = arith.constant 0 : index
    %swap3A_223 = memref.load %arg4[%swap3A, %swap3A_222] : memref<1x1xf32, #tpu.memory_space<smem>>
    memref.store %add3A_221, %arg4[%swap3A, %swap3A_222] : memref<1x1xf32, #tpu.memory_space<smem>>
    return
  }
  func.func @transform_0(%arg0: i32) -> (i32, i32, i32) {
    %c0_i32 = arith.constant 0 : i32
    %c0_i32_0 = arith.constant 0 : i32
    %c0_i32_1 = arith.constant 0 : i32
    return %arg0, %c0_i32, %c0_i32_0 : i32, i32, i32
  }
  func.func @transform_1(%arg0: i32) -> (i32, i32, i32) {
    %c0_i32 = arith.constant 0 : i32
    %c0_i32_0 = arith.constant 0 : i32
    %c0_i32_1 = arith.constant 0 : i32
    return %arg0, %c0_i32, %c0_i32_0 : i32, i32, i32
  }
  func.func @transform_2(%arg0: i32) -> (i32, i32) {
    %c0_i32 = arith.constant 0 : i32
    %c0_i32_0 = arith.constant 0 : i32
    return %c0_i32, %arg0 : i32, i32
  }
  func.func @transform_3(%arg0: i32) -> (i32, i32) {
    %c0_i32 = arith.constant 0 : i32
    %c0_i32_0 = arith.constant 0 : i32
    %c0_i32_1 = arith.constant 0 : i32
    return %c0_i32, %c0_i32_0 : i32, i32
  }
}

</mosaic_0001>

<sc_bundles>
// kernel: kernel.4.cloned.1.call-start
scs
__scs_entry_jumppad:
0x0: {  	(pc) =	sbr.rel $0x88, $3  }
0x1: {  	(tag) =	ssettag $0x0;
	lr =	simm.s32 $0x1  }
0x2: {  	[smem:$0x3F9D] =	sst lr;
	_ =	strace $0xD0000000  }
0x3: {  	_ = 	snop  }
0x4: {  	_ = 	snop  }
0x5: {  	_ = 	snop  }
0x6: {  	_ = 	snop  }
0x7: {  	_ = 	snop  }
__scs_overlays_trampoline_lowered:
0x8: {  	[smem:$0x3FAC] =	sst s0  }
0x9: {  	[smem:$0x3FAD] =	sst s1  }
0xa: {  	[smem:$0x3FAE] =	sst s2  }
0xb: {  	[smem:$0x3FAF] =	sst s3  }
0xc: {  	[smem:$0x3FB0] =	sst s4  }
0xd: {  	[smem:$0x3FB1] =	sst s5  }
0xe: {  	[smem:$0x3FB2] =	sst s6  }
0xf: {  	[smem:$0x3FB3] =	sst s7  }
0x10: {  	[smem:$0x3FB4] =	sst s8  }
0x11: {  	[smem:$0x3FB5] =	sst s9;
	s0 =	simm.s32 @!p0 $0x0  }
0x12: {  	s1 =	sld [smem:$0x3F9B];
	s0 =	simm.s32 @p0 $0x1  }
0x13: {  	[smem:$0x3FB6] =	sst s0;
	s0 =	simm.s32 @!p1 $0x0  }
0x14: {  	s2 =	sld [smem:$0x3F9A];
	s0 =	simm.s32 @p1 $0x1  }
0x15: {  	[smem:$0x3FB7] =	sst s0;
	s0 =	simm.s32 @!p2 $0x0  }
0x16: {  	s3 =	sld [smem:$0x3FDB];
	s0 =	simm.s32 @p2 $0x1  }
0x17: {  	s4 =	simm.s32 $0x1BF5;
	[smem:$0x3FB9] =	sst s0  }
0x18: {  	s0 =	sld [smem:$0x3F9C];
	_ =	swait.ge [sflag:s4], $0x0  }
0x19: {  	s7 =	sld [smem:$0x3F9D]  }
0x1a: {  	s8 =	sadd.s32 $0xFFFFE003, lr  }
0x1b: {  	s9 =	sadd.s32 $0xFFFFFEF7, lr;
	s5 =	simm.s32 $0xFFFFFFFF;
	p2 =	slt.u32 s8, $0xFFFFF086  }
0x1c: {  	p1 =	slt.u32 s9, $0xF7A;
	s5 =	simm.s32 @!p2 $0x0  }
0x1d: {  	s5 =	simm.s32 @p1 $0x1;
	p0 =	seq.s32 s7, s2  }
0x1e: {  	s7 =	smul.u32 @!p0 $0xF7A, s2;
	p2 =	seq.s32 @!p0 s5, $0x0  }
0x1f: {  	s9 =	smul.u32 $0xF7A, s1;
	s8 =	simm.s32 @!p0 $0x1BF5;
	p2 =	por !p2, p0  }
0x20: {  	[sflag:s8] =	ssyncset.s32 @!p0 $0xFFFFF086;
	s6 =	sadd.s32 @!p0 s3, s7;
	s7 =	simm.s32 @!p0 $0x108  }
0x21: {  	s3 =	sadd.s32 s3, s9;
	s6 =	sadd.s32 @!p0 $0x88, s6;
	s7 =	simm.s32 @p2 $0x1082  }
0x22: {  	[simem:s7], [sflag:s8] =	dma.local @!p0 [hbm:s6], $0xF7A  }
0x23: {  	s9 =	sor.u32 $0xD0000000, s2;
	s6 =	simm.s32 $0x108;
	_ =	swait.ge @!p0 [sflag:s8], $0x0  }
0x24: {  	s3 =	sadd.s32 $0x88, s3;
	s6 =	simm.s32 @!p1 $0x1082;
	[sflag:s4] =	ssyncset.s32 $0xFFFFF086  }
0x25: {  	[simem:s6], [sflag:s4] =	dma.local [hbm:s3], $0xF7A  }
0x26: {  	[smem:$0x3F9D] =	sst s1;
	(tag) =	ssettag s2;
	_ =	strace s9  }
0x27: {  	s1 =	sld [smem:$0x3FAD]  }
0x28: {  	s2 =	sld [smem:$0x3FAE]  }
0x29: {  	s4 =	sld [smem:$0x3FB0]  }
0x2a: {  	p0 =	seq.s32 s5, $0x0;
	s5 =	sld [smem:$0x3FB1]  }
0x2b: {  	s6 =	sld [smem:$0x3FB2]  }
0x2c: {  	s7 =	sld [smem:$0x3FB3]  }
0x2d: {  	s3 =	simm.s32 $0x108;
	s8 =	sld [smem:$0x3FB4]  }
0x2e: {  	s3 =	simm.s32 @!p0 $0x1082;
	s9 =	sld [smem:$0x3FB5]  }
0x2f: {  	lr =	sadd.s32 s0, s3;
	s0 =	sld [smem:$0x3FAC]  }
0x30: {  	s3 =	sld [smem:$0x3FAF]  }
0x31: {  	[smem:$0x3FB8] =	sst s10  }
0x32: {  	s10 =	sld [smem:$0x3FB6];
	_ =	sdelay $0x3  }
0x33: {  	p0 =	seq.s32 s10, $0x1;
	s10 =	sld [smem:$0x3FB8];
	_ =	sdelay $0x3  }
0x34: {  	[smem:$0x3FB8] =	sst s10  }
0x35: {  	s10 =	sld [smem:$0x3FB7];
	_ =	sdelay $0x3  }
0x36: {  	p1 =	seq.s32 s10, $0x1;
	s10 =	sld [smem:$0x3FB8];
	_ =	sdelay $0x3  }
0x37: {  	[smem:$0x3FB8] =	sst s10  }
0x38: {  	s10 =	sld [smem:$0x3FB9]  }
0x39: {  	_ = 	snop;
	(pc) =	sbr.ind lr, $3  }
0x3a: {  	_ = 	snop  }
0x3b: {  	_ = 	snop  }
0x3c: {  	p2 =	seq.s32 s10, $0x1;
	s10 =	sld [smem:$0x3FB8]  }
0x3d: {  	_ =	shalt  }
0x3e: {  	_ =	shalt  }
0x3f: {  	_ =	shalt  }
0x40: {  	_ =	shalt  }
0x41: {  	_ =	shalt  }
0x42: {  	_ =	shalt  }
0x43: {  	_ =	shalt  }
0x44: {  	_ =	shalt  }
0x45: {  	_ =	shalt  }
0x46: {  	_ =	shalt  }
0x47: {  	_ =	shalt  }
0x48: {  	_ =	shalt  }
0x49: {  	_ =	shalt  }
0x4a: {  	_ =	shalt  }
0x4b: {  	_ =	shalt  }
0x4c: {  	_ =	shalt  }
0x4d: {  	_ =	shalt  }
0x4e: {  	_ =	shalt  }
0x4f: {  	_ =	shalt  }
0x50: {  	_ =	shalt  }
0x51: {  	_ =	shalt  }
0x52: {  	_ =	shalt  }
0x53: {  	_ =	shalt  }
0x54: {  	_ =	shalt  }
0x55: {  	_ =	shalt  }
0x56: {  	_ =	shalt  }
0x57: {  	_ =	shalt  }
0x58: {  	_ =	shalt  }
0x59: {  	_ =	shalt  }
0x5a: {  	_ =	shalt  }
0x5b: {  	_ =	shalt  }
0x5c: {  	_ =	shalt  }
0x5d: {  	_ =	shalt  }
0x5e: {  	_ =	shalt  }
0x5f: {  	_ =	shalt  }
0x60: {  	_ =	shalt  }
0x61: {  	_ =	shalt  }
0x62: {  	_ =	shalt  }
0x63: {  	_ =	shalt  }
0x64: {  	_ =	shalt  }
0x65: {  	_ =	shalt  }
0x66: {  	_ =	shalt  }
0x67: {  	_ =	shalt  }
0x68: {  	_ =	shalt  }
0x69: {  	_ =	shalt  }
0x6a: {  	_ =	shalt  }
0x6b: {  	_ =	shalt  }
0x6c: {  	_ =	shalt  }
0x6d: {  	_ =	shalt  }
0x6e: {  	_ =	shalt  }
0x6f: {  	_ =	shalt  }
0x70: {  	_ =	shalt  }
0x71: {  	_ =	shalt  }
0x72: {  	_ =	shalt  }
0x73: {  	_ =	shalt  }
0x74: {  	_ =	shalt  }
0x75: {  	_ =	shalt  }
0x76: {  	_ =	shalt  }
0x77: {  	_ =	shalt  }
0x78: {  	_ =	shalt  }
0x79: {  	_ =	shalt  }
0x7a: {  	_ =	shalt  }
0x7b: {  	_ =	shalt  }
0x7c: {  	_ =	shalt  }
0x7d: {  	_ =	shalt  }
0x7e: {  	_ =	shalt  }
0x7f: {  	_ =	shalt  }
0x80: {  	_ =	shalt  }
0x81: {  	_ =	shalt  }
0x82: {  	_ =	shalt  }
0x83: {  	_ =	shalt  }
0x84: {  	_ =	shalt  }
0x85: {  	_ =	shalt  }
0x86: {  	_ =	shalt  }
0x87: {  	_ =	shalt  }
.Lfunc_end0:
.L_simem_size_0:
called_computation_lowered:
.L_overlay_start_0:
0x88: {  	s2 =	sld [smem:$0x3FD9]  }
0x89: {  	s3 =	sld [smem:$0x3FFE];
	_ =	sdelay $0x1  }
0x8a: {  	s1 =	srdreg.scid  }
0x8b: {  	s0 =	sand.u32 $0x1, s1  }
0x8c: {  	s17 =	sshll.u32 s0, $0xA;
	s2 =	sadd.s32 s3, s2  }
0x8d: {  	s2 =	sadd.s32 s2, s17  }
0x8e: {  	[smem:$0x3FC4] =	sst s2  }
0x8f: {  	_ = 	snop  }
0x90: {  	s2 =	sld [smem:$0x3FC7];
	(tm) =	ssettm $0x1  }
0x91: {  	s18 =	sld [smem:$0x3FFB];
	_ =	sdelay $0x3  }
0x92: {  	_ =	strace s18  }
0x93: {  	s3 =	sld [smem:$0x3FFC];
	_ =	sdelay $0x3  }
0x94: {  	_ =	strace s3  }
0x95: {  	s3 =	sld [smem:$0x3FFD];
	_ =	sdelay $0x3  }
0x96: {  	_ =	strace s3  }
0x97: {  	_ =	strace $0x8FFFFFFF  }
0x98: {  	s19 =	sld [smem:$0x3FDB];
	_ =	sdelay $0x1  }
0x99: {  	s4 =	simm.s32 $_scs_section_size  }
0x9a: {  	s5 =	simm.s32 $_size__tile_overlayer_lowered;
	s6 =	simm.s32 $_tile_overlayer_lowered  }
0x9b: {  	s22 =	simm.s32 $0x1BFF;
	s21 =	sshll.u32 s6, $0x1;
	s3 =	sadd.s32 s4, s19  }
0x9c: {  	s7 =	simm.s32 $0x0;
	s20 =	sshll.u32 s5, $0x1;
	s5 =	sadd.s32 s21, s3  }
0x9d: {  	[timem:s7], [sflag:s22] =	dma.local [hbm:s5], s20  }
0x9e: {  	_ =	swait.ge [sflag:s22], s20  }
0x9f: {  	s4 =	ssub.s32 $0x0, s20;
	[sflag:s22] =	ssyncset.done $0x0  }
0xa0: {  	[sflag:s22] =	ssyncadd.s32 s4;
	_ =	sdelay $0x1  }
0xa1: {  	s23 =	simm.s32 $0x1B8B  }
0xa2: {  	_ =	swait.ge [sflag:s23], $0x1  }
0xa3: {  	[sflag:s23] =	ssyncset.done $0x0  }
0xa4: {  	s25 =	simm.s32 $0x1B8E;
	s24 =	sld [smem:$0x3FFE];
	[sflag:s23] =	ssyncadd.s32 $0xFFFFFFFF  }
0xa5: {  	s26 =	simm.s32 $execute0_lowered;
	[smem:$0x3FD2] =	sst s25  }
0xa6: {  	s5 =	sshll.u32 s26, $0x1;
	_ =	strace $0x80000046;
	[dreg:$0x1] =	wrdreg $0xFFFFFFFF  }
0xa7: {  	s28 =	simm.s32 $_size_execute0_lowered;
	s3 =	sadd.s32 s3, s5;
	[dreg:$0x0] =	wrdreg $0x0  }
0xa8: {  	s5 =	sshll.u32 s28, $0x1;
	[dreg:$0x2] =	wrdreg s3  }
0xa9: {  	[dreg:$0x3] =	wrdreg s5  }
0xaa: {  	[dreg:$0x4] =	wrdreg $0xC0  }
0xab: {  	_ =	task [dreg:s7], $0x5FFFF  }
0xac: {  	[dreg:$0x1] =	wrdreg $0xFFFFFFFF  }
0xad: {  	[dreg:$0x0] =	wrdreg $0x60  }
0xae: {  	[dreg:$0x2] =	wrdreg s24  }
0xaf: {  	[dreg:$0x3] =	wrdreg s2  }
0xb0: {  	[dreg:$0x4] =	wrdreg $0x9  }
0xb1: {  	_ =	task.clear_ibuf [dreg:s7], $0x5FFFF;
	_ =	strace $0x90000046  }
0xb2: {  	s29 =	simm.s32 $0x9;
	_ =	strace $0x80000048  }
0xb3: {  	_ =	swait.ge [sflag:s29], $0x1  }
0xb4: {  	[sflag:s29] =	ssyncadd.s32 $0xFFFFFFFF  }
0xb5: {  	_ =	strace $0x90000048  }
0xb6: {  	_ =	sfence  }
0xb7: {  	s30 =	sld [smem:$0x0];
	_ =	sdelay $0x2  }
0xb8: {  	s31 =	sshll.u32 s1, $0xD;
	s1 =	sshrl.u32 s1, $0x2  }
0xb9: {  	s3 =	sand.u32 $0x4000, s31;
	s1 =	sadd.s32 s1, s30  }
0xba: {  	s0 =	sor.u32 s3, s0;
	s1 =	sshll.u32 s1, $0x11  }
0xbb: {  	s0 =	sor.u32 s1, s0  }
0xbc: {  	s0 =	sadd.s32 $0x8F2B, s0  }
0xbd: {  	[sflag:s0] =	ssyncadd.remote.s32 $0x1  }
0xbe: {  	_ =	sfence.sel $0xFFFF  }
0xbf: {  	[dreg:$0x0] =	wrdreg $0xFFFFFFFF;
	(pc) =	sbr.abs _section_cstart, $3  }
0xc0: {  	[dreg:$0x1] =	wrdreg $0xFFFFFFFF  }
0xc1: {  	_ =	task.clear_ibuf [dreg:s7], $0x2FFFF;
	_ =	strace $0x9FFFFFFF  }
0xc2: {  	(tm) =	ssettm $0x7FFFFFFF  }
0xc3: {  	_ =	shalt  }
tec
execute0_lowered:
.L_overlay_start_1:
0x0: {  	(tag) =	ssettag $0x1  }
0x1: {  	s0 =	srdreg.scid;
	s1 =	rddreg [dreg:$0x0]  }
0x2: {  	s6 =	stileid.u32;
	s7 =	rddreg [dreg:$0x1];
	s23 =	simm.s32 $0x0  }
0x3: {  	s0 =	sand.u32 $0x1, s0;
	s2 =	sshll.u32 s6, $0x1;
	s8 =	sand.u32 $0xE, s6  }
0x4: {  	s3 =	sor.u32 s0, s2;
	s2 =	simm.s32 $0x0;
	s0 =	ssub.s32 $0x2, s0  }
0x5: {  	s10 =	sadd.s32 s8, s7;
	s4 =	smul.u32 $0x280, s3;
	[smem:$0x7FF] =	sst s2  }
0x6: {  	s3 =	smul.u32 $0x140, s3;
	s5 =	sshrl.u32 s0, $0x1;
	s7 =	sadd.s32 $0x20, s10  }
0x7: {  	s8 =	sadd.s32 $0x30, s10;
	s9 =	sadd.s32 $0x40, s10;
	s10 =	sadd.s32 $0x50, s10  }
0x8: {  	_ =	strace $0x80000047;
	s0 =	ssub.s32 s0, s5;
	s22 =	sadd.s32 s4, s1  }
0x9: {  	s1 =	sadd.s32 s3, s1;
	s13 =	smax.u32 s0, $0x1;
	s0 =	simm.s32 $0x1  }
0xa: {  	s3 =	sadd.s32 $0xC00, s22;
	s4 =	sadd.s32 $0xC10, s22;
	s5 =	sadd.s32 $0xC20, s22  }
0xb: {  	s6 =	sadd.s32 $0xC30, s22;
	s11 =	sadd.s32 $0x5C00, s1;
	s12 =	sadd.s32 $0x5C10, s1  }
0xc: {  	s14 =	sadd.s32 $0xC40, s22;
	s15 =	sadd.s32 $0xC80, s22;
	s16 =	sadd.s32 $0xCC0, s22  }
0xd: {  	s17 =	sadd.s32 $0xD00, s22;
	s18 =	sadd.s32 $0xD40, s22;
	s19 =	sadd.s32 $0xD80, s22  }
0xe: {  	s20 =	sadd.s32 $0xDC0, s22;
	s21 =	sadd.s32 $0xE00, s22;
	s22 =	sadd.s32 $0xE40, s22  }
.LBB2_1:
0xf: {  	[tilespmem:s2], [sflag:$0x1] =	stream.linear.gather [hbm4b:s3+s2], $0x80, $0x38;
	[tilespmem:$0x2000] =	vst v63  }
0x10: {  	s1 =	simm.s32 $0x200  }
0x11: {  	[tilespmem:s1], [sflag:$0x1] =	stream.linear.gather [hbm4b:s14+s2], $0x80, $0x38;
	[tilespmem:$0x2000] =	vst v63  }
0x12: {  	s26 =	simm.s32 $0x400  }
0x13: {  	[tilespmem:s26], [sflag:$0x1] =	stream.linear.gather [hbm4b:s15+s2], $0x80, $0x38;
	[tilespmem:$0x2000] =	vst v63  }
0x14: {  	s28 =	simm.s32 $0x600  }
0x15: {  	[tilespmem:s28], [sflag:$0x1] =	stream.linear.gather [hbm4b:s16+s2], $0x80, $0x38;
	[tilespmem:$0x2000] =	vst v63  }
0x16: {  	s29 =	simm.s32 $0x800  }
0x17: {  	[tilespmem:s29], [sflag:$0x1] =	stream.linear.gather [hbm4b:s17+s2], $0x80, $0x38;
	[tilespmem:$0x2000] =	vst v63  }
0x18: {  	s30 =	simm.s32 $0xA00  }
0x19: {  	[tilespmem:s30], [sflag:$0x1] =	stream.linear.gather [hbm4b:s18+s2], $0x80, $0x38;
	[tilespmem:$0x2000] =	vst v63  }
0x1a: {  	s31 =	simm.s32 $0xC00  }
0x1b: {  	[tilespmem:s31], [sflag:$0x1] =	stream.linear.gather [hbm4b:s19+s2], $0x80, $0x38;
	[tilespmem:$0x2000] =	vst v63  }
0x1c: {  	s24 =	simm.s32 $0xE00  }
0x1d: {  	[tilespmem:s24], [sflag:$0x1] =	stream.linear.gather [hbm4b:s20+s2], $0x80, $0x38;
	[tilespmem:$0x2000] =	vst v63  }
0x1e: {  	s25 =	simm.s32 $0x1000  }
0x1f: {  	[tilespmem:s25], [sflag:$0x1] =	stream.linear.gather [hbm4b:s21+s2], $0x80, $0x38;
	[tilespmem:$0x2000] =	vst v63  }
0x20: {  	s26 =	simm.s32 $0x1200  }
0x21: {  	[tilespmem:s26], [sflag:$0x1] =	stream.linear.gather [hbm4b:s22+s2], $0x80, $0x38;
	[tilespmem:$0x2000] =	vst v63  }
0x22: {  	_ =	swait.ge [sflag:s0], $0x500  }
0x23: {  	[sflag:s0] =	ssyncset.done $0x0  }
0x24: {  	s28 =	simm.s32 $0x80;
	[sflag:s0] =	ssyncadd.s32 $0xFFFFFB00  }
0x25: {  	[tilespmem:s28], [sflag:$0x1] =	stream.linear.gather [hbm4b:s4+s2], $0x80, $0x38;
	[tilespmem:$0x2000] =	vst v63  }
0x26: {  	s29 =	simm.s32 $0x280;
	s24 =	sadd.s32 $0x40, s4  }
0x27: {  	[tilespmem:s29], [sflag:$0x1] =	stream.linear.gather [hbm4b:s24+s2], $0x80, $0x38;
	[tilespmem:$0x2000] =	vst v63  }
0x28: {  	s30 =	sadd.s32 $0x80, s4;
	s31 =	simm.s32 $0x480  }
0x29: {  	[tilespmem:s31], [sflag:$0x1] =	stream.linear.gather [hbm4b:s30+s2], $0x80, $0x38;
	[tilespmem:$0x2000] =	vst v63  }
0x2a: {  	s25 =	sadd.s32 $0xC0, s4;
	s26 =	simm.s32 $0x680  }
0x2b: {  	[tilespmem:s26], [sflag:$0x1] =	stream.linear.gather [hbm4b:s25+s2], $0x80, $0x38;
	[tilespmem:$0x2000] =	vst v63  }
0x2c: {  	s28 =	sadd.s32 $0x100, s4;
	s29 =	simm.s32 $0x880  }
0x2d: {  	[tilespmem:s29], [sflag:$0x1] =	stream.linear.gather [hbm4b:s28+s2], $0x80, $0x38;
	[tilespmem:$0x2000] =	vst v63  }
0x2e: {  	s30 =	sadd.s32 $0x140, s4;
	s31 =	simm.s32 $0xA80  }
0x2f: {  	[tilespmem:s31], [sflag:$0x1] =	stream.linear.gather [hbm4b:s30+s2], $0x80, $0x38;
	[tilespmem:$0x2000] =	vst v63  }
0x30: {  	s25 =	sadd.s32 $0x180, s4;
	s26 =	simm.s32 $0xC80  }
0x31: {  	[tilespmem:s26], [sflag:$0x1] =	stream.linear.gather [hbm4b:s25+s2], $0x80, $0x38;
	[tilespmem:$0x2000] =	vst v63  }
0x32: {  	s28 =	sadd.s32 $0x1C0, s4;
	s29 =	simm.s32 $0xE80  }
0x33: {  	[tilespmem:s29], [sflag:$0x1] =	stream.linear.gather [hbm4b:s28+s2], $0x80, $0x38;
	[tilespmem:$0x2000] =	vst v63  }
0x34: {  	s30 =	sadd.s32 $0x200, s4;
	s31 =	simm.s32 $0x1080  }
0x35: {  	[tilespmem:s31], [sflag:$0x1] =	stream.linear.gather [hbm4b:s30+s2], $0x80, $0x38;
	[tilespmem:$0x2000] =	vst v63  }
0x36: {  	s1 =	sadd.s32 $0x240, s4;
	s25 =	simm.s32 $0x1280  }
0x37: {  	[tilespmem:s25], [sflag:$0x1] =	stream.linear.gather [hbm4b:s1+s2], $0x80, $0x38;
	[tilespmem:$0x2000] =	vst v63  }
0x38: {  	_ =	swait.ge [sflag:s0], $0x500  }
0x39: {  	[sflag:s0] =	ssyncset.done $0x0  }
0x3a: {  	s26 =	simm.s32 $0x100;
	[sflag:s0] =	ssyncadd.s32 $0xFFFFFB00  }
0x3b: {  	[tilespmem:s26], [sflag:$0x1] =	stream.linear.gather [hbm4b:s5+s2], $0x80, $0x38;
	[tilespmem:$0x2000] =	vst v63  }
0x3c: {  	s28 =	sadd.s32 $0x40, s5;
	s29 =	simm.s32 $0x300  }
0x3d: {  	[tilespmem:s29], [sflag:$0x1] =	stream.linear.gather [hbm4b:s28+s2], $0x80, $0x38;
	[tilespmem:$0x2000] =	vst v63  }
0x3e: {  	s30 =	sadd.s32 $0x80, s5;
	s31 =	simm.s32 $0x500  }
0x3f: {  	[tilespmem:s31], [sflag:$0x1] =	stream.linear.gather [hbm4b:s30+s2], $0x80, $0x38;
	[tilespmem:$0x2000] =	vst v63  }
0x40: {  	s25 =	sadd.s32 $0xC0, s5;
	s26 =	simm.s32 $0x700  }
0x41: {  	[tilespmem:s26], [sflag:$0x1] =	stream.linear.gather [hbm4b:s25+s2], $0x80, $0x38;
	[tilespmem:$0x2000] =	vst v63  }
0x42: {  	s28 =	sadd.s32 $0x100, s5;
	s29 =	simm.s32 $0x900  }
0x43: {  	[tilespmem:s29], [sflag:$0x1] =	stream.linear.gather [hbm4b:s28+s2], $0x80, $0x38;
	[tilespmem:$0x2000] =	vst v63  }
0x44: {  	s30 =	sadd.s32 $0x140, s5;
	s31 =	simm.s32 $0xB00  }
0x45: {  	[tilespmem:s31], [sflag:$0x1] =	stream.linear.gather [hbm4b:s30+s2], $0x80, $0x38;
	[tilespmem:$0x2000] =	vst v63  }
0x46: {  	s25 =	sadd.s32 $0x180, s5;
	s26 =	simm.s32 $0xD00  }
0x47: {  	[tilespmem:s26], [sflag:$0x1] =	stream.linear.gather [hbm4b:s25+s2], $0x80, $0x38;
	[tilespmem:$0x2000] =	vst v63  }
0x48: {  	s28 =	sadd.s32 $0x1C0, s5;
	s29 =	simm.s32 $0xF00  }
0x49: {  	[tilespmem:s29], [sflag:$0x1] =	stream.linear.gather [hbm4b:s28+s2], $0x80, $0x38;
	[tilespmem:$0x2000] =	vst v63  }
0x4a: {  	s30 =	sadd.s32 $0x200, s5;
	s31 =	simm.s32 $0x1100  }
0x4b: {  	[tilespmem:s31], [sflag:$0x1] =	stream.linear.gather [hbm4b:s30+s2], $0x80, $0x38;
	[tilespmem:$0x2000] =	vst v63  }
0x4c: {  	s1 =	sadd.s32 $0x240, s5;
	s25 =	simm.s32 $0x1300  }
0x4d: {  	[tilespmem:s25], [sflag:$0x1] =	stream.linear.gather [hbm4b:s1+s2], $0x80, $0x38;
	[tilespmem:$0x2000] =	vst v63  }
0x4e: {  	_ =	swait.ge [sflag:s0], $0x500  }
0x4f: {  	[sflag:s0] =	ssyncset.done $0x0  }
0x50: {  	s26 =	simm.s32 $0x180;
	[sflag:s0] =	ssyncadd.s32 $0xFFFFFB00  }
0x51: {  	[tilespmem:s26], [sflag:$0x1] =	stream.linear.gather [hbm4b:s6+s2], $0x80, $0x38;
	[tilespmem:$0x2000] =	vst v63  }
0x52: {  	s28 =	sadd.s32 $0x40, s6;
	s29 =	simm.s32 $0x380  }
0x53: {  	[tilespmem:s29], [sflag:$0x1] =	stream.linear.gather [hbm4b:s28+s2], $0x80, $0x38;
	[tilespmem:$0x2000] =	vst v63  }
0x54: {  	s30 =	sadd.s32 $0x80, s6;
	s31 =	simm.s32 $0x580  }
0x55: {  	[tilespmem:s31], [sflag:$0x1] =	stream.linear.gather [hbm4b:s30+s2], $0x80, $0x38;
	[tilespmem:$0x2000] =	vst v63  }
0x56: {  	s25 =	sadd.s32 $0xC0, s6;
	s26 =	simm.s32 $0x780  }
0x57: {  	[tilespmem:s26], [sflag:$0x1] =	stream.linear.gather [hbm4b:s25+s2], $0x80, $0x38;
	[tilespmem:$0x2000] =	vst v63  }
0x58: {  	s28 =	sadd.s32 $0x100, s6;
	s29 =	simm.s32 $0x980  }
0x59: {  	[tilespmem:s29], [sflag:$0x1] =	stream.linear.gather [hbm4b:s28+s2], $0x80, $0x38;
	[tilespmem:$0x2000] =	vst v63  }
0x5a: {  	s30 =	sadd.s32 $0x140, s6;
	s31 =	simm.s32 $0xB80  }
0x5b: {  	[tilespmem:s31], [sflag:$0x1] =	stream.linear.gather [hbm4b:s30+s2], $0x80, $0x38;
	[tilespmem:$0x2000] =	vst v63  }
0x5c: {  	s25 =	sadd.s32 $0x180, s6;
	s26 =	simm.s32 $0xD80  }
0x5d: {  	[tilespmem:s26], [sflag:$0x1] =	stream.linear.gather [hbm4b:s25+s2], $0x80, $0x38;
	[tilespmem:$0x2000] =	vst v63  }
0x5e: {  	s28 =	sadd.s32 $0x1C0, s6;
	s29 =	simm.s32 $0xF80  }
0x5f: {  	[tilespmem:s29], [sflag:$0x1] =	stream.linear.gather [hbm4b:s28+s2], $0x80, $0x38;
	[tilespmem:$0x2000] =	vst v63  }
0x60: {  	s30 =	sadd.s32 $0x200, s6;
	s31 =	simm.s32 $0x1180  }
0x61: {  	[tilespmem:s31], [sflag:$0x1] =	stream.linear.gather [hbm4b:s30+s2], $0x80, $0x38;
	[tilespmem:$0x2000] =	vst v63  }
0x62: {  	s25 =	sadd.s32 $0x240, s6;
	s26 =	simm.s32 $0x1380  }
0x63: {  	[tilespmem:s26], [sflag:$0x1] =	stream.linear.gather [hbm4b:s25+s2], $0x80, $0x38;
	[tilespmem:$0x2000] =	vst v63  }
0x64: {  	_ =	swait.ge [sflag:s0], $0x500  }
0x65: {  	[sflag:s0] =	ssyncset.done $0x0  }
0x66: {  	s28 =	simm.s32 $0x1400;
	[sflag:s0] =	ssyncadd.s32 $0xFFFFFB00  }
0x67: {  	[tilespmem:s28], [sflag:$0x1] =	stream.linear.gather [hbm4b:s7+s2], $0x10, $0x38;
	[tilespmem:$0x2000] =	vst v63  }
0x68: {  	_ =	swait.ge [sflag:s0], $0x10  }
0x69: {  	[sflag:s0] =	ssyncset.done $0x0  }
0x6a: {  	s29 =	simm.s32 $0x1480;
	[sflag:s0] =	ssyncadd.s32 $0xFFFFFFF0  }
0x6b: {  	[tilespmem:s29], [sflag:$0x1] =	stream.linear.gather [hbm4b:s8+s2], $0x10, $0x38;
	[tilespmem:$0x2000] =	vst v63  }
0x6c: {  	_ =	swait.ge [sflag:s0], $0x10  }
0x6d: {  	[sflag:s0] =	ssyncset.done $0x0  }
0x6e: {  	s30 =	simm.s32 $0x1500;
	[sflag:s0] =	ssyncadd.s32 $0xFFFFFFF0  }
0x6f: {  	[tilespmem:s30], [sflag:$0x1] =	stream.linear.gather [hbm4b:s9+s2], $0x10, $0x38;
	[tilespmem:$0x2000] =	vst v63  }
0x70: {  	_ =	swait.ge [sflag:s0], $0x10  }
0x71: {  	[sflag:s0] =	ssyncset.done $0x0  }
0x72: {  	s31 =	simm.s32 $0x1580;
	[sflag:s0] =	ssyncadd.s32 $0xFFFFFFF0  }
0x73: {  	[tilespmem:s31], [sflag:$0x1] =	stream.linear.gather [hbm4b:s10+s2], $0x10, $0x38;
	[tilespmem:$0x2000] =	vst v63  }
0x74: {  	_ =	swait.ge [sflag:s0], $0x10  }
0x75: {  	[sflag:s0] =	ssyncset.done $0x0  }
0x76: {  	[sflag:s0] =	ssyncadd.s32 $0xFFFFFFF0  }
0x77: {  	v13 =	vld [tilespmem:$0x1480]  }
0x78: {  	v14 =	vld [tilespmem:$0x1500]  }
0x79: {  	v16 =	vld [tilespmem:$0x1580];
	_ =	sdelay $0x1  }
0x7a: {  	v39 =	vimm.s32 $0x6  }
0x7b: {  	v40 =	vperm.xlane v13, v39  }
0x7c: {  	v41 =	vperm.xlane v14, v39  }
0x7d: {  	v43 =	vimm.s32 $0x7;
	v42 =	vperm.xlane v16, v39;
	[tilespmem:$0x1FD90] =	vst v40  }
0x7e: {  	v44 =	vperm.xlane v13, v43;
	[tilespmem:$0x1FDA0] =	vst v41  }
0x7f: {  	v45 =	vperm.xlane v14, v43;
	[tilespmem:$0x1FDB0] =	vst v42  }
0x80: {  	v47 =	vimm.s32 $0x8;
	v46 =	vperm.xlane v16, v43;
	[tilespmem:$0x1FDD0] =	vst v44  }
0x81: {  	v48 =	vperm.xlane v13, v47;
	[tilespmem:$0x1FDE0] =	vst v45  }
0x82: {  	v12 =	vld [tilespmem:$0x1400];
	v49 =	vperm.xlane v14, v47;
	[tilespmem:$0x1FDF0] =	vst v46  }
0x83: {  	v51 =	vimm.s32 $0x9;
	v50 =	vperm.xlane v16, v47;
	[tilespmem:$0x1FE10] =	vst v48  }
0x84: {  	v52 =	vperm.xlane v13, v51;
	[tilespmem:$0x1FE20] =	vst v49  }
0x85: {  	v53 =	vperm.xlane v14, v51;
	[tilespmem:$0x1FE30] =	vst v50  }
0x86: {  	v55 =	vimm.s32 $0xA;
	v54 =	vperm.xlane v16, v51;
	[tilespmem:$0x1FE50] =	vst v52  }
0x87: {  	v0 =	vsub.f32 v14, v12;
	v1 =	vsub.f32 v16, v13;
	v56 =	vperm.xlane v13, v55;
	[tilespmem:$0x1FE60] =	vst v53  }
0x88: {  	v57 =	vperm.xlane v14, v55;
	[tilespmem:$0x1FE70] =	vst v54  }
0x89: {  	v58 =	vperm.xlane v16, v55;
	v32 =	vmul.f32 v1, v0;
	v0 =	vimm.s32 $0x0;
	[tilespmem:$0x1FE90] =	vst v56  }
0x8a: {  	[tilespmem:$0x1FEA0] =	vst v57;
	v59 =	vperm.xlane v12, v0  }
0x8b: {  	[tilespmem:$0x1FEB0] =	vst v58;
	v60 =	vperm.xlane v13, v0  }
0x8c: {  	v61 =	vperm.xlane v14, v0;
	[tilespmem:$0x1FC00] =	vst v59  }
0x8d: {  	v1 =	vimm.s32 $0x1;
	v62 =	vperm.xlane v16, v0;
	[tilespmem:$0x1FC10] =	vst v60  }
0x8e: {  	v2 =	vperm.xlane v12, v1;
	[tilespmem:$0x1FC20] =	vst v61  }
0x8f: {  	v63 =	vperm.xlane v13, v1;
	[tilespmem:$0x1FC30] =	vst v62  }
0x90: {  	v4 =	vperm.xlane v14, v1;
	[tilespmem:$0x1FC40] =	vst v2  }
0x91: {  	v31 =	vimm.s32 $0xE;
	v5 =	vperm.xlane v16, v1;
	[tilespmem:$0x1FC50] =	vst v63  }
0x92: {  	[tilespmem:$0x1FC60] =	vst v4;
	v2 =	vimm.s32 $0x2;
	v62 =	vperm.xlane v16, v31  }
0x93: {  	[tilespmem:$0x1FC70] =	vst v5;
	v3 =	vperm.xlane v12, v2  }
0x94: {  	v6 =	vperm.xlane v13, v2;
	[tilespmem:$0x1FFE0] =	vst v62  }
0x95: {  	v7 =	vperm.xlane v14, v2;
	[tilespmem:$0x1FC80] =	vst v3  }
0x96: {  	v59 =	vimm.s32 $0xB;
	v8 =	vperm.xlane v16, v2;
	[tilespmem:$0x1FC90] =	vst v6  }
0x97: {  	v15 =	vperm.xlane v12, v59;
	[tilespmem:$0x1FCA0] =	vst v7  }
0x98: {  	[tilespmem:$0x1FCB0] =	vst v8;
	v7 =	vperm.xlane v12, v39  }
0x99: {  	v8 =	vperm.xlane v12, v43;
	[tilespmem:$0x1FEC0] =	vst v15  }
0x9a: {  	v3 =	vimm.s32 $0x3;
	v15 =	vperm.xlane v13, v59;
	[tilespmem:$0x1FD80] =	vst v7  }
0x9b: {  	v4 =	vperm.xlane v12, v3;
	[tilespmem:$0x1FDC0] =	vst v8  }
0x9c: {  	v9 =	vperm.xlane v13, v3;
	[tilespmem:$0x1FED0] =	vst v15  }
0x9d: {  	v10 =	vperm.xlane v14, v3;
	[tilespmem:$0x1FCC0] =	vst v4  }
0x9e: {  	v11 =	vperm.xlane v16, v3;
	[tilespmem:$0x1FCD0] =	vst v9  }
0x9f: {  	v15 =	vperm.xlane v14, v59;
	[tilespmem:$0x1FCE0] =	vst v10  }
0xa0: {  	[tilespmem:$0x1FCF0] =	vst v11;
	v9 =	vperm.xlane v12, v47  }
0xa1: {  	v10 =	vperm.xlane v12, v51;
	[tilespmem:$0x1FEE0] =	vst v15  }
0xa2: {  	v4 =	vimm.s32 $0x4;
	v11 =	vperm.xlane v12, v55;
	[tilespmem:$0x1FE00] =	vst v9  }
0xa3: {  	v5 =	vperm.xlane v12, v4;
	[tilespmem:$0x1FE40] =	vst v10  }
0xa4: {  	v15 =	vperm.xlane v16, v59;
	[tilespmem:$0x1FE80] =	vst v11  }
0xa5: {  	v29 =	vimm.s32 $0xC;
	v33 =	vperm.xlane v13, v4;
	[tilespmem:$0x1FD00] =	vst v5  }
0xa6: {  	[tilespmem:$0x1FEF0] =	vst v15;
	v15 =	vperm.xlane v12, v29  }
0xa7: {  	v34 =	vperm.xlane v14, v4;
	[tilespmem:$0x1FD10] =	vst v33  }
0xa8: {  	[tilespmem:$0x1FF00] =	vst v15;
	v15 =	vperm.xlane v13, v29  }
0xa9: {  	v35 =	vperm.xlane v16, v4;
	[tilespmem:$0x1FD20] =	vst v34  }
0xaa: {  	v5 =	vimm.s32 $0x5;
	[tilespmem:$0x1FF10] =	vst v15;
	v15 =	vperm.xlane v14, v29  }
0xab: {  	[tilespmem:$0x1FD30] =	vst v35;
	v6 =	vperm.xlane v12, v5  }
0xac: {  	[tilespmem:$0x1FF20] =	vst v15;
	v15 =	vperm.xlane v16, v29  }
0xad: {  	v30 =	vimm.s32 $0xD;
	v36 =	vperm.xlane v13, v5;
	[tilespmem:$0x1FD40] =	vst v6  }
0xae: {  	[tilespmem:$0x1FF30] =	vst v15;
	v15 =	vperm.xlane v12, v30  }
0xaf: {  	v17 =	vperm.xlane v32, v0;
	v37 =	vperm.xlane v14, v5;
	[tilespmem:$0x1FD50] =	vst v36  }
0xb0: {  	v18 =	vperm.xlane v32, v1;
	[tilespmem:$0x1FF40] =	vst v15;
	v15 =	vperm.xlane v13, v30  }
0xb1: {  	v23 =	vperm.xlane v32, v39;
	v38 =	vperm.xlane v16, v5;
	[tilespmem:$0x1FD60] =	vst v37  }
0xb2: {  	v24 =	vperm.xlane v32, v43;
	v33 =	vimm.s32 $0xF;
	[tilespmem:$0x1FF50] =	vst v15;
	v15 =	vperm.xlane v14, v30  }
0xb3: {  	v25 =	vperm.xlane v32, v47;
	v60 =	vperm.xlane v13, v33;
	[tilespmem:$0x1FD70] =	vst v38  }
0xb4: {  	v26 =	vperm.xlane v32, v51;
	[tilespmem:$0x1FF60] =	vst v15;
	v15 =	vperm.xlane v16, v30  }
0xb5: {  	v27 =	vperm.xlane v32, v55;
	v61 =	vperm.xlane v14, v33;
	[tilespmem:$0x1FFC0] =	vst v60  }
0xb6: {  	v19 =	vperm.xlane v32, v2;
	[tilespmem:$0x1FF70] =	vst v15;
	v15 =	vperm.xlane v12, v31  }
0xb7: {  	v28 =	vperm.xlane v32, v59;
	v63 =	vperm.xlane v16, v33;
	[tilespmem:$0x1FFD0] =	vst v61  }
0xb8: {  	v20 =	vperm.xlane v32, v3;
	[tilespmem:$0x1FF80] =	vst v15;
	v15 =	vperm.xlane v13, v31  }
0xb9: {  	v21 =	vperm.xlane v32, v4;
	[tilespmem:$0x1FFF0] =	vst v63;
	v12 =	vperm.xlane v12, v33  }
0xba: {  	v22 =	vperm.xlane v32, v5;
	[tilespmem:$0x1FF90] =	vst v15;
	v15 =	vperm.xlane v14, v31  }
0xbb: {  	v29 =	vperm.xlane v32, v29;
	v30 =	vperm.xlane v32, v30;
	[tilespmem:$0x1FFB0] =	vst v12  }
0xbc: {  	s24 =	simm.s32 $0x0;
	s25 =	simm.s32 $0x0;
	v31 =	vperm.xlane v32, v31;
	v32 =	vperm.xlane v32, v33;
	[tilespmem:$0x1FFA0] =	vst v15  }
.LBB2_2:
0xbd: {  	v0 =	vld [tilespmem:$0x1FC00]  }
0xbe: {  	s26 =	sshll.u32 s25, $0x8;
	v2 =	vld [tilespmem:$0x1FC20]  }
0xbf: {  	s30 =	sand.u32 $0x40, s24;
	v1 =	vld [tilespmem:$0x1FC10];
	s31 =	sand.u32 $0x3FFFFE00, s26  }
0xc0: {  	v3 =	vld [tilespmem:$0x1FC30];
	s26 =	sor.u32 s30, s31  }
0xc1: {  	v50 =	vld [tilespmem:s26+$0x0]  }
0xc2: {  	v46 =	vld [tilespmem:s26+$0x80]  }
0xc3: {  	s29 =	sor.u32 $0x10, s30;
	v51 =	vld [tilespmem:s26+$0x100]  }
0xc4: {  	s1 =	sor.u32 s29, s31;
	v48 =	vld [tilespmem:s26+$0x180]  }
0xc5: {  	v43 =	vld [tilespmem:s1+$0x0]  }
0xc6: {  	v41 =	vld [tilespmem:s1+$0x80]  }
0xc7: {  	s28 =	sor.u32 $0x20, s30;
	v44 =	vld [tilespmem:s1+$0x100]  }
0xc8: {  	v42 =	vld [tilespmem:s1+$0x180];
	s1 =	sor.u32 s28, s31  }
0xc9: {  	v35 =	vld [tilespmem:s1+$0x0]  }
0xca: {  	v36 =	vld [tilespmem:s1+$0x80]  }
0xcb: {  	v37 =	vld [tilespmem:s1+$0x100]  }
0xcc: {  	s26 =	sor.u32 $0x30, s30;
	v38 =	vld [tilespmem:s1+$0x180]  }
0xcd: {  	s31 =	sor.u32 s26, s31;
	v45 =	vsub.f32 v51, v50;
	v47 =	vsub.f32 v48, v46  }
0xce: {  	v34 =	vld [tilespmem:s31+$0x0];
	v49 =	vsub.f32 v44, v43;
	v52 =	vsub.f32 v42, v41  }
0xcf: {  	v33 =	vld [tilespmem:s31+$0x80];
	v54 =	vmax.f32 v50, v0;
	v55 =	vmin.f32 v51, v2;
	v56 =	vmax.f32 v46, v1  }
0xd0: {  	v39 =	vld [tilespmem:s31+$0x100];
	v57 =	vmin.f32 v48, v3;
	v9 =	vmax.f32 v43, v0;
	v10 =	vmin.f32 v44, v2  }
0xd1: {  	v40 =	vld [tilespmem:s31+$0x180];
	v58 =	vmax.f32 v41, v1;
	v5 =	vsub.f32 v37, v35;
	v53 =	vsub.f32 v38, v36  }
0xd2: {  	v59 =	vmin.f32 v42, v3;
	v54 =	vsub.f32 v55, v54;
	v8 =	vsub.f32 v57, v56  }
0xd3: {  	v56 =	vsub.f32 v10, v9;
	v11 =	vsub.f32 v59, v58  }
0xd4: {  	v14 =	vmax.f32 v35, v0;
	v60 =	vmax.f32 v36, v1;
	v61 =	vmin.f32 v37, v2  }
0xd5: {  	v62 =	vmin.f32 v38, v3;
	v45 =	vmul.f32 v47, v45;
	v6 =	vsub.f32 v39, v34  }
0xd6: {  	v4 =	vmul.f32 v52, v49;
	v7 =	vsub.f32 v40, v33;
	v63 =	vsub.f32 v61, v14  }
0xd7: {  	v9 =	vmax.f32 v34, v0;
	v10 =	vmin.f32 v39, v2;
	v47 =	vmul.f32 v53, v5  }
0xd8: {  	v54 =	vmax.f32 v54, $0.0e+00;
	v55 =	vmax.f32 v8, $0.0e+00;
	v56 =	vmax.f32 v56, $0.0e+00  }
0xd9: {  	v57 =	vmax.f32 v11, $0.0e+00;
	v11 =	vmax.f32 v33, v1;
	v52 =	vadd.f32 $9.999999710e-10, v45  }
0xda: {  	v2 =	vld [tilespmem:$0x1FC40];
	v45 =	vadd.f32 $9.999999710e-10, v4;
	v54 =	vmul.f32 v55, v54;
	v56 =	vmul.f32 v57, v56  }
0xdb: {  	v4 =	vsub.f32 v62, v60;
	v49 =	vmul.f32 v7, v6;
	v47 =	vadd.f32 $9.999999710e-10, v47  }
0xdc: {  	v57 =	vmax.f32 v63, $0.0e+00;
	v12 =	vadd.f32 v17, v52;
	v13 =	vadd.f32 v17, v45  }
0xdd: {  	v7 =	vmax.f32 v4, $0.0e+00;
	v49 =	vadd.f32 $9.999999710e-10, v49;
	v4 =	vld [tilespmem:$0x1FC60];
	v8 =	vadd.f32 v17, v47  }
0xde: {  	v53 =	vmul.f32 v7, v57;
	v57 =	vsub.f32 v10, v9;
	v5 =	vsub.f32 v12, v54  }
0xdf: {  	v14 =	vmax.f32 v50, v2;
	v6 =	vsub.f32 v13, v56;
	v12 =	vmin.f32 v40, v3;
	v3 =	vld [tilespmem:$0x1FC50]  }
0xe0: {  	v55 =	vsub.f32 v8, v53;
	v13 =	vsub.f32 v12, v11;
	(erf) = vrcp.f32 v5;
	v5 =	vld [tilespmem:$0x1FC70]  }
0xe1: {  	v57 =	vmax.f32 v57, $0.0e+00;
	v12 =	vadd.f32 v17, v49;
	(erf) = vrcp.f32 v6  }
0xe2: {  	v8 =	vmin.f32 v51, v4;
	v58 =	vmax.f32 v13, $0.0e+00;
	v13 =	vadd.f32 v18, v52  }
0xe3: {  	v6 =	vmin.f32 v44, v4;
	v59 =	vsub.f32 v8, v14;
	v57 =	vmul.f32 v58, v57  }
0xe4: {  	v14 =	vmax.f32 v43, v2;
	(erf) = vrcp.f32 v55;
	v9 =	vmax.f32 v46, v3  }
0xe5: {  	v63 =	vmax.f32 v41, v3;
	v0 =	vsub.f32 v6, v14;
	v10 =	vmin.f32 v48, v5  }
0xe6: {  	v59 =	vmax.f32 v59, $0.0e+00;
	v8 =	vsub.f32 v12, v57;
	v11 =	vsub.f32 v10, v9  }
0xe7: {  	v12 =	vmin.f32 v37, v4;
	v7 =	vmin.f32 v42, v5;
	v0 =	vmax.f32 v0, $0.0e+00  }
0xe8: {  	v14 =	vmin.f32 v38, v5;
	v1 =	vsub.f32 v7, v63;
	v60 =	vmax.f32 v11, $0.0e+00  }
0xe9: {  	(erf) = vrcp.f32 v8;
	v10 =	vadd.f32 v18, v45;
	v59 =	vmul.f32 v60, v59  }
0xea: {  	v7 =	vmax.f32 v34, v2;
	v8 =	vmin.f32 v39, v4;
	v1 =	vmax.f32 v1, $0.0e+00  }
0xeb: {  	v0 =	vmul.f32 v1, v0;
	v9 =	vsub.f32 v13, v59;
	v13 =	vmax.f32 v36, v3  }
0xec: {  	v11 =	vmax.f32 v35, v2;
	v60 =	vsub.f32 v8, v7;
	v7 =	vld [tilespmem:$0x1FC90];
	v6 =	vsub.f32 v14, v13  }
0xed: {  	v55 =	vsub.f32 v12, v11;
	v8 =	vld [tilespmem:$0x1FCA0];
	v1 =	vsub.f32 v10, v0;
	v10 =	vmin.f32 v40, v5  }
0xee: {  	(erf) = vrcp.f32 v9;
	v9 =	vmax.f32 v33, v3;
	v58 =	vmax.f32 v6, $0.0e+00;
	v6 =	vld [tilespmem:$0x1FC80]  }
0xef: {  	v11 =	vsub.f32 v10, v9;
	v9 =	vld [tilespmem:$0x1FCB0]  }
0xf0: {  	v55 =	vmax.f32 v55, $0.0e+00  }
0xf1: {  	v62 =	vadd.f32 v18, v49;
	v55 =	vmul.f32 v58, v55;
	v58 =	vadd.f32 v18, v47  }
0xf2: {  	v60 =	vmax.f32 v60, $0.0e+00;
	v2 =	vmax.f32 v46, v7;
	v61 =	vmax.f32 v11, $0.0e+00  }
0xf3: {  	v12 =	vmin.f32 v51, v8;
	v60 =	vmul.f32 v61, v60;
	v10 =	vsub.f32 v58, v55  }
0xf4: {  	(erf) = vrcp.f32 v1;
	v63 =	vmax.f32 v50, v6;
	v13 =	vmin.f32 v48, v9  }
0xf5: {  	v14 =	vpop (erf);
	v11 =	vsub.f32 v62, v60;
	(erf) = vrcp.f32 v10;
	v3 =	vsub.f32 v12, v63  }
0xf6: {  	v2 =	vsub.f32 v13, v2;
	v63 =	vmul.f32 v14, v54;
	v12 =	vpop (erf);
	v13 =	vadd.f32 v19, v52  }
0xf7: {  	v14 =	vmul.f32 v12, v56;
	(erf) = vrcp.f32 v11;
	v11 =	vmax.f32 v43, v6  }
0xf8: {  	v58 =	vpop (erf);
	v12 =	vmax.f32 v41, v7;
	v3 =	vmax.f32 v3, $0.0e+00;
	v2 =	vmax.f32 v2, $0.0e+00  }
0xf9: {  	vm0 =	vgt.f32 v63, $-1.000000000e+00;
	v61 =	vmul.f32 v58, v53;
	v62 =	vpop (erf);
	v1 =	vmul.f32 v2, v3  }
0xfa: {  	v4 =	vnsel vm0, $0xBF800000, v63;
	vm12 =	vgt.f32 v14, $-1.000000000e+00;
	v53 =	vmul.f32 v62, v57  }
0xfb: {  	v3 =	vnsel vm12, $0xBF800000, v14;
	vm13 =	vgt.f32 v61, $-1.000000000e+00;
	v63 =	vpop (erf);
	v14 =	vmin.f32 v42, v9  }
0xfc: {  	v2 =	vsub.f32 v13, v1;
	vm1 =	vgt.f32 v53, $-1.000000000e+00;
	v10 =	vmul.f32 v63, v59  }
0xfd: {  	v13 =	vmin.f32 v44, v8;
	v56 =	vsub.f32 v14, v12;
	v5 =	vnsel vm13, $0xBF800000, v61  }
0xfe: {  	v58 =	vpop (erf);
	v14 =	vmax.f32 v35, v6;
	v54 =	vsub.f32 v13, v11;
	v57 =	vnsel vm1, $0xBF800000, v53  }
0xff: {  	v0 =	vmul.f32 v58, v0;
	(erf) = vrcp.f32 v2;
	vm2 =	vgt.f32 v10, v4  }
0x100: {  	v62 =	vmax.f32 v56, $0.0e+00;
	v2 =	vsel vm2, v10, v4;
	v59 =	vpop (erf);
	v61 =	vmax.f32 v54, $0.0e+00  }
0x101: {  	v10 =	vadd.f32 v19, v45;
	vm14 =	vgt.f32 v0, v3;
	v4 =	vmul.f32 v59, v55  }
0x102: {  	v58 =	vmul.f32 v62, v61;
	v0 =	vsel vm14, v0, v3;
	v61 =	vmin.f32 v37, v8  }
0x103: {  	v62 =	vmin.f32 v38, v9;
	v8 =	vmin.f32 v39, v8;
	v63 =	vpop (erf);
	v3 =	vsub.f32 v61, v14  }
0x104: {  	v11 =	vmul.f32 v63, v60;
	vm0 =	vgt.f32 v4, v5;
	v12 =	vsub.f32 v10, v58  }
0x105: {  	v60 =	vmax.f32 v36, v7;
	v63 =	vmax.f32 v34, v6;
	v10 =	vmax.f32 v33, v7  }
0x106: {  	v54 =	vsel vm0, v4, v5;
	v4 =	vsub.f32 v62, v60;
	v3 =	vmax.f32 v3, $0.0e+00  }
0x107: {  	v5 =	vsub.f32 v8, v63;
	v8 =	vld [tilespmem:$0x1FCC0];
	vm15 =	vgt.f32 v11, v57;
	(erf) = vrcp.f32 v12  }
0x108: {  	v56 =	vsel vm15, v11, v57;
	v4 =	vmax.f32 v4, $0.0e+00;
	v11 =	vmin.f32 v40, v9;
	v9 =	vld [tilespmem:$0x1FCD0]  }
0x109: {  	v3 =	vmul.f32 v4, v3;
	v4 =	vsub.f32 v11, v10;
	v10 =	vld [tilespmem:$0x1FCE0]  }
0x10a: {  	v11 =	vld [tilespmem:$0x1FCF0];
	_ =	sdelay $0x1  }
0x10b: {  	v5 =	vmax.f32 v5, $0.0e+00;
	v13 =	vpop (erf)  }
0x10c: {  	v1 =	vmul.f32 v13, v1;
	v57 =	vmax.f32 v50, v8;
	v12 =	vmax.f32 v46, v9  }
0x10d: {  	v4 =	vmax.f32 v4, $0.0e+00;
	v61 =	vmax.f32 v43, v8;
	v13 =	vmin.f32 v51, v10  }
0x10e: {  	v4 =	vmul.f32 v4, v5;
	v14 =	vmin.f32 v48, v11;
	v57 =	vsub.f32 v13, v57  }
0x10f: {  	vm6 =	vgt.f32 v1, v2;
	v59 =	vsub.f32 v14, v12;
	v13 =	vadd.f32 v19, v47;
	v12 =	vpop (erf)  }
0x110: {  	v1 =	vsel vm6, v1, v2;
	v14 =	vadd.f32 v19, v49;
	v58 =	vmul.f32 v12, v58  }
0x111: {  	v57 =	vmax.f32 v57, $0.0e+00;
	v59 =	vmax.f32 v59, $0.0e+00;
	v60 =	vsub.f32 v13, v3  }
0x112: {  	v5 =	vsub.f32 v14, v4;
	v12 =	vmin.f32 v44, v10;
	v13 =	vmax.f32 v41, v9  }
0x113: {  	v14 =	vmin.f32 v42, v11;
	v57 =	vmul.f32 v59, v57;
	v59 =	vadd.f32 v20, v52  }
0x114: {  	v61 =	vsub.f32 v12, v61;
	v6 =	vsub.f32 v14, v13;
	v12 =	vmax.f32 v36, v9  }
0x115: {  	v13 =	vmin.f32 v37, v10;
	v14 =	vmin.f32 v38, v11;
	(erf) = vrcp.f32 v60  }
0x116: {  	vm3 =	vgt.f32 v58, v0;
	v60 =	vadd.f32 v20, v45;
	(erf) = vrcp.f32 v5  }
0x117: {  	v5 =	vsub.f32 v59, v57;
	v59 =	vmax.f32 v61, $0.0e+00;
	v6 =	vmax.f32 v6, $0.0e+00  }
0x118: {  	v7 =	vsub.f32 v14, v12;
	v12 =	vmax.f32 v33, v9;
	v6 =	vmul.f32 v6, v59  }
0x119: {  	v14 =	vmin.f32 v40, v11;
	v61 =	vmax.f32 v35, v8;
	v0 =	vsel vm3, v58, v0  }
0x11a: {  	v11 =	vld [tilespmem:$0x1FD00];
	v8 =	vmax.f32 v34, v8;
	v58 =	vsub.f32 v14, v12;
	v2 =	vsub.f32 v60, v6  }
0x11b: {  	v12 =	vld [tilespmem:$0x1FD10];
	v61 =	vsub.f32 v13, v61;
	v13 =	vmin.f32 v39, v10;
	(erf) = vrcp.f32 v5  }
0x11c: {  	(erf) = vrcp.f32 v2;
	v2 =	vsub.f32 v13, v8;
	v13 =	vld [tilespmem:$0x1FD20]  }
0x11d: {  	v14 =	vld [tilespmem:$0x1FD30]  }
0x11e: {  	v7 =	vmax.f32 v7, $0.0e+00;
	v63 =	vmax.f32 v61, $0.0e+00  }
0x11f: {  	v62 =	vadd.f32 v20, v49;
	v5 =	vmul.f32 v7, v63;
	v7 =	vadd.f32 v20, v47  }
0x120: {  	v58 =	vmax.f32 v58, $0.0e+00;
	v60 =	vmax.f32 v43, v11;
	v8 =	vmax.f32 v50, v11  }
0x121: {  	v10 =	vmax.f32 v46, v12;
	v7 =	vsub.f32 v7, v5;
	v9 =	vmin.f32 v51, v13  }
0x122: {  	v2 =	vmax.f32 v2, $0.0e+00;
	v59 =	vsub.f32 v9, v8;
	v8 =	vmin.f32 v48, v14  }
0x123: {  	v2 =	vmul.f32 v58, v2;
	v9 =	vmax.f32 v41, v12;
	v58 =	vsub.f32 v8, v10  }
0x124: {  	v10 =	vmin.f32 v44, v13;
	v8 =	vmin.f32 v42, v14;
	v59 =	vmax.f32 v59, $0.0e+00  }
0x125: {  	v60 =	vsub.f32 v10, v60;
	v61 =	vsub.f32 v8, v9;
	v58 =	vmax.f32 v58, $0.0e+00  }
0x126: {  	(erf) = vrcp.f32 v7;
	v63 =	vmin.f32 v37, v13;
	v58 =	vmul.f32 v58, v59  }
0x127: {  	v59 =	vadd.f32 v21, v52;
	v9 =	vmax.f32 v60, $0.0e+00;
	v10 =	vmax.f32 v61, $0.0e+00  }
0x128: {  	v61 =	vsub.f32 v62, v2;
	v60 =	vadd.f32 v21, v45;
	v62 =	vmax.f32 v35, v11  }
0x129: {  	v7 =	vmul.f32 v10, v9;
	v9 =	vmax.f32 v36, v12;
	v59 =	vsub.f32 v59, v58  }
0x12a: {  	v10 =	vmin.f32 v38, v14;
	v62 =	vsub.f32 v63, v62;
	(erf) = vrcp.f32 v61  }
0x12b: {  	v15 =	vld [tilespmem:$0x1FD70];
	v14 =	vmin.f32 v40, v14;
	v63 =	vsub.f32 v10, v9;
	(erf) = vrcp.f32 v59  }
0x12c: {  	v59 =	vmax.f32 v34, v11;
	v11 =	vmin.f32 v39, v13;
	v13 =	vmax.f32 v33, v12;
	v12 =	vld [tilespmem:$0x1FD40]  }
0x12d: {  	v9 =	vsub.f32 v60, v7;
	v60 =	vsub.f32 v14, v13;
	v14 =	vld [tilespmem:$0x1FD60]  }
0x12e: {  	v13 =	vld [tilespmem:$0x1FD50]  }
0x12f: {  	v8 =	vpop (erf)  }
0x130: {  	v3 =	vmul.f32 v8, v3;
	v10 =	vmax.f32 v62, $0.0e+00;
	v8 =	vmax.f32 v63, $0.0e+00  }
0x131: {  	v16 =	vimm.f32 $0.0e+00;
	v59 =	vsub.f32 v11, v59;
	v8 =	vmul.f32 v8, v10  }
0x132: {  	v10 =	vadd.f32 v21, v47;
	v61 =	vmax.f32 v50, v12;
	v11 =	vmin.f32 v51, v14  }
0x133: {  	v63 =	vmax.f32 v46, v13;
	v61 =	vsub.f32 v11, v61;
	v11 =	vmin.f32 v48, v15  }
0x134: {  	v53 =	vsel vm2, $0x3F800000, v16;
	v62 =	vsub.f32 v11, v63  }
0x135: {  	v59 =	vmax.f32 v59, $0.0e+00;
	v60 =	vmax.f32 v60, $0.0e+00;
	v10 =	vsub.f32 v10, v8  }
0x136: {  	v59 =	vmul.f32 v60, v59;
	v61 =	vmax.f32 v61, $0.0e+00;
	v62 =	vmax.f32 v62, $0.0e+00  }
0x137: {  	v60 =	vadd.f32 v21, v49;
	v61 =	vmul.f32 v62, v61;
	v62 =	vadd.f32 v22, v52  }
0x138: {  	v55 =	vsel vm14, $0x3F800000, v16;
	vm7 =	vgt.f32 v3, v54;
	(erf) = vrcp.f32 v9  }
0x139: {  	(erf) = vrcp.f32 v10;
	v9 =	vsub.f32 v60, v59;
	v10 =	vpop (erf);
	v62 =	vsub.f32 v62, v61  }
0x13a: {  	v3 =	vsel vm7, v3, v54;
	v60 =	vsel vm15, $0x3F800000, v16;
	v4 =	vmul.f32 v10, v4  }
0x13b: {  	v63 =	vsel vm0, $0x3F800000, v16;
	(erf) = vrcp.f32 v9;
	v9 =	vsel vm3, $0x40000000, v55;
	v55 =	vpop (erf)  }
0x13c: {  	v11 =	vsel vm6, $0x40000000, v53;
	v10 =	vmul.f32 v55, v57;
	vm8 =	vgt.f32 v4, v56  }
0x13d: {  	v57 =	vsel vm7, $0x40000000, v63;
	v4 =	vsel vm8, v4, v56;
	(erf) = vrcp.f32 v62;
	v62 =	vpop (erf)  }
0x13e: {  	v53 =	vsel vm8, $0x40000000, v60;
	vm9 =	vgt.f32 v10, v1;
	v6 =	vmul.f32 v62, v6;
	v63 =	vpop (erf)  }
0x13f: {  	v1 =	vsel vm9, v10, v1;
	v54 =	vsel vm9, $0x40400000, v11;
	v5 =	vmul.f32 v63, v5;
	v62 =	vpop (erf)  }
0x140: {  	vm10 =	vgt.f32 v6, v0;
	v63 =	vpop (erf);
	v2 =	vmul.f32 v62, v2;
	v62 =	vmax.f32 v43, v12  }
0x141: {  	vm11 =	vgt.f32 v5, v3;
	v10 =	vmul.f32 v63, v58;
	v0 =	vsel vm10, v6, v0  }
0x142: {  	v55 =	vsel vm10, $0x40400000, v9;
	v9 =	vpop (erf);
	v63 =	vmin.f32 v44, v14;
	v3 =	vsel vm11, v5, v3  }
0x143: {  	vm0 =	vgt.f32 v2, v4;
	v5 =	vmul.f32 v9, v7;
	v56 =	vsel vm11, $0x40400000, v57  }
0x144: {  	v11 =	vpop (erf);
	v57 =	vmax.f32 v41, v13;
	v9 =	vadd.f32 v22, v45;
	vm1 =	vgt.f32 v10, v1  }
0x145: {  	v2 =	vsel vm0, v2, v4;
	v6 =	vmul.f32 v11, v8;
	v8 =	vsub.f32 v63, v62  }
0x146: {  	v58 =	vpop (erf);
	v62 =	vmin.f32 v37, v14;
	v63 =	vmin.f32 v38, v15;
	v53 =	vsel vm0, $0x40400000, v53  }
0x147: {  	v1 =	vsel vm1, v10, v1;
	vm2 =	vgt.f32 v5, v0;
	v4 =	vmul.f32 v58, v59;
	v60 =	vpop (erf)  }
0x148: {  	v58 =	vmin.f32 v42, v15;
	v54 =	vsel vm1, $0x40800000, v54;
	v7 =	vmul.f32 v60, v61  }
0x149: {  	v0 =	vsel vm2, v5, v0;
	vm3 =	vgt.f32 v6, v3;
	v59 =	vsub.f32 v58, v57  }
0x14a: {  	v8 =	vmax.f32 v8, $0.0e+00;
	v60 =	vmax.f32 v35, v12;
	v61 =	vmax.f32 v36, v13  }
0x14b: {  	v55 =	vsel vm2, $0x40800000, v55;
	vm4 =	vgt.f32 v4, v2;
	v57 =	vsub.f32 v62, v60  }
0x14c: {  	v58 =	vsub.f32 v63, v61;
	v3 =	vsel vm3, v6, v3;
	v63 =	vmax.f32 v34, v12  }
0x14d: {  	v12 =	vmax.f32 v33, v13;
	v13 =	vmin.f32 v39, v14;
	v14 =	vmin.f32 v40, v15;
	v15 =	vld [tilespmem:$0x1FDB0]  }
0x14e: {  	v62 =	vadd.f32 v22, v47;
	v61 =	vmax.f32 v58, $0.0e+00;
	v58 =	vsub.f32 v14, v12;
	v12 =	vld [tilespmem:$0x1FD80]  }
0x14f: {  	v56 =	vsel vm3, $0x40800000, v56;
	vm5 =	vgt.f32 v7, v1;
	v5 =	vmax.f32 v59, $0.0e+00;
	v14 =	vld [tilespmem:$0x1FDA0]  }
0x150: {  	v5 =	vmul.f32 v5, v8;
	v60 =	vmax.f32 v57, $0.0e+00;
	v57 =	vsub.f32 v13, v63;
	v13 =	vld [tilespmem:$0x1FD90]  }
0x151: {  	v2 =	vsel vm4, v4, v2;
	v1 =	vsel vm5, v7, v1;
	v6 =	vmul.f32 v61, v60  }
0x152: {  	v59 =	vsub.f32 v9, v5;
	v4 =	vmax.f32 v57, $0.0e+00;
	v8 =	vmax.f32 v58, $0.0e+00  }
0x153: {  	v58 =	vadd.f32 v23, v52;
	v7 =	vsub.f32 v62, v6;
	v4 =	vmul.f32 v8, v4  }
0x154: {  	v62 =	vmin.f32 v48, v15;
	(erf) = vrcp.f32 v59;
	v59 =	vmax.f32 v50, v12  }
0x155: {  	v60 =	vmin.f32 v51, v14;
	v61 =	vmax.f32 v46, v13;
	v63 =	vmax.f32 v43, v12  }
0x156: {  	(erf) = vrcp.f32 v7;
	v9 =	vsub.f32 v60, v59;
	v8 =	vsub.f32 v62, v61  }
0x157: {  	v60 =	vmax.f32 v41, v13;
	v61 =	vmin.f32 v44, v14;
	v62 =	vmin.f32 v42, v15  }
0x158: {  	v57 =	vmax.f32 v35, v12;
	v10 =	vsub.f32 v61, v63;
	v11 =	vsub.f32 v62, v60  }
0x159: {  	v63 =	vadd.f32 v22, v49;
	v9 =	vmax.f32 v9, $0.0e+00;
	v8 =	vmax.f32 v8, $0.0e+00  }
0x15a: {  	v12 =	vmax.f32 v34, v12;
	v61 =	vmin.f32 v38, v15;
	v8 =	vmul.f32 v8, v9  }
0x15b: {  	v59 =	vmax.f32 v10, $0.0e+00;
	v60 =	vmax.f32 v11, $0.0e+00;
	v11 =	vsub.f32 v63, v4  }
0x15c: {  	v10 =	vadd.f32 v23, v45;
	v7 =	vmul.f32 v60, v59;
	v60 =	vmax.f32 v36, v13  }
0x15d: {  	v9 =	vsub.f32 v58, v8;
	v58 =	vmin.f32 v37, v14;
	v14 =	vmin.f32 v39, v14  }
0x15e: {  	(erf) = vrcp.f32 v11;
	v61 =	vsub.f32 v61, v60;
	v60 =	vsub.f32 v14, v12;
	v12 =	vld [tilespmem:$0x1FDC0]  }
0x15f: {  	v57 =	vsub.f32 v58, v57;
	v62 =	vsub.f32 v10, v7;
	v14 =	vld [tilespmem:$0x1FDE0];
	v59 =	vpop (erf);
	(erf) = vrcp.f32 v9  }
0x160: {  	v11 =	vmax.f32 v61, $0.0e+00;
	v61 =	vmax.f32 v33, v13;
	v13 =	vld [tilespmem:$0x1FDD0];
	v5 =	vmul.f32 v59, v5  }
0x161: {  	v63 =	vmax.f32 v57, $0.0e+00;
	(erf) = vrcp.f32 v62;
	v62 =	vmin.f32 v40, v15  }
0x162: {  	v15 =	vld [tilespmem:$0x1FDF0];
	v9 =	vmul.f32 v11, v63;
	v11 =	vadd.f32 v23, v47;
	v57 =	vsub.f32 v62, v61  }
0x163: {  	v10 =	vmax.f32 v60, $0.0e+00;
	vm6 =	vgt.f32 v5, v0;
	v58 =	vmax.f32 v50, v12  }
0x164: {  	v60 =	vmin.f32 v51, v14;
	v57 =	vmax.f32 v57, $0.0e+00;
	v11 =	vsub.f32 v11, v9  }
0x165: {  	v62 =	vpop (erf);
	v0 =	vsel vm6, v5, v0;
	v59 =	vmax.f32 v46, v13;
	v58 =	vsub.f32 v60, v58  }
0x166: {  	v6 =	vmul.f32 v62, v6;
	v10 =	vmul.f32 v57, v10;
	v57 =	vadd.f32 v23, v49  }
0x167: {  	v62 =	vmax.f32 v43, v12;
	v61 =	vmin.f32 v48, v15;
	(erf) = vrcp.f32 v11  }
0x168: {  	v59 =	vsub.f32 v61, v59;
	v58 =	vmax.f32 v58, $0.0e+00;
	v60 =	vpop (erf);
	v63 =	vsub.f32 v57, v10  }
0x169: {  	vm7 =	vgt.f32 v6, v3;
	v57 =	vmax.f32 v41, v13;
	v4 =	vmul.f32 v60, v4  }
0x16a: {  	v3 =	vsel vm7, v6, v3;
	v59 =	vmax.f32 v59, $0.0e+00;
	(erf) = vrcp.f32 v63  }
0x16b: {  	v61 =	vpop (erf);
	v63 =	vmin.f32 v44, v14;
	v58 =	vmul.f32 v59, v58;
	v59 =	vadd.f32 v24, v52  }
0x16c: {  	v8 =	vmul.f32 v61, v8;
	vm8 =	vgt.f32 v4, v2;
	v61 =	vpop (erf);
	v11 =	vsub.f32 v63, v62  }
0x16d: {  	v62 =	vmin.f32 v38, v15;
	v5 =	vmul.f32 v61, v7;
	v2 =	vsel vm8, v4, v2  }
0x16e: {  	v7 =	vmax.f32 v35, v12;
	v61 =	vmin.f32 v37, v14;
	v60 =	vsub.f32 v59, v58  }
0x16f: {  	vm9 =	vgt.f32 v8, v1;
	v59 =	vmin.f32 v42, v15;
	v7 =	vsub.f32 v61, v7  }
0x170: {  	v6 =	vsub.f32 v59, v57;
	(erf) = vrcp.f32 v60;
	v60 =	vmax.f32 v36, v13  }
0x171: {  	v4 =	vmax.f32 v11, $0.0e+00;
	v1 =	vsel vm9, v8, v1;
	v8 =	vsub.f32 v62, v60  }
0x172: {  	v61 =	vadd.f32 v24, v45;
	v7 =	vmax.f32 v7, $0.0e+00;
	v63 =	vpop (erf);
	v6 =	vmax.f32 v6, $0.0e+00  }
0x173: {  	v59 =	vmul.f32 v63, v9;
	v4 =	vmul.f32 v6, v4;
	v8 =	vmax.f32 v8, $0.0e+00  }
0x174: {  	v53 =	vsel vm4, $0x40800000, v53;
	v63 =	vadd.f32 v24, v47;
	v7 =	vmul.f32 v8, v7  }
0x175: {  	v60 =	vpop (erf);
	vm12 =	vgt.f32 v59, v3;
	v9 =	vsub.f32 v61, v4;
	v61 =	vmin.f32 v40, v15;
	v15 =	vld [tilespmem:$0x1FE30]  }
0x176: {  	v6 =	vmul.f32 v60, v10;
	v3 =	vsel vm12, v59, v3;
	v59 =	vmin.f32 v39, v14;
	v14 =	vld [tilespmem:$0x1FE20]  }
0x177: {  	vm10 =	vgt.f32 v5, v0;
	v60 =	vmax.f32 v33, v13;
	v13 =	vld [tilespmem:$0x1FE10];
	v11 =	vsub.f32 v63, v7  }
0x178: {  	v0 =	vsel vm10, v5, v0;
	(erf) = vrcp.f32 v9;
	vm13 =	vgt.f32 v6, v2  }
0x179: {  	v9 =	vadd.f32 v25, v52;
	v57 =	vsel vm13, v6, v2;
	(erf) = vrcp.f32 v11;
	v62 =	vpop (erf)  }
0x17a: {  	v10 =	vmul.f32 v62, v58;
	v58 =	vmax.f32 v34, v12;
	v62 =	vsub.f32 v61, v60;
	v12 =	vld [tilespmem:$0x1FE00]  }
0x17b: {  	v60 =	vmin.f32 v48, v15;
	v2 =	vsub.f32 v59, v58;
	v58 =	vmin.f32 v51, v14  }
0x17c: {  	v59 =	vmax.f32 v46, v13;
	vm11 =	vgt.f32 v10, v1;
	v5 =	vmax.f32 v62, $0.0e+00  }
0x17d: {  	v61 =	vsub.f32 v60, v59;
	v59 =	vmin.f32 v44, v14;
	v2 =	vmax.f32 v2, $0.0e+00  }
0x17e: {  	v60 =	vmin.f32 v42, v15;
	v2 =	vmul.f32 v5, v2;
	v5 =	vadd.f32 v24, v49  }
0x17f: {  	v8 =	vmax.f32 v61, $0.0e+00;
	v63 =	vmax.f32 v50, v12;
	v11 =	vmax.f32 v43, v12  }
0x180: {  	v6 =	vsub.f32 v58, v63;
	v58 =	vmax.f32 v41, v13;
	v62 =	vsub.f32 v59, v11  }
0x181: {  	v61 =	vpop (erf);
	v11 =	vmax.f32 v36, v13;
	v59 =	vmin.f32 v37, v14;
	v63 =	vsub.f32 v60, v58  }
0x182: {  	v58 =	vsel vm11, v10, v1;
	v1 =	vmul.f32 v61, v4;
	v4 =	vsub.f32 v5, v2  }
0x183: {  	v10 =	vmax.f32 v35, v12;
	v12 =	vmax.f32 v34, v12;
	v6 =	vmax.f32 v6, $0.0e+00  }
0x184: {  	v61 =	vpop (erf);
	v6 =	vmul.f32 v8, v6;
	v8 =	vmax.f32 v62, $0.0e+00;
	v60 =	vmax.f32 v63, $0.0e+00  }
0x185: {  	v10 =	vsub.f32 v59, v10;
	v7 =	vmul.f32 v61, v7;
	v8 =	vmul.f32 v60, v8  }
0x186: {  	v60 =	vmin.f32 v38, v15;
	v5 =	vsub.f32 v9, v6;
	v9 =	vadd.f32 v25, v45  }
0x187: {  	v59 =	vmin.f32 v39, v14;
	v14 =	vld [tilespmem:$0x1FE60];
	(erf) = vrcp.f32 v4;
	v11 =	vsub.f32 v60, v11  }
0x188: {  	v61 =	vsub.f32 v9, v8;
	(erf) = vrcp.f32 v5;
	v5 =	vsub.f32 v59, v12;
	v12 =	vld [tilespmem:$0x1FE40]  }
0x189: {  	vm14 =	vgt.f32 v1, v0;
	v62 =	vmax.f32 v10, $0.0e+00;
	v60 =	vmax.f32 v33, v13;
	v13 =	vld [tilespmem:$0x1FE50]  }
0x18a: {  	v63 =	vmax.f32 v11, $0.0e+00;
	(erf) = vrcp.f32 v61;
	v61 =	vmin.f32 v40, v15;
	v15 =	vld [tilespmem:$0x1FE70]  }
0x18b: {  	v4 =	vadd.f32 v25, v47;
	v0 =	vsel vm14, v1, v0;
	v1 =	vmul.f32 v63, v62  }
0x18c: {  	v54 =	vsel vm5, $0x40A00000, v54;
	v59 =	vmin.f32 v51, v14;
	v62 =	vsub.f32 v61, v60  }
0x18d: {  	v5 =	vmax.f32 v5, $0.0e+00;
	v4 =	vsub.f32 v4, v1;
	v63 =	vmax.f32 v50, v12  }
0x18e: {  	v60 =	vmax.f32 v46, v13;
	v9 =	vmax.f32 v62, $0.0e+00;
	v10 =	vsub.f32 v59, v63  }
0x18f: {  	v5 =	vmul.f32 v9, v5;
	v9 =	vadd.f32 v25, v49;
	v61 =	vmin.f32 v48, v15  }
0x190: {  	v59 =	vmax.f32 v43, v12;
	v62 =	vmin.f32 v42, v15;
	v11 =	vsub.f32 v61, v60  }
0x191: {  	v60 =	vmax.f32 v41, v13;
	v61 =	vmin.f32 v44, v14;
	v9 =	vsub.f32 v9, v5  }
0x192: {  	(erf) = vrcp.f32 v4;
	v59 =	vsub.f32 v61, v59;
	v60 =	vsub.f32 v62, v60  }
0x193: {  	v10 =	vmax.f32 v10, $0.0e+00;
	v11 =	vmax.f32 v11, $0.0e+00;
	(erf) = vrcp.f32 v9  }
0x194: {  	v9 =	vmax.f32 v34, v12;
	v59 =	vmax.f32 v59, $0.0e+00;
	v60 =	vmax.f32 v60, $0.0e+00  }
0x195: {  	v10 =	vmul.f32 v11, v10;
	v11 =	vadd.f32 v26, v52;
	v61 =	vpop (erf);
	v59 =	vmul.f32 v60, v59  }
0x196: {  	v60 =	vadd.f32 v26, v45;
	v2 =	vmul.f32 v61, v2;
	v62 =	vpop (erf);
	v61 =	vmin.f32 v37, v14  }
0x197: {  	v4 =	vsub.f32 v11, v10;
	v6 =	vmul.f32 v62, v6;
	v62 =	vmax.f32 v36, v13  }
0x198: {  	v63 =	vsub.f32 v60, v59;
	v60 =	vmax.f32 v35, v12;
	v12 =	vmin.f32 v39, v14  }
0x199: {  	v13 =	vmax.f32 v33, v13;
	v14 =	vmin.f32 v40, v15;
	v9 =	vsub.f32 v12, v9;
	v12 =	vld [tilespmem:$0x1FE80]  }
0x19a: {  	v55 =	vsel vm6, $0x40A00000, v55;
	v56 =	vsel vm7, $0x40A00000, v56;
	v11 =	vsub.f32 v14, v13;
	v14 =	vld [tilespmem:$0x1FEA0]  }
0x19b: {  	v53 =	vsel vm8, $0x40A00000, v53;
	v54 =	vsel vm9, $0x40C00000, v54;
	(erf) = vrcp.f32 v4;
	v13 =	vld [tilespmem:$0x1FE90]  }
0x19c: {  	vm15 =	vgt.f32 v7, v3;
	(erf) = vrcp.f32 v63;
	v63 =	vmin.f32 v38, v15;
	v15 =	vld [tilespmem:$0x1FEB0]  }
0x19d: {  	v3 =	vsel vm15, v7, v3;
	v4 =	vsub.f32 v61, v60;
	v7 =	vsub.f32 v63, v62  }
0x19e: {  	v56 =	vsel vm12, $0x40C00000, v56;
	v53 =	vsel vm13, $0x40C00000, v53;
	vm12 =	vgt.f32 v2, v57  }
0x19f: {  	v4 =	vmax.f32 v4, $0.0e+00;
	v7 =	vmax.f32 v7, $0.0e+00;
	v60 =	vmax.f32 v50, v12  }
0x1a0: {  	v61 =	vmin.f32 v51, v14;
	v62 =	vmax.f32 v46, v13;
	v4 =	vmul.f32 v7, v4  }
0x1a1: {  	v7 =	vadd.f32 v26, v47;
	v60 =	vsub.f32 v61, v60;
	v61 =	vmin.f32 v48, v15  }
0x1a2: {  	v9 =	vmax.f32 v9, $0.0e+00;
	v11 =	vmax.f32 v11, $0.0e+00;
	v61 =	vsub.f32 v61, v62  }
0x1a3: {  	vm13 =	vgt.f32 v6, v58;
	v9 =	vmul.f32 v11, v9;
	v7 =	vsub.f32 v7, v4  }
0x1a4: {  	v11 =	vadd.f32 v26, v49;
	v60 =	vmax.f32 v60, $0.0e+00;
	v61 =	vmax.f32 v61, $0.0e+00  }
0x1a5: {  	v62 =	vsel vm11, $0x40E00000, v54;
	v60 =	vmul.f32 v61, v60;
	v61 =	vadd.f32 v27, v52  }
0x1a6: {  	v11 =	vsub.f32 v11, v9;
	v54 =	vsel vm12, $0x40E00000, v53;
	v53 =	vsel vm13, $0x41000000, v62  }
0x1a7: {  	v62 =	vmin.f32 v44, v14;
	(erf) = vrcp.f32 v7;
	v7 =	vpop (erf);
	v63 =	vsub.f32 v61, v60  }
0x1a8: {  	(erf) = vrcp.f32 v11;
	v7 =	vmul.f32 v7, v8;
	v8 =	vmax.f32 v43, v12  }
0x1a9: {  	v55 =	vsel vm10, $0x40C00000, v55;
	v8 =	vsub.f32 v62, v8;
	v61 =	vpop (erf)  }
0x1aa: {  	(erf) = vrcp.f32 v63;
	vm9 =	vgt.f32 v7, v0;
	v1 =	vmul.f32 v61, v1  }
0x1ab: {  	v2 =	vsel vm12, v2, v57;
	v6 =	vsel vm13, v6, v58;
	v0 =	vsel vm9, v7, v0;
	v63 =	vpop (erf)  }
0x1ac: {  	v61 =	vmax.f32 v41, v13;
	v8 =	vmax.f32 v8, $0.0e+00;
	vm10 =	vgt.f32 v1, v3;
	v57 =	vpop (erf)  }
0x1ad: {  	v1 =	vsel vm10, v1, v3;
	v3 =	vmul.f32 v63, v5;
	v58 =	vpop (erf);
	v7 =	vmul.f32 v57, v10  }
0x1ae: {  	v63 =	vmin.f32 v42, v15;
	v57 =	vadd.f32 v27, v45;
	v5 =	vmul.f32 v58, v59  }
0x1af: {  	v10 =	vsub.f32 v63, v61;
	v59 =	vmax.f32 v35, v12;
	vm5 =	vgt.f32 v3, v2  }
0x1b0: {  	v61 =	vpop (erf);
	v12 =	vmax.f32 v34, v12;
	vm4 =	vgt.f32 v7, v6;
	v2 =	vsel vm5, v3, v2  }
0x1b1: {  	v62 =	vpop (erf);
	vm2 =	vgt.f32 v5, v0;
	v3 =	vmul.f32 v61, v4;
	v10 =	vmax.f32 v10, $0.0e+00  }
0x1b2: {  	v4 =	vmul.f32 v62, v9;
	v6 =	vsel vm4, v7, v6;
	v8 =	vmul.f32 v10, v8  }
0x1b3: {  	v61 =	vmax.f32 v36, v13;
	v62 =	vmin.f32 v38, v15;
	v0 =	vsel vm2, v5, v0;
	v63 =	vpop (erf)  }
0x1b4: {  	v10 =	vadd.f32 v27, v49;
	v5 =	vmul.f32 v63, v60;
	v58 =	vsub.f32 v57, v8  }
0x1b5: {  	v60 =	vmin.f32 v37, v14;
	v14 =	vmin.f32 v39, v14;
	v57 =	vmax.f32 v33, v13;
	v13 =	vld [tilespmem:$0x1FED0]  }
0x1b6: {  	vm3 =	vgt.f32 v3, v1;
	vm0 =	vgt.f32 v4, v2;
	v7 =	vsub.f32 v14, v12;
	v12 =	vld [tilespmem:$0x1FEC0]  }
0x1b7: {  	v1 =	vsel vm3, v3, v1;
	v63 =	vsub.f32 v62, v61;
	v3 =	vsub.f32 v60, v59;
	v14 =	vld [tilespmem:$0x1FEE0]  }
0x1b8: {  	v2 =	vsel vm0, v4, v2;
	(erf) = vrcp.f32 v58;
	v58 =	vmin.f32 v40, v15  }
0x1b9: {  	v4 =	vmax.f32 v63, $0.0e+00;
	v15 =	vld [tilespmem:$0x1FEF0];
	v3 =	vmax.f32 v3, $0.0e+00;
	v59 =	vsub.f32 v58, v57  }
0x1ba: {  	v60 =	vadd.f32 v27, v47;
	v7 =	vmax.f32 v7, $0.0e+00;
	v3 =	vmul.f32 v4, v3  }
0x1bb: {  	v9 =	vmax.f32 v59, $0.0e+00;
	v58 =	vmax.f32 v41, v13;
	v61 =	vmax.f32 v50, v12  }
0x1bc: {  	v62 =	vmin.f32 v51, v14;
	v4 =	vsub.f32 v60, v3;
	v7 =	vmul.f32 v9, v7  }
0x1bd: {  	v60 =	vmax.f32 v46, v13;
	v57 =	vmax.f32 v43, v12;
	v59 =	vmin.f32 v44, v14  }
0x1be: {  	v63 =	vsub.f32 v62, v61;
	v61 =	vmin.f32 v48, v15;
	v57 =	vsub.f32 v59, v57  }
0x1bf: {  	v62 =	vadd.f32 v28, v52;
	v11 =	vsub.f32 v61, v60;
	v60 =	vmin.f32 v42, v15  }
0x1c0: {  	v10 =	vsub.f32 v10, v7;
	(erf) = vrcp.f32 v4;
	v58 =	vsub.f32 v60, v58  }
0x1c1: {  	v9 =	vmax.f32 v63, $0.0e+00;
	v63 =	vmax.f32 v57, $0.0e+00;
	v11 =	vmax.f32 v11, $0.0e+00  }
0x1c2: {  	(erf) = vrcp.f32 v10;
	v9 =	vmul.f32 v11, v9;
	v60 =	vmax.f32 v58, $0.0e+00  }
0x1c3: {  	v58 =	vmax.f32 v34, v12;
	v4 =	vmul.f32 v60, v63;
	v63 =	vmax.f32 v35, v12  }
0x1c4: {  	v61 =	vpop (erf);
	v60 =	vmin.f32 v37, v14;
	v10 =	vsub.f32 v62, v9;
	v62 =	vadd.f32 v28, v45  }
0x1c5: {  	v8 =	vmul.f32 v61, v8;
	v12 =	vmax.f32 v33, v13;
	v61 =	vsub.f32 v60, v63  }
0x1c6: {  	v63 =	vmin.f32 v38, v15;
	v11 =	vsub.f32 v62, v4;
	v62 =	vmax.f32 v36, v13  }
0x1c7: {  	v13 =	vmin.f32 v39, v14;
	v14 =	vmin.f32 v40, v15;
	v57 =	vsub.f32 v63, v62  }
0x1c8: {  	vm1 =	vgt.f32 v5, v6;
	v58 =	vsub.f32 v13, v58;
	v59 =	vsub.f32 v14, v12  }
0x1c9: {  	(erf) = vrcp.f32 v10;
	v10 =	vmax.f32 v61, $0.0e+00;
	v62 =	vadd.f32 v28, v47  }
0x1ca: {  	v15 =	vld [tilespmem:$0x1FF30];
	v57 =	vmax.f32 v57, $0.0e+00;
	v63 =	vmax.f32 v58, $0.0e+00;
	v12 =	vmax.f32 v59, $0.0e+00  }
0x1cb: {  	v14 =	vadd.f32 v28, v49;
	v13 =	vpop (erf);
	v10 =	vmul.f32 v57, v10;
	v57 =	vmul.f32 v12, v63;
	v12 =	vld [tilespmem:$0x1FF00]  }
0x1cc: {  	v5 =	vsel vm1, v5, v6;
	v3 =	vmul.f32 v13, v3;
	v13 =	vld [tilespmem:$0x1FF10]  }
0x1cd: {  	(erf) = vrcp.f32 v11;
	v11 =	vsub.f32 v62, v10;
	v6 =	vsub.f32 v14, v57;
	v14 =	vld [tilespmem:$0x1FF20]  }
0x1ce: {  	v55 =	vsel vm14, $0x40E00000, v55;
	vm6 =	vgt.f32 v8, v0  }
0x1cf: {  	v0 =	vsel vm6, v8, v0;
	v63 =	vimm.s32 $0x0;
	vm8 =	vgt.f32 v3, v1  }
0x1d0: {  	v60 =	vmin.f32 v48, v15;
	v1 =	vsel vm8, v3, v1;
	(erf) = vrcp.f32 v11  }
0x1d1: {  	v8 =	vmax.f32 v50, v12;
	v58 =	vmax.f32 v46, v13;
	(erf) = vrcp.f32 v6;
	v11 =	vpop (erf)  }
0x1d2: {  	v58 =	vsub.f32 v60, v58;
	v59 =	vmin.f32 v51, v14;
	v61 =	vpop (erf);
	v60 =	vmul.f32 v11, v7  }
0x1d3: {  	v11 =	vmax.f32 v36, v13;
	v8 =	vsub.f32 v59, v8;
	v7 =	vmul.f32 v61, v9  }
0x1d4: {  	v62 =	vmax.f32 v58, $0.0e+00;
	v59 =	vadd.f32 v29, v52;
	vm14 =	vgt.f32 v60, v2  }
0x1d5: {  	v61 =	vmax.f32 v8, $0.0e+00;
	v9 =	vsel vm14, $0xFFFFFFFF, v63;
	v2 =	vsel vm14, v60, v2  }
0x1d6: {  	v58 =	vpop (erf);
	vm11 =	vgt.f32 v7, v5;
	v60 =	vmax.f32 v43, v12;
	v63 =	vmin.f32 v42, v15  }
0x1d7: {  	v6 =	vmul.f32 v62, v61;
	v3 =	vmul.f32 v58, v4;
	v61 =	vmin.f32 v44, v14  }
0x1d8: {  	[tilespmem:$0x1FBF0] =	vst v9;
	v62 =	vmax.f32 v41, v13;
	v5 =	vsel vm11, v7, v5;
	v9 =	vadd.f32 v29, v45  }
0x1d9: {  	v58 =	vmin.f32 v37, v14;
	v8 =	vsub.f32 v61, v60;
	v61 =	vsub.f32 v63, v62  }
0x1da: {  	v4 =	vsub.f32 v59, v6;
	v60 =	vpop (erf);
	vm13 =	vgt.f32 v3, v0;
	v59 =	vmin.f32 v38, v15  }
0x1db: {  	v7 =	vmul.f32 v60, v10;
	v8 =	vmax.f32 v8, $0.0e+00;
	v10 =	vmax.f32 v35, v12  }
0x1dc: {  	v63 =	vsub.f32 v59, v11;
	v0 =	vsel vm13, v3, v0;
	v12 =	vmax.f32 v34, v12  }
0x1dd: {  	v60 =	vpop (erf);
	(erf) = vrcp.f32 v4;
	v4 =	vmax.f32 v61, $0.0e+00;
	v62 =	vsub.f32 v58, v10  }
0x1de: {  	v3 =	vmul.f32 v60, v57;
	v60 =	vmax.f32 v33, v13;
	v61 =	vmin.f32 v39, v14  }
0x1df: {  	v4 =	vmul.f32 v4, v8;
	v8 =	vmax.f32 v62, $0.0e+00;
	v62 =	vmin.f32 v40, v15  }
0x1e0: {  	v10 =	vmax.f32 v63, $0.0e+00;
	v11 =	vsub.f32 v61, v12;
	v57 =	vsub.f32 v62, v60  }
0x1e1: {  	vm14 =	vgt.f32 v3, v2;
	v8 =	vmul.f32 v10, v8;
	v10 =	vadd.f32 v29, v47  }
0x1e2: {  	v15 =	vld [tilespmem:$0x1FF70];
	v9 =	vsub.f32 v9, v4;
	v13 =	vmax.f32 v11, $0.0e+00;
	v14 =	vmax.f32 v57, $0.0e+00  }
0x1e3: {  	v59 =	vsel vm14, v3, v2;
	v12 =	vsub.f32 v10, v8;
	v2 =	vmul.f32 v14, v13;
	v14 =	vld [tilespmem:$0x1FF60]  }
0x1e4: {  	(erf) = vrcp.f32 v9;
	v13 =	vld [tilespmem:$0x1FF50]  }
0x1e5: {  	v3 =	vadd.f32 v29, v49;
	(erf) = vrcp.f32 v12;
	v12 =	vld [tilespmem:$0x1FF40];
	_ =	sdelay $0x1  }
0x1e6: {  	vm12 =	vgt.f32 v7, v1;
	v3 =	vsub.f32 v3, v2;
	v63 =	vpop (erf)  }
0x1e7: {  	v56 =	vsel vm15, $0x40E00000, v56;
	v1 =	vsel vm12, v7, v1;
	v6 =	vmul.f32 v63, v6  }
0x1e8: {  	v63 =	vmin.f32 v48, v15;
	(erf) = vrcp.f32 v3;
	v62 =	vmax.f32 v46, v13  }
0x1e9: {  	v61 =	vmin.f32 v51, v14;
	v60 =	vmax.f32 v50, v12;
	v57 =	vsub.f32 v63, v62  }
0x1ea: {  	v58 =	vmax.f32 v43, v12;
	v62 =	vmin.f32 v42, v15;
	v63 =	vadd.f32 v30, v52  }
0x1eb: {  	v7 =	vsub.f32 v61, v60;
	v60 =	vmin.f32 v44, v14;
	v61 =	vmax.f32 v41, v13  }
0x1ec: {  	v10 =	vsub.f32 v60, v58;
	v9 =	vmax.f32 v57, $0.0e+00;
	v11 =	vsub.f32 v62, v61  }
0x1ed: {  	v57 =	vmax.f32 v35, v12;
	v58 =	vmax.f32 v36, v13;
	v60 =	vmin.f32 v37, v14  }
0x1ee: {  	v61 =	vmin.f32 v38, v15;
	v12 =	vmax.f32 v34, v12;
	v14 =	vmin.f32 v39, v14  }
0x1ef: {  	v7 =	vmax.f32 v7, $0.0e+00;
	v60 =	vsub.f32 v60, v57;
	v58 =	vsub.f32 v61, v58  }
0x1f0: {  	v10 =	vmax.f32 v10, $0.0e+00;
	v11 =	vmax.f32 v11, $0.0e+00;
	v7 =	vmul.f32 v9, v7  }
0x1f1: {  	v3 =	vsub.f32 v14, v12;
	v12 =	vld [tilespmem:$0x1FF80];
	v57 =	vmul.f32 v11, v10;
	v60 =	vmax.f32 v60, $0.0e+00  }
0x1f2: {  	v14 =	vld [tilespmem:$0x1FFA0];
	v10 =	vadd.f32 v30, v45;
	v58 =	vmax.f32 v58, $0.0e+00;
	v9 =	vsub.f32 v63, v7  }
0x1f3: {  	vm15 =	vgt.f32 v6, v5;
	v11 =	vadd.f32 v30, v47;
	v58 =	vmul.f32 v58, v60  }
0x1f4: {  	v5 =	vsel vm15, v6, v5;
	v61 =	vsub.f32 v10, v57;
	v60 =	vpop (erf);
	(erf) = vrcp.f32 v9  }
0x1f5: {  	v63 =	vsub.f32 v11, v58;
	v4 =	vmul.f32 v60, v4;
	v60 =	vmax.f32 v33, v13;
	v13 =	vld [tilespmem:$0x1FF90]  }
0x1f6: {  	v9 =	vmax.f32 v50, v12;
	v62 =	vpop (erf);
	(erf) = vrcp.f32 v61;
	v61 =	vmin.f32 v40, v15;
	v15 =	vld [tilespmem:$0x1FFE0]  }
0x1f7: {  	v10 =	vmin.f32 v51, v14;
	v6 =	vmul.f32 v62, v8;
	v8 =	vsub.f32 v61, v60  }
0x1f8: {  	v55 =	vsel vm9, $0x41000000, v55;
	v56 =	vsel vm10, $0x41000000, v56;
	v9 =	vsub.f32 v10, v9  }
0x1f9: {  	v3 =	vmax.f32 v3, $0.0e+00;
	(erf) = vrcp.f32 v63;
	v8 =	vmax.f32 v8, $0.0e+00  }
0x1fa: {  	v9 =	vmax.f32 v9, $0.0e+00;
	vm10 =	vgt.f32 v4, v0;
	v3 =	vmul.f32 v8, v3  }
0x1fb: {  	v8 =	vadd.f32 v30, v49;
	v11 =	vmax.f32 v46, v13;
	v60 =	vmin.f32 v48, v15  }
0x1fc: {  	vm9 =	vgt.f32 v6, v1;
	v61 =	vmax.f32 v41, v13;
	v62 =	vsub.f32 v60, v11  }
0x1fd: {  	v11 =	vmax.f32 v43, v12;
	v60 =	vmin.f32 v44, v14;
	v8 =	vsub.f32 v8, v3  }
0x1fe: {  	v11 =	vsub.f32 v60, v11;
	v60 =	vmin.f32 v42, v15;
	v10 =	vmax.f32 v62, $0.0e+00  }
0x1ff: {  	v9 =	vmul.f32 v10, v9;
	v10 =	vsub.f32 v60, v61;
	v60 =	vadd.f32 v31, v52  }
0x200: {  	v0 =	vsel vm10, v4, v0;
	v1 =	vsel vm9, v6, v1;
	(erf) = vrcp.f32 v8  }
0x201: {  	v62 =	vmax.f32 v36, v13;
	v63 =	vmax.f32 v11, $0.0e+00;
	v60 =	vsub.f32 v60, v9  }
0x202: {  	v61 =	vmin.f32 v37, v14;
	v11 =	vmax.f32 v10, $0.0e+00;
	v10 =	vmax.f32 v34, v12  }
0x203: {  	v4 =	vmul.f32 v11, v63;
	v63 =	vmin.f32 v38, v15;
	(erf) = vrcp.f32 v60  }
0x204: {  	v60 =	vmax.f32 v35, v12;
	v8 =	vsub.f32 v63, v62;
	v12 =	vmin.f32 v39, v14  }
0x205: {  	v14 =	vmax.f32 v33, v13;
	v62 =	vadd.f32 v31, v45;
	v63 =	vadd.f32 v31, v47  }
0x206: {  	v13 =	vld [tilespmem:$0x1FFC0];
	v45 =	vadd.f32 v32, v45;
	v6 =	vsub.f32 v61, v60;
	v61 =	vmin.f32 v40, v15  }
0x207: {  	v10 =	vsub.f32 v12, v10;
	v12 =	vld [tilespmem:$0x1FFB0];
	v11 =	vsub.f32 v61, v14  }
0x208: {  	v15 =	vld [tilespmem:$0x1FFF0];
	v8 =	vmax.f32 v8, $0.0e+00;
	v60 =	vsub.f32 v62, v4;
	v6 =	vmax.f32 v6, $0.0e+00  }
0x209: {  	v61 =	vadd.f32 v31, v49;
	v10 =	vmax.f32 v10, $0.0e+00;
	v6 =	vmul.f32 v8, v6  }
0x20a: {  	v14 =	vld [tilespmem:$0x1FFD0];
	v11 =	vmax.f32 v11, $0.0e+00;
	(erf) = vrcp.f32 v60;
	v60 =	vadd.f32 v32, v52  }
0x20b: {  	v52 =	vadd.f32 v32, v47;
	v46 =	vmax.f32 v46, v13;
	v10 =	vmul.f32 v11, v10  }
0x20c: {  	v41 =	vmax.f32 v41, v13;
	v36 =	vmax.f32 v36, v13;
	v33 =	vmax.f32 v33, v13  }
0x20d: {  	v50 =	vmax.f32 v50, v12;
	v48 =	vmin.f32 v48, v15;
	v43 =	vmax.f32 v43, v12  }
0x20e: {  	v42 =	vmin.f32 v42, v15;
	v35 =	vmax.f32 v35, v12;
	v38 =	vmin.f32 v38, v15  }
0x20f: {  	v34 =	vmax.f32 v34, v12;
	v51 =	vmin.f32 v51, v14;
	v8 =	vsub.f32 v48, v46  }
0x210: {  	v46 =	vsub.f32 v63, v6;
	v11 =	vsub.f32 v61, v10;
	v44 =	vmin.f32 v44, v14  }
0x211: {  	v63 =	vpop (erf);
	v41 =	vsub.f32 v42, v41;
	v37 =	vmin.f32 v37, v14;
	v36 =	vsub.f32 v38, v36  }
0x212: {  	v48 =	vmin.f32 v40, v15;
	v50 =	vsub.f32 v51, v50;
	v2 =	vmul.f32 v63, v2  }
0x213: {  	v61 =	vsub.f32 v44, v43;
	v44 =	vsel vm5, $0x41000000, v54;
	v35 =	vsub.f32 v37, v35  }
0x214: {  	v63 =	vpop (erf);
	v33 =	vsub.f32 v48, v33;
	v54 =	vadd.f32 v32, v49;
	v8 =	vmax.f32 v8, $0.0e+00  }
0x215: {  	(erf) = vrcp.f32 v46;
	v7 =	vmul.f32 v63, v7;
	v41 =	vmax.f32 v41, $0.0e+00  }
0x216: {  	v46 =	vmin.f32 v39, v14;
	v36 =	vmax.f32 v36, $0.0e+00;
	v12 =	vsel vm0, $0x41100000, v44  }
0x217: {  	v62 =	vmax.f32 v50, $0.0e+00;
	(erf) = vrcp.f32 v11;
	vm7 =	vgt.f32 v2, v59  }
0x218: {  	v11 =	vmax.f32 v61, $0.0e+00;
	v34 =	vsub.f32 v46, v34;
	v50 =	vsel vm4, $0x41100000, v53  }
0x219: {  	v35 =	vmax.f32 v35, $0.0e+00;
	v33 =	vmax.f32 v33, $0.0e+00;
	v8 =	vmul.f32 v8, v62  }
0x21a: {  	v2 =	vsel vm7, v2, v59;
	v11 =	vmul.f32 v41, v11;
	vm5 =	vgt.f32 v7, v5  }
0x21b: {  	v51 =	vpop (erf);
	v38 =	vsel vm1, $0x41200000, v50;
	v5 =	vsel vm5, v7, v5;
	v7 =	vmul.f32 v36, v35  }
0x21c: {  	v53 =	vpop (erf);
	v34 =	vmax.f32 v34, $0.0e+00;
	v35 =	vmul.f32 v51, v57;
	v57 =	vsel vm2, $0x41100000, v55  }
0x21d: {  	v59 =	vpop (erf);
	v48 =	vsel vm11, $0x41300000, v38;
	v62 =	vsub.f32 v60, v8;
	v33 =	vmul.f32 v33, v34  }
0x21e: {  	v37 =	vsub.f32 v45, v11;
	v34 =	vmul.f32 v53, v58;
	v3 =	vmul.f32 v59, v3  }
0x21f: {  	v60 =	vpop (erf);
	v44 =	vsel vm6, $0x41200000, v57;
	v36 =	vsub.f32 v52, v7;
	(erf) = vrcp.f32 v62  }
0x220: {  	vm2 =	vgt.f32 v35, v0;
	v9 =	vmul.f32 v60, v9;
	v49 =	vsel vm13, $0x41300000, v44  }
0x221: {  	v0 =	vsel vm2, v35, v0;
	(erf) = vrcp.f32 v37;
	v37 =	vsub.f32 v54, v33  }
0x222: {  	v61 =	vpop (erf);
	v62 =	vsel vm3, $0x41100000, v56;
	vm3 =	vgt.f32 v34, v1;
	(erf) = vrcp.f32 v36  }
0x223: {  	v53 =	vld [tilespmem:$0x1FBF0];
	v4 =	vmul.f32 v61, v4;
	vm4 =	vgt.f32 v3, v2;
	(erf) = vrcp.f32 v37  }
0x224: {  	v1 =	vsel vm3, v34, v1;
	vm1 =	vgt.f32 v9, v5;
	v2 =	vsel vm4, v3, v2  }
0x225: {  	v47 =	vsel vm8, $0x41200000, v62;
	v54 =	vsel vm10, $0x41400000, v49;
	v14 =	vsel vm1, v9, v5  }
0x226: {  	vm0 =	vgt.f32 v4, v0;
	v55 =	vsel vm12, $0x41300000, v47;
	v56 =	vsel vm2, $0x41500000, v54;
	v63 =	vpop (erf)  }
0x227: {  	v0 =	vsel vm0, v4, v0;
	v58 =	vsel vm0, $0x41600000, v56;
	v13 =	vpop (erf);
	v40 =	vmul.f32 v63, v6  }
0x228: {  	v42 =	vmul.f32 v13, v10;
	v10 =	vsel vm15, $0x41400000, v48;
	vm15 =	vnez.u8 v53;
	v41 =	vpop (erf)  }
0x229: {  	s31 =	sshll.u32 s25, $0x7;
	vm6 =	vgt.f32 v40, v1;
	v52 =	vsel vm5, $0x41500000, v10;
	v45 =	vmul.f32 v41, v8  }
0x22a: {  	s1 =	sand.u32 $0x3FFFFF00, s31;
	v1 =	vsel vm6, v40, v1;
	vm8 =	vgt.f32 v42, v2;
	v6 =	vsel vm1, $0x41600000, v52;
	v43 =	vpop (erf)  }
0x22b: {  	s1 =	sadd.s32 $0x1600, s1;
	v2 =	vsel vm8, v42, v2;
	v46 =	vmul.f32 v43, v11;
	v50 =	vpop (erf);
	vm11 =	vgt.f32 v45, v14  }
0x22c: {  	s30 =	sor.u32 s30, s1;
	v51 =	vpop (erf);
	v5 =	vmul.f32 v50, v7;
	v7 =	vsel vm15, $0x41200000, v12;
	v3 =	vsel vm11, v45, v14  }
0x22d: {  	vm13 =	vgt.f32 v46, v0;
	v4 =	vmul.f32 v51, v33;
	v6 =	vsel vm11, $0x41700000, v6;
	[tilespmem:s30+$0x0] =	vst v3  }
0x22e: {  	s29 =	sor.u32 s29, s1;
	v57 =	vsel vm14, $0x41300000, v7;
	v0 =	vsel vm13, v46, v0;
	[tilespmem:s30+$0x80] =	vst v6;
	v3 =	vsel vm9, $0x41400000, v55  }
0x22f: {  	p0 =	sne.s32 s25, $0x13;
	v60 =	vsel vm13, $0x41700000, v58;
	vm14 =	vgt.f32 v5, v1;
	v61 =	vsel vm7, $0x41400000, v57;
	[tilespmem:s29+$0x0] =	vst v0  }
.Ltmp0:
0x230: {  	s28 =	sor.u32 s28, s1;
	v59 =	vsel vm3, $0x41500000, v3;
	v1 =	vsel vm14, v5, v1;
	[tilespmem:s29+$0x80] =	vst v60;
	vm15 =	vgt.f32 v4, v2;
	(pc) =	sbr.rel @p0 .LBB2_2-.Ltmp0, $4  }
0x231: {  	s1 =	sor.u32 s26, s1;
	v62 =	vsel vm4, $0x41500000, v61;
	v0 =	vsel vm6, $0x41600000, v59;
	[tilespmem:s28+$0x0] =	vst v1;
	v2 =	vsel vm15, v4, v2  }
0x232: {  	v63 =	vsel vm8, $0x41600000, v62;
	v0 =	vsel vm14, $0x41700000, v0;
	[tilespmem:s1+$0x0] =	vst v2  }
0x233: {  	[tilespmem:s28+$0x80] =	vst v0;
	v0 =	vsel vm15, $0x41700000, v63  }
0x234: {  	s24 =	sadd.s32 $0x40, s24;
	s25 =	sadd.s32 $0x1, s25;
	[tilespmem:s1+$0x80] =	vst v0  }
0x235: {  	s1 =	simm.s32 $0x1600  }
0x236: {  	[hbm4b:s11+s2] =	stream.linear.scatter [tilespmem:s1], [sflag:$0x1], $0x80, $0x38;
	[tilespmem:$0x2000] =	vst v63  }
0x237: {  	s26 =	sadd.s32 $0x20, s11;
	s24 =	simm.s32 $0x1700  }
0x238: {  	[hbm4b:s26+s2] =	stream.linear.scatter [tilespmem:s24], [sflag:$0x1], $0x80, $0x38;
	[tilespmem:$0x2000] =	vst v63  }
0x239: {  	s28 =	sadd.s32 $0x40, s11;
	s29 =	simm.s32 $0x1800  }
0x23a: {  	[hbm4b:s28+s2] =	stream.linear.scatter [tilespmem:s29], [sflag:$0x1], $0x80, $0x38;
	[tilespmem:$0x2000] =	vst v63  }
0x23b: {  	s30 =	sadd.s32 $0x60, s11;
	s31 =	simm.s32 $0x1900  }
0x23c: {  	[hbm4b:s30+s2] =	stream.linear.scatter [tilespmem:s31], [sflag:$0x1], $0x80, $0x38;
	[tilespmem:$0x2000] =	vst v63  }
0x23d: {  	s25 =	sadd.s32 $0x80, s11;
	s26 =	simm.s32 $0x1A00  }
0x23e: {  	[hbm4b:s25+s2] =	stream.linear.scatter [tilespmem:s26], [sflag:$0x1], $0x80, $0x38;
	[tilespmem:$0x2000] =	vst v63  }
0x23f: {  	s28 =	sadd.s32 $0xA0, s11;
	s29 =	simm.s32 $0x1B00  }
0x240: {  	[hbm4b:s28+s2] =	stream.linear.scatter [tilespmem:s29], [sflag:$0x1], $0x80, $0x38;
	[tilespmem:$0x2000] =	vst v63  }
0x241: {  	s30 =	sadd.s32 $0xC0, s11;
	s31 =	simm.s32 $0x1C00  }
0x242: {  	[hbm4b:s30+s2] =	stream.linear.scatter [tilespmem:s31], [sflag:$0x1], $0x80, $0x38;
	[tilespmem:$0x2000] =	vst v63  }
0x243: {  	s25 =	sadd.s32 $0xE0, s11;
	s26 =	simm.s32 $0x1D00  }
0x244: {  	[hbm4b:s25+s2] =	stream.linear.scatter [tilespmem:s26], [sflag:$0x1], $0x80, $0x38;
	[tilespmem:$0x2000] =	vst v63  }
0x245: {  	s28 =	sadd.s32 $0x100, s11;
	s29 =	simm.s32 $0x1E00  }
0x246: {  	[hbm4b:s28+s2] =	stream.linear.scatter [tilespmem:s29], [sflag:$0x1], $0x80, $0x38;
	[tilespmem:$0x2000] =	vst v63  }
0x247: {  	s30 =	sadd.s32 $0x120, s11;
	s31 =	simm.s32 $0x1F00  }
0x248: {  	[hbm4b:s30+s2] =	stream.linear.scatter [tilespmem:s31], [sflag:$0x1], $0x80, $0x38;
	[tilespmem:$0x2000] =	vst v63  }
0x249: {  	_ =	swait.ge [sflag:s0], $0x500  }
0x24a: {  	[sflag:s0] =	ssyncset.done $0x0  }
0x24b: {  	s24 =	simm.s32 $0x1680;
	[sflag:s0] =	ssyncadd.s32 $0xFFFFFB00  }
0x24c: {  	[hbm4b:s12+s2] =	stream.linear.scatter [tilespmem:s24], [sflag:$0x1], $0x80, $0x38;
	[tilespmem:$0x2000] =	vst v63  }
0x24d: {  	s25 =	sadd.s32 $0x20, s12;
	s26 =	simm.s32 $0x1780  }
0x24e: {  	[hbm4b:s25+s2] =	stream.linear.scatter [tilespmem:s26], [sflag:$0x1], $0x80, $0x38;
	[tilespmem:$0x2000] =	vst v63  }
0x24f: {  	s28 =	sadd.s32 $0x40, s12;
	s29 =	simm.s32 $0x1880  }
0x250: {  	[hbm4b:s28+s2] =	stream.linear.scatter [tilespmem:s29], [sflag:$0x1], $0x80, $0x38;
	[tilespmem:$0x2000] =	vst v63  }
0x251: {  	s30 =	sadd.s32 $0x60, s12;
	s31 =	simm.s32 $0x1980  }
0x252: {  	[hbm4b:s30+s2] =	stream.linear.scatter [tilespmem:s31], [sflag:$0x1], $0x80, $0x38;
	[tilespmem:$0x2000] =	vst v63  }
0x253: {  	s25 =	sadd.s32 $0x80, s12;
	s26 =	simm.s32 $0x1A80  }
0x254: {  	[hbm4b:s25+s2] =	stream.linear.scatter [tilespmem:s26], [sflag:$0x1], $0x80, $0x38;
	[tilespmem:$0x2000] =	vst v63  }
0x255: {  	s28 =	sadd.s32 $0xA0, s12;
	s29 =	simm.s32 $0x1B80  }
0x256: {  	[hbm4b:s28+s2] =	stream.linear.scatter [tilespmem:s29], [sflag:$0x1], $0x80, $0x38;
	[tilespmem:$0x2000] =	vst v63  }
0x257: {  	s30 =	sadd.s32 $0xC0, s12;
	s31 =	simm.s32 $0x1C80  }
0x258: {  	[hbm4b:s30+s2] =	stream.linear.scatter [tilespmem:s31], [sflag:$0x1], $0x80, $0x38;
	[tilespmem:$0x2000] =	vst v63  }
0x259: {  	s23 =	sadd.s32 $0x1, s23;
	s25 =	sadd.s32 $0xE0, s12;
	s26 =	simm.s32 $0x1D80  }
0x25a: {  	[hbm4b:s25+s2] =	stream.linear.scatter [tilespmem:s26], [sflag:$0x1], $0x80, $0x38;
	[tilespmem:$0x2000] =	vst v63  }
0x25b: {  	p0 =	sne.s32 s23, s13;
	s28 =	sadd.s32 $0x100, s12;
	s29 =	simm.s32 $0x1E80  }
0x25c: {  	[hbm4b:s28+s2] =	stream.linear.scatter [tilespmem:s29], [sflag:$0x1], $0x80, $0x38;
	[tilespmem:$0x2000] =	vst v63  }
.Ltmp1:
0x25d: {  	s30 =	sadd.s32 $0x120, s12;
	s31 =	simm.s32 $0x1F80;
	(pc) =	sbr.rel @p0 .LBB2_1-.Ltmp1, $4  }
0x25e: {  	[hbm4b:s30+s2] =	stream.linear.scatter [tilespmem:s31], [sflag:$0x1], $0x80, $0x38;
	[tilespmem:$0x2000] =	vst v63  }
0x25f: {  	_ =	swait.ge [sflag:s0], $0x500  }
0x260: {  	[sflag:s0] =	ssyncset.done $0x0  }
0x261: {  	[sflag:s0] =	ssyncadd.s32 $0xFFFFFB00  }
0x262: {  	_ =	sfence.sel $0x180000  }
0x263: {  	[bflag:$0x0] =	sbarrier.arrive $0xFFFF  }
0x264: {  	_ =	strace $0x90000047  }
0x265: {  	s0 =	stileid.u32;
	[bflag:$0x2] =	sbarrier.arrive $0xFFFF  }
0x266: {  	p0 =	sne.s32 s0, $0x0;
	s0 =	rddreg [dreg:$0x2]  }
0x267: {  	s0 =	sadd.s32 @!p0 $0x100000, s0  }
0x268: {  	[sflag:s0] =	ssyncadd.tile.s32 @!p0 $0x1;
	_ =	shalt  }
.Lfunc_end2:
_tile_overlayer_lowered:
.L_overlay_start_2:
0x269: {  	(tag) =	ssettag $0x2  }
0x26a: {  	s0 =	rddreg [dreg:$0x0];
	s2 =	stileid.u32  }
0x26b: {  	s1 =	rddreg [dreg:$0x1];
	p0 =	sne.s32 s2, $0x0  }
0x26c: {  	s3 =	rddreg [dreg:$0x2];
	[bflag:$0x3] =	sbarrier.arrive $0xFFFF;
	s2 =	simm.s32 @!p0 $0x1C01  }
0x26d: {  	[timem:s3], [sflag:s2] =	dma.local @!p0 [hbm:s0], s1  }
0x26e: {  	s0 =	simm.s32 @!p0 $0x1  }
0x26f: {  	_ =	swait.ge @!p0 [sflag:s0], s1  }
0x270: {  	s1 =	ssub.s32 @!p0 $0x0, s1;
	[sflag:s0] =	ssyncset.done @!p0 $0x0  }
0x271: {  	[sflag:s0] =	ssyncadd.s32 @!p0 s1  }
0x272: {  	[bflag:$0x3] =	sbarrier.arrive $0xFFFF  }
0x273: {  	_ =	shalt  }

</sc_bundles>
